<compile_context>
chip_gen: v7x
topology: tpu7x:2x2x1
jax: 0.10.2.dev20260603
libtpu: 0.0.44.dev20260713+nightly
codegen_flags: <defaults>
</compile_context>

<pallas_src>
import functools

import jax
import jax.numpy as jnp
from jax import lax
from jax.experimental import pallas as pl
from jax.experimental.pallas import tpu as pltpu
from jax.experimental.pallas import tpu_sc as plsc

NN = 10000
NPAD = 10240
NK1 = 16
NK2 = 8
BIGF = 3.0e38
BIGI = 2**30

RB = 256
CW = 512
NCH = NPAD // CW
RB2 = 128


def _knn_body(xr_ref, xaf_ref, xrb_ref, xab_ref, out_ref, d_scr, sqrow_scr, *, k):
    @pl.when(pl.program_id(0) == 0)
    def _fill_sqrow():
        ones8 = jnp.ones((8, 1), jnp.float32)
        for c in range(NCH):
            xac = xaf_ref[c * CW:(c + 1) * CW, :]
            sqc = jnp.sum(xac * xac, axis=1, keepdims=True)
            sqrow_scr[:, c * CW:(c + 1) * CW] = lax.dot_general(
                ones8, sqc, (((1,), (1,)), ((), ())),
                precision=lax.Precision.HIGHEST,
                preferred_element_type=jnp.float32)

    xr = xr_ref[...]
    sqr = jnp.sum(xr * xr, axis=1, keepdims=True)
    xrb = xrb_ref[...]
    for c in range(NCH):
        m = lax.dot_general(xrb, xab_ref[c * CW:(c + 1) * CW, :],
                            (((1,), (1,)), ((), ())),
                            preferred_element_type=jnp.float32)
        d = (sqr - 2.0 * m) + sqrow_scr[0:1, c * CW:(c + 1) * CW]
        if (c + 1) * CW > NN:
            col = lax.broadcasted_iota(jnp.int32, (RB, CW), 1) + c * CW
            d = jnp.where(col >= NN, BIGF, d)
        d_scr[:, c * CW:(c + 1) * CW] = d

    lane = lax.broadcasted_iota(jnp.int32, (RB, 128), 1)
    nch128 = NPAD // 128
    mprev = jnp.full((RB, 1), -BIGF, jnp.float32)
    jprev = jnp.full((RB, 1), -1, jnp.int32)
    for t in range(k):
        def chunk(c2, carry):
            pv, pc = carry
            for u in range(2):
                c = c2 * 2 + u
                dch = d_scr[:, pl.ds(c * 128, 128)]
                colc = lane + c * 128
                elig = (dch > mprev) | ((dch == mprev) & (colc > jprev))
                dm = jnp.where(elig, dch, BIGF)
                upd = dm < pv
                pv = jnp.where(upd, dm, pv)
                pc = jnp.where(upd, c, pc)
            return (pv, pc)

        pv, pc = lax.fori_loop(
            0, nch128 // 2, chunk,
            (jnp.full((RB, 128), BIGF, jnp.float32),
             jnp.full((RB, 128), 0, jnp.int32)))
        mbest = jnp.min(pv, axis=1, keepdims=True)
        cand = jnp.where(pv == mbest, pc * 128 + lane, BIGI)
        jbest = jnp.min(cand, axis=1, keepdims=True)
        out_ref[:, t:t + 1] = jbest
        mprev, jprev = mbest, jbest


def _knn(xp, k):
    npad, din = xp.shape
    xb = xp.astype(jnp.bfloat16)
    return pl.pallas_call(
        functools.partial(_knn_body, k=k),
        grid=(npad // RB,),
        in_specs=[pl.BlockSpec((RB, din), lambda i: (i, 0)),
                  pl.BlockSpec((npad, din), lambda i: (0, 0)),
                  pl.BlockSpec((RB, din), lambda i: (i, 0)),
                  pl.BlockSpec((npad, din), lambda i: (0, 0))],
        out_specs=pl.BlockSpec((RB, k), lambda i: (i, 0)),
        out_shape=jax.ShapeDtypeStruct((npad, k), jnp.int32),
        scratch_shapes=[pltpu.VMEM((RB, NPAD), jnp.float32),
                        pltpu.VMEM((8, NPAD), jnp.float32)],
    )(xp, xp, xb, xb)


def _sc_gather(table, idx):
    ne = idx.shape[0]
    h = table.shape[1]
    info = plsc.get_sparse_core_info()
    nw = info.num_cores * info.num_subcores
    per_w = ne // nw
    chunk = 256
    nch = per_w // chunk
    mesh = plsc.VectorSubcoreMesh(core_axis_name="c", subcore_axis_name="s")

    @functools.partial(
        pl.kernel, mesh=mesh,
        out_type=jax.ShapeDtypeStruct((ne, h), jnp.float32),
        scratch_types=[pltpu.VMEM((chunk,), jnp.int32),
                       pltpu.VMEM((chunk, h), jnp.float32),
                       pltpu.SemaphoreType.DMA],
        name="sc_gather")
    def gk(table_hbm, idx_hbm, out_hbm, idx_v, rows_v, sem):
        wid = lax.axis_index("s") * info.num_cores + lax.axis_index("c")
        base = wid * per_w

        def body(ci, _):
            off = base + ci * chunk
            pltpu.sync_copy(idx_hbm.at[pl.ds(off, chunk)], idx_v)
            pltpu.async_copy(table_hbm.at[idx_v], rows_v, sem).wait()
            pltpu.sync_copy(rows_v, out_hbm.at[pl.ds(off, chunk)])
            return 0

        lax.fori_loop(0, nch, body, 0)

    return gk(table, idx)


def _edge_body(x_ref, xg_ref, w1_ref, b1_ref, w2_ref, b2_ref,
               o_ref, *, k, din, h):
    nk = RB2 * k
    xi = x_ref[...]
    wa = w1_ref[:din, :].astype(jnp.bfloat16)
    wb = w1_ref[din:, :].astype(jnp.bfloat16)
    xib = jnp.broadcast_to(xi[:, None, :], (RB2, k, din)).reshape(nk, din)
    dj = (xg_ref[...].reshape(RB2, k, din) - xi[:, None, :]).reshape(nk, din)
    p = (lax.dot_general(xib.astype(jnp.bfloat16), wa, (((1,), (0,)), ((), ())),
                         preferred_element_type=jnp.float32)
         + lax.dot_general(dj.astype(jnp.bfloat16), wb, (((1,), (0,)), ((), ())),
                           preferred_element_type=jnp.float32)) + b1_ref[...]
    r = jnp.maximum(p, 0.0)
    q = lax.dot_general(r.astype(jnp.bfloat16), w2_ref[...].astype(jnp.bfloat16),
                        (((1,), (0,)), ((), ())),
                        preferred_element_type=jnp.float32)
    o_ref[...] = jnp.max(q.reshape(RB2, k, h), axis=1) + b2_ref[...]


def _edge(x_tab, xg, w1, b1, w2, b2, k):
    npad, din = x_tab.shape
    h = w2.shape[1]
    return pl.pallas_call(
        functools.partial(_edge_body, k=k, din=din, h=h),
        grid=(npad // RB2,),
        in_specs=[pl.BlockSpec((RB2, din), lambda i: (i, 0)),
                  pl.BlockSpec((RB2 * k, din), lambda i: (i, 0)),
                  pl.BlockSpec(w1.shape, lambda i: (0, 0)),
                  pl.BlockSpec((1, h), lambda i: (0, 0)),
                  pl.BlockSpec(w2.shape, lambda i: (0, 0)),
                  pl.BlockSpec((1, h), lambda i: (0, 0))],
        out_specs=pl.BlockSpec((RB2, h), lambda i: (i, 0)),
        out_shape=jax.ShapeDtypeStruct((npad, h), jnp.float32),
    )(x_tab, xg, w1, b1.reshape(1, h), w2, b2.reshape(1, h))


def kernel(x, W1, b1, W2, b2, W3, b3, W4, b4):
    xp = jnp.pad(x, ((0, NPAD - NN), (0, 0)))
    idx1 = _knn(xp, NK1)
    xg1 = _sc_gather(xp, idx1.reshape(-1))
    hfeat = _edge(xp, xg1, W1, b1, W2, b2, NK1)
    idx2 = _knn(hfeat, NK2)
    xg2 = _sc_gather(hfeat, idx2.reshape(-1))
    out = _edge(hfeat, xg2, W3, b3, W4, b4, NK2)
    return out[:NN]

# --- scband reference (transcript-rebuilt; emitter-appended) ---
"""Pipeline reference for scband-shared-dynamic-edge-conv-16140487098438 (READ-ONLY COPY).

The authoritative reference and input builder live on the scoring server;
editing this copy changes nothing except your own understanding.
"""

import jax, jax.numpy as jnp
import numpy as np

N = 10000
IN = 128
H = 256
OUT = 256
K1 = 16
K2 = 8


def _lin_init(key, fin, fout):
    s = 1.0 / np.sqrt(fin)
    return jax.random.uniform(key, (fin, fout), jnp.float32, -s, s)


def setup_inputs(seed: int = 0) -> dict:
    key = jax.random.key(seed)
    ks = jax.random.split(key, 9)
    x = jax.random.normal(ks[0], (N, IN), dtype=jnp.float32)
    W1 = _lin_init(ks[1], 2 * IN, H)
    b1 = jax.random.uniform(ks[2], (H,), jnp.float32, -1.0 / np.sqrt(2 * IN), 1.0 / np.sqrt(2 * IN))
    W2 = _lin_init(ks[3], H, H)
    b2 = jax.random.uniform(ks[4], (H,), jnp.float32, -1.0 / np.sqrt(H), 1.0 / np.sqrt(H))
    W3 = _lin_init(ks[5], 2 * H, OUT)
    b3 = jax.random.uniform(ks[6], (OUT,), jnp.float32, -1.0 / np.sqrt(2 * H), 1.0 / np.sqrt(2 * H))
    W4 = _lin_init(ks[7], OUT, OUT)
    b4 = jax.random.uniform(ks[8], (OUT,), jnp.float32, -1.0 / np.sqrt(OUT), 1.0 / np.sqrt(OUT))
    return {"x": x, "W1": W1, "b1": b1, "W2": W2, "b2": b2, "W3": W3, "b3": b3, "W4": W4, "b4": b4}


def _knn_idx(x, k):
    # pairwise squared euclidean distances; kNN includes the point itself
    # (matches torch_geometric knn(x, x, k) used inside DynamicEdgeConv)
    sq = jnp.sum(x * x, axis=1)
    dist = sq[:, None] - 2.0 * (x @ x.T) + sq[None, :]
    _, idx = jax.lax.top_k(-dist, k)  # [N, k] nearest neighbor indices
    return idx


def _edge_conv(x, idx, Wa, ba, Wb, bb):
    # EdgeConv message: nn(cat[x_i, x_j - x_i]); aggr='max' over neighbors
    xj = jnp.take(x, idx, axis=0)  # [N, k, d] gather
    xi = jnp.broadcast_to(x[:, None, :], xj.shape)
    feat = jnp.concatenate([xi, xj - xi], axis=-1)  # [N, k, 2d]
    h = jnp.maximum(feat @ Wa + ba, 0.0) @ Wb + bb
    return jnp.max(h, axis=1)  # max aggregation -> [N, out]


def reference(x, W1, b1, W2, b2, W3, b3, W4, b4):
    idx1 = _knn_idx(x, K1)
    h = _edge_conv(x, idx1, W1, b1, W2, b2)
    idx2 = _knn_idx(h, K2)
    out = _edge_conv(h, idx2, W3, b3, W4, b4)
    return out

if __name__ == "__main__":
    import jax
    _d = setup_inputs()
    print(jax.jit(kernel)(*tuple(_d.values())))

</pallas_src>

<mosaic_0001>
#map = affine_map<(d0, d1) -> (0, 0)>
#map1 = affine_map<(d0, d1) -> (0)>
module attributes {stable_mosaic.version = 14 : i64} {
  func.func @sc_gather(%arg0: i32, %arg1: i32, %arg2: memref<10240x256xf32, #tpu.memory_space<hbm>>, %arg3: memref<81920xi32, #tpu.memory_space<hbm>>, %arg4: memref<81920x256xf32, #tpu.memory_space<hbm>>, %arg5: memref<256xi32, #tpu.memory_space<vmem>>, %arg6: memref<256x256xf32, #tpu.memory_space<vmem>>, %arg7: memref<!tpu.dma_semaphore, #tpu.memory_space<semaphore_mem>>) attributes {dimension_semantics = [#tpu.dimension_semantics<core_parallel>, #tpu.dimension_semantics<subcore_parallel>], iteration_bounds = array<i64: 2, 16>, scalar_prefetch = 0 : i64, scratch_operands = 3 : i64, tpu.core_type = #tpu.core_type<sc_vector_subcore>, window_params = [{transform_indices = #map}, {transform_indices = #map1}, {transform_indices = #map}]} {
    %mul3A = arith.constant 2 : i32
    %mul3A_0 = arith.muli %arg1, %mul3A : i32
    %add3A = arith.addi %mul3A_0, %arg0 : i32
    %mul3A_1 = arith.constant 2560 : i32
    %mul3A_2 = arith.muli %add3A, %mul3A_1 : i32
    %scan3A = arith.constant 0 : i32
    %scan3A_3 = arith.constant 0 : i32
    %scan3A_4 = arith.constant 10 : i32
    %scan3A_5 = arith.addi %scan3A_3, %scan3A_4 : i32
    %scan3A_6 = arith.constant 1 : i32
    %scan3A_7 = scf.for %scan3A_9 = %scan3A_3 to %scan3A_5 step %scan3A_6 iter_args(%scan3A_10 = %scan3A) -> (i32)  : i32 {
      %mul3A_11 = arith.constant 256 : i32
      %mul3A_12 = arith.muli %scan3A_9, %mul3A_11 : i32
      %add3A_13 = arith.addi %mul3A_2, %mul3A_12 : i32
      "tpu.region"() ({
        %run_scoped3A = tpu.sem_alloc : memref<!tpu.dma_semaphore, #tpu.memory_space<semaphore_mem>>
        %dma_start3A_19 = tpu.memref_slice %arg3[%add3A_13] : memref<81920xi32, #tpu.memory_space<hbm>> -> memref<256xi32, #tpu.memory_space<hbm>>
        %dma_start3A_20 = tpu.memref_slice %arg3[%add3A_13] : memref<81920xi32, #tpu.memory_space<hbm>> -> memref<256xi32, #tpu.memory_space<hbm>>
        tpu.enqueue_dma source(%dma_start3A_20 : memref<256xi32, #tpu.memory_space<hbm>>) target(%arg5 : memref<256xi32, #tpu.memory_space<vmem>>) target_semaphore(%run_scoped3A : memref<!tpu.dma_semaphore, #tpu.memory_space<semaphore_mem>>)
        %dma_wait3A_21 = tpu.memref_slice %arg3[%add3A_13] : memref<81920xi32, #tpu.memory_space<hbm>> -> memref<256xi32, #tpu.memory_space<hbm>>
        %dma_wait3A_22 = tpu.memref_slice %arg3[%add3A_13] : memref<81920xi32, #tpu.memory_space<hbm>> -> memref<256xi32, #tpu.memory_space<hbm>>
        tpu.wait_dma2 semaphore(%run_scoped3A : memref<!tpu.dma_semaphore, #tpu.memory_space<semaphore_mem>>) src(%dma_wait3A_22 : memref<256xi32, #tpu.memory_space<hbm>>) dst(%arg5 : memref<256xi32, #tpu.memory_space<vmem>>)
        tpu.yield
      }) : () -> ()
      %dma_start3A = arith.constant 0 : i32
      %dma_start3A_14 = arith.constant 0 : i32
      %dma_start3A_15 = tpu.memref_slice %arg2[%dma_start3A, %dma_start3A_14] : memref<10240x256xf32, #tpu.memory_space<hbm>> -> memref<10240x256xf32, #tpu.memory_space<hbm>>
      tpu.enqueue_indirect_dma source(%dma_start3A_15 : memref<10240x256xf32, #tpu.memory_space<hbm>>) target(%arg6 : memref<256x256xf32, #tpu.memory_space<vmem>>) offsets(%arg5 : memref<256xi32, #tpu.memory_space<vmem>>) semaphore(%arg7 : memref<!tpu.dma_semaphore, #tpu.memory_space<semaphore_mem>>)
      %dma_wait3A = arith.constant 0 : i32
      %dma_wait3A_16 = arith.constant 0 : i32
      %dma_wait3A_17 = tpu.memref_slice %arg2[%dma_wait3A, %dma_wait3A_16] : memref<10240x256xf32, #tpu.memory_space<hbm>> -> memref<10240x256xf32, #tpu.memory_space<hbm>>
      tpu.wait_indirect_dma semaphore(%arg7 : memref<!tpu.dma_semaphore, #tpu.memory_space<semaphore_mem>>) src(%dma_wait3A_17 : memref<10240x256xf32, #tpu.memory_space<hbm>>) dst(%arg6 : memref<256x256xf32, #tpu.memory_space<vmem>>)
      "tpu.region"() ({
        %run_scoped3A = tpu.sem_alloc : memref<!tpu.dma_semaphore, #tpu.memory_space<semaphore_mem>>
        %dma_start3A_19 = arith.constant 0 : i32
        %dma_start3A_20 = tpu.memref_slice %arg4[%add3A_13, %dma_start3A_19] : memref<81920x256xf32, #tpu.memory_space<hbm>> -> memref<256x256xf32, #tpu.memory_space<hbm>>
        %dma_start3A_21 = arith.constant 0 : i32
        %dma_start3A_22 = tpu.memref_slice %arg4[%add3A_13, %dma_start3A_21] : memref<81920x256xf32, #tpu.memory_space<hbm>> -> memref<256x256xf32, #tpu.memory_space<hbm>>
        tpu.enqueue_dma source(%arg6 : memref<256x256xf32, #tpu.memory_space<vmem>>) target(%dma_start3A_22 : memref<256x256xf32, #tpu.memory_space<hbm>>) target_semaphore(%run_scoped3A : memref<!tpu.dma_semaphore, #tpu.memory_space<semaphore_mem>>)
        %dma_wait3A_23 = arith.constant 0 : i32
        %dma_wait3A_24 = tpu.memref_slice %arg4[%add3A_13, %dma_wait3A_23] : memref<81920x256xf32, #tpu.memory_space<hbm>> -> memref<256x256xf32, #tpu.memory_space<hbm>>
        %dma_wait3A_25 = arith.constant 0 : i32
        %dma_wait3A_26 = tpu.memref_slice %arg4[%add3A_13, %dma_wait3A_25] : memref<81920x256xf32, #tpu.memory_space<hbm>> -> memref<256x256xf32, #tpu.memory_space<hbm>>
        tpu.wait_dma2 semaphore(%run_scoped3A : memref<!tpu.dma_semaphore, #tpu.memory_space<semaphore_mem>>) src(%arg6 : memref<256x256xf32, #tpu.memory_space<vmem>>) dst(%dma_wait3A_26 : memref<256x256xf32, #tpu.memory_space<hbm>>)
        tpu.yield
      }) : () -> ()
      %scan3A_18 = arith.constant 0 : i32
      scf.yield %scan3A_18 : i32
    }
    %scan3A_8 = arith.constant 10 : i32
    return
  }
}

#map = affine_map<(d0, d1) -> (0, 0)>
#map1 = affine_map<(d0, d1) -> (0)>
module attributes {stable_mosaic.version = 14 : i64} {
  func.func @sc_gather(%arg0: i32, %arg1: i32, %arg2: memref<10240x128xf32, #tpu.memory_space<hbm>>, %arg3: memref<163840xi32, #tpu.memory_space<hbm>>, %arg4: memref<163840x128xf32, #tpu.memory_space<hbm>>, %arg5: memref<256xi32, #tpu.memory_space<vmem>>, %arg6: memref<256x128xf32, #tpu.memory_space<vmem>>, %arg7: memref<!tpu.dma_semaphore, #tpu.memory_space<semaphore_mem>>) attributes {dimension_semantics = [#tpu.dimension_semantics<core_parallel>, #tpu.dimension_semantics<subcore_parallel>], iteration_bounds = array<i64: 2, 16>, scalar_prefetch = 0 : i64, scratch_operands = 3 : i64, tpu.core_type = #tpu.core_type<sc_vector_subcore>, window_params = [{transform_indices = #map}, {transform_indices = #map1}, {transform_indices = #map}]} {
    %mul3A = arith.constant 2 : i32
    %mul3A_0 = arith.muli %arg1, %mul3A : i32
    %add3A = arith.addi %mul3A_0, %arg0 : i32
    %mul3A_1 = arith.constant 5120 : i32
    %mul3A_2 = arith.muli %add3A, %mul3A_1 : i32
    %scan3A = arith.constant 0 : i32
    %scan3A_3 = arith.constant 0 : i32
    %scan3A_4 = arith.constant 20 : i32
    %scan3A_5 = arith.addi %scan3A_3, %scan3A_4 : i32
    %scan3A_6 = arith.constant 1 : i32
    %scan3A_7 = scf.for %scan3A_9 = %scan3A_3 to %scan3A_5 step %scan3A_6 iter_args(%scan3A_10 = %scan3A) -> (i32)  : i32 {
      %mul3A_11 = arith.constant 256 : i32
      %mul3A_12 = arith.muli %scan3A_9, %mul3A_11 : i32
      %add3A_13 = arith.addi %mul3A_2, %mul3A_12 : i32
      "tpu.region"() ({
        %run_scoped3A = tpu.sem_alloc : memref<!tpu.dma_semaphore, #tpu.memory_space<semaphore_mem>>
        %dma_start3A_19 = tpu.memref_slice %arg3[%add3A_13] : memref<163840xi32, #tpu.memory_space<hbm>> -> memref<256xi32, #tpu.memory_space<hbm>>
        %dma_start3A_20 = tpu.memref_slice %arg3[%add3A_13] : memref<163840xi32, #tpu.memory_space<hbm>> -> memref<256xi32, #tpu.memory_space<hbm>>
        tpu.enqueue_dma source(%dma_start3A_20 : memref<256xi32, #tpu.memory_space<hbm>>) target(%arg5 : memref<256xi32, #tpu.memory_space<vmem>>) target_semaphore(%run_scoped3A : memref<!tpu.dma_semaphore, #tpu.memory_space<semaphore_mem>>)
        %dma_wait3A_21 = tpu.memref_slice %arg3[%add3A_13] : memref<163840xi32, #tpu.memory_space<hbm>> -> memref<256xi32, #tpu.memory_space<hbm>>
        %dma_wait3A_22 = tpu.memref_slice %arg3[%add3A_13] : memref<163840xi32, #tpu.memory_space<hbm>> -> memref<256xi32, #tpu.memory_space<hbm>>
        tpu.wait_dma2 semaphore(%run_scoped3A : memref<!tpu.dma_semaphore, #tpu.memory_space<semaphore_mem>>) src(%dma_wait3A_22 : memref<256xi32, #tpu.memory_space<hbm>>) dst(%arg5 : memref<256xi32, #tpu.memory_space<vmem>>)
        tpu.yield
      }) : () -> ()
      %dma_start3A = arith.constant 0 : i32
      %dma_start3A_14 = arith.constant 0 : i32
      %dma_start3A_15 = tpu.memref_slice %arg2[%dma_start3A, %dma_start3A_14] : memref<10240x128xf32, #tpu.memory_space<hbm>> -> memref<10240x128xf32, #tpu.memory_space<hbm>>
      tpu.enqueue_indirect_dma source(%dma_start3A_15 : memref<10240x128xf32, #tpu.memory_space<hbm>>) target(%arg6 : memref<256x128xf32, #tpu.memory_space<vmem>>) offsets(%arg5 : memref<256xi32, #tpu.memory_space<vmem>>) semaphore(%arg7 : memref<!tpu.dma_semaphore, #tpu.memory_space<semaphore_mem>>)
      %dma_wait3A = arith.constant 0 : i32
      %dma_wait3A_16 = arith.constant 0 : i32
      %dma_wait3A_17 = tpu.memref_slice %arg2[%dma_wait3A, %dma_wait3A_16] : memref<10240x128xf32, #tpu.memory_space<hbm>> -> memref<10240x128xf32, #tpu.memory_space<hbm>>
      tpu.wait_indirect_dma semaphore(%arg7 : memref<!tpu.dma_semaphore, #tpu.memory_space<semaphore_mem>>) src(%dma_wait3A_17 : memref<10240x128xf32, #tpu.memory_space<hbm>>) dst(%arg6 : memref<256x128xf32, #tpu.memory_space<vmem>>)
      "tpu.region"() ({
        %run_scoped3A = tpu.sem_alloc : memref<!tpu.dma_semaphore, #tpu.memory_space<semaphore_mem>>
        %dma_start3A_19 = arith.constant 0 : i32
        %dma_start3A_20 = tpu.memref_slice %arg4[%add3A_13, %dma_start3A_19] : memref<163840x128xf32, #tpu.memory_space<hbm>> -> memref<256x128xf32, #tpu.memory_space<hbm>>
        %dma_start3A_21 = arith.constant 0 : i32
        %dma_start3A_22 = tpu.memref_slice %arg4[%add3A_13, %dma_start3A_21] : memref<163840x128xf32, #tpu.memory_space<hbm>> -> memref<256x128xf32, #tpu.memory_space<hbm>>
        tpu.enqueue_dma source(%arg6 : memref<256x128xf32, #tpu.memory_space<vmem>>) target(%dma_start3A_22 : memref<256x128xf32, #tpu.memory_space<hbm>>) target_semaphore(%run_scoped3A : memref<!tpu.dma_semaphore, #tpu.memory_space<semaphore_mem>>)
        %dma_wait3A_23 = arith.constant 0 : i32
        %dma_wait3A_24 = tpu.memref_slice %arg4[%add3A_13, %dma_wait3A_23] : memref<163840x128xf32, #tpu.memory_space<hbm>> -> memref<256x128xf32, #tpu.memory_space<hbm>>
        %dma_wait3A_25 = arith.constant 0 : i32
        %dma_wait3A_26 = tpu.memref_slice %arg4[%add3A_13, %dma_wait3A_25] : memref<163840x128xf32, #tpu.memory_space<hbm>> -> memref<256x128xf32, #tpu.memory_space<hbm>>
        tpu.wait_dma2 semaphore(%run_scoped3A : memref<!tpu.dma_semaphore, #tpu.memory_space<semaphore_mem>>) src(%arg6 : memref<256x128xf32, #tpu.memory_space<vmem>>) dst(%dma_wait3A_26 : memref<256x128xf32, #tpu.memory_space<hbm>>)
        tpu.yield
      }) : () -> ()
      %scan3A_18 = arith.constant 0 : i32
      scf.yield %scan3A_18 : i32
    }
    %scan3A_8 = arith.constant 20 : i32
    return
  }
}

module attributes {stable_mosaic.version = 14 : i64} {
  func.func @_knn_body(%arg0: i32, %arg1: memref<256x128xf32, #tpu.memory_space<vmem>>, %arg2: memref<10240x128xf32, #tpu.memory_space<vmem>>, %arg3: memref<256x128xbf16, #tpu.memory_space<vmem>>, %arg4: memref<10240x128xbf16, #tpu.memory_space<vmem>>, %arg5: memref<256x16xi32, #tpu.memory_space<vmem>>, %arg6: memref<256x10240xf32, #tpu.memory_space<vmem>>, %arg7: memref<8x10240xf32, #tpu.memory_space<vmem>>) attributes {dimension_semantics = [#tpu.dimension_semantics<arbitrary>], iteration_bounds = array<i64: 40>, scalar_prefetch = 0 : i64, scratch_operands = 2 : i64, tpu.core_type = #tpu.core_type<tc>, window_params = [{transform_indices = @transform_0, window_bounds = array<i64: 256, 128>}, {pipeline_mode = #tpu.pipeline_mode<synchronous>, transform_indices = @transform_1, window_bounds = array<i64: 10240, 128>}, {transform_indices = @transform_2, window_bounds = array<i64: 256, 128>}, {pipeline_mode = #tpu.pipeline_mode<synchronous>, transform_indices = @transform_3, window_bounds = array<i64: 10240, 128>}, {transform_indices = @transform_4, window_bounds = array<i64: 256, 16>}]} {
    %eq3A = arith.constant 0 : i32
    %eq3A_0 = arith.cmpi eq, %arg0, %eq3A : i32
    %convert_element_type3A = arith.extui %eq3A_0 : i1 to i32
    %cond3A = arith.constant 0 : i32
    %cond3A_1 = arith.cmpi ne, %convert_element_type3A, %cond3A : i32
    scf.if %cond3A_1 {
      %broadcast_in_dim3A_821 = arith.constant 1.000000e+00 : f32
      %broadcast_in_dim3A_822 = vector.broadcast %broadcast_in_dim3A_821 : f32 to vector<8x1xf32>
      %get3A_823 = arith.constant 0 : index
      %get3A_824 = arith.constant 0 : index
      %get3A_825 = vector.load %arg2[%get3A_823, %get3A_824] : memref<10240x128xf32, #tpu.memory_space<vmem>>, vector<512x128xf32>
      %mul3A_826 = arith.mulf %get3A_825, %get3A_825 : vector<512x128xf32>
      %reduce_sum3A_827 = arith.constant dense<0.000000e+00> : vector<512xf32>
      %reduce_sum3A_828 = vector.multi_reduction <add>, %mul3A_826, %reduce_sum3A_827 [1] : vector<512x128xf32> to vector<512xf32>
      %broadcast_in_dim3A_829 = vector.shape_cast %reduce_sum3A_828 : vector<512xf32> to vector<512x1xf32>
      %dot_general3A_830 = arith.constant dense<0.000000e+00> : vector<8x512xf32>
      %dot_general3A_831 = tpu.matmul %broadcast_in_dim3A_822, %broadcast_in_dim3A_829, %dot_general3A_830 {dimension_numbers = #tpu.dot_dimension_numbers<[1], [1], [0], [0], [0, 0, 1, 0], [], []>, precision = #tpu.contract_precision<fp32>, transpose_lhs_hint = false} : vector<8x1xf32>, vector<512x1xf32>, vector<8x512xf32> -> vector<8x512xf32>
      %swap3A_832 = arith.constant 0 : index
      %swap3A_833 = arith.constant 0 : index
      %swap3A_834 = vector.load %arg7[%swap3A_832, %swap3A_833] : memref<8x10240xf32, #tpu.memory_space<vmem>>, vector<8x512xf32>
      tpu.vector_store %arg7[%swap3A_832, %swap3A_833], %dot_general3A_831 {strides = array<i32>} : memref<8x10240xf32, #tpu.memory_space<vmem>>, vector<8x512xf32>,
      %get3A_835 = arith.constant 512 : index
      %get3A_836 = arith.constant 0 : index
      %get3A_837 = vector.load %arg2[%get3A_835, %get3A_836] : memref<10240x128xf32, #tpu.memory_space<vmem>>, vector<512x128xf32>
      %mul3A_838 = arith.mulf %get3A_837, %get3A_837 : vector<512x128xf32>
      %reduce_sum3A_839 = arith.constant dense<0.000000e+00> : vector<512xf32>
      %reduce_sum3A_840 = vector.multi_reduction <add>, %mul3A_838, %reduce_sum3A_839 [1] : vector<512x128xf32> to vector<512xf32>
      %broadcast_in_dim3A_841 = vector.shape_cast %reduce_sum3A_840 : vector<512xf32> to vector<512x1xf32>
      %dot_general3A_842 = arith.constant dense<0.000000e+00> : vector<8x512xf32>
      %dot_general3A_843 = tpu.matmul %broadcast_in_dim3A_822, %broadcast_in_dim3A_841, %dot_general3A_842 {dimension_numbers = #tpu.dot_dimension_numbers<[1], [1], [0], [0], [0, 0, 1, 0], [], []>, precision = #tpu.contract_precision<fp32>, transpose_lhs_hint = false} : vector<8x1xf32>, vector<512x1xf32>, vector<8x512xf32> -> vector<8x512xf32>
      %swap3A_844 = arith.constant 0 : index
      %swap3A_845 = arith.constant 512 : index
      %swap3A_846 = vector.load %arg7[%swap3A_844, %swap3A_845] : memref<8x10240xf32, #tpu.memory_space<vmem>>, vector<8x512xf32>
      tpu.vector_store %arg7[%swap3A_844, %swap3A_845], %dot_general3A_843 {strides = array<i32>} : memref<8x10240xf32, #tpu.memory_space<vmem>>, vector<8x512xf32>,
      %get3A_847 = arith.constant 1024 : index
      %get3A_848 = arith.constant 0 : index
      %get3A_849 = vector.load %arg2[%get3A_847, %get3A_848] : memref<10240x128xf32, #tpu.memory_space<vmem>>, vector<512x128xf32>
      %mul3A_850 = arith.mulf %get3A_849, %get3A_849 : vector<512x128xf32>
      %reduce_sum3A_851 = arith.constant dense<0.000000e+00> : vector<512xf32>
      %reduce_sum3A_852 = vector.multi_reduction <add>, %mul3A_850, %reduce_sum3A_851 [1] : vector<512x128xf32> to vector<512xf32>
      %broadcast_in_dim3A_853 = vector.shape_cast %reduce_sum3A_852 : vector<512xf32> to vector<512x1xf32>
      %dot_general3A_854 = arith.constant dense<0.000000e+00> : vector<8x512xf32>
      %dot_general3A_855 = tpu.matmul %broadcast_in_dim3A_822, %broadcast_in_dim3A_853, %dot_general3A_854 {dimension_numbers = #tpu.dot_dimension_numbers<[1], [1], [0], [0], [0, 0, 1, 0], [], []>, precision = #tpu.contract_precision<fp32>, transpose_lhs_hint = false} : vector<8x1xf32>, vector<512x1xf32>, vector<8x512xf32> -> vector<8x512xf32>
      %swap3A_856 = arith.constant 0 : index
      %swap3A_857 = arith.constant 1024 : index
      %swap3A_858 = vector.load %arg7[%swap3A_856, %swap3A_857] : memref<8x10240xf32, #tpu.memory_space<vmem>>, vector<8x512xf32>
      tpu.vector_store %arg7[%swap3A_856, %swap3A_857], %dot_general3A_855 {strides = array<i32>} : memref<8x10240xf32, #tpu.memory_space<vmem>>, vector<8x512xf32>,
      %get3A_859 = arith.constant 1536 : index
      %get3A_860 = arith.constant 0 : index
      %get3A_861 = vector.load %arg2[%get3A_859, %get3A_860] : memref<10240x128xf32, #tpu.memory_space<vmem>>, vector<512x128xf32>
      %mul3A_862 = arith.mulf %get3A_861, %get3A_861 : vector<512x128xf32>
      %reduce_sum3A_863 = arith.constant dense<0.000000e+00> : vector<512xf32>
      %reduce_sum3A_864 = vector.multi_reduction <add>, %mul3A_862, %reduce_sum3A_863 [1] : vector<512x128xf32> to vector<512xf32>
      %broadcast_in_dim3A_865 = vector.shape_cast %reduce_sum3A_864 : vector<512xf32> to vector<512x1xf32>
      %dot_general3A_866 = arith.constant dense<0.000000e+00> : vector<8x512xf32>
      %dot_general3A_867 = tpu.matmul %broadcast_in_dim3A_822, %broadcast_in_dim3A_865, %dot_general3A_866 {dimension_numbers = #tpu.dot_dimension_numbers<[1], [1], [0], [0], [0, 0, 1, 0], [], []>, precision = #tpu.contract_precision<fp32>, transpose_lhs_hint = false} : vector<8x1xf32>, vector<512x1xf32>, vector<8x512xf32> -> vector<8x512xf32>
      %swap3A_868 = arith.constant 0 : index
      %swap3A_869 = arith.constant 1536 : index
      %swap3A_870 = vector.load %arg7[%swap3A_868, %swap3A_869] : memref<8x10240xf32, #tpu.memory_space<vmem>>, vector<8x512xf32>
      tpu.vector_store %arg7[%swap3A_868, %swap3A_869], %dot_general3A_867 {strides = array<i32>} : memref<8x10240xf32, #tpu.memory_space<vmem>>, vector<8x512xf32>,
      %get3A_871 = arith.constant 2048 : index
      %get3A_872 = arith.constant 0 : index
      %get3A_873 = vector.load %arg2[%get3A_871, %get3A_872] : memref<10240x128xf32, #tpu.memory_space<vmem>>, vector<512x128xf32>
      %mul3A_874 = arith.mulf %get3A_873, %get3A_873 : vector<512x128xf32>
      %reduce_sum3A_875 = arith.constant dense<0.000000e+00> : vector<512xf32>
      %reduce_sum3A_876 = vector.multi_reduction <add>, %mul3A_874, %reduce_sum3A_875 [1] : vector<512x128xf32> to vector<512xf32>
      %broadcast_in_dim3A_877 = vector.shape_cast %reduce_sum3A_876 : vector<512xf32> to vector<512x1xf32>
      %dot_general3A_878 = arith.constant dense<0.000000e+00> : vector<8x512xf32>
      %dot_general3A_879 = tpu.matmul %broadcast_in_dim3A_822, %broadcast_in_dim3A_877, %dot_general3A_878 {dimension_numbers = #tpu.dot_dimension_numbers<[1], [1], [0], [0], [0, 0, 1, 0], [], []>, precision = #tpu.contract_precision<fp32>, transpose_lhs_hint = false} : vector<8x1xf32>, vector<512x1xf32>, vector<8x512xf32> -> vector<8x512xf32>
      %swap3A_880 = arith.constant 0 : index
      %swap3A_881 = arith.constant 2048 : index
      %swap3A_882 = vector.load %arg7[%swap3A_880, %swap3A_881] : memref<8x10240xf32, #tpu.memory_space<vmem>>, vector<8x512xf32>
      tpu.vector_store %arg7[%swap3A_880, %swap3A_881], %dot_general3A_879 {strides = array<i32>} : memref<8x10240xf32, #tpu.memory_space<vmem>>, vector<8x512xf32>,
      %get3A_883 = arith.constant 2560 : index
      %get3A_884 = arith.constant 0 : index
      %get3A_885 = vector.load %arg2[%get3A_883, %get3A_884] : memref<10240x128xf32, #tpu.memory_space<vmem>>, vector<512x128xf32>
      %mul3A_886 = arith.mulf %get3A_885, %get3A_885 : vector<512x128xf32>
      %reduce_sum3A_887 = arith.constant dense<0.000000e+00> : vector<512xf32>
      %reduce_sum3A_888 = vector.multi_reduction <add>, %mul3A_886, %reduce_sum3A_887 [1] : vector<512x128xf32> to vector<512xf32>
      %broadcast_in_dim3A_889 = vector.shape_cast %reduce_sum3A_888 : vector<512xf32> to vector<512x1xf32>
      %dot_general3A_890 = arith.constant dense<0.000000e+00> : vector<8x512xf32>
      %dot_general3A_891 = tpu.matmul %broadcast_in_dim3A_822, %broadcast_in_dim3A_889, %dot_general3A_890 {dimension_numbers = #tpu.dot_dimension_numbers<[1], [1], [0], [0], [0, 0, 1, 0], [], []>, precision = #tpu.contract_precision<fp32>, transpose_lhs_hint = false} : vector<8x1xf32>, vector<512x1xf32>, vector<8x512xf32> -> vector<8x512xf32>
      %swap3A_892 = arith.constant 0 : index
      %swap3A_893 = arith.constant 2560 : index
      %swap3A_894 = vector.load %arg7[%swap3A_892, %swap3A_893] : memref<8x10240xf32, #tpu.memory_space<vmem>>, vector<8x512xf32>
      tpu.vector_store %arg7[%swap3A_892, %swap3A_893], %dot_general3A_891 {strides = array<i32>} : memref<8x10240xf32, #tpu.memory_space<vmem>>, vector<8x512xf32>,
      %get3A_895 = arith.constant 3072 : index
      %get3A_896 = arith.constant 0 : index
      %get3A_897 = vector.load %arg2[%get3A_895, %get3A_896] : memref<10240x128xf32, #tpu.memory_space<vmem>>, vector<512x128xf32>
      %mul3A_898 = arith.mulf %get3A_897, %get3A_897 : vector<512x128xf32>
      %reduce_sum3A_899 = arith.constant dense<0.000000e+00> : vector<512xf32>
      %reduce_sum3A_900 = vector.multi_reduction <add>, %mul3A_898, %reduce_sum3A_899 [1] : vector<512x128xf32> to vector<512xf32>
      %broadcast_in_dim3A_901 = vector.shape_cast %reduce_sum3A_900 : vector<512xf32> to vector<512x1xf32>
      %dot_general3A_902 = arith.constant dense<0.000000e+00> : vector<8x512xf32>
      %dot_general3A_903 = tpu.matmul %broadcast_in_dim3A_822, %broadcast_in_dim3A_901, %dot_general3A_902 {dimension_numbers = #tpu.dot_dimension_numbers<[1], [1], [0], [0], [0, 0, 1, 0], [], []>, precision = #tpu.contract_precision<fp32>, transpose_lhs_hint = false} : vector<8x1xf32>, vector<512x1xf32>, vector<8x512xf32> -> vector<8x512xf32>
      %swap3A_904 = arith.constant 0 : index
      %swap3A_905 = arith.constant 3072 : index
      %swap3A_906 = vector.load %arg7[%swap3A_904, %swap3A_905] : memref<8x10240xf32, #tpu.memory_space<vmem>>, vector<8x512xf32>
      tpu.vector_store %arg7[%swap3A_904, %swap3A_905], %dot_general3A_903 {strides = array<i32>} : memref<8x10240xf32, #tpu.memory_space<vmem>>, vector<8x512xf32>,
      %get3A_907 = arith.constant 3584 : index
      %get3A_908 = arith.constant 0 : index
      %get3A_909 = vector.load %arg2[%get3A_907, %get3A_908] : memref<10240x128xf32, #tpu.memory_space<vmem>>, vector<512x128xf32>
      %mul3A_910 = arith.mulf %get3A_909, %get3A_909 : vector<512x128xf32>
      %reduce_sum3A_911 = arith.constant dense<0.000000e+00> : vector<512xf32>
      %reduce_sum3A_912 = vector.multi_reduction <add>, %mul3A_910, %reduce_sum3A_911 [1] : vector<512x128xf32> to vector<512xf32>
      %broadcast_in_dim3A_913 = vector.shape_cast %reduce_sum3A_912 : vector<512xf32> to vector<512x1xf32>
      %dot_general3A_914 = arith.constant dense<0.000000e+00> : vector<8x512xf32>
      %dot_general3A_915 = tpu.matmul %broadcast_in_dim3A_822, %broadcast_in_dim3A_913, %dot_general3A_914 {dimension_numbers = #tpu.dot_dimension_numbers<[1], [1], [0], [0], [0, 0, 1, 0], [], []>, precision = #tpu.contract_precision<fp32>, transpose_lhs_hint = false} : vector<8x1xf32>, vector<512x1xf32>, vector<8x512xf32> -> vector<8x512xf32>
      %swap3A_916 = arith.constant 0 : index
      %swap3A_917 = arith.constant 3584 : index
      %swap3A_918 = vector.load %arg7[%swap3A_916, %swap3A_917] : memref<8x10240xf32, #tpu.memory_space<vmem>>, vector<8x512xf32>
      tpu.vector_store %arg7[%swap3A_916, %swap3A_917], %dot_general3A_915 {strides = array<i32>} : memref<8x10240xf32, #tpu.memory_space<vmem>>, vector<8x512xf32>,
      %get3A_919 = arith.constant 4096 : index
      %get3A_920 = arith.constant 0 : index
      %get3A_921 = vector.load %arg2[%get3A_919, %get3A_920] : memref<10240x128xf32, #tpu.memory_space<vmem>>, vector<512x128xf32>
      %mul3A_922 = arith.mulf %get3A_921, %get3A_921 : vector<512x128xf32>
      %reduce_sum3A_923 = arith.constant dense<0.000000e+00> : vector<512xf32>
      %reduce_sum3A_924 = vector.multi_reduction <add>, %mul3A_922, %reduce_sum3A_923 [1] : vector<512x128xf32> to vector<512xf32>
      %broadcast_in_dim3A_925 = vector.shape_cast %reduce_sum3A_924 : vector<512xf32> to vector<512x1xf32>
      %dot_general3A_926 = arith.constant dense<0.000000e+00> : vector<8x512xf32>
      %dot_general3A_927 = tpu.matmul %broadcast_in_dim3A_822, %broadcast_in_dim3A_925, %dot_general3A_926 {dimension_numbers = #tpu.dot_dimension_numbers<[1], [1], [0], [0], [0, 0, 1, 0], [], []>, precision = #tpu.contract_precision<fp32>, transpose_lhs_hint = false} : vector<8x1xf32>, vector<512x1xf32>, vector<8x512xf32> -> vector<8x512xf32>
      %swap3A_928 = arith.constant 0 : index
      %swap3A_929 = arith.constant 4096 : index
      %swap3A_930 = vector.load %arg7[%swap3A_928, %swap3A_929] : memref<8x10240xf32, #tpu.memory_space<vmem>>, vector<8x512xf32>
      tpu.vector_store %arg7[%swap3A_928, %swap3A_929], %dot_general3A_927 {strides = array<i32>} : memref<8x10240xf32, #tpu.memory_space<vmem>>, vector<8x512xf32>,
      %get3A_931 = arith.constant 4608 : index
      %get3A_932 = arith.constant 0 : index
      %get3A_933 = vector.load %arg2[%get3A_931, %get3A_932] : memref<10240x128xf32, #tpu.memory_space<vmem>>, vector<512x128xf32>
      %mul3A_934 = arith.mulf %get3A_933, %get3A_933 : vector<512x128xf32>
      %reduce_sum3A_935 = arith.constant dense<0.000000e+00> : vector<512xf32>
      %reduce_sum3A_936 = vector.multi_reduction <add>, %mul3A_934, %reduce_sum3A_935 [1] : vector<512x128xf32> to vector<512xf32>
      %broadcast_in_dim3A_937 = vector.shape_cast %reduce_sum3A_936 : vector<512xf32> to vector<512x1xf32>
      %dot_general3A_938 = arith.constant dense<0.000000e+00> : vector<8x512xf32>
      %dot_general3A_939 = tpu.matmul %broadcast_in_dim3A_822, %broadcast_in_dim3A_937, %dot_general3A_938 {dimension_numbers = #tpu.dot_dimension_numbers<[1], [1], [0], [0], [0, 0, 1, 0], [], []>, precision = #tpu.contract_precision<fp32>, transpose_lhs_hint = false} : vector<8x1xf32>, vector<512x1xf32>, vector<8x512xf32> -> vector<8x512xf32>
      %swap3A_940 = arith.constant 0 : index
      %swap3A_941 = arith.constant 4608 : index
      %swap3A_942 = vector.load %arg7[%swap3A_940, %swap3A_941] : memref<8x10240xf32, #tpu.memory_space<vmem>>, vector<8x512xf32>
      tpu.vector_store %arg7[%swap3A_940, %swap3A_941], %dot_general3A_939 {strides = array<i32>} : memref<8x10240xf32, #tpu.memory_space<vmem>>, vector<8x512xf32>,
      %get3A_943 = arith.constant 5120 : index
      %get3A_944 = arith.constant 0 : index
      %get3A_945 = vector.load %arg2[%get3A_943, %get3A_944] : memref<10240x128xf32, #tpu.memory_space<vmem>>, vector<512x128xf32>
      %mul3A_946 = arith.mulf %get3A_945, %get3A_945 : vector<512x128xf32>
      %reduce_sum3A_947 = arith.constant dense<0.000000e+00> : vector<512xf32>
      %reduce_sum3A_948 = vector.multi_reduction <add>, %mul3A_946, %reduce_sum3A_947 [1] : vector<512x128xf32> to vector<512xf32>
      %broadcast_in_dim3A_949 = vector.shape_cast %reduce_sum3A_948 : vector<512xf32> to vector<512x1xf32>
      %dot_general3A_950 = arith.constant dense<0.000000e+00> : vector<8x512xf32>
      %dot_general3A_951 = tpu.matmul %broadcast_in_dim3A_822, %broadcast_in_dim3A_949, %dot_general3A_950 {dimension_numbers = #tpu.dot_dimension_numbers<[1], [1], [0], [0], [0, 0, 1, 0], [], []>, precision = #tpu.contract_precision<fp32>, transpose_lhs_hint = false} : vector<8x1xf32>, vector<512x1xf32>, vector<8x512xf32> -> vector<8x512xf32>
      %swap3A_952 = arith.constant 0 : index
      %swap3A_953 = arith.constant 5120 : index
      %swap3A_954 = vector.load %arg7[%swap3A_952, %swap3A_953] : memref<8x10240xf32, #tpu.memory_space<vmem>>, vector<8x512xf32>
      tpu.vector_store %arg7[%swap3A_952, %swap3A_953], %dot_general3A_951 {strides = array<i32>} : memref<8x10240xf32, #tpu.memory_space<vmem>>, vector<8x512xf32>,
      %get3A_955 = arith.constant 5632 : index
      %get3A_956 = arith.constant 0 : index
      %get3A_957 = vector.load %arg2[%get3A_955, %get3A_956] : memref<10240x128xf32, #tpu.memory_space<vmem>>, vector<512x128xf32>
      %mul3A_958 = arith.mulf %get3A_957, %get3A_957 : vector<512x128xf32>
      %reduce_sum3A_959 = arith.constant dense<0.000000e+00> : vector<512xf32>
      %reduce_sum3A_960 = vector.multi_reduction <add>, %mul3A_958, %reduce_sum3A_959 [1] : vector<512x128xf32> to vector<512xf32>
      %broadcast_in_dim3A_961 = vector.shape_cast %reduce_sum3A_960 : vector<512xf32> to vector<512x1xf32>
      %dot_general3A_962 = arith.constant dense<0.000000e+00> : vector<8x512xf32>
      %dot_general3A_963 = tpu.matmul %broadcast_in_dim3A_822, %broadcast_in_dim3A_961, %dot_general3A_962 {dimension_numbers = #tpu.dot_dimension_numbers<[1], [1], [0], [0], [0, 0, 1, 0], [], []>, precision = #tpu.contract_precision<fp32>, transpose_lhs_hint = false} : vector<8x1xf32>, vector<512x1xf32>, vector<8x512xf32> -> vector<8x512xf32>
      %swap3A_964 = arith.constant 0 : index
      %swap3A_965 = arith.constant 5632 : index
      %swap3A_966 = vector.load %arg7[%swap3A_964, %swap3A_965] : memref<8x10240xf32, #tpu.memory_space<vmem>>, vector<8x512xf32>
      tpu.vector_store %arg7[%swap3A_964, %swap3A_965], %dot_general3A_963 {strides = array<i32>} : memref<8x10240xf32, #tpu.memory_space<vmem>>, vector<8x512xf32>,
      %get3A_967 = arith.constant 6144 : index
      %get3A_968 = arith.constant 0 : index
      %get3A_969 = vector.load %arg2[%get3A_967, %get3A_968] : memref<10240x128xf32, #tpu.memory_space<vmem>>, vector<512x128xf32>
      %mul3A_970 = arith.mulf %get3A_969, %get3A_969 : vector<512x128xf32>
      %reduce_sum3A_971 = arith.constant dense<0.000000e+00> : vector<512xf32>
      %reduce_sum3A_972 = vector.multi_reduction <add>, %mul3A_970, %reduce_sum3A_971 [1] : vector<512x128xf32> to vector<512xf32>
      %broadcast_in_dim3A_973 = vector.shape_cast %reduce_sum3A_972 : vector<512xf32> to vector<512x1xf32>
      %dot_general3A_974 = arith.constant dense<0.000000e+00> : vector<8x512xf32>
      %dot_general3A_975 = tpu.matmul %broadcast_in_dim3A_822, %broadcast_in_dim3A_973, %dot_general3A_974 {dimension_numbers = #tpu.dot_dimension_numbers<[1], [1], [0], [0], [0, 0, 1, 0], [], []>, precision = #tpu.contract_precision<fp32>, transpose_lhs_hint = false} : vector<8x1xf32>, vector<512x1xf32>, vector<8x512xf32> -> vector<8x512xf32>
      %swap3A_976 = arith.constant 0 : index
      %swap3A_977 = arith.constant 6144 : index
      %swap3A_978 = vector.load %arg7[%swap3A_976, %swap3A_977] : memref<8x10240xf32, #tpu.memory_space<vmem>>, vector<8x512xf32>
      tpu.vector_store %arg7[%swap3A_976, %swap3A_977], %dot_general3A_975 {strides = array<i32>} : memref<8x10240xf32, #tpu.memory_space<vmem>>, vector<8x512xf32>,
      %get3A_979 = arith.constant 6656 : index
      %get3A_980 = arith.constant 0 : index
      %get3A_981 = vector.load %arg2[%get3A_979, %get3A_980] : memref<10240x128xf32, #tpu.memory_space<vmem>>, vector<512x128xf32>
      %mul3A_982 = arith.mulf %get3A_981, %get3A_981 : vector<512x128xf32>
      %reduce_sum3A_983 = arith.constant dense<0.000000e+00> : vector<512xf32>
      %reduce_sum3A_984 = vector.multi_reduction <add>, %mul3A_982, %reduce_sum3A_983 [1] : vector<512x128xf32> to vector<512xf32>
      %broadcast_in_dim3A_985 = vector.shape_cast %reduce_sum3A_984 : vector<512xf32> to vector<512x1xf32>
      %dot_general3A_986 = arith.constant dense<0.000000e+00> : vector<8x512xf32>
      %dot_general3A_987 = tpu.matmul %broadcast_in_dim3A_822, %broadcast_in_dim3A_985, %dot_general3A_986 {dimension_numbers = #tpu.dot_dimension_numbers<[1], [1], [0], [0], [0, 0, 1, 0], [], []>, precision = #tpu.contract_precision<fp32>, transpose_lhs_hint = false} : vector<8x1xf32>, vector<512x1xf32>, vector<8x512xf32> -> vector<8x512xf32>
      %swap3A_988 = arith.constant 0 : index
      %swap3A_989 = arith.constant 6656 : index
      %swap3A_990 = vector.load %arg7[%swap3A_988, %swap3A_989] : memref<8x10240xf32, #tpu.memory_space<vmem>>, vector<8x512xf32>
      tpu.vector_store %arg7[%swap3A_988, %swap3A_989], %dot_general3A_987 {strides = array<i32>} : memref<8x10240xf32, #tpu.memory_space<vmem>>, vector<8x512xf32>,
      %get3A_991 = arith.constant 7168 : index
      %get3A_992 = arith.constant 0 : index
      %get3A_993 = vector.load %arg2[%get3A_991, %get3A_992] : memref<10240x128xf32, #tpu.memory_space<vmem>>, vector<512x128xf32>
      %mul3A_994 = arith.mulf %get3A_993, %get3A_993 : vector<512x128xf32>
      %reduce_sum3A_995 = arith.constant dense<0.000000e+00> : vector<512xf32>
      %reduce_sum3A_996 = vector.multi_reduction <add>, %mul3A_994, %reduce_sum3A_995 [1] : vector<512x128xf32> to vector<512xf32>
      %broadcast_in_dim3A_997 = vector.shape_cast %reduce_sum3A_996 : vector<512xf32> to vector<512x1xf32>
      %dot_general3A_998 = arith.constant dense<0.000000e+00> : vector<8x512xf32>
      %dot_general3A_999 = tpu.matmul %broadcast_in_dim3A_822, %broadcast_in_dim3A_997, %dot_general3A_998 {dimension_numbers = #tpu.dot_dimension_numbers<[1], [1], [0], [0], [0, 0, 1, 0], [], []>, precision = #tpu.contract_precision<fp32>, transpose_lhs_hint = false} : vector<8x1xf32>, vector<512x1xf32>, vector<8x512xf32> -> vector<8x512xf32>
      %swap3A_1000 = arith.constant 0 : index
      %swap3A_1001 = arith.constant 7168 : index
      %swap3A_1002 = vector.load %arg7[%swap3A_1000, %swap3A_1001] : memref<8x10240xf32, #tpu.memory_space<vmem>>, vector<8x512xf32>
      tpu.vector_store %arg7[%swap3A_1000, %swap3A_1001], %dot_general3A_999 {strides = array<i32>} : memref<8x10240xf32, #tpu.memory_space<vmem>>, vector<8x512xf32>,
      %get3A_1003 = arith.constant 7680 : index
      %get3A_1004 = arith.constant 0 : index
      %get3A_1005 = vector.load %arg2[%get3A_1003, %get3A_1004] : memref<10240x128xf32, #tpu.memory_space<vmem>>, vector<512x128xf32>
      %mul3A_1006 = arith.mulf %get3A_1005, %get3A_1005 : vector<512x128xf32>
      %reduce_sum3A_1007 = arith.constant dense<0.000000e+00> : vector<512xf32>
      %reduce_sum3A_1008 = vector.multi_reduction <add>, %mul3A_1006, %reduce_sum3A_1007 [1] : vector<512x128xf32> to vector<512xf32>
      %broadcast_in_dim3A_1009 = vector.shape_cast %reduce_sum3A_1008 : vector<512xf32> to vector<512x1xf32>
      %dot_general3A_1010 = arith.constant dense<0.000000e+00> : vector<8x512xf32>
      %dot_general3A_1011 = tpu.matmul %broadcast_in_dim3A_822, %broadcast_in_dim3A_1009, %dot_general3A_1010 {dimension_numbers = #tpu.dot_dimension_numbers<[1], [1], [0], [0], [0, 0, 1, 0], [], []>, precision = #tpu.contract_precision<fp32>, transpose_lhs_hint = false} : vector<8x1xf32>, vector<512x1xf32>, vector<8x512xf32> -> vector<8x512xf32>
      %swap3A_1012 = arith.constant 0 : index
      %swap3A_1013 = arith.constant 7680 : index
      %swap3A_1014 = vector.load %arg7[%swap3A_1012, %swap3A_1013] : memref<8x10240xf32, #tpu.memory_space<vmem>>, vector<8x512xf32>
      tpu.vector_store %arg7[%swap3A_1012, %swap3A_1013], %dot_general3A_1011 {strides = array<i32>} : memref<8x10240xf32, #tpu.memory_space<vmem>>, vector<8x512xf32>,
      %get3A_1015 = arith.constant 8192 : index
      %get3A_1016 = arith.constant 0 : index
      %get3A_1017 = vector.load %arg2[%get3A_1015, %get3A_1016] : memref<10240x128xf32, #tpu.memory_space<vmem>>, vector<512x128xf32>
      %mul3A_1018 = arith.mulf %get3A_1017, %get3A_1017 : vector<512x128xf32>
      %reduce_sum3A_1019 = arith.constant dense<0.000000e+00> : vector<512xf32>
      %reduce_sum3A_1020 = vector.multi_reduction <add>, %mul3A_1018, %reduce_sum3A_1019 [1] : vector<512x128xf32> to vector<512xf32>
      %broadcast_in_dim3A_1021 = vector.shape_cast %reduce_sum3A_1020 : vector<512xf32> to vector<512x1xf32>
      %dot_general3A_1022 = arith.constant dense<0.000000e+00> : vector<8x512xf32>
      %dot_general3A_1023 = tpu.matmul %broadcast_in_dim3A_822, %broadcast_in_dim3A_1021, %dot_general3A_1022 {dimension_numbers = #tpu.dot_dimension_numbers<[1], [1], [0], [0], [0, 0, 1, 0], [], []>, precision = #tpu.contract_precision<fp32>, transpose_lhs_hint = false} : vector<8x1xf32>, vector<512x1xf32>, vector<8x512xf32> -> vector<8x512xf32>
      %swap3A_1024 = arith.constant 0 : index
      %swap3A_1025 = arith.constant 8192 : index
      %swap3A_1026 = vector.load %arg7[%swap3A_1024, %swap3A_1025] : memref<8x10240xf32, #tpu.memory_space<vmem>>, vector<8x512xf32>
      tpu.vector_store %arg7[%swap3A_1024, %swap3A_1025], %dot_general3A_1023 {strides = array<i32>} : memref<8x10240xf32, #tpu.memory_space<vmem>>, vector<8x512xf32>,
      %get3A_1027 = arith.constant 8704 : index
      %get3A_1028 = arith.constant 0 : index
      %get3A_1029 = vector.load %arg2[%get3A_1027, %get3A_1028] : memref<10240x128xf32, #tpu.memory_space<vmem>>, vector<512x128xf32>
      %mul3A_1030 = arith.mulf %get3A_1029, %get3A_1029 : vector<512x128xf32>
      %reduce_sum3A_1031 = arith.constant dense<0.000000e+00> : vector<512xf32>
      %reduce_sum3A_1032 = vector.multi_reduction <add>, %mul3A_1030, %reduce_sum3A_1031 [1] : vector<512x128xf32> to vector<512xf32>
      %broadcast_in_dim3A_1033 = vector.shape_cast %reduce_sum3A_1032 : vector<512xf32> to vector<512x1xf32>
      %dot_general3A_1034 = arith.constant dense<0.000000e+00> : vector<8x512xf32>
      %dot_general3A_1035 = tpu.matmul %broadcast_in_dim3A_822, %broadcast_in_dim3A_1033, %dot_general3A_1034 {dimension_numbers = #tpu.dot_dimension_numbers<[1], [1], [0], [0], [0, 0, 1, 0], [], []>, precision = #tpu.contract_precision<fp32>, transpose_lhs_hint = false} : vector<8x1xf32>, vector<512x1xf32>, vector<8x512xf32> -> vector<8x512xf32>
      %swap3A_1036 = arith.constant 0 : index
      %swap3A_1037 = arith.constant 8704 : index
      %swap3A_1038 = vector.load %arg7[%swap3A_1036, %swap3A_1037] : memref<8x10240xf32, #tpu.memory_space<vmem>>, vector<8x512xf32>
      tpu.vector_store %arg7[%swap3A_1036, %swap3A_1037], %dot_general3A_1035 {strides = array<i32>} : memref<8x10240xf32, #tpu.memory_space<vmem>>, vector<8x512xf32>,
      %get3A_1039 = arith.constant 9216 : index
      %get3A_1040 = arith.constant 0 : index
      %get3A_1041 = vector.load %arg2[%get3A_1039, %get3A_1040] : memref<10240x128xf32, #tpu.memory_space<vmem>>, vector<512x128xf32>
      %mul3A_1042 = arith.mulf %get3A_1041, %get3A_1041 : vector<512x128xf32>
      %reduce_sum3A_1043 = arith.constant dense<0.000000e+00> : vector<512xf32>
      %reduce_sum3A_1044 = vector.multi_reduction <add>, %mul3A_1042, %reduce_sum3A_1043 [1] : vector<512x128xf32> to vector<512xf32>
      %broadcast_in_dim3A_1045 = vector.shape_cast %reduce_sum3A_1044 : vector<512xf32> to vector<512x1xf32>
      %dot_general3A_1046 = arith.constant dense<0.000000e+00> : vector<8x512xf32>
      %dot_general3A_1047 = tpu.matmul %broadcast_in_dim3A_822, %broadcast_in_dim3A_1045, %dot_general3A_1046 {dimension_numbers = #tpu.dot_dimension_numbers<[1], [1], [0], [0], [0, 0, 1, 0], [], []>, precision = #tpu.contract_precision<fp32>, transpose_lhs_hint = false} : vector<8x1xf32>, vector<512x1xf32>, vector<8x512xf32> -> vector<8x512xf32>
      %swap3A_1048 = arith.constant 0 : index
      %swap3A_1049 = arith.constant 9216 : index
      %swap3A_1050 = vector.load %arg7[%swap3A_1048, %swap3A_1049] : memref<8x10240xf32, #tpu.memory_space<vmem>>, vector<8x512xf32>
      tpu.vector_store %arg7[%swap3A_1048, %swap3A_1049], %dot_general3A_1047 {strides = array<i32>} : memref<8x10240xf32, #tpu.memory_space<vmem>>, vector<8x512xf32>,
      %get3A_1051 = arith.constant 9728 : index
      %get3A_1052 = arith.constant 0 : index
      %get3A_1053 = vector.load %arg2[%get3A_1051, %get3A_1052] : memref<10240x128xf32, #tpu.memory_space<vmem>>, vector<512x128xf32>
      %mul3A_1054 = arith.mulf %get3A_1053, %get3A_1053 : vector<512x128xf32>
      %reduce_sum3A_1055 = arith.constant dense<0.000000e+00> : vector<512xf32>
      %reduce_sum3A_1056 = vector.multi_reduction <add>, %mul3A_1054, %reduce_sum3A_1055 [1] : vector<512x128xf32> to vector<512xf32>
      %broadcast_in_dim3A_1057 = vector.shape_cast %reduce_sum3A_1056 : vector<512xf32> to vector<512x1xf32>
      %dot_general3A_1058 = arith.constant dense<0.000000e+00> : vector<8x512xf32>
      %dot_general3A_1059 = tpu.matmul %broadcast_in_dim3A_822, %broadcast_in_dim3A_1057, %dot_general3A_1058 {dimension_numbers = #tpu.dot_dimension_numbers<[1], [1], [0], [0], [0, 0, 1, 0], [], []>, precision = #tpu.contract_precision<fp32>, transpose_lhs_hint = false} : vector<8x1xf32>, vector<512x1xf32>, vector<8x512xf32> -> vector<8x512xf32>
      %swap3A_1060 = arith.constant 0 : index
      %swap3A_1061 = arith.constant 9728 : index
      %swap3A_1062 = vector.load %arg7[%swap3A_1060, %swap3A_1061] : memref<8x10240xf32, #tpu.memory_space<vmem>>, vector<8x512xf32>
      tpu.vector_store %arg7[%swap3A_1060, %swap3A_1061], %dot_general3A_1059 {strides = array<i32>} : memref<8x10240xf32, #tpu.memory_space<vmem>>, vector<8x512xf32>,
    } else {
    }
    %get3A = arith.constant 0 : index
    %get3A_2 = arith.constant 0 : index
    %get3A_3 = vector.load %arg1[%get3A, %get3A_2] : memref<256x128xf32, #tpu.memory_space<vmem>>, vector<256x128xf32>
    %mul3A = arith.mulf %get3A_3, %get3A_3 : vector<256x128xf32>
    %reduce_sum3A = arith.constant dense<0.000000e+00> : vector<256xf32>
    %reduce_sum3A_4 = vector.multi_reduction <add>, %mul3A, %reduce_sum3A [1] : vector<256x128xf32> to vector<256xf32>
    %broadcast_in_dim3A = vector.shape_cast %reduce_sum3A_4 : vector<256xf32> to vector<256x1xf32>
    %get3A_5 = arith.constant 0 : index
    %get3A_6 = arith.constant 0 : index
    %get3A_7 = vector.load %arg3[%get3A_5, %get3A_6] : memref<256x128xbf16, #tpu.memory_space<vmem>>, vector<256x128xbf16>
    %get3A_8 = arith.constant 0 : index
    %get3A_9 = arith.constant 0 : index
    %get3A_10 = vector.load %arg4[%get3A_8, %get3A_9] : memref<10240x128xbf16, #tpu.memory_space<vmem>>, vector<512x128xbf16>
    %dot_general3A = arith.constant dense<0.000000e+00> : vector<256x512xf32>
    %dot_general3A_11 = tpu.matmul %get3A_7, %get3A_10, %dot_general3A {dimension_numbers = #tpu.dot_dimension_numbers<[1], [1], [0], [0], [0, 0, 1, 0], [], []>, transpose_lhs_hint = false} : vector<256x128xbf16>, vector<512x128xbf16>, vector<256x512xf32> -> vector<256x512xf32>
    %mul3A_12 = arith.constant 2.000000e+00 : f32
    %mul3A_13 = vector.broadcast %mul3A_12 : f32 to vector<256x512xf32>
    %mul3A_14 = arith.mulf %mul3A_13, %dot_general3A_11 : vector<256x512xf32>
    %sub3A = vector.broadcast %broadcast_in_dim3A : vector<256x1xf32> to vector<256x512xf32>
    %sub3A_15 = arith.subf %sub3A, %mul3A_14 : vector<256x512xf32>
    %get3A_16 = arith.constant 0 : index
    %get3A_17 = arith.constant 0 : index
    %get3A_18 = vector.load %arg7[%get3A_16, %get3A_17] : memref<8x10240xf32, #tpu.memory_space<vmem>>, vector<1x512xf32>
    %add3A = vector.broadcast %get3A_18 : vector<1x512xf32> to vector<256x512xf32>
    %add3A_19 = arith.addf %sub3A_15, %add3A : vector<256x512xf32>
    %swap3A = arith.constant 0 : index
    %swap3A_20 = arith.constant 0 : index
    %swap3A_21 = vector.load %arg6[%swap3A, %swap3A_20] : memref<256x10240xf32, #tpu.memory_space<vmem>>, vector<256x512xf32>
    tpu.vector_store %arg6[%swap3A, %swap3A_20], %add3A_19 {strides = array<i32>} : memref<256x10240xf32, #tpu.memory_space<vmem>>, vector<256x512xf32>,
    %get3A_22 = arith.constant 512 : index
    %get3A_23 = arith.constant 0 : index
    %get3A_24 = vector.load %arg4[%get3A_22, %get3A_23] : memref<10240x128xbf16, #tpu.memory_space<vmem>>, vector<512x128xbf16>
    %dot_general3A_25 = arith.constant dense<0.000000e+00> : vector<256x512xf32>
    %dot_general3A_26 = tpu.matmul %get3A_7, %get3A_24, %dot_general3A_25 {dimension_numbers = #tpu.dot_dimension_numbers<[1], [1], [0], [0], [0, 0, 1, 0], [], []>, transpose_lhs_hint = false} : vector<256x128xbf16>, vector<512x128xbf16>, vector<256x512xf32> -> vector<256x512xf32>
    %mul3A_27 = arith.constant 2.000000e+00 : f32
    %mul3A_28 = vector.broadcast %mul3A_27 : f32 to vector<256x512xf32>
    %mul3A_29 = arith.mulf %mul3A_28, %dot_general3A_26 : vector<256x512xf32>
    %sub3A_30 = vector.broadcast %broadcast_in_dim3A : vector<256x1xf32> to vector<256x512xf32>
    %sub3A_31 = arith.subf %sub3A_30, %mul3A_29 : vector<256x512xf32>
    %get3A_32 = arith.constant 0 : index
    %get3A_33 = arith.constant 512 : index
    %get3A_34 = vector.load %arg7[%get3A_32, %get3A_33] : memref<8x10240xf32, #tpu.memory_space<vmem>>, vector<1x512xf32>
    %add3A_35 = vector.broadcast %get3A_34 : vector<1x512xf32> to vector<256x512xf32>
    %add3A_36 = arith.addf %sub3A_31, %add3A_35 : vector<256x512xf32>
    %swap3A_37 = arith.constant 0 : index
    %swap3A_38 = arith.constant 512 : index
    %swap3A_39 = vector.load %arg6[%swap3A_37, %swap3A_38] : memref<256x10240xf32, #tpu.memory_space<vmem>>, vector<256x512xf32>
    tpu.vector_store %arg6[%swap3A_37, %swap3A_38], %add3A_36 {strides = array<i32>} : memref<256x10240xf32, #tpu.memory_space<vmem>>, vector<256x512xf32>,
    %get3A_40 = arith.constant 1024 : index
    %get3A_41 = arith.constant 0 : index
    %get3A_42 = vector.load %arg4[%get3A_40, %get3A_41] : memref<10240x128xbf16, #tpu.memory_space<vmem>>, vector<512x128xbf16>
    %dot_general3A_43 = arith.constant dense<0.000000e+00> : vector<256x512xf32>
    %dot_general3A_44 = tpu.matmul %get3A_7, %get3A_42, %dot_general3A_43 {dimension_numbers = #tpu.dot_dimension_numbers<[1], [1], [0], [0], [0, 0, 1, 0], [], []>, transpose_lhs_hint = false} : vector<256x128xbf16>, vector<512x128xbf16>, vector<256x512xf32> -> vector<256x512xf32>
    %mul3A_45 = arith.constant 2.000000e+00 : f32
    %mul3A_46 = vector.broadcast %mul3A_45 : f32 to vector<256x512xf32>
    %mul3A_47 = arith.mulf %mul3A_46, %dot_general3A_44 : vector<256x512xf32>
    %sub3A_48 = vector.broadcast %broadcast_in_dim3A : vector<256x1xf32> to vector<256x512xf32>
    %sub3A_49 = arith.subf %sub3A_48, %mul3A_47 : vector<256x512xf32>
    %get3A_50 = arith.constant 0 : index
    %get3A_51 = arith.constant 1024 : index
    %get3A_52 = vector.load %arg7[%get3A_50, %get3A_51] : memref<8x10240xf32, #tpu.memory_space<vmem>>, vector<1x512xf32>
    %add3A_53 = vector.broadcast %get3A_52 : vector<1x512xf32> to vector<256x512xf32>
    %add3A_54 = arith.addf %sub3A_49, %add3A_53 : vector<256x512xf32>
    %swap3A_55 = arith.constant 0 : index
    %swap3A_56 = arith.constant 1024 : index
    %swap3A_57 = vector.load %arg6[%swap3A_55, %swap3A_56] : memref<256x10240xf32, #tpu.memory_space<vmem>>, vector<256x512xf32>
    tpu.vector_store %arg6[%swap3A_55, %swap3A_56], %add3A_54 {strides = array<i32>} : memref<256x10240xf32, #tpu.memory_space<vmem>>, vector<256x512xf32>,
    %get3A_58 = arith.constant 1536 : index
    %get3A_59 = arith.constant 0 : index
    %get3A_60 = vector.load %arg4[%get3A_58, %get3A_59] : memref<10240x128xbf16, #tpu.memory_space<vmem>>, vector<512x128xbf16>
    %dot_general3A_61 = arith.constant dense<0.000000e+00> : vector<256x512xf32>
    %dot_general3A_62 = tpu.matmul %get3A_7, %get3A_60, %dot_general3A_61 {dimension_numbers = #tpu.dot_dimension_numbers<[1], [1], [0], [0], [0, 0, 1, 0], [], []>, transpose_lhs_hint = false} : vector<256x128xbf16>, vector<512x128xbf16>, vector<256x512xf32> -> vector<256x512xf32>
    %mul3A_63 = arith.constant 2.000000e+00 : f32
    %mul3A_64 = vector.broadcast %mul3A_63 : f32 to vector<256x512xf32>
    %mul3A_65 = arith.mulf %mul3A_64, %dot_general3A_62 : vector<256x512xf32>
    %sub3A_66 = vector.broadcast %broadcast_in_dim3A : vector<256x1xf32> to vector<256x512xf32>
    %sub3A_67 = arith.subf %sub3A_66, %mul3A_65 : vector<256x512xf32>
    %get3A_68 = arith.constant 0 : index
    %get3A_69 = arith.constant 1536 : index
    %get3A_70 = vector.load %arg7[%get3A_68, %get3A_69] : memref<8x10240xf32, #tpu.memory_space<vmem>>, vector<1x512xf32>
    %add3A_71 = vector.broadcast %get3A_70 : vector<1x512xf32> to vector<256x512xf32>
    %add3A_72 = arith.addf %sub3A_67, %add3A_71 : vector<256x512xf32>
    %swap3A_73 = arith.constant 0 : index
    %swap3A_74 = arith.constant 1536 : index
    %swap3A_75 = vector.load %arg6[%swap3A_73, %swap3A_74] : memref<256x10240xf32, #tpu.memory_space<vmem>>, vector<256x512xf32>
    tpu.vector_store %arg6[%swap3A_73, %swap3A_74], %add3A_72 {strides = array<i32>} : memref<256x10240xf32, #tpu.memory_space<vmem>>, vector<256x512xf32>,
    %get3A_76 = arith.constant 2048 : index
    %get3A_77 = arith.constant 0 : index
    %get3A_78 = vector.load %arg4[%get3A_76, %get3A_77] : memref<10240x128xbf16, #tpu.memory_space<vmem>>, vector<512x128xbf16>
    %dot_general3A_79 = arith.constant dense<0.000000e+00> : vector<256x512xf32>
    %dot_general3A_80 = tpu.matmul %get3A_7, %get3A_78, %dot_general3A_79 {dimension_numbers = #tpu.dot_dimension_numbers<[1], [1], [0], [0], [0, 0, 1, 0], [], []>, transpose_lhs_hint = false} : vector<256x128xbf16>, vector<512x128xbf16>, vector<256x512xf32> -> vector<256x512xf32>
    %mul3A_81 = arith.constant 2.000000e+00 : f32
    %mul3A_82 = vector.broadcast %mul3A_81 : f32 to vector<256x512xf32>
    %mul3A_83 = arith.mulf %mul3A_82, %dot_general3A_80 : vector<256x512xf32>
    %sub3A_84 = vector.broadcast %broadcast_in_dim3A : vector<256x1xf32> to vector<256x512xf32>
    %sub3A_85 = arith.subf %sub3A_84, %mul3A_83 : vector<256x512xf32>
    %get3A_86 = arith.constant 0 : index
    %get3A_87 = arith.constant 2048 : index
    %get3A_88 = vector.load %arg7[%get3A_86, %get3A_87] : memref<8x10240xf32, #tpu.memory_space<vmem>>, vector<1x512xf32>
    %add3A_89 = vector.broadcast %get3A_88 : vector<1x512xf32> to vector<256x512xf32>
    %add3A_90 = arith.addf %sub3A_85, %add3A_89 : vector<256x512xf32>
    %swap3A_91 = arith.constant 0 : index
    %swap3A_92 = arith.constant 2048 : index
    %swap3A_93 = vector.load %arg6[%swap3A_91, %swap3A_92] : memref<256x10240xf32, #tpu.memory_space<vmem>>, vector<256x512xf32>
    tpu.vector_store %arg6[%swap3A_91, %swap3A_92], %add3A_90 {strides = array<i32>} : memref<256x10240xf32, #tpu.memory_space<vmem>>, vector<256x512xf32>,
    %get3A_94 = arith.constant 2560 : index
    %get3A_95 = arith.constant 0 : index
    %get3A_96 = vector.load %arg4[%get3A_94, %get3A_95] : memref<10240x128xbf16, #tpu.memory_space<vmem>>, vector<512x128xbf16>
    %dot_general3A_97 = arith.constant dense<0.000000e+00> : vector<256x512xf32>
    %dot_general3A_98 = tpu.matmul %get3A_7, %get3A_96, %dot_general3A_97 {dimension_numbers = #tpu.dot_dimension_numbers<[1], [1], [0], [0], [0, 0, 1, 0], [], []>, transpose_lhs_hint = false} : vector<256x128xbf16>, vector<512x128xbf16>, vector<256x512xf32> -> vector<256x512xf32>
    %mul3A_99 = arith.constant 2.000000e+00 : f32
    %mul3A_100 = vector.broadcast %mul3A_99 : f32 to vector<256x512xf32>
    %mul3A_101 = arith.mulf %mul3A_100, %dot_general3A_98 : vector<256x512xf32>
    %sub3A_102 = vector.broadcast %broadcast_in_dim3A : vector<256x1xf32> to vector<256x512xf32>
    %sub3A_103 = arith.subf %sub3A_102, %mul3A_101 : vector<256x512xf32>
    %get3A_104 = arith.constant 0 : index
    %get3A_105 = arith.constant 2560 : index
    %get3A_106 = vector.load %arg7[%get3A_104, %get3A_105] : memref<8x10240xf32, #tpu.memory_space<vmem>>, vector<1x512xf32>
    %add3A_107 = vector.broadcast %get3A_106 : vector<1x512xf32> to vector<256x512xf32>
    %add3A_108 = arith.addf %sub3A_103, %add3A_107 : vector<256x512xf32>
    %swap3A_109 = arith.constant 0 : index
    %swap3A_110 = arith.constant 2560 : index
    %swap3A_111 = vector.load %arg6[%swap3A_109, %swap3A_110] : memref<256x10240xf32, #tpu.memory_space<vmem>>, vector<256x512xf32>
    tpu.vector_store %arg6[%swap3A_109, %swap3A_110], %add3A_108 {strides = array<i32>} : memref<256x10240xf32, #tpu.memory_space<vmem>>, vector<256x512xf32>,
    %get3A_112 = arith.constant 3072 : index
    %get3A_113 = arith.constant 0 : index
    %get3A_114 = vector.load %arg4[%get3A_112, %get3A_113] : memref<10240x128xbf16, #tpu.memory_space<vmem>>, vector<512x128xbf16>
    %dot_general3A_115 = arith.constant dense<0.000000e+00> : vector<256x512xf32>
    %dot_general3A_116 = tpu.matmul %get3A_7, %get3A_114, %dot_general3A_115 {dimension_numbers = #tpu.dot_dimension_numbers<[1], [1], [0], [0], [0, 0, 1, 0], [], []>, transpose_lhs_hint = false} : vector<256x128xbf16>, vector<512x128xbf16>, vector<256x512xf32> -> vector<256x512xf32>
    %mul3A_117 = arith.constant 2.000000e+00 : f32
    %mul3A_118 = vector.broadcast %mul3A_117 : f32 to vector<256x512xf32>
    %mul3A_119 = arith.mulf %mul3A_118, %dot_general3A_116 : vector<256x512xf32>
    %sub3A_120 = vector.broadcast %broadcast_in_dim3A : vector<256x1xf32> to vector<256x512xf32>
    %sub3A_121 = arith.subf %sub3A_120, %mul3A_119 : vector<256x512xf32>
    %get3A_122 = arith.constant 0 : index
    %get3A_123 = arith.constant 3072 : index
    %get3A_124 = vector.load %arg7[%get3A_122, %get3A_123] : memref<8x10240xf32, #tpu.memory_space<vmem>>, vector<1x512xf32>
    %add3A_125 = vector.broadcast %get3A_124 : vector<1x512xf32> to vector<256x512xf32>
    %add3A_126 = arith.addf %sub3A_121, %add3A_125 : vector<256x512xf32>
    %swap3A_127 = arith.constant 0 : index
    %swap3A_128 = arith.constant 3072 : index
    %swap3A_129 = vector.load %arg6[%swap3A_127, %swap3A_128] : memref<256x10240xf32, #tpu.memory_space<vmem>>, vector<256x512xf32>
    tpu.vector_store %arg6[%swap3A_127, %swap3A_128], %add3A_126 {strides = array<i32>} : memref<256x10240xf32, #tpu.memory_space<vmem>>, vector<256x512xf32>,
    %get3A_130 = arith.constant 3584 : index
    %get3A_131 = arith.constant 0 : index
    %get3A_132 = vector.load %arg4[%get3A_130, %get3A_131] : memref<10240x128xbf16, #tpu.memory_space<vmem>>, vector<512x128xbf16>
    %dot_general3A_133 = arith.constant dense<0.000000e+00> : vector<256x512xf32>
    %dot_general3A_134 = tpu.matmul %get3A_7, %get3A_132, %dot_general3A_133 {dimension_numbers = #tpu.dot_dimension_numbers<[1], [1], [0], [0], [0, 0, 1, 0], [], []>, transpose_lhs_hint = false} : vector<256x128xbf16>, vector<512x128xbf16>, vector<256x512xf32> -> vector<256x512xf32>
    %mul3A_135 = arith.constant 2.000000e+00 : f32
    %mul3A_136 = vector.broadcast %mul3A_135 : f32 to vector<256x512xf32>
    %mul3A_137 = arith.mulf %mul3A_136, %dot_general3A_134 : vector<256x512xf32>
    %sub3A_138 = vector.broadcast %broadcast_in_dim3A : vector<256x1xf32> to vector<256x512xf32>
    %sub3A_139 = arith.subf %sub3A_138, %mul3A_137 : vector<256x512xf32>
    %get3A_140 = arith.constant 0 : index
    %get3A_141 = arith.constant 3584 : index
    %get3A_142 = vector.load %arg7[%get3A_140, %get3A_141] : memref<8x10240xf32, #tpu.memory_space<vmem>>, vector<1x512xf32>
    %add3A_143 = vector.broadcast %get3A_142 : vector<1x512xf32> to vector<256x512xf32>
    %add3A_144 = arith.addf %sub3A_139, %add3A_143 : vector<256x512xf32>
    %swap3A_145 = arith.constant 0 : index
    %swap3A_146 = arith.constant 3584 : index
    %swap3A_147 = vector.load %arg6[%swap3A_145, %swap3A_146] : memref<256x10240xf32, #tpu.memory_space<vmem>>, vector<256x512xf32>
    tpu.vector_store %arg6[%swap3A_145, %swap3A_146], %add3A_144 {strides = array<i32>} : memref<256x10240xf32, #tpu.memory_space<vmem>>, vector<256x512xf32>,
    %get3A_148 = arith.constant 4096 : index
    %get3A_149 = arith.constant 0 : index
    %get3A_150 = vector.load %arg4[%get3A_148, %get3A_149] : memref<10240x128xbf16, #tpu.memory_space<vmem>>, vector<512x128xbf16>
    %dot_general3A_151 = arith.constant dense<0.000000e+00> : vector<256x512xf32>
    %dot_general3A_152 = tpu.matmul %get3A_7, %get3A_150, %dot_general3A_151 {dimension_numbers = #tpu.dot_dimension_numbers<[1], [1], [0], [0], [0, 0, 1, 0], [], []>, transpose_lhs_hint = false} : vector<256x128xbf16>, vector<512x128xbf16>, vector<256x512xf32> -> vector<256x512xf32>
    %mul3A_153 = arith.constant 2.000000e+00 : f32
    %mul3A_154 = vector.broadcast %mul3A_153 : f32 to vector<256x512xf32>
    %mul3A_155 = arith.mulf %mul3A_154, %dot_general3A_152 : vector<256x512xf32>
    %sub3A_156 = vector.broadcast %broadcast_in_dim3A : vector<256x1xf32> to vector<256x512xf32>
    %sub3A_157 = arith.subf %sub3A_156, %mul3A_155 : vector<256x512xf32>
    %get3A_158 = arith.constant 0 : index
    %get3A_159 = arith.constant 4096 : index
    %get3A_160 = vector.load %arg7[%get3A_158, %get3A_159] : memref<8x10240xf32, #tpu.memory_space<vmem>>, vector<1x512xf32>
    %add3A_161 = vector.broadcast %get3A_160 : vector<1x512xf32> to vector<256x512xf32>
    %add3A_162 = arith.addf %sub3A_157, %add3A_161 : vector<256x512xf32>
    %swap3A_163 = arith.constant 0 : index
    %swap3A_164 = arith.constant 4096 : index
    %swap3A_165 = vector.load %arg6[%swap3A_163, %swap3A_164] : memref<256x10240xf32, #tpu.memory_space<vmem>>, vector<256x512xf32>
    tpu.vector_store %arg6[%swap3A_163, %swap3A_164], %add3A_162 {strides = array<i32>} : memref<256x10240xf32, #tpu.memory_space<vmem>>, vector<256x512xf32>,
    %get3A_166 = arith.constant 4608 : index
    %get3A_167 = arith.constant 0 : index
    %get3A_168 = vector.load %arg4[%get3A_166, %get3A_167] : memref<10240x128xbf16, #tpu.memory_space<vmem>>, vector<512x128xbf16>
    %dot_general3A_169 = arith.constant dense<0.000000e+00> : vector<256x512xf32>
    %dot_general3A_170 = tpu.matmul %get3A_7, %get3A_168, %dot_general3A_169 {dimension_numbers = #tpu.dot_dimension_numbers<[1], [1], [0], [0], [0, 0, 1, 0], [], []>, transpose_lhs_hint = false} : vector<256x128xbf16>, vector<512x128xbf16>, vector<256x512xf32> -> vector<256x512xf32>
    %mul3A_171 = arith.constant 2.000000e+00 : f32
    %mul3A_172 = vector.broadcast %mul3A_171 : f32 to vector<256x512xf32>
    %mul3A_173 = arith.mulf %mul3A_172, %dot_general3A_170 : vector<256x512xf32>
    %sub3A_174 = vector.broadcast %broadcast_in_dim3A : vector<256x1xf32> to vector<256x512xf32>
    %sub3A_175 = arith.subf %sub3A_174, %mul3A_173 : vector<256x512xf32>
    %get3A_176 = arith.constant 0 : index
    %get3A_177 = arith.constant 4608 : index
    %get3A_178 = vector.load %arg7[%get3A_176, %get3A_177] : memref<8x10240xf32, #tpu.memory_space<vmem>>, vector<1x512xf32>
    %add3A_179 = vector.broadcast %get3A_178 : vector<1x512xf32> to vector<256x512xf32>
    %add3A_180 = arith.addf %sub3A_175, %add3A_179 : vector<256x512xf32>
    %swap3A_181 = arith.constant 0 : index
    %swap3A_182 = arith.constant 4608 : index
    %swap3A_183 = vector.load %arg6[%swap3A_181, %swap3A_182] : memref<256x10240xf32, #tpu.memory_space<vmem>>, vector<256x512xf32>
    tpu.vector_store %arg6[%swap3A_181, %swap3A_182], %add3A_180 {strides = array<i32>} : memref<256x10240xf32, #tpu.memory_space<vmem>>, vector<256x512xf32>,
    %get3A_184 = arith.constant 5120 : index
    %get3A_185 = arith.constant 0 : index
    %get3A_186 = vector.load %arg4[%get3A_184, %get3A_185] : memref<10240x128xbf16, #tpu.memory_space<vmem>>, vector<512x128xbf16>
    %dot_general3A_187 = arith.constant dense<0.000000e+00> : vector<256x512xf32>
    %dot_general3A_188 = tpu.matmul %get3A_7, %get3A_186, %dot_general3A_187 {dimension_numbers = #tpu.dot_dimension_numbers<[1], [1], [0], [0], [0, 0, 1, 0], [], []>, transpose_lhs_hint = false} : vector<256x128xbf16>, vector<512x128xbf16>, vector<256x512xf32> -> vector<256x512xf32>
    %mul3A_189 = arith.constant 2.000000e+00 : f32
    %mul3A_190 = vector.broadcast %mul3A_189 : f32 to vector<256x512xf32>
    %mul3A_191 = arith.mulf %mul3A_190, %dot_general3A_188 : vector<256x512xf32>
    %sub3A_192 = vector.broadcast %broadcast_in_dim3A : vector<256x1xf32> to vector<256x512xf32>
    %sub3A_193 = arith.subf %sub3A_192, %mul3A_191 : vector<256x512xf32>
    %get3A_194 = arith.constant 0 : index
    %get3A_195 = arith.constant 5120 : index
    %get3A_196 = vector.load %arg7[%get3A_194, %get3A_195] : memref<8x10240xf32, #tpu.memory_space<vmem>>, vector<1x512xf32>
    %add3A_197 = vector.broadcast %get3A_196 : vector<1x512xf32> to vector<256x512xf32>
    %add3A_198 = arith.addf %sub3A_193, %add3A_197 : vector<256x512xf32>
    %swap3A_199 = arith.constant 0 : index
    %swap3A_200 = arith.constant 5120 : index
    %swap3A_201 = vector.load %arg6[%swap3A_199, %swap3A_200] : memref<256x10240xf32, #tpu.memory_space<vmem>>, vector<256x512xf32>
    tpu.vector_store %arg6[%swap3A_199, %swap3A_200], %add3A_198 {strides = array<i32>} : memref<256x10240xf32, #tpu.memory_space<vmem>>, vector<256x512xf32>,
    %get3A_202 = arith.constant 5632 : index
    %get3A_203 = arith.constant 0 : index
    %get3A_204 = vector.load %arg4[%get3A_202, %get3A_203] : memref<10240x128xbf16, #tpu.memory_space<vmem>>, vector<512x128xbf16>
    %dot_general3A_205 = arith.constant dense<0.000000e+00> : vector<256x512xf32>
    %dot_general3A_206 = tpu.matmul %get3A_7, %get3A_204, %dot_general3A_205 {dimension_numbers = #tpu.dot_dimension_numbers<[1], [1], [0], [0], [0, 0, 1, 0], [], []>, transpose_lhs_hint = false} : vector<256x128xbf16>, vector<512x128xbf16>, vector<256x512xf32> -> vector<256x512xf32>
    %mul3A_207 = arith.constant 2.000000e+00 : f32
    %mul3A_208 = vector.broadcast %mul3A_207 : f32 to vector<256x512xf32>
    %mul3A_209 = arith.mulf %mul3A_208, %dot_general3A_206 : vector<256x512xf32>
    %sub3A_210 = vector.broadcast %broadcast_in_dim3A : vector<256x1xf32> to vector<256x512xf32>
    %sub3A_211 = arith.subf %sub3A_210, %mul3A_209 : vector<256x512xf32>
    %get3A_212 = arith.constant 0 : index
    %get3A_213 = arith.constant 5632 : index
    %get3A_214 = vector.load %arg7[%get3A_212, %get3A_213] : memref<8x10240xf32, #tpu.memory_space<vmem>>, vector<1x512xf32>
    %add3A_215 = vector.broadcast %get3A_214 : vector<1x512xf32> to vector<256x512xf32>
    %add3A_216 = arith.addf %sub3A_211, %add3A_215 : vector<256x512xf32>
    %swap3A_217 = arith.constant 0 : index
    %swap3A_218 = arith.constant 5632 : index
    %swap3A_219 = vector.load %arg6[%swap3A_217, %swap3A_218] : memref<256x10240xf32, #tpu.memory_space<vmem>>, vector<256x512xf32>
    tpu.vector_store %arg6[%swap3A_217, %swap3A_218], %add3A_216 {strides = array<i32>} : memref<256x10240xf32, #tpu.memory_space<vmem>>, vector<256x512xf32>,
    %get3A_220 = arith.constant 6144 : index
    %get3A_221 = arith.constant 0 : index
    %get3A_222 = vector.load %arg4[%get3A_220, %get3A_221] : memref<10240x128xbf16, #tpu.memory_space<vmem>>, vector<512x128xbf16>
    %dot_general3A_223 = arith.constant dense<0.000000e+00> : vector<256x512xf32>
    %dot_general3A_224 = tpu.matmul %get3A_7, %get3A_222, %dot_general3A_223 {dimension_numbers = #tpu.dot_dimension_numbers<[1], [1], [0], [0], [0, 0, 1, 0], [], []>, transpose_lhs_hint = false} : vector<256x128xbf16>, vector<512x128xbf16>, vector<256x512xf32> -> vector<256x512xf32>
    %mul3A_225 = arith.constant 2.000000e+00 : f32
    %mul3A_226 = vector.broadcast %mul3A_225 : f32 to vector<256x512xf32>
    %mul3A_227 = arith.mulf %mul3A_226, %dot_general3A_224 : vector<256x512xf32>
    %sub3A_228 = vector.broadcast %broadcast_in_dim3A : vector<256x1xf32> to vector<256x512xf32>
    %sub3A_229 = arith.subf %sub3A_228, %mul3A_227 : vector<256x512xf32>
    %get3A_230 = arith.constant 0 : index
    %get3A_231 = arith.constant 6144 : index
    %get3A_232 = vector.load %arg7[%get3A_230, %get3A_231] : memref<8x10240xf32, #tpu.memory_space<vmem>>, vector<1x512xf32>
    %add3A_233 = vector.broadcast %get3A_232 : vector<1x512xf32> to vector<256x512xf32>
    %add3A_234 = arith.addf %sub3A_229, %add3A_233 : vector<256x512xf32>
    %swap3A_235 = arith.constant 0 : index
    %swap3A_236 = arith.constant 6144 : index
    %swap3A_237 = vector.load %arg6[%swap3A_235, %swap3A_236] : memref<256x10240xf32, #tpu.memory_space<vmem>>, vector<256x512xf32>
    tpu.vector_store %arg6[%swap3A_235, %swap3A_236], %add3A_234 {strides = array<i32>} : memref<256x10240xf32, #tpu.memory_space<vmem>>, vector<256x512xf32>,
    %get3A_238 = arith.constant 6656 : index
    %get3A_239 = arith.constant 0 : index
    %get3A_240 = vector.load %arg4[%get3A_238, %get3A_239] : memref<10240x128xbf16, #tpu.memory_space<vmem>>, vector<512x128xbf16>
    %dot_general3A_241 = arith.constant dense<0.000000e+00> : vector<256x512xf32>
    %dot_general3A_242 = tpu.matmul %get3A_7, %get3A_240, %dot_general3A_241 {dimension_numbers = #tpu.dot_dimension_numbers<[1], [1], [0], [0], [0, 0, 1, 0], [], []>, transpose_lhs_hint = false} : vector<256x128xbf16>, vector<512x128xbf16>, vector<256x512xf32> -> vector<256x512xf32>
    %mul3A_243 = arith.constant 2.000000e+00 : f32
    %mul3A_244 = vector.broadcast %mul3A_243 : f32 to vector<256x512xf32>
    %mul3A_245 = arith.mulf %mul3A_244, %dot_general3A_242 : vector<256x512xf32>
    %sub3A_246 = vector.broadcast %broadcast_in_dim3A : vector<256x1xf32> to vector<256x512xf32>
    %sub3A_247 = arith.subf %sub3A_246, %mul3A_245 : vector<256x512xf32>
    %get3A_248 = arith.constant 0 : index
    %get3A_249 = arith.constant 6656 : index
    %get3A_250 = vector.load %arg7[%get3A_248, %get3A_249] : memref<8x10240xf32, #tpu.memory_space<vmem>>, vector<1x512xf32>
    %add3A_251 = vector.broadcast %get3A_250 : vector<1x512xf32> to vector<256x512xf32>
    %add3A_252 = arith.addf %sub3A_247, %add3A_251 : vector<256x512xf32>
    %swap3A_253 = arith.constant 0 : index
    %swap3A_254 = arith.constant 6656 : index
    %swap3A_255 = vector.load %arg6[%swap3A_253, %swap3A_254] : memref<256x10240xf32, #tpu.memory_space<vmem>>, vector<256x512xf32>
    tpu.vector_store %arg6[%swap3A_253, %swap3A_254], %add3A_252 {strides = array<i32>} : memref<256x10240xf32, #tpu.memory_space<vmem>>, vector<256x512xf32>,
    %get3A_256 = arith.constant 7168 : index
    %get3A_257 = arith.constant 0 : index
    %get3A_258 = vector.load %arg4[%get3A_256, %get3A_257] : memref<10240x128xbf16, #tpu.memory_space<vmem>>, vector<512x128xbf16>
    %dot_general3A_259 = arith.constant dense<0.000000e+00> : vector<256x512xf32>
    %dot_general3A_260 = tpu.matmul %get3A_7, %get3A_258, %dot_general3A_259 {dimension_numbers = #tpu.dot_dimension_numbers<[1], [1], [0], [0], [0, 0, 1, 0], [], []>, transpose_lhs_hint = false} : vector<256x128xbf16>, vector<512x128xbf16>, vector<256x512xf32> -> vector<256x512xf32>
    %mul3A_261 = arith.constant 2.000000e+00 : f32
    %mul3A_262 = vector.broadcast %mul3A_261 : f32 to vector<256x512xf32>
    %mul3A_263 = arith.mulf %mul3A_262, %dot_general3A_260 : vector<256x512xf32>
    %sub3A_264 = vector.broadcast %broadcast_in_dim3A : vector<256x1xf32> to vector<256x512xf32>
    %sub3A_265 = arith.subf %sub3A_264, %mul3A_263 : vector<256x512xf32>
    %get3A_266 = arith.constant 0 : index
    %get3A_267 = arith.constant 7168 : index
    %get3A_268 = vector.load %arg7[%get3A_266, %get3A_267] : memref<8x10240xf32, #tpu.memory_space<vmem>>, vector<1x512xf32>
    %add3A_269 = vector.broadcast %get3A_268 : vector<1x512xf32> to vector<256x512xf32>
    %add3A_270 = arith.addf %sub3A_265, %add3A_269 : vector<256x512xf32>
    %swap3A_271 = arith.constant 0 : index
    %swap3A_272 = arith.constant 7168 : index
    %swap3A_273 = vector.load %arg6[%swap3A_271, %swap3A_272] : memref<256x10240xf32, #tpu.memory_space<vmem>>, vector<256x512xf32>
    tpu.vector_store %arg6[%swap3A_271, %swap3A_272], %add3A_270 {strides = array<i32>} : memref<256x10240xf32, #tpu.memory_space<vmem>>, vector<256x512xf32>,
    %get3A_274 = arith.constant 7680 : index
    %get3A_275 = arith.constant 0 : index
    %get3A_276 = vector.load %arg4[%get3A_274, %get3A_275] : memref<10240x128xbf16, #tpu.memory_space<vmem>>, vector<512x128xbf16>
    %dot_general3A_277 = arith.constant dense<0.000000e+00> : vector<256x512xf32>
    %dot_general3A_278 = tpu.matmul %get3A_7, %get3A_276, %dot_general3A_277 {dimension_numbers = #tpu.dot_dimension_numbers<[1], [1], [0], [0], [0, 0, 1, 0], [], []>, transpose_lhs_hint = false} : vector<256x128xbf16>, vector<512x128xbf16>, vector<256x512xf32> -> vector<256x512xf32>
    %mul3A_279 = arith.constant 2.000000e+00 : f32
    %mul3A_280 = vector.broadcast %mul3A_279 : f32 to vector<256x512xf32>
    %mul3A_281 = arith.mulf %mul3A_280, %dot_general3A_278 : vector<256x512xf32>
    %sub3A_282 = vector.broadcast %broadcast_in_dim3A : vector<256x1xf32> to vector<256x512xf32>
    %sub3A_283 = arith.subf %sub3A_282, %mul3A_281 : vector<256x512xf32>
    %get3A_284 = arith.constant 0 : index
    %get3A_285 = arith.constant 7680 : index
    %get3A_286 = vector.load %arg7[%get3A_284, %get3A_285] : memref<8x10240xf32, #tpu.memory_space<vmem>>, vector<1x512xf32>
    %add3A_287 = vector.broadcast %get3A_286 : vector<1x512xf32> to vector<256x512xf32>
    %add3A_288 = arith.addf %sub3A_283, %add3A_287 : vector<256x512xf32>
    %swap3A_289 = arith.constant 0 : index
    %swap3A_290 = arith.constant 7680 : index
    %swap3A_291 = vector.load %arg6[%swap3A_289, %swap3A_290] : memref<256x10240xf32, #tpu.memory_space<vmem>>, vector<256x512xf32>
    tpu.vector_store %arg6[%swap3A_289, %swap3A_290], %add3A_288 {strides = array<i32>} : memref<256x10240xf32, #tpu.memory_space<vmem>>, vector<256x512xf32>,
    %get3A_292 = arith.constant 8192 : index
    %get3A_293 = arith.constant 0 : index
    %get3A_294 = vector.load %arg4[%get3A_292, %get3A_293] : memref<10240x128xbf16, #tpu.memory_space<vmem>>, vector<512x128xbf16>
    %dot_general3A_295 = arith.constant dense<0.000000e+00> : vector<256x512xf32>
    %dot_general3A_296 = tpu.matmul %get3A_7, %get3A_294, %dot_general3A_295 {dimension_numbers = #tpu.dot_dimension_numbers<[1], [1], [0], [0], [0, 0, 1, 0], [], []>, transpose_lhs_hint = false} : vector<256x128xbf16>, vector<512x128xbf16>, vector<256x512xf32> -> vector<256x512xf32>
    %mul3A_297 = arith.constant 2.000000e+00 : f32
    %mul3A_298 = vector.broadcast %mul3A_297 : f32 to vector<256x512xf32>
    %mul3A_299 = arith.mulf %mul3A_298, %dot_general3A_296 : vector<256x512xf32>
    %sub3A_300 = vector.broadcast %broadcast_in_dim3A : vector<256x1xf32> to vector<256x512xf32>
    %sub3A_301 = arith.subf %sub3A_300, %mul3A_299 : vector<256x512xf32>
    %get3A_302 = arith.constant 0 : index
    %get3A_303 = arith.constant 8192 : index
    %get3A_304 = vector.load %arg7[%get3A_302, %get3A_303] : memref<8x10240xf32, #tpu.memory_space<vmem>>, vector<1x512xf32>
    %add3A_305 = vector.broadcast %get3A_304 : vector<1x512xf32> to vector<256x512xf32>
    %add3A_306 = arith.addf %sub3A_301, %add3A_305 : vector<256x512xf32>
    %swap3A_307 = arith.constant 0 : index
    %swap3A_308 = arith.constant 8192 : index
    %swap3A_309 = vector.load %arg6[%swap3A_307, %swap3A_308] : memref<256x10240xf32, #tpu.memory_space<vmem>>, vector<256x512xf32>
    tpu.vector_store %arg6[%swap3A_307, %swap3A_308], %add3A_306 {strides = array<i32>} : memref<256x10240xf32, #tpu.memory_space<vmem>>, vector<256x512xf32>,
    %get3A_310 = arith.constant 8704 : index
    %get3A_311 = arith.constant 0 : index
    %get3A_312 = vector.load %arg4[%get3A_310, %get3A_311] : memref<10240x128xbf16, #tpu.memory_space<vmem>>, vector<512x128xbf16>
    %dot_general3A_313 = arith.constant dense<0.000000e+00> : vector<256x512xf32>
    %dot_general3A_314 = tpu.matmul %get3A_7, %get3A_312, %dot_general3A_313 {dimension_numbers = #tpu.dot_dimension_numbers<[1], [1], [0], [0], [0, 0, 1, 0], [], []>, transpose_lhs_hint = false} : vector<256x128xbf16>, vector<512x128xbf16>, vector<256x512xf32> -> vector<256x512xf32>
    %mul3A_315 = arith.constant 2.000000e+00 : f32
    %mul3A_316 = vector.broadcast %mul3A_315 : f32 to vector<256x512xf32>
    %mul3A_317 = arith.mulf %mul3A_316, %dot_general3A_314 : vector<256x512xf32>
    %sub3A_318 = vector.broadcast %broadcast_in_dim3A : vector<256x1xf32> to vector<256x512xf32>
    %sub3A_319 = arith.subf %sub3A_318, %mul3A_317 : vector<256x512xf32>
    %get3A_320 = arith.constant 0 : index
    %get3A_321 = arith.constant 8704 : index
    %get3A_322 = vector.load %arg7[%get3A_320, %get3A_321] : memref<8x10240xf32, #tpu.memory_space<vmem>>, vector<1x512xf32>
    %add3A_323 = vector.broadcast %get3A_322 : vector<1x512xf32> to vector<256x512xf32>
    %add3A_324 = arith.addf %sub3A_319, %add3A_323 : vector<256x512xf32>
    %swap3A_325 = arith.constant 0 : index
    %swap3A_326 = arith.constant 8704 : index
    %swap3A_327 = vector.load %arg6[%swap3A_325, %swap3A_326] : memref<256x10240xf32, #tpu.memory_space<vmem>>, vector<256x512xf32>
    tpu.vector_store %arg6[%swap3A_325, %swap3A_326], %add3A_324 {strides = array<i32>} : memref<256x10240xf32, #tpu.memory_space<vmem>>, vector<256x512xf32>,
    %get3A_328 = arith.constant 9216 : index
    %get3A_329 = arith.constant 0 : index
    %get3A_330 = vector.load %arg4[%get3A_328, %get3A_329] : memref<10240x128xbf16, #tpu.memory_space<vmem>>, vector<512x128xbf16>
    %dot_general3A_331 = arith.constant dense<0.000000e+00> : vector<256x512xf32>
    %dot_general3A_332 = tpu.matmul %get3A_7, %get3A_330, %dot_general3A_331 {dimension_numbers = #tpu.dot_dimension_numbers<[1], [1], [0], [0], [0, 0, 1, 0], [], []>, transpose_lhs_hint = false} : vector<256x128xbf16>, vector<512x128xbf16>, vector<256x512xf32> -> vector<256x512xf32>
    %mul3A_333 = arith.constant 2.000000e+00 : f32
    %mul3A_334 = vector.broadcast %mul3A_333 : f32 to vector<256x512xf32>
    %mul3A_335 = arith.mulf %mul3A_334, %dot_general3A_332 : vector<256x512xf32>
    %sub3A_336 = vector.broadcast %broadcast_in_dim3A : vector<256x1xf32> to vector<256x512xf32>
    %sub3A_337 = arith.subf %sub3A_336, %mul3A_335 : vector<256x512xf32>
    %get3A_338 = arith.constant 0 : index
    %get3A_339 = arith.constant 9216 : index
    %get3A_340 = vector.load %arg7[%get3A_338, %get3A_339] : memref<8x10240xf32, #tpu.memory_space<vmem>>, vector<1x512xf32>
    %add3A_341 = vector.broadcast %get3A_340 : vector<1x512xf32> to vector<256x512xf32>
    %add3A_342 = arith.addf %sub3A_337, %add3A_341 : vector<256x512xf32>
    %swap3A_343 = arith.constant 0 : index
    %swap3A_344 = arith.constant 9216 : index
    %swap3A_345 = vector.load %arg6[%swap3A_343, %swap3A_344] : memref<256x10240xf32, #tpu.memory_space<vmem>>, vector<256x512xf32>
    tpu.vector_store %arg6[%swap3A_343, %swap3A_344], %add3A_342 {strides = array<i32>} : memref<256x10240xf32, #tpu.memory_space<vmem>>, vector<256x512xf32>,
    %get3A_346 = arith.constant 9728 : index
    %get3A_347 = arith.constant 0 : index
    %get3A_348 = vector.load %arg4[%get3A_346, %get3A_347] : memref<10240x128xbf16, #tpu.memory_space<vmem>>, vector<512x128xbf16>
    %dot_general3A_349 = arith.constant dense<0.000000e+00> : vector<256x512xf32>
    %dot_general3A_350 = tpu.matmul %get3A_7, %get3A_348, %dot_general3A_349 {dimension_numbers = #tpu.dot_dimension_numbers<[1], [1], [0], [0], [0, 0, 1, 0], [], []>, transpose_lhs_hint = false} : vector<256x128xbf16>, vector<512x128xbf16>, vector<256x512xf32> -> vector<256x512xf32>
    %mul3A_351 = arith.constant 2.000000e+00 : f32
    %mul3A_352 = vector.broadcast %mul3A_351 : f32 to vector<256x512xf32>
    %mul3A_353 = arith.mulf %mul3A_352, %dot_general3A_350 : vector<256x512xf32>
    %sub3A_354 = vector.broadcast %broadcast_in_dim3A : vector<256x1xf32> to vector<256x512xf32>
    %sub3A_355 = arith.subf %sub3A_354, %mul3A_353 : vector<256x512xf32>
    %get3A_356 = arith.constant 0 : index
    %get3A_357 = arith.constant 9728 : index
    %get3A_358 = vector.load %arg7[%get3A_356, %get3A_357] : memref<8x10240xf32, #tpu.memory_space<vmem>>, vector<1x512xf32>
    %add3A_359 = vector.broadcast %get3A_358 : vector<1x512xf32> to vector<256x512xf32>
    %add3A_360 = arith.addf %sub3A_355, %add3A_359 : vector<256x512xf32>
    %iota3A = tpu.iota {dimensions = array<i32: 1>} : vector<256x512xi32>
    %add3A_361 = arith.constant 9728 : i32
    %add3A_362 = vector.broadcast %add3A_361 : i32 to vector<256x512xi32>
    %add3A_363 = arith.addi %iota3A, %add3A_362 : vector<256x512xi32>
    %ge3A = arith.constant 10000 : i32
    %ge3A_364 = vector.broadcast %ge3A : i32 to vector<256x512xi32>
    %ge3A_365 = arith.cmpi sge, %add3A_363, %ge3A_364 : vector<256x512xi32>
    %jit3A = arith.constant 3.000000e+38 : f32
    %broadcast_in_dim3A_366 = vector.broadcast %jit3A : f32 to vector<256x512xf32>
    %select_n3A = arith.select %ge3A_365, %broadcast_in_dim3A_366, %add3A_360 : vector<256x512xi1>, vector<256x512xf32>
    %swap3A_367 = arith.constant 0 : index
    %swap3A_368 = arith.constant 9728 : index
    %swap3A_369 = vector.load %arg6[%swap3A_367, %swap3A_368] : memref<256x10240xf32, #tpu.memory_space<vmem>>, vector<256x512xf32>
    tpu.vector_store %arg6[%swap3A_367, %swap3A_368], %select_n3A {strides = array<i32>} : memref<256x10240xf32, #tpu.memory_space<vmem>>, vector<256x512xf32>,
    %iota3A_370 = tpu.iota {dimensions = array<i32: 1>} : vector<256x128xi32>
    %broadcast_in_dim3A_371 = arith.constant -3.000000e+38 : f32
    %broadcast_in_dim3A_372 = vector.broadcast %broadcast_in_dim3A_371 : f32 to vector<256x1xf32>
    %broadcast_in_dim3A_373 = arith.constant -1 : i32
    %broadcast_in_dim3A_374 = vector.broadcast %broadcast_in_dim3A_373 : i32 to vector<256x1xi32>
    %broadcast_in_dim3A_375 = arith.constant 3.000000e+38 : f32
    %broadcast_in_dim3A_376 = vector.broadcast %broadcast_in_dim3A_375 : f32 to vector<256x128xf32>
    %broadcast_in_dim3A_377 = arith.constant 0 : i32
    %broadcast_in_dim3A_378 = vector.broadcast %broadcast_in_dim3A_377 : i32 to vector<256x128xi32>
    %scan3A = arith.constant 0 : i32
    %scan3A_379 = arith.constant 40 : i32
    %scan3A_380 = arith.addi %scan3A, %scan3A_379 : i32
    %scan3A_381 = arith.constant 1 : i32
    %scan3A_382:2 = scf.for %scan3A_821 = %scan3A to %scan3A_380 step %scan3A_381 iter_args(%scan3A_822 = %broadcast_in_dim3A_376, %scan3A_823 = %broadcast_in_dim3A_378) -> (vector<256x128xf32>, vector<256x128xi32>)  : i32 {
      %mul3A_824 = arith.constant 2 : i32
      %mul3A_825 = arith.muli %scan3A_821, %mul3A_824 : i32
      %add3A_826 = arith.constant 0 : i32
      %add3A_827 = arith.addi %mul3A_825, %add3A_826 : i32
      %mul3A_828 = arith.constant 128 : i32
      %mul3A_829 = arith.muli %add3A_827, %mul3A_828 : i32
      %get3A_830 = arith.constant 0 : index
      %get3A_831 = arith.index_cast %mul3A_829 : i32 to index
      %get3A_832 = vector.load %arg6[%get3A_830, %get3A_831] : memref<256x10240xf32, #tpu.memory_space<vmem>>, vector<256x128xf32>
      %mul3A_833 = arith.constant 128 : i32
      %mul3A_834 = arith.muli %add3A_827, %mul3A_833 : i32
      %add3A_835 = vector.broadcast %mul3A_834 : i32 to vector<256x128xi32>
      %add3A_836 = arith.addi %iota3A_370, %add3A_835 : vector<256x128xi32>
      %gt3A = vector.broadcast %broadcast_in_dim3A_372 : vector<256x1xf32> to vector<256x128xf32>
      %gt3A_837 = arith.cmpf ogt, %get3A_832, %gt3A : vector<256x128xf32>
      %eq3A_838 = vector.broadcast %broadcast_in_dim3A_372 : vector<256x1xf32> to vector<256x128xf32>
      %eq3A_839 = arith.cmpf oeq, %get3A_832, %eq3A_838 : vector<256x128xf32>
      %gt3A_840 = vector.broadcast %broadcast_in_dim3A_374 : vector<256x1xi32> to vector<256x128xi32>
      %gt3A_841 = arith.cmpi sgt, %add3A_836, %gt3A_840 : vector<256x128xi32>
      %and3A = arith.andi %eq3A_839, %gt3A_841 : vector<256x128xi1>
      %or3A = arith.ori %gt3A_837, %and3A : vector<256x128xi1>
      %jit3A_842 = arith.constant 3.000000e+38 : f32
      %broadcast_in_dim3A_843 = vector.broadcast %jit3A_842 : f32 to vector<256x128xf32>
      %select_n3A_844 = arith.select %or3A, %get3A_832, %broadcast_in_dim3A_843 : vector<256x128xi1>, vector<256x128xf32>
      %lt3A = arith.cmpf olt, %select_n3A_844, %scan3A_822 : vector<256x128xf32>
      %select_n3A_845 = arith.select %lt3A, %select_n3A_844, %scan3A_822 : vector<256x128xi1>, vector<256x128xf32>
      %broadcast_in_dim3A_846 = vector.broadcast %add3A_827 : i32 to vector<256x128xi32>
      %select_n3A_847 = arith.select %lt3A, %broadcast_in_dim3A_846, %scan3A_823 : vector<256x128xi1>, vector<256x128xi32>
      %mul3A_848 = arith.constant 2 : i32
      %mul3A_849 = arith.muli %scan3A_821, %mul3A_848 : i32
      %add3A_850 = arith.constant 1 : i32
      %add3A_851 = arith.addi %mul3A_849, %add3A_850 : i32
      %mul3A_852 = arith.constant 128 : i32
      %mul3A_853 = arith.muli %add3A_851, %mul3A_852 : i32
      %get3A_854 = arith.constant 0 : index
      %get3A_855 = arith.index_cast %mul3A_853 : i32 to index
      %get3A_856 = vector.load %arg6[%get3A_854, %get3A_855] : memref<256x10240xf32, #tpu.memory_space<vmem>>, vector<256x128xf32>
      %mul3A_857 = arith.constant 128 : i32
      %mul3A_858 = arith.muli %add3A_851, %mul3A_857 : i32
      %add3A_859 = vector.broadcast %mul3A_858 : i32 to vector<256x128xi32>
      %add3A_860 = arith.addi %iota3A_370, %add3A_859 : vector<256x128xi32>
      %gt3A_861 = vector.broadcast %broadcast_in_dim3A_372 : vector<256x1xf32> to vector<256x128xf32>
      %gt3A_862 = arith.cmpf ogt, %get3A_856, %gt3A_861 : vector<256x128xf32>
      %eq3A_863 = vector.broadcast %broadcast_in_dim3A_372 : vector<256x1xf32> to vector<256x128xf32>
      %eq3A_864 = arith.cmpf oeq, %get3A_856, %eq3A_863 : vector<256x128xf32>
      %gt3A_865 = vector.broadcast %broadcast_in_dim3A_374 : vector<256x1xi32> to vector<256x128xi32>
      %gt3A_866 = arith.cmpi sgt, %add3A_860, %gt3A_865 : vector<256x128xi32>
      %and3A_867 = arith.andi %eq3A_864, %gt3A_866 : vector<256x128xi1>
      %or3A_868 = arith.ori %gt3A_862, %and3A_867 : vector<256x128xi1>
      %jit3A_869 = arith.constant 3.000000e+38 : f32
      %broadcast_in_dim3A_870 = vector.broadcast %jit3A_869 : f32 to vector<256x128xf32>
      %select_n3A_871 = arith.select %or3A_868, %get3A_856, %broadcast_in_dim3A_870 : vector<256x128xi1>, vector<256x128xf32>
      %lt3A_872 = arith.cmpf olt, %select_n3A_871, %select_n3A_845 : vector<256x128xf32>
      %select_n3A_873 = arith.select %lt3A_872, %select_n3A_871, %select_n3A_845 : vector<256x128xi1>, vector<256x128xf32>
      %broadcast_in_dim3A_874 = vector.broadcast %add3A_851 : i32 to vector<256x128xi32>
      %select_n3A_875 = arith.select %lt3A_872, %broadcast_in_dim3A_874, %select_n3A_847 : vector<256x128xi1>, vector<256x128xi32>
      scf.yield %select_n3A_873, %select_n3A_875 : vector<256x128xf32>, vector<256x128xi32>
    }
    %scan3A_383 = arith.constant 40 : i32
    %reduce_min3A = arith.constant dense<0x7F800000> : vector<256xf32>
    %reduce_min3A_384 = vector.multi_reduction <minimumf>, %scan3A_382#0, %reduce_min3A [1] : vector<256x128xf32> to vector<256xf32>
    %broadcast_in_dim3A_385 = vector.shape_cast %reduce_min3A_384 : vector<256xf32> to vector<256x1xf32>
    %eq3A_386 = vector.broadcast %broadcast_in_dim3A_385 : vector<256x1xf32> to vector<256x128xf32>
    %eq3A_387 = arith.cmpf oeq, %scan3A_382#0, %eq3A_386 : vector<256x128xf32>
    %mul3A_388 = arith.constant 128 : i32
    %mul3A_389 = vector.broadcast %mul3A_388 : i32 to vector<256x128xi32>
    %mul3A_390 = arith.muli %scan3A_382#1, %mul3A_389 : vector<256x128xi32>
    %add3A_391 = arith.addi %mul3A_390, %iota3A_370 : vector<256x128xi32>
    %jit3A_392 = arith.constant 1073741824 : i32
    %broadcast_in_dim3A_393 = vector.broadcast %jit3A_392 : i32 to vector<256x128xi32>
    %select_n3A_394 = arith.select %eq3A_387, %add3A_391, %broadcast_in_dim3A_393 : vector<256x128xi1>, vector<256x128xi32>
    %reduce_min3A_395 = arith.constant dense<2147483647> : vector<256xi32>
    %reduce_min3A_396 = vector.multi_reduction <minsi>, %select_n3A_394, %reduce_min3A_395 [1] : vector<256x128xi32> to vector<256xi32>
    %broadcast_in_dim3A_397 = vector.shape_cast %reduce_min3A_396 : vector<256xi32> to vector<256x1xi32>
    %swap3A_398 = arith.constant 0 : index
    %swap3A_399 = arith.constant 0 : index
    %swap3A_400 = vector.load %arg5[%swap3A_398, %swap3A_399] : memref<256x16xi32, #tpu.memory_space<vmem>>, vector<256x1xi32>
    tpu.vector_store %arg5[%swap3A_398, %swap3A_399], %broadcast_in_dim3A_397 {strides = array<i32>} : memref<256x16xi32, #tpu.memory_space<vmem>>, vector<256x1xi32>,
    %broadcast_in_dim3A_401 = arith.constant 3.000000e+38 : f32
    %broadcast_in_dim3A_402 = vector.broadcast %broadcast_in_dim3A_401 : f32 to vector<256x128xf32>
    %broadcast_in_dim3A_403 = arith.constant 0 : i32
    %broadcast_in_dim3A_404 = vector.broadcast %broadcast_in_dim3A_403 : i32 to vector<256x128xi32>
    %scan3A_405 = arith.constant 0 : i32
    %scan3A_406 = arith.constant 40 : i32
    %scan3A_407 = arith.addi %scan3A_405, %scan3A_406 : i32
    %scan3A_408 = arith.constant 1 : i32
    %scan3A_409:2 = scf.for %scan3A_821 = %scan3A_405 to %scan3A_407 step %scan3A_408 iter_args(%scan3A_822 = %broadcast_in_dim3A_402, %scan3A_823 = %broadcast_in_dim3A_404) -> (vector<256x128xf32>, vector<256x128xi32>)  : i32 {
      %mul3A_824 = arith.constant 2 : i32
      %mul3A_825 = arith.muli %scan3A_821, %mul3A_824 : i32
      %add3A_826 = arith.constant 0 : i32
      %add3A_827 = arith.addi %mul3A_825, %add3A_826 : i32
      %mul3A_828 = arith.constant 128 : i32
      %mul3A_829 = arith.muli %add3A_827, %mul3A_828 : i32
      %get3A_830 = arith.constant 0 : index
      %get3A_831 = arith.index_cast %mul3A_829 : i32 to index
      %get3A_832 = vector.load %arg6[%get3A_830, %get3A_831] : memref<256x10240xf32, #tpu.memory_space<vmem>>, vector<256x128xf32>
      %mul3A_833 = arith.constant 128 : i32
      %mul3A_834 = arith.muli %add3A_827, %mul3A_833 : i32
      %add3A_835 = vector.broadcast %mul3A_834 : i32 to vector<256x128xi32>
      %add3A_836 = arith.addi %iota3A_370, %add3A_835 : vector<256x128xi32>
      %gt3A = vector.broadcast %broadcast_in_dim3A_385 : vector<256x1xf32> to vector<256x128xf32>
      %gt3A_837 = arith.cmpf ogt, %get3A_832, %gt3A : vector<256x128xf32>
      %eq3A_838 = vector.broadcast %broadcast_in_dim3A_385 : vector<256x1xf32> to vector<256x128xf32>
      %eq3A_839 = arith.cmpf oeq, %get3A_832, %eq3A_838 : vector<256x128xf32>
      %gt3A_840 = vector.broadcast %broadcast_in_dim3A_397 : vector<256x1xi32> to vector<256x128xi32>
      %gt3A_841 = arith.cmpi sgt, %add3A_836, %gt3A_840 : vector<256x128xi32>
      %and3A = arith.andi %eq3A_839, %gt3A_841 : vector<256x128xi1>
      %or3A = arith.ori %gt3A_837, %and3A : vector<256x128xi1>
      %jit3A_842 = arith.constant 3.000000e+38 : f32
      %broadcast_in_dim3A_843 = vector.broadcast %jit3A_842 : f32 to vector<256x128xf32>
      %select_n3A_844 = arith.select %or3A, %get3A_832, %broadcast_in_dim3A_843 : vector<256x128xi1>, vector<256x128xf32>
      %lt3A = arith.cmpf olt, %select_n3A_844, %scan3A_822 : vector<256x128xf32>
      %select_n3A_845 = arith.select %lt3A, %select_n3A_844, %scan3A_822 : vector<256x128xi1>, vector<256x128xf32>
      %broadcast_in_dim3A_846 = vector.broadcast %add3A_827 : i32 to vector<256x128xi32>
      %select_n3A_847 = arith.select %lt3A, %broadcast_in_dim3A_846, %scan3A_823 : vector<256x128xi1>, vector<256x128xi32>
      %mul3A_848 = arith.constant 2 : i32
      %mul3A_849 = arith.muli %scan3A_821, %mul3A_848 : i32
      %add3A_850 = arith.constant 1 : i32
      %add3A_851 = arith.addi %mul3A_849, %add3A_850 : i32
      %mul3A_852 = arith.constant 128 : i32
      %mul3A_853 = arith.muli %add3A_851, %mul3A_852 : i32
      %get3A_854 = arith.constant 0 : index
      %get3A_855 = arith.index_cast %mul3A_853 : i32 to index
      %get3A_856 = vector.load %arg6[%get3A_854, %get3A_855] : memref<256x10240xf32, #tpu.memory_space<vmem>>, vector<256x128xf32>
      %mul3A_857 = arith.constant 128 : i32
      %mul3A_858 = arith.muli %add3A_851, %mul3A_857 : i32
      %add3A_859 = vector.broadcast %mul3A_858 : i32 to vector<256x128xi32>
      %add3A_860 = arith.addi %iota3A_370, %add3A_859 : vector<256x128xi32>
      %gt3A_861 = vector.broadcast %broadcast_in_dim3A_385 : vector<256x1xf32> to vector<256x128xf32>
      %gt3A_862 = arith.cmpf ogt, %get3A_856, %gt3A_861 : vector<256x128xf32>
      %eq3A_863 = vector.broadcast %broadcast_in_dim3A_385 : vector<256x1xf32> to vector<256x128xf32>
      %eq3A_864 = arith.cmpf oeq, %get3A_856, %eq3A_863 : vector<256x128xf32>
      %gt3A_865 = vector.broadcast %broadcast_in_dim3A_397 : vector<256x1xi32> to vector<256x128xi32>
      %gt3A_866 = arith.cmpi sgt, %add3A_860, %gt3A_865 : vector<256x128xi32>
      %and3A_867 = arith.andi %eq3A_864, %gt3A_866 : vector<256x128xi1>
      %or3A_868 = arith.ori %gt3A_862, %and3A_867 : vector<256x128xi1>
      %jit3A_869 = arith.constant 3.000000e+38 : f32
      %broadcast_in_dim3A_870 = vector.broadcast %jit3A_869 : f32 to vector<256x128xf32>
      %select_n3A_871 = arith.select %or3A_868, %get3A_856, %broadcast_in_dim3A_870 : vector<256x128xi1>, vector<256x128xf32>
      %lt3A_872 = arith.cmpf olt, %select_n3A_871, %select_n3A_845 : vector<256x128xf32>
      %select_n3A_873 = arith.select %lt3A_872, %select_n3A_871, %select_n3A_845 : vector<256x128xi1>, vector<256x128xf32>
      %broadcast_in_dim3A_874 = vector.broadcast %add3A_851 : i32 to vector<256x128xi32>
      %select_n3A_875 = arith.select %lt3A_872, %broadcast_in_dim3A_874, %select_n3A_847 : vector<256x128xi1>, vector<256x128xi32>
      scf.yield %select_n3A_873, %select_n3A_875 : vector<256x128xf32>, vector<256x128xi32>
    }
    %scan3A_410 = arith.constant 40 : i32
    %reduce_min3A_411 = arith.constant dense<0x7F800000> : vector<256xf32>
    %reduce_min3A_412 = vector.multi_reduction <minimumf>, %scan3A_409#0, %reduce_min3A_411 [1] : vector<256x128xf32> to vector<256xf32>
    %broadcast_in_dim3A_413 = vector.shape_cast %reduce_min3A_412 : vector<256xf32> to vector<256x1xf32>
    %eq3A_414 = vector.broadcast %broadcast_in_dim3A_413 : vector<256x1xf32> to vector<256x128xf32>
    %eq3A_415 = arith.cmpf oeq, %scan3A_409#0, %eq3A_414 : vector<256x128xf32>
    %mul3A_416 = arith.constant 128 : i32
    %mul3A_417 = vector.broadcast %mul3A_416 : i32 to vector<256x128xi32>
    %mul3A_418 = arith.muli %scan3A_409#1, %mul3A_417 : vector<256x128xi32>
    %add3A_419 = arith.addi %mul3A_418, %iota3A_370 : vector<256x128xi32>
    %jit3A_420 = arith.constant 1073741824 : i32
    %broadcast_in_dim3A_421 = vector.broadcast %jit3A_420 : i32 to vector<256x128xi32>
    %select_n3A_422 = arith.select %eq3A_415, %add3A_419, %broadcast_in_dim3A_421 : vector<256x128xi1>, vector<256x128xi32>
    %reduce_min3A_423 = arith.constant dense<2147483647> : vector<256xi32>
    %reduce_min3A_424 = vector.multi_reduction <minsi>, %select_n3A_422, %reduce_min3A_423 [1] : vector<256x128xi32> to vector<256xi32>
    %broadcast_in_dim3A_425 = vector.shape_cast %reduce_min3A_424 : vector<256xi32> to vector<256x1xi32>
    %swap3A_426 = arith.constant 0 : index
    %swap3A_427 = arith.constant 1 : index
    %swap3A_428 = vector.load %arg5[%swap3A_426, %swap3A_427] : memref<256x16xi32, #tpu.memory_space<vmem>>, vector<256x1xi32>
    tpu.vector_store %arg5[%swap3A_426, %swap3A_427], %broadcast_in_dim3A_425 {strides = array<i32>} : memref<256x16xi32, #tpu.memory_space<vmem>>, vector<256x1xi32>,
    %broadcast_in_dim3A_429 = arith.constant 3.000000e+38 : f32
    %broadcast_in_dim3A_430 = vector.broadcast %broadcast_in_dim3A_429 : f32 to vector<256x128xf32>
    %broadcast_in_dim3A_431 = arith.constant 0 : i32
    %broadcast_in_dim3A_432 = vector.broadcast %broadcast_in_dim3A_431 : i32 to vector<256x128xi32>
    %scan3A_433 = arith.constant 0 : i32
    %scan3A_434 = arith.constant 40 : i32
    %scan3A_435 = arith.addi %scan3A_433, %scan3A_434 : i32
    %scan3A_436 = arith.constant 1 : i32
    %scan3A_437:2 = scf.for %scan3A_821 = %scan3A_433 to %scan3A_435 step %scan3A_436 iter_args(%scan3A_822 = %broadcast_in_dim3A_430, %scan3A_823 = %broadcast_in_dim3A_432) -> (vector<256x128xf32>, vector<256x128xi32>)  : i32 {
      %mul3A_824 = arith.constant 2 : i32
      %mul3A_825 = arith.muli %scan3A_821, %mul3A_824 : i32
      %add3A_826 = arith.constant 0 : i32
      %add3A_827 = arith.addi %mul3A_825, %add3A_826 : i32
      %mul3A_828 = arith.constant 128 : i32
      %mul3A_829 = arith.muli %add3A_827, %mul3A_828 : i32
      %get3A_830 = arith.constant 0 : index
      %get3A_831 = arith.index_cast %mul3A_829 : i32 to index
      %get3A_832 = vector.load %arg6[%get3A_830, %get3A_831] : memref<256x10240xf32, #tpu.memory_space<vmem>>, vector<256x128xf32>
      %mul3A_833 = arith.constant 128 : i32
      %mul3A_834 = arith.muli %add3A_827, %mul3A_833 : i32
      %add3A_835 = vector.broadcast %mul3A_834 : i32 to vector<256x128xi32>
      %add3A_836 = arith.addi %iota3A_370, %add3A_835 : vector<256x128xi32>
      %gt3A = vector.broadcast %broadcast_in_dim3A_413 : vector<256x1xf32> to vector<256x128xf32>
      %gt3A_837 = arith.cmpf ogt, %get3A_832, %gt3A : vector<256x128xf32>
      %eq3A_838 = vector.broadcast %broadcast_in_dim3A_413 : vector<256x1xf32> to vector<256x128xf32>
      %eq3A_839 = arith.cmpf oeq, %get3A_832, %eq3A_838 : vector<256x128xf32>
      %gt3A_840 = vector.broadcast %broadcast_in_dim3A_425 : vector<256x1xi32> to vector<256x128xi32>
      %gt3A_841 = arith.cmpi sgt, %add3A_836, %gt3A_840 : vector<256x128xi32>
      %and3A = arith.andi %eq3A_839, %gt3A_841 : vector<256x128xi1>
      %or3A = arith.ori %gt3A_837, %and3A : vector<256x128xi1>
      %jit3A_842 = arith.constant 3.000000e+38 : f32
      %broadcast_in_dim3A_843 = vector.broadcast %jit3A_842 : f32 to vector<256x128xf32>
      %select_n3A_844 = arith.select %or3A, %get3A_832, %broadcast_in_dim3A_843 : vector<256x128xi1>, vector<256x128xf32>
      %lt3A = arith.cmpf olt, %select_n3A_844, %scan3A_822 : vector<256x128xf32>
      %select_n3A_845 = arith.select %lt3A, %select_n3A_844, %scan3A_822 : vector<256x128xi1>, vector<256x128xf32>
      %broadcast_in_dim3A_846 = vector.broadcast %add3A_827 : i32 to vector<256x128xi32>
      %select_n3A_847 = arith.select %lt3A, %broadcast_in_dim3A_846, %scan3A_823 : vector<256x128xi1>, vector<256x128xi32>
      %mul3A_848 = arith.constant 2 : i32
      %mul3A_849 = arith.muli %scan3A_821, %mul3A_848 : i32
      %add3A_850 = arith.constant 1 : i32
      %add3A_851 = arith.addi %mul3A_849, %add3A_850 : i32
      %mul3A_852 = arith.constant 128 : i32
      %mul3A_853 = arith.muli %add3A_851, %mul3A_852 : i32
      %get3A_854 = arith.constant 0 : index
      %get3A_855 = arith.index_cast %mul3A_853 : i32 to index
      %get3A_856 = vector.load %arg6[%get3A_854, %get3A_855] : memref<256x10240xf32, #tpu.memory_space<vmem>>, vector<256x128xf32>
      %mul3A_857 = arith.constant 128 : i32
      %mul3A_858 = arith.muli %add3A_851, %mul3A_857 : i32
      %add3A_859 = vector.broadcast %mul3A_858 : i32 to vector<256x128xi32>
      %add3A_860 = arith.addi %iota3A_370, %add3A_859 : vector<256x128xi32>
      %gt3A_861 = vector.broadcast %broadcast_in_dim3A_413 : vector<256x1xf32> to vector<256x128xf32>
      %gt3A_862 = arith.cmpf ogt, %get3A_856, %gt3A_861 : vector<256x128xf32>
      %eq3A_863 = vector.broadcast %broadcast_in_dim3A_413 : vector<256x1xf32> to vector<256x128xf32>
      %eq3A_864 = arith.cmpf oeq, %get3A_856, %eq3A_863 : vector<256x128xf32>
      %gt3A_865 = vector.broadcast %broadcast_in_dim3A_425 : vector<256x1xi32> to vector<256x128xi32>
      %gt3A_866 = arith.cmpi sgt, %add3A_860, %gt3A_865 : vector<256x128xi32>
      %and3A_867 = arith.andi %eq3A_864, %gt3A_866 : vector<256x128xi1>
      %or3A_868 = arith.ori %gt3A_862, %and3A_867 : vector<256x128xi1>
      %jit3A_869 = arith.constant 3.000000e+38 : f32
      %broadcast_in_dim3A_870 = vector.broadcast %jit3A_869 : f32 to vector<256x128xf32>
      %select_n3A_871 = arith.select %or3A_868, %get3A_856, %broadcast_in_dim3A_870 : vector<256x128xi1>, vector<256x128xf32>
      %lt3A_872 = arith.cmpf olt, %select_n3A_871, %select_n3A_845 : vector<256x128xf32>
      %select_n3A_873 = arith.select %lt3A_872, %select_n3A_871, %select_n3A_845 : vector<256x128xi1>, vector<256x128xf32>
      %broadcast_in_dim3A_874 = vector.broadcast %add3A_851 : i32 to vector<256x128xi32>
      %select_n3A_875 = arith.select %lt3A_872, %broadcast_in_dim3A_874, %select_n3A_847 : vector<256x128xi1>, vector<256x128xi32>
      scf.yield %select_n3A_873, %select_n3A_875 : vector<256x128xf32>, vector<256x128xi32>
    }
    %scan3A_438 = arith.constant 40 : i32
    %reduce_min3A_439 = arith.constant dense<0x7F800000> : vector<256xf32>
    %reduce_min3A_440 = vector.multi_reduction <minimumf>, %scan3A_437#0, %reduce_min3A_439 [1] : vector<256x128xf32> to vector<256xf32>
    %broadcast_in_dim3A_441 = vector.shape_cast %reduce_min3A_440 : vector<256xf32> to vector<256x1xf32>
    %eq3A_442 = vector.broadcast %broadcast_in_dim3A_441 : vector<256x1xf32> to vector<256x128xf32>
    %eq3A_443 = arith.cmpf oeq, %scan3A_437#0, %eq3A_442 : vector<256x128xf32>
    %mul3A_444 = arith.constant 128 : i32
    %mul3A_445 = vector.broadcast %mul3A_444 : i32 to vector<256x128xi32>
    %mul3A_446 = arith.muli %scan3A_437#1, %mul3A_445 : vector<256x128xi32>
    %add3A_447 = arith.addi %mul3A_446, %iota3A_370 : vector<256x128xi32>
    %jit3A_448 = arith.constant 1073741824 : i32
    %broadcast_in_dim3A_449 = vector.broadcast %jit3A_448 : i32 to vector<256x128xi32>
    %select_n3A_450 = arith.select %eq3A_443, %add3A_447, %broadcast_in_dim3A_449 : vector<256x128xi1>, vector<256x128xi32>
    %reduce_min3A_451 = arith.constant dense<2147483647> : vector<256xi32>
    %reduce_min3A_452 = vector.multi_reduction <minsi>, %select_n3A_450, %reduce_min3A_451 [1] : vector<256x128xi32> to vector<256xi32>
    %broadcast_in_dim3A_453 = vector.shape_cast %reduce_min3A_452 : vector<256xi32> to vector<256x1xi32>
    %swap3A_454 = arith.constant 0 : index
    %swap3A_455 = arith.constant 2 : index
    %swap3A_456 = vector.load %arg5[%swap3A_454, %swap3A_455] : memref<256x16xi32, #tpu.memory_space<vmem>>, vector<256x1xi32>
    tpu.vector_store %arg5[%swap3A_454, %swap3A_455], %broadcast_in_dim3A_453 {strides = array<i32>} : memref<256x16xi32, #tpu.memory_space<vmem>>, vector<256x1xi32>,
    %broadcast_in_dim3A_457 = arith.constant 3.000000e+38 : f32
    %broadcast_in_dim3A_458 = vector.broadcast %broadcast_in_dim3A_457 : f32 to vector<256x128xf32>
    %broadcast_in_dim3A_459 = arith.constant 0 : i32
    %broadcast_in_dim3A_460 = vector.broadcast %broadcast_in_dim3A_459 : i32 to vector<256x128xi32>
    %scan3A_461 = arith.constant 0 : i32
    %scan3A_462 = arith.constant 40 : i32
    %scan3A_463 = arith.addi %scan3A_461, %scan3A_462 : i32
    %scan3A_464 = arith.constant 1 : i32
    %scan3A_465:2 = scf.for %scan3A_821 = %scan3A_461 to %scan3A_463 step %scan3A_464 iter_args(%scan3A_822 = %broadcast_in_dim3A_458, %scan3A_823 = %broadcast_in_dim3A_460) -> (vector<256x128xf32>, vector<256x128xi32>)  : i32 {
      %mul3A_824 = arith.constant 2 : i32
      %mul3A_825 = arith.muli %scan3A_821, %mul3A_824 : i32
      %add3A_826 = arith.constant 0 : i32
      %add3A_827 = arith.addi %mul3A_825, %add3A_826 : i32
      %mul3A_828 = arith.constant 128 : i32
      %mul3A_829 = arith.muli %add3A_827, %mul3A_828 : i32
      %get3A_830 = arith.constant 0 : index
      %get3A_831 = arith.index_cast %mul3A_829 : i32 to index
      %get3A_832 = vector.load %arg6[%get3A_830, %get3A_831] : memref<256x10240xf32, #tpu.memory_space<vmem>>, vector<256x128xf32>
      %mul3A_833 = arith.constant 128 : i32
      %mul3A_834 = arith.muli %add3A_827, %mul3A_833 : i32
      %add3A_835 = vector.broadcast %mul3A_834 : i32 to vector<256x128xi32>
      %add3A_836 = arith.addi %iota3A_370, %add3A_835 : vector<256x128xi32>
      %gt3A = vector.broadcast %broadcast_in_dim3A_441 : vector<256x1xf32> to vector<256x128xf32>
      %gt3A_837 = arith.cmpf ogt, %get3A_832, %gt3A : vector<256x128xf32>
      %eq3A_838 = vector.broadcast %broadcast_in_dim3A_441 : vector<256x1xf32> to vector<256x128xf32>
      %eq3A_839 = arith.cmpf oeq, %get3A_832, %eq3A_838 : vector<256x128xf32>
      %gt3A_840 = vector.broadcast %broadcast_in_dim3A_453 : vector<256x1xi32> to vector<256x128xi32>
      %gt3A_841 = arith.cmpi sgt, %add3A_836, %gt3A_840 : vector<256x128xi32>
      %and3A = arith.andi %eq3A_839, %gt3A_841 : vector<256x128xi1>
      %or3A = arith.ori %gt3A_837, %and3A : vector<256x128xi1>
      %jit3A_842 = arith.constant 3.000000e+38 : f32
      %broadcast_in_dim3A_843 = vector.broadcast %jit3A_842 : f32 to vector<256x128xf32>
      %select_n3A_844 = arith.select %or3A, %get3A_832, %broadcast_in_dim3A_843 : vector<256x128xi1>, vector<256x128xf32>
      %lt3A = arith.cmpf olt, %select_n3A_844, %scan3A_822 : vector<256x128xf32>
      %select_n3A_845 = arith.select %lt3A, %select_n3A_844, %scan3A_822 : vector<256x128xi1>, vector<256x128xf32>
      %broadcast_in_dim3A_846 = vector.broadcast %add3A_827 : i32 to vector<256x128xi32>
      %select_n3A_847 = arith.select %lt3A, %broadcast_in_dim3A_846, %scan3A_823 : vector<256x128xi1>, vector<256x128xi32>
      %mul3A_848 = arith.constant 2 : i32
      %mul3A_849 = arith.muli %scan3A_821, %mul3A_848 : i32
      %add3A_850 = arith.constant 1 : i32
      %add3A_851 = arith.addi %mul3A_849, %add3A_850 : i32
      %mul3A_852 = arith.constant 128 : i32
      %mul3A_853 = arith.muli %add3A_851, %mul3A_852 : i32
      %get3A_854 = arith.constant 0 : index
      %get3A_855 = arith.index_cast %mul3A_853 : i32 to index
      %get3A_856 = vector.load %arg6[%get3A_854, %get3A_855] : memref<256x10240xf32, #tpu.memory_space<vmem>>, vector<256x128xf32>
      %mul3A_857 = arith.constant 128 : i32
      %mul3A_858 = arith.muli %add3A_851, %mul3A_857 : i32
      %add3A_859 = vector.broadcast %mul3A_858 : i32 to vector<256x128xi32>
      %add3A_860 = arith.addi %iota3A_370, %add3A_859 : vector<256x128xi32>
      %gt3A_861 = vector.broadcast %broadcast_in_dim3A_441 : vector<256x1xf32> to vector<256x128xf32>
      %gt3A_862 = arith.cmpf ogt, %get3A_856, %gt3A_861 : vector<256x128xf32>
      %eq3A_863 = vector.broadcast %broadcast_in_dim3A_441 : vector<256x1xf32> to vector<256x128xf32>
      %eq3A_864 = arith.cmpf oeq, %get3A_856, %eq3A_863 : vector<256x128xf32>
      %gt3A_865 = vector.broadcast %broadcast_in_dim3A_453 : vector<256x1xi32> to vector<256x128xi32>
      %gt3A_866 = arith.cmpi sgt, %add3A_860, %gt3A_865 : vector<256x128xi32>
      %and3A_867 = arith.andi %eq3A_864, %gt3A_866 : vector<256x128xi1>
      %or3A_868 = arith.ori %gt3A_862, %and3A_867 : vector<256x128xi1>
      %jit3A_869 = arith.constant 3.000000e+38 : f32
      %broadcast_in_dim3A_870 = vector.broadcast %jit3A_869 : f32 to vector<256x128xf32>
      %select_n3A_871 = arith.select %or3A_868, %get3A_856, %broadcast_in_dim3A_870 : vector<256x128xi1>, vector<256x128xf32>
      %lt3A_872 = arith.cmpf olt, %select_n3A_871, %select_n3A_845 : vector<256x128xf32>
      %select_n3A_873 = arith.select %lt3A_872, %select_n3A_871, %select_n3A_845 : vector<256x128xi1>, vector<256x128xf32>
      %broadcast_in_dim3A_874 = vector.broadcast %add3A_851 : i32 to vector<256x128xi32>
      %select_n3A_875 = arith.select %lt3A_872, %broadcast_in_dim3A_874, %select_n3A_847 : vector<256x128xi1>, vector<256x128xi32>
      scf.yield %select_n3A_873, %select_n3A_875 : vector<256x128xf32>, vector<256x128xi32>
    }
    %scan3A_466 = arith.constant 40 : i32
    %reduce_min3A_467 = arith.constant dense<0x7F800000> : vector<256xf32>
    %reduce_min3A_468 = vector.multi_reduction <minimumf>, %scan3A_465#0, %reduce_min3A_467 [1] : vector<256x128xf32> to vector<256xf32>
    %broadcast_in_dim3A_469 = vector.shape_cast %reduce_min3A_468 : vector<256xf32> to vector<256x1xf32>
    %eq3A_470 = vector.broadcast %broadcast_in_dim3A_469 : vector<256x1xf32> to vector<256x128xf32>
    %eq3A_471 = arith.cmpf oeq, %scan3A_465#0, %eq3A_470 : vector<256x128xf32>
    %mul3A_472 = arith.constant 128 : i32
    %mul3A_473 = vector.broadcast %mul3A_472 : i32 to vector<256x128xi32>
    %mul3A_474 = arith.muli %scan3A_465#1, %mul3A_473 : vector<256x128xi32>
    %add3A_475 = arith.addi %mul3A_474, %iota3A_370 : vector<256x128xi32>
    %jit3A_476 = arith.constant 1073741824 : i32
    %broadcast_in_dim3A_477 = vector.broadcast %jit3A_476 : i32 to vector<256x128xi32>
    %select_n3A_478 = arith.select %eq3A_471, %add3A_475, %broadcast_in_dim3A_477 : vector<256x128xi1>, vector<256x128xi32>
    %reduce_min3A_479 = arith.constant dense<2147483647> : vector<256xi32>
    %reduce_min3A_480 = vector.multi_reduction <minsi>, %select_n3A_478, %reduce_min3A_479 [1] : vector<256x128xi32> to vector<256xi32>
    %broadcast_in_dim3A_481 = vector.shape_cast %reduce_min3A_480 : vector<256xi32> to vector<256x1xi32>
    %swap3A_482 = arith.constant 0 : index
    %swap3A_483 = arith.constant 3 : index
    %swap3A_484 = vector.load %arg5[%swap3A_482, %swap3A_483] : memref<256x16xi32, #tpu.memory_space<vmem>>, vector<256x1xi32>
    tpu.vector_store %arg5[%swap3A_482, %swap3A_483], %broadcast_in_dim3A_481 {strides = array<i32>} : memref<256x16xi32, #tpu.memory_space<vmem>>, vector<256x1xi32>,
    %broadcast_in_dim3A_485 = arith.constant 3.000000e+38 : f32
    %broadcast_in_dim3A_486 = vector.broadcast %broadcast_in_dim3A_485 : f32 to vector<256x128xf32>
    %broadcast_in_dim3A_487 = arith.constant 0 : i32
    %broadcast_in_dim3A_488 = vector.broadcast %broadcast_in_dim3A_487 : i32 to vector<256x128xi32>
    %scan3A_489 = arith.constant 0 : i32
    %scan3A_490 = arith.constant 40 : i32
    %scan3A_491 = arith.addi %scan3A_489, %scan3A_490 : i32
    %scan3A_492 = arith.constant 1 : i32
    %scan3A_493:2 = scf.for %scan3A_821 = %scan3A_489 to %scan3A_491 step %scan3A_492 iter_args(%scan3A_822 = %broadcast_in_dim3A_486, %scan3A_823 = %broadcast_in_dim3A_488) -> (vector<256x128xf32>, vector<256x128xi32>)  : i32 {
      %mul3A_824 = arith.constant 2 : i32
      %mul3A_825 = arith.muli %scan3A_821, %mul3A_824 : i32
      %add3A_826 = arith.constant 0 : i32
      %add3A_827 = arith.addi %mul3A_825, %add3A_826 : i32
      %mul3A_828 = arith.constant 128 : i32
      %mul3A_829 = arith.muli %add3A_827, %mul3A_828 : i32
      %get3A_830 = arith.constant 0 : index
      %get3A_831 = arith.index_cast %mul3A_829 : i32 to index
      %get3A_832 = vector.load %arg6[%get3A_830, %get3A_831] : memref<256x10240xf32, #tpu.memory_space<vmem>>, vector<256x128xf32>
      %mul3A_833 = arith.constant 128 : i32
      %mul3A_834 = arith.muli %add3A_827, %mul3A_833 : i32
      %add3A_835 = vector.broadcast %mul3A_834 : i32 to vector<256x128xi32>
      %add3A_836 = arith.addi %iota3A_370, %add3A_835 : vector<256x128xi32>
      %gt3A = vector.broadcast %broadcast_in_dim3A_469 : vector<256x1xf32> to vector<256x128xf32>
      %gt3A_837 = arith.cmpf ogt, %get3A_832, %gt3A : vector<256x128xf32>
      %eq3A_838 = vector.broadcast %broadcast_in_dim3A_469 : vector<256x1xf32> to vector<256x128xf32>
      %eq3A_839 = arith.cmpf oeq, %get3A_832, %eq3A_838 : vector<256x128xf32>
      %gt3A_840 = vector.broadcast %broadcast_in_dim3A_481 : vector<256x1xi32> to vector<256x128xi32>
      %gt3A_841 = arith.cmpi sgt, %add3A_836, %gt3A_840 : vector<256x128xi32>
      %and3A = arith.andi %eq3A_839, %gt3A_841 : vector<256x128xi1>
      %or3A = arith.ori %gt3A_837, %and3A : vector<256x128xi1>
      %jit3A_842 = arith.constant 3.000000e+38 : f32
      %broadcast_in_dim3A_843 = vector.broadcast %jit3A_842 : f32 to vector<256x128xf32>
      %select_n3A_844 = arith.select %or3A, %get3A_832, %broadcast_in_dim3A_843 : vector<256x128xi1>, vector<256x128xf32>
      %lt3A = arith.cmpf olt, %select_n3A_844, %scan3A_822 : vector<256x128xf32>
      %select_n3A_845 = arith.select %lt3A, %select_n3A_844, %scan3A_822 : vector<256x128xi1>, vector<256x128xf32>
      %broadcast_in_dim3A_846 = vector.broadcast %add3A_827 : i32 to vector<256x128xi32>
      %select_n3A_847 = arith.select %lt3A, %broadcast_in_dim3A_846, %scan3A_823 : vector<256x128xi1>, vector<256x128xi32>
      %mul3A_848 = arith.constant 2 : i32
      %mul3A_849 = arith.muli %scan3A_821, %mul3A_848 : i32
      %add3A_850 = arith.constant 1 : i32
      %add3A_851 = arith.addi %mul3A_849, %add3A_850 : i32
      %mul3A_852 = arith.constant 128 : i32
      %mul3A_853 = arith.muli %add3A_851, %mul3A_852 : i32
      %get3A_854 = arith.constant 0 : index
      %get3A_855 = arith.index_cast %mul3A_853 : i32 to index
      %get3A_856 = vector.load %arg6[%get3A_854, %get3A_855] : memref<256x10240xf32, #tpu.memory_space<vmem>>, vector<256x128xf32>
      %mul3A_857 = arith.constant 128 : i32
      %mul3A_858 = arith.muli %add3A_851, %mul3A_857 : i32
      %add3A_859 = vector.broadcast %mul3A_858 : i32 to vector<256x128xi32>
      %add3A_860 = arith.addi %iota3A_370, %add3A_859 : vector<256x128xi32>
      %gt3A_861 = vector.broadcast %broadcast_in_dim3A_469 : vector<256x1xf32> to vector<256x128xf32>
      %gt3A_862 = arith.cmpf ogt, %get3A_856, %gt3A_861 : vector<256x128xf32>
      %eq3A_863 = vector.broadcast %broadcast_in_dim3A_469 : vector<256x1xf32> to vector<256x128xf32>
      %eq3A_864 = arith.cmpf oeq, %get3A_856, %eq3A_863 : vector<256x128xf32>
      %gt3A_865 = vector.broadcast %broadcast_in_dim3A_481 : vector<256x1xi32> to vector<256x128xi32>
      %gt3A_866 = arith.cmpi sgt, %add3A_860, %gt3A_865 : vector<256x128xi32>
      %and3A_867 = arith.andi %eq3A_864, %gt3A_866 : vector<256x128xi1>
      %or3A_868 = arith.ori %gt3A_862, %and3A_867 : vector<256x128xi1>
      %jit3A_869 = arith.constant 3.000000e+38 : f32
      %broadcast_in_dim3A_870 = vector.broadcast %jit3A_869 : f32 to vector<256x128xf32>
      %select_n3A_871 = arith.select %or3A_868, %get3A_856, %broadcast_in_dim3A_870 : vector<256x128xi1>, vector<256x128xf32>
      %lt3A_872 = arith.cmpf olt, %select_n3A_871, %select_n3A_845 : vector<256x128xf32>
      %select_n3A_873 = arith.select %lt3A_872, %select_n3A_871, %select_n3A_845 : vector<256x128xi1>, vector<256x128xf32>
      %broadcast_in_dim3A_874 = vector.broadcast %add3A_851 : i32 to vector<256x128xi32>
      %select_n3A_875 = arith.select %lt3A_872, %broadcast_in_dim3A_874, %select_n3A_847 : vector<256x128xi1>, vector<256x128xi32>
      scf.yield %select_n3A_873, %select_n3A_875 : vector<256x128xf32>, vector<256x128xi32>
    }
    %scan3A_494 = arith.constant 40 : i32
    %reduce_min3A_495 = arith.constant dense<0x7F800000> : vector<256xf32>
    %reduce_min3A_496 = vector.multi_reduction <minimumf>, %scan3A_493#0, %reduce_min3A_495 [1] : vector<256x128xf32> to vector<256xf32>
    %broadcast_in_dim3A_497 = vector.shape_cast %reduce_min3A_496 : vector<256xf32> to vector<256x1xf32>
    %eq3A_498 = vector.broadcast %broadcast_in_dim3A_497 : vector<256x1xf32> to vector<256x128xf32>
    %eq3A_499 = arith.cmpf oeq, %scan3A_493#0, %eq3A_498 : vector<256x128xf32>
    %mul3A_500 = arith.constant 128 : i32
    %mul3A_501 = vector.broadcast %mul3A_500 : i32 to vector<256x128xi32>
    %mul3A_502 = arith.muli %scan3A_493#1, %mul3A_501 : vector<256x128xi32>
    %add3A_503 = arith.addi %mul3A_502, %iota3A_370 : vector<256x128xi32>
    %jit3A_504 = arith.constant 1073741824 : i32
    %broadcast_in_dim3A_505 = vector.broadcast %jit3A_504 : i32 to vector<256x128xi32>
    %select_n3A_506 = arith.select %eq3A_499, %add3A_503, %broadcast_in_dim3A_505 : vector<256x128xi1>, vector<256x128xi32>
    %reduce_min3A_507 = arith.constant dense<2147483647> : vector<256xi32>
    %reduce_min3A_508 = vector.multi_reduction <minsi>, %select_n3A_506, %reduce_min3A_507 [1] : vector<256x128xi32> to vector<256xi32>
    %broadcast_in_dim3A_509 = vector.shape_cast %reduce_min3A_508 : vector<256xi32> to vector<256x1xi32>
    %swap3A_510 = arith.constant 0 : index
    %swap3A_511 = arith.constant 4 : index
    %swap3A_512 = vector.load %arg5[%swap3A_510, %swap3A_511] : memref<256x16xi32, #tpu.memory_space<vmem>>, vector<256x1xi32>
    tpu.vector_store %arg5[%swap3A_510, %swap3A_511], %broadcast_in_dim3A_509 {strides = array<i32>} : memref<256x16xi32, #tpu.memory_space<vmem>>, vector<256x1xi32>,
    %broadcast_in_dim3A_513 = arith.constant 3.000000e+38 : f32
    %broadcast_in_dim3A_514 = vector.broadcast %broadcast_in_dim3A_513 : f32 to vector<256x128xf32>
    %broadcast_in_dim3A_515 = arith.constant 0 : i32
    %broadcast_in_dim3A_516 = vector.broadcast %broadcast_in_dim3A_515 : i32 to vector<256x128xi32>
    %scan3A_517 = arith.constant 0 : i32
    %scan3A_518 = arith.constant 40 : i32
    %scan3A_519 = arith.addi %scan3A_517, %scan3A_518 : i32
    %scan3A_520 = arith.constant 1 : i32
    %scan3A_521:2 = scf.for %scan3A_821 = %scan3A_517 to %scan3A_519 step %scan3A_520 iter_args(%scan3A_822 = %broadcast_in_dim3A_514, %scan3A_823 = %broadcast_in_dim3A_516) -> (vector<256x128xf32>, vector<256x128xi32>)  : i32 {
      %mul3A_824 = arith.constant 2 : i32
      %mul3A_825 = arith.muli %scan3A_821, %mul3A_824 : i32
      %add3A_826 = arith.constant 0 : i32
      %add3A_827 = arith.addi %mul3A_825, %add3A_826 : i32
      %mul3A_828 = arith.constant 128 : i32
      %mul3A_829 = arith.muli %add3A_827, %mul3A_828 : i32
      %get3A_830 = arith.constant 0 : index
      %get3A_831 = arith.index_cast %mul3A_829 : i32 to index
      %get3A_832 = vector.load %arg6[%get3A_830, %get3A_831] : memref<256x10240xf32, #tpu.memory_space<vmem>>, vector<256x128xf32>
      %mul3A_833 = arith.constant 128 : i32
      %mul3A_834 = arith.muli %add3A_827, %mul3A_833 : i32
      %add3A_835 = vector.broadcast %mul3A_834 : i32 to vector<256x128xi32>
      %add3A_836 = arith.addi %iota3A_370, %add3A_835 : vector<256x128xi32>
      %gt3A = vector.broadcast %broadcast_in_dim3A_497 : vector<256x1xf32> to vector<256x128xf32>
      %gt3A_837 = arith.cmpf ogt, %get3A_832, %gt3A : vector<256x128xf32>
      %eq3A_838 = vector.broadcast %broadcast_in_dim3A_497 : vector<256x1xf32> to vector<256x128xf32>
      %eq3A_839 = arith.cmpf oeq, %get3A_832, %eq3A_838 : vector<256x128xf32>
      %gt3A_840 = vector.broadcast %broadcast_in_dim3A_509 : vector<256x1xi32> to vector<256x128xi32>
      %gt3A_841 = arith.cmpi sgt, %add3A_836, %gt3A_840 : vector<256x128xi32>
      %and3A = arith.andi %eq3A_839, %gt3A_841 : vector<256x128xi1>
      %or3A = arith.ori %gt3A_837, %and3A : vector<256x128xi1>
      %jit3A_842 = arith.constant 3.000000e+38 : f32
      %broadcast_in_dim3A_843 = vector.broadcast %jit3A_842 : f32 to vector<256x128xf32>
      %select_n3A_844 = arith.select %or3A, %get3A_832, %broadcast_in_dim3A_843 : vector<256x128xi1>, vector<256x128xf32>
      %lt3A = arith.cmpf olt, %select_n3A_844, %scan3A_822 : vector<256x128xf32>
      %select_n3A_845 = arith.select %lt3A, %select_n3A_844, %scan3A_822 : vector<256x128xi1>, vector<256x128xf32>
      %broadcast_in_dim3A_846 = vector.broadcast %add3A_827 : i32 to vector<256x128xi32>
      %select_n3A_847 = arith.select %lt3A, %broadcast_in_dim3A_846, %scan3A_823 : vector<256x128xi1>, vector<256x128xi32>
      %mul3A_848 = arith.constant 2 : i32
      %mul3A_849 = arith.muli %scan3A_821, %mul3A_848 : i32
      %add3A_850 = arith.constant 1 : i32
      %add3A_851 = arith.addi %mul3A_849, %add3A_850 : i32
      %mul3A_852 = arith.constant 128 : i32
      %mul3A_853 = arith.muli %add3A_851, %mul3A_852 : i32
      %get3A_854 = arith.constant 0 : index
      %get3A_855 = arith.index_cast %mul3A_853 : i32 to index
      %get3A_856 = vector.load %arg6[%get3A_854, %get3A_855] : memref<256x10240xf32, #tpu.memory_space<vmem>>, vector<256x128xf32>
      %mul3A_857 = arith.constant 128 : i32
      %mul3A_858 = arith.muli %add3A_851, %mul3A_857 : i32
      %add3A_859 = vector.broadcast %mul3A_858 : i32 to vector<256x128xi32>
      %add3A_860 = arith.addi %iota3A_370, %add3A_859 : vector<256x128xi32>
      %gt3A_861 = vector.broadcast %broadcast_in_dim3A_497 : vector<256x1xf32> to vector<256x128xf32>
      %gt3A_862 = arith.cmpf ogt, %get3A_856, %gt3A_861 : vector<256x128xf32>
      %eq3A_863 = vector.broadcast %broadcast_in_dim3A_497 : vector<256x1xf32> to vector<256x128xf32>
      %eq3A_864 = arith.cmpf oeq, %get3A_856, %eq3A_863 : vector<256x128xf32>
      %gt3A_865 = vector.broadcast %broadcast_in_dim3A_509 : vector<256x1xi32> to vector<256x128xi32>
      %gt3A_866 = arith.cmpi sgt, %add3A_860, %gt3A_865 : vector<256x128xi32>
      %and3A_867 = arith.andi %eq3A_864, %gt3A_866 : vector<256x128xi1>
      %or3A_868 = arith.ori %gt3A_862, %and3A_867 : vector<256x128xi1>
      %jit3A_869 = arith.constant 3.000000e+38 : f32
      %broadcast_in_dim3A_870 = vector.broadcast %jit3A_869 : f32 to vector<256x128xf32>
      %select_n3A_871 = arith.select %or3A_868, %get3A_856, %broadcast_in_dim3A_870 : vector<256x128xi1>, vector<256x128xf32>
      %lt3A_872 = arith.cmpf olt, %select_n3A_871, %select_n3A_845 : vector<256x128xf32>
      %select_n3A_873 = arith.select %lt3A_872, %select_n3A_871, %select_n3A_845 : vector<256x128xi1>, vector<256x128xf32>
      %broadcast_in_dim3A_874 = vector.broadcast %add3A_851 : i32 to vector<256x128xi32>
      %select_n3A_875 = arith.select %lt3A_872, %broadcast_in_dim3A_874, %select_n3A_847 : vector<256x128xi1>, vector<256x128xi32>
      scf.yield %select_n3A_873, %select_n3A_875 : vector<256x128xf32>, vector<256x128xi32>
    }
    %scan3A_522 = arith.constant 40 : i32
    %reduce_min3A_523 = arith.constant dense<0x7F800000> : vector<256xf32>
    %reduce_min3A_524 = vector.multi_reduction <minimumf>, %scan3A_521#0, %reduce_min3A_523 [1] : vector<256x128xf32> to vector<256xf32>
    %broadcast_in_dim3A_525 = vector.shape_cast %reduce_min3A_524 : vector<256xf32> to vector<256x1xf32>
    %eq3A_526 = vector.broadcast %broadcast_in_dim3A_525 : vector<256x1xf32> to vector<256x128xf32>
    %eq3A_527 = arith.cmpf oeq, %scan3A_521#0, %eq3A_526 : vector<256x128xf32>
    %mul3A_528 = arith.constant 128 : i32
    %mul3A_529 = vector.broadcast %mul3A_528 : i32 to vector<256x128xi32>
    %mul3A_530 = arith.muli %scan3A_521#1, %mul3A_529 : vector<256x128xi32>
    %add3A_531 = arith.addi %mul3A_530, %iota3A_370 : vector<256x128xi32>
    %jit3A_532 = arith.constant 1073741824 : i32
    %broadcast_in_dim3A_533 = vector.broadcast %jit3A_532 : i32 to vector<256x128xi32>
    %select_n3A_534 = arith.select %eq3A_527, %add3A_531, %broadcast_in_dim3A_533 : vector<256x128xi1>, vector<256x128xi32>
    %reduce_min3A_535 = arith.constant dense<2147483647> : vector<256xi32>
    %reduce_min3A_536 = vector.multi_reduction <minsi>, %select_n3A_534, %reduce_min3A_535 [1] : vector<256x128xi32> to vector<256xi32>
    %broadcast_in_dim3A_537 = vector.shape_cast %reduce_min3A_536 : vector<256xi32> to vector<256x1xi32>
    %swap3A_538 = arith.constant 0 : index
    %swap3A_539 = arith.constant 5 : index
    %swap3A_540 = vector.load %arg5[%swap3A_538, %swap3A_539] : memref<256x16xi32, #tpu.memory_space<vmem>>, vector<256x1xi32>
    tpu.vector_store %arg5[%swap3A_538, %swap3A_539], %broadcast_in_dim3A_537 {strides = array<i32>} : memref<256x16xi32, #tpu.memory_space<vmem>>, vector<256x1xi32>,
    %broadcast_in_dim3A_541 = arith.constant 3.000000e+38 : f32
    %broadcast_in_dim3A_542 = vector.broadcast %broadcast_in_dim3A_541 : f32 to vector<256x128xf32>
    %broadcast_in_dim3A_543 = arith.constant 0 : i32
    %broadcast_in_dim3A_544 = vector.broadcast %broadcast_in_dim3A_543 : i32 to vector<256x128xi32>
    %scan3A_545 = arith.constant 0 : i32
    %scan3A_546 = arith.constant 40 : i32
    %scan3A_547 = arith.addi %scan3A_545, %scan3A_546 : i32
    %scan3A_548 = arith.constant 1 : i32
    %scan3A_549:2 = scf.for %scan3A_821 = %scan3A_545 to %scan3A_547 step %scan3A_548 iter_args(%scan3A_822 = %broadcast_in_dim3A_542, %scan3A_823 = %broadcast_in_dim3A_544) -> (vector<256x128xf32>, vector<256x128xi32>)  : i32 {
      %mul3A_824 = arith.constant 2 : i32
      %mul3A_825 = arith.muli %scan3A_821, %mul3A_824 : i32
      %add3A_826 = arith.constant 0 : i32
      %add3A_827 = arith.addi %mul3A_825, %add3A_826 : i32
      %mul3A_828 = arith.constant 128 : i32
      %mul3A_829 = arith.muli %add3A_827, %mul3A_828 : i32
      %get3A_830 = arith.constant 0 : index
      %get3A_831 = arith.index_cast %mul3A_829 : i32 to index
      %get3A_832 = vector.load %arg6[%get3A_830, %get3A_831] : memref<256x10240xf32, #tpu.memory_space<vmem>>, vector<256x128xf32>
      %mul3A_833 = arith.constant 128 : i32
      %mul3A_834 = arith.muli %add3A_827, %mul3A_833 : i32
      %add3A_835 = vector.broadcast %mul3A_834 : i32 to vector<256x128xi32>
      %add3A_836 = arith.addi %iota3A_370, %add3A_835 : vector<256x128xi32>
      %gt3A = vector.broadcast %broadcast_in_dim3A_525 : vector<256x1xf32> to vector<256x128xf32>
      %gt3A_837 = arith.cmpf ogt, %get3A_832, %gt3A : vector<256x128xf32>
      %eq3A_838 = vector.broadcast %broadcast_in_dim3A_525 : vector<256x1xf32> to vector<256x128xf32>
      %eq3A_839 = arith.cmpf oeq, %get3A_832, %eq3A_838 : vector<256x128xf32>
      %gt3A_840 = vector.broadcast %broadcast_in_dim3A_537 : vector<256x1xi32> to vector<256x128xi32>
      %gt3A_841 = arith.cmpi sgt, %add3A_836, %gt3A_840 : vector<256x128xi32>
      %and3A = arith.andi %eq3A_839, %gt3A_841 : vector<256x128xi1>
      %or3A = arith.ori %gt3A_837, %and3A : vector<256x128xi1>
      %jit3A_842 = arith.constant 3.000000e+38 : f32
      %broadcast_in_dim3A_843 = vector.broadcast %jit3A_842 : f32 to vector<256x128xf32>
      %select_n3A_844 = arith.select %or3A, %get3A_832, %broadcast_in_dim3A_843 : vector<256x128xi1>, vector<256x128xf32>
      %lt3A = arith.cmpf olt, %select_n3A_844, %scan3A_822 : vector<256x128xf32>
      %select_n3A_845 = arith.select %lt3A, %select_n3A_844, %scan3A_822 : vector<256x128xi1>, vector<256x128xf32>
      %broadcast_in_dim3A_846 = vector.broadcast %add3A_827 : i32 to vector<256x128xi32>
      %select_n3A_847 = arith.select %lt3A, %broadcast_in_dim3A_846, %scan3A_823 : vector<256x128xi1>, vector<256x128xi32>
      %mul3A_848 = arith.constant 2 : i32
      %mul3A_849 = arith.muli %scan3A_821, %mul3A_848 : i32
      %add3A_850 = arith.constant 1 : i32
      %add3A_851 = arith.addi %mul3A_849, %add3A_850 : i32
      %mul3A_852 = arith.constant 128 : i32
      %mul3A_853 = arith.muli %add3A_851, %mul3A_852 : i32
      %get3A_854 = arith.constant 0 : index
      %get3A_855 = arith.index_cast %mul3A_853 : i32 to index
      %get3A_856 = vector.load %arg6[%get3A_854, %get3A_855] : memref<256x10240xf32, #tpu.memory_space<vmem>>, vector<256x128xf32>
      %mul3A_857 = arith.constant 128 : i32
      %mul3A_858 = arith.muli %add3A_851, %mul3A_857 : i32
      %add3A_859 = vector.broadcast %mul3A_858 : i32 to vector<256x128xi32>
      %add3A_860 = arith.addi %iota3A_370, %add3A_859 : vector<256x128xi32>
      %gt3A_861 = vector.broadcast %broadcast_in_dim3A_525 : vector<256x1xf32> to vector<256x128xf32>
      %gt3A_862 = arith.cmpf ogt, %get3A_856, %gt3A_861 : vector<256x128xf32>
      %eq3A_863 = vector.broadcast %broadcast_in_dim3A_525 : vector<256x1xf32> to vector<256x128xf32>
      %eq3A_864 = arith.cmpf oeq, %get3A_856, %eq3A_863 : vector<256x128xf32>
      %gt3A_865 = vector.broadcast %broadcast_in_dim3A_537 : vector<256x1xi32> to vector<256x128xi32>
      %gt3A_866 = arith.cmpi sgt, %add3A_860, %gt3A_865 : vector<256x128xi32>
      %and3A_867 = arith.andi %eq3A_864, %gt3A_866 : vector<256x128xi1>
      %or3A_868 = arith.ori %gt3A_862, %and3A_867 : vector<256x128xi1>
      %jit3A_869 = arith.constant 3.000000e+38 : f32
      %broadcast_in_dim3A_870 = vector.broadcast %jit3A_869 : f32 to vector<256x128xf32>
      %select_n3A_871 = arith.select %or3A_868, %get3A_856, %broadcast_in_dim3A_870 : vector<256x128xi1>, vector<256x128xf32>
      %lt3A_872 = arith.cmpf olt, %select_n3A_871, %select_n3A_845 : vector<256x128xf32>
      %select_n3A_873 = arith.select %lt3A_872, %select_n3A_871, %select_n3A_845 : vector<256x128xi1>, vector<256x128xf32>
      %broadcast_in_dim3A_874 = vector.broadcast %add3A_851 : i32 to vector<256x128xi32>
      %select_n3A_875 = arith.select %lt3A_872, %broadcast_in_dim3A_874, %select_n3A_847 : vector<256x128xi1>, vector<256x128xi32>
      scf.yield %select_n3A_873, %select_n3A_875 : vector<256x128xf32>, vector<256x128xi32>
    }
    %scan3A_550 = arith.constant 40 : i32
    %reduce_min3A_551 = arith.constant dense<0x7F800000> : vector<256xf32>
    %reduce_min3A_552 = vector.multi_reduction <minimumf>, %scan3A_549#0, %reduce_min3A_551 [1] : vector<256x128xf32> to vector<256xf32>
    %broadcast_in_dim3A_553 = vector.shape_cast %reduce_min3A_552 : vector<256xf32> to vector<256x1xf32>
    %eq3A_554 = vector.broadcast %broadcast_in_dim3A_553 : vector<256x1xf32> to vector<256x128xf32>
    %eq3A_555 = arith.cmpf oeq, %scan3A_549#0, %eq3A_554 : vector<256x128xf32>
    %mul3A_556 = arith.constant 128 : i32
    %mul3A_557 = vector.broadcast %mul3A_556 : i32 to vector<256x128xi32>
    %mul3A_558 = arith.muli %scan3A_549#1, %mul3A_557 : vector<256x128xi32>
    %add3A_559 = arith.addi %mul3A_558, %iota3A_370 : vector<256x128xi32>
    %jit3A_560 = arith.constant 1073741824 : i32
    %broadcast_in_dim3A_561 = vector.broadcast %jit3A_560 : i32 to vector<256x128xi32>
    %select_n3A_562 = arith.select %eq3A_555, %add3A_559, %broadcast_in_dim3A_561 : vector<256x128xi1>, vector<256x128xi32>
    %reduce_min3A_563 = arith.constant dense<2147483647> : vector<256xi32>
    %reduce_min3A_564 = vector.multi_reduction <minsi>, %select_n3A_562, %reduce_min3A_563 [1] : vector<256x128xi32> to vector<256xi32>
    %broadcast_in_dim3A_565 = vector.shape_cast %reduce_min3A_564 : vector<256xi32> to vector<256x1xi32>
    %swap3A_566 = arith.constant 0 : index
    %swap3A_567 = arith.constant 6 : index
    %swap3A_568 = vector.load %arg5[%swap3A_566, %swap3A_567] : memref<256x16xi32, #tpu.memory_space<vmem>>, vector<256x1xi32>
    tpu.vector_store %arg5[%swap3A_566, %swap3A_567], %broadcast_in_dim3A_565 {strides = array<i32>} : memref<256x16xi32, #tpu.memory_space<vmem>>, vector<256x1xi32>,
    %broadcast_in_dim3A_569 = arith.constant 3.000000e+38 : f32
    %broadcast_in_dim3A_570 = vector.broadcast %broadcast_in_dim3A_569 : f32 to vector<256x128xf32>
    %broadcast_in_dim3A_571 = arith.constant 0 : i32
    %broadcast_in_dim3A_572 = vector.broadcast %broadcast_in_dim3A_571 : i32 to vector<256x128xi32>
    %scan3A_573 = arith.constant 0 : i32
    %scan3A_574 = arith.constant 40 : i32
    %scan3A_575 = arith.addi %scan3A_573, %scan3A_574 : i32
    %scan3A_576 = arith.constant 1 : i32
    %scan3A_577:2 = scf.for %scan3A_821 = %scan3A_573 to %scan3A_575 step %scan3A_576 iter_args(%scan3A_822 = %broadcast_in_dim3A_570, %scan3A_823 = %broadcast_in_dim3A_572) -> (vector<256x128xf32>, vector<256x128xi32>)  : i32 {
      %mul3A_824 = arith.constant 2 : i32
      %mul3A_825 = arith.muli %scan3A_821, %mul3A_824 : i32
      %add3A_826 = arith.constant 0 : i32
      %add3A_827 = arith.addi %mul3A_825, %add3A_826 : i32
      %mul3A_828 = arith.constant 128 : i32
      %mul3A_829 = arith.muli %add3A_827, %mul3A_828 : i32
      %get3A_830 = arith.constant 0 : index
      %get3A_831 = arith.index_cast %mul3A_829 : i32 to index
      %get3A_832 = vector.load %arg6[%get3A_830, %get3A_831] : memref<256x10240xf32, #tpu.memory_space<vmem>>, vector<256x128xf32>
      %mul3A_833 = arith.constant 128 : i32
      %mul3A_834 = arith.muli %add3A_827, %mul3A_833 : i32
      %add3A_835 = vector.broadcast %mul3A_834 : i32 to vector<256x128xi32>
      %add3A_836 = arith.addi %iota3A_370, %add3A_835 : vector<256x128xi32>
      %gt3A = vector.broadcast %broadcast_in_dim3A_553 : vector<256x1xf32> to vector<256x128xf32>
      %gt3A_837 = arith.cmpf ogt, %get3A_832, %gt3A : vector<256x128xf32>
      %eq3A_838 = vector.broadcast %broadcast_in_dim3A_553 : vector<256x1xf32> to vector<256x128xf32>
      %eq3A_839 = arith.cmpf oeq, %get3A_832, %eq3A_838 : vector<256x128xf32>
      %gt3A_840 = vector.broadcast %broadcast_in_dim3A_565 : vector<256x1xi32> to vector<256x128xi32>
      %gt3A_841 = arith.cmpi sgt, %add3A_836, %gt3A_840 : vector<256x128xi32>
      %and3A = arith.andi %eq3A_839, %gt3A_841 : vector<256x128xi1>
      %or3A = arith.ori %gt3A_837, %and3A : vector<256x128xi1>
      %jit3A_842 = arith.constant 3.000000e+38 : f32
      %broadcast_in_dim3A_843 = vector.broadcast %jit3A_842 : f32 to vector<256x128xf32>
      %select_n3A_844 = arith.select %or3A, %get3A_832, %broadcast_in_dim3A_843 : vector<256x128xi1>, vector<256x128xf32>
      %lt3A = arith.cmpf olt, %select_n3A_844, %scan3A_822 : vector<256x128xf32>
      %select_n3A_845 = arith.select %lt3A, %select_n3A_844, %scan3A_822 : vector<256x128xi1>, vector<256x128xf32>
      %broadcast_in_dim3A_846 = vector.broadcast %add3A_827 : i32 to vector<256x128xi32>
      %select_n3A_847 = arith.select %lt3A, %broadcast_in_dim3A_846, %scan3A_823 : vector<256x128xi1>, vector<256x128xi32>
      %mul3A_848 = arith.constant 2 : i32
      %mul3A_849 = arith.muli %scan3A_821, %mul3A_848 : i32
      %add3A_850 = arith.constant 1 : i32
      %add3A_851 = arith.addi %mul3A_849, %add3A_850 : i32
      %mul3A_852 = arith.constant 128 : i32
      %mul3A_853 = arith.muli %add3A_851, %mul3A_852 : i32
      %get3A_854 = arith.constant 0 : index
      %get3A_855 = arith.index_cast %mul3A_853 : i32 to index
      %get3A_856 = vector.load %arg6[%get3A_854, %get3A_855] : memref<256x10240xf32, #tpu.memory_space<vmem>>, vector<256x128xf32>
      %mul3A_857 = arith.constant 128 : i32
      %mul3A_858 = arith.muli %add3A_851, %mul3A_857 : i32
      %add3A_859 = vector.broadcast %mul3A_858 : i32 to vector<256x128xi32>
      %add3A_860 = arith.addi %iota3A_370, %add3A_859 : vector<256x128xi32>
      %gt3A_861 = vector.broadcast %broadcast_in_dim3A_553 : vector<256x1xf32> to vector<256x128xf32>
      %gt3A_862 = arith.cmpf ogt, %get3A_856, %gt3A_861 : vector<256x128xf32>
      %eq3A_863 = vector.broadcast %broadcast_in_dim3A_553 : vector<256x1xf32> to vector<256x128xf32>
      %eq3A_864 = arith.cmpf oeq, %get3A_856, %eq3A_863 : vector<256x128xf32>
      %gt3A_865 = vector.broadcast %broadcast_in_dim3A_565 : vector<256x1xi32> to vector<256x128xi32>
      %gt3A_866 = arith.cmpi sgt, %add3A_860, %gt3A_865 : vector<256x128xi32>
      %and3A_867 = arith.andi %eq3A_864, %gt3A_866 : vector<256x128xi1>
      %or3A_868 = arith.ori %gt3A_862, %and3A_867 : vector<256x128xi1>
      %jit3A_869 = arith.constant 3.000000e+38 : f32
      %broadcast_in_dim3A_870 = vector.broadcast %jit3A_869 : f32 to vector<256x128xf32>
      %select_n3A_871 = arith.select %or3A_868, %get3A_856, %broadcast_in_dim3A_870 : vector<256x128xi1>, vector<256x128xf32>
      %lt3A_872 = arith.cmpf olt, %select_n3A_871, %select_n3A_845 : vector<256x128xf32>
      %select_n3A_873 = arith.select %lt3A_872, %select_n3A_871, %select_n3A_845 : vector<256x128xi1>, vector<256x128xf32>
      %broadcast_in_dim3A_874 = vector.broadcast %add3A_851 : i32 to vector<256x128xi32>
      %select_n3A_875 = arith.select %lt3A_872, %broadcast_in_dim3A_874, %select_n3A_847 : vector<256x128xi1>, vector<256x128xi32>
      scf.yield %select_n3A_873, %select_n3A_875 : vector<256x128xf32>, vector<256x128xi32>
    }
    %scan3A_578 = arith.constant 40 : i32
    %reduce_min3A_579 = arith.constant dense<0x7F800000> : vector<256xf32>
    %reduce_min3A_580 = vector.multi_reduction <minimumf>, %scan3A_577#0, %reduce_min3A_579 [1] : vector<256x128xf32> to vector<256xf32>
    %broadcast_in_dim3A_581 = vector.shape_cast %reduce_min3A_580 : vector<256xf32> to vector<256x1xf32>
    %eq3A_582 = vector.broadcast %broadcast_in_dim3A_581 : vector<256x1xf32> to vector<256x128xf32>
    %eq3A_583 = arith.cmpf oeq, %scan3A_577#0, %eq3A_582 : vector<256x128xf32>
    %mul3A_584 = arith.constant 128 : i32
    %mul3A_585 = vector.broadcast %mul3A_584 : i32 to vector<256x128xi32>
    %mul3A_586 = arith.muli %scan3A_577#1, %mul3A_585 : vector<256x128xi32>
    %add3A_587 = arith.addi %mul3A_586, %iota3A_370 : vector<256x128xi32>
    %jit3A_588 = arith.constant 1073741824 : i32
    %broadcast_in_dim3A_589 = vector.broadcast %jit3A_588 : i32 to vector<256x128xi32>
    %select_n3A_590 = arith.select %eq3A_583, %add3A_587, %broadcast_in_dim3A_589 : vector<256x128xi1>, vector<256x128xi32>
    %reduce_min3A_591 = arith.constant dense<2147483647> : vector<256xi32>
    %reduce_min3A_592 = vector.multi_reduction <minsi>, %select_n3A_590, %reduce_min3A_591 [1] : vector<256x128xi32> to vector<256xi32>
    %broadcast_in_dim3A_593 = vector.shape_cast %reduce_min3A_592 : vector<256xi32> to vector<256x1xi32>
    %swap3A_594 = arith.constant 0 : index
    %swap3A_595 = arith.constant 7 : index
    %swap3A_596 = vector.load %arg5[%swap3A_594, %swap3A_595] : memref<256x16xi32, #tpu.memory_space<vmem>>, vector<256x1xi32>
    tpu.vector_store %arg5[%swap3A_594, %swap3A_595], %broadcast_in_dim3A_593 {strides = array<i32>} : memref<256x16xi32, #tpu.memory_space<vmem>>, vector<256x1xi32>,
    %broadcast_in_dim3A_597 = arith.constant 3.000000e+38 : f32
    %broadcast_in_dim3A_598 = vector.broadcast %broadcast_in_dim3A_597 : f32 to vector<256x128xf32>
    %broadcast_in_dim3A_599 = arith.constant 0 : i32
    %broadcast_in_dim3A_600 = vector.broadcast %broadcast_in_dim3A_599 : i32 to vector<256x128xi32>
    %scan3A_601 = arith.constant 0 : i32
    %scan3A_602 = arith.constant 40 : i32
    %scan3A_603 = arith.addi %scan3A_601, %scan3A_602 : i32
    %scan3A_604 = arith.constant 1 : i32
    %scan3A_605:2 = scf.for %scan3A_821 = %scan3A_601 to %scan3A_603 step %scan3A_604 iter_args(%scan3A_822 = %broadcast_in_dim3A_598, %scan3A_823 = %broadcast_in_dim3A_600) -> (vector<256x128xf32>, vector<256x128xi32>)  : i32 {
      %mul3A_824 = arith.constant 2 : i32
      %mul3A_825 = arith.muli %scan3A_821, %mul3A_824 : i32
      %add3A_826 = arith.constant 0 : i32
      %add3A_827 = arith.addi %mul3A_825, %add3A_826 : i32
      %mul3A_828 = arith.constant 128 : i32
      %mul3A_829 = arith.muli %add3A_827, %mul3A_828 : i32
      %get3A_830 = arith.constant 0 : index
      %get3A_831 = arith.index_cast %mul3A_829 : i32 to index
      %get3A_832 = vector.load %arg6[%get3A_830, %get3A_831] : memref<256x10240xf32, #tpu.memory_space<vmem>>, vector<256x128xf32>
      %mul3A_833 = arith.constant 128 : i32
      %mul3A_834 = arith.muli %add3A_827, %mul3A_833 : i32
      %add3A_835 = vector.broadcast %mul3A_834 : i32 to vector<256x128xi32>
      %add3A_836 = arith.addi %iota3A_370, %add3A_835 : vector<256x128xi32>
      %gt3A = vector.broadcast %broadcast_in_dim3A_581 : vector<256x1xf32> to vector<256x128xf32>
      %gt3A_837 = arith.cmpf ogt, %get3A_832, %gt3A : vector<256x128xf32>
      %eq3A_838 = vector.broadcast %broadcast_in_dim3A_581 : vector<256x1xf32> to vector<256x128xf32>
      %eq3A_839 = arith.cmpf oeq, %get3A_832, %eq3A_838 : vector<256x128xf32>
      %gt3A_840 = vector.broadcast %broadcast_in_dim3A_593 : vector<256x1xi32> to vector<256x128xi32>
      %gt3A_841 = arith.cmpi sgt, %add3A_836, %gt3A_840 : vector<256x128xi32>
      %and3A = arith.andi %eq3A_839, %gt3A_841 : vector<256x128xi1>
      %or3A = arith.ori %gt3A_837, %and3A : vector<256x128xi1>
      %jit3A_842 = arith.constant 3.000000e+38 : f32
      %broadcast_in_dim3A_843 = vector.broadcast %jit3A_842 : f32 to vector<256x128xf32>
      %select_n3A_844 = arith.select %or3A, %get3A_832, %broadcast_in_dim3A_843 : vector<256x128xi1>, vector<256x128xf32>
      %lt3A = arith.cmpf olt, %select_n3A_844, %scan3A_822 : vector<256x128xf32>
      %select_n3A_845 = arith.select %lt3A, %select_n3A_844, %scan3A_822 : vector<256x128xi1>, vector<256x128xf32>
      %broadcast_in_dim3A_846 = vector.broadcast %add3A_827 : i32 to vector<256x128xi32>
      %select_n3A_847 = arith.select %lt3A, %broadcast_in_dim3A_846, %scan3A_823 : vector<256x128xi1>, vector<256x128xi32>
      %mul3A_848 = arith.constant 2 : i32
      %mul3A_849 = arith.muli %scan3A_821, %mul3A_848 : i32
      %add3A_850 = arith.constant 1 : i32
      %add3A_851 = arith.addi %mul3A_849, %add3A_850 : i32
      %mul3A_852 = arith.constant 128 : i32
      %mul3A_853 = arith.muli %add3A_851, %mul3A_852 : i32
      %get3A_854 = arith.constant 0 : index
      %get3A_855 = arith.index_cast %mul3A_853 : i32 to index
      %get3A_856 = vector.load %arg6[%get3A_854, %get3A_855] : memref<256x10240xf32, #tpu.memory_space<vmem>>, vector<256x128xf32>
      %mul3A_857 = arith.constant 128 : i32
      %mul3A_858 = arith.muli %add3A_851, %mul3A_857 : i32
      %add3A_859 = vector.broadcast %mul3A_858 : i32 to vector<256x128xi32>
      %add3A_860 = arith.addi %iota3A_370, %add3A_859 : vector<256x128xi32>
      %gt3A_861 = vector.broadcast %broadcast_in_dim3A_581 : vector<256x1xf32> to vector<256x128xf32>
      %gt3A_862 = arith.cmpf ogt, %get3A_856, %gt3A_861 : vector<256x128xf32>
      %eq3A_863 = vector.broadcast %broadcast_in_dim3A_581 : vector<256x1xf32> to vector<256x128xf32>
      %eq3A_864 = arith.cmpf oeq, %get3A_856, %eq3A_863 : vector<256x128xf32>
      %gt3A_865 = vector.broadcast %broadcast_in_dim3A_593 : vector<256x1xi32> to vector<256x128xi32>
      %gt3A_866 = arith.cmpi sgt, %add3A_860, %gt3A_865 : vector<256x128xi32>
      %and3A_867 = arith.andi %eq3A_864, %gt3A_866 : vector<256x128xi1>
      %or3A_868 = arith.ori %gt3A_862, %and3A_867 : vector<256x128xi1>
      %jit3A_869 = arith.constant 3.000000e+38 : f32
      %broadcast_in_dim3A_870 = vector.broadcast %jit3A_869 : f32 to vector<256x128xf32>
      %select_n3A_871 = arith.select %or3A_868, %get3A_856, %broadcast_in_dim3A_870 : vector<256x128xi1>, vector<256x128xf32>
      %lt3A_872 = arith.cmpf olt, %select_n3A_871, %select_n3A_845 : vector<256x128xf32>
      %select_n3A_873 = arith.select %lt3A_872, %select_n3A_871, %select_n3A_845 : vector<256x128xi1>, vector<256x128xf32>
      %broadcast_in_dim3A_874 = vector.broadcast %add3A_851 : i32 to vector<256x128xi32>
      %select_n3A_875 = arith.select %lt3A_872, %broadcast_in_dim3A_874, %select_n3A_847 : vector<256x128xi1>, vector<256x128xi32>
      scf.yield %select_n3A_873, %select_n3A_875 : vector<256x128xf32>, vector<256x128xi32>
    }
    %scan3A_606 = arith.constant 40 : i32
    %reduce_min3A_607 = arith.constant dense<0x7F800000> : vector<256xf32>
    %reduce_min3A_608 = vector.multi_reduction <minimumf>, %scan3A_605#0, %reduce_min3A_607 [1] : vector<256x128xf32> to vector<256xf32>
    %broadcast_in_dim3A_609 = vector.shape_cast %reduce_min3A_608 : vector<256xf32> to vector<256x1xf32>
    %eq3A_610 = vector.broadcast %broadcast_in_dim3A_609 : vector<256x1xf32> to vector<256x128xf32>
    %eq3A_611 = arith.cmpf oeq, %scan3A_605#0, %eq3A_610 : vector<256x128xf32>
    %mul3A_612 = arith.constant 128 : i32
    %mul3A_613 = vector.broadcast %mul3A_612 : i32 to vector<256x128xi32>
    %mul3A_614 = arith.muli %scan3A_605#1, %mul3A_613 : vector<256x128xi32>
    %add3A_615 = arith.addi %mul3A_614, %iota3A_370 : vector<256x128xi32>
    %jit3A_616 = arith.constant 1073741824 : i32
    %broadcast_in_dim3A_617 = vector.broadcast %jit3A_616 : i32 to vector<256x128xi32>
    %select_n3A_618 = arith.select %eq3A_611, %add3A_615, %broadcast_in_dim3A_617 : vector<256x128xi1>, vector<256x128xi32>
    %reduce_min3A_619 = arith.constant dense<2147483647> : vector<256xi32>
    %reduce_min3A_620 = vector.multi_reduction <minsi>, %select_n3A_618, %reduce_min3A_619 [1] : vector<256x128xi32> to vector<256xi32>
    %broadcast_in_dim3A_621 = vector.shape_cast %reduce_min3A_620 : vector<256xi32> to vector<256x1xi32>
    %swap3A_622 = arith.constant 0 : index
    %swap3A_623 = arith.constant 8 : index
    %swap3A_624 = vector.load %arg5[%swap3A_622, %swap3A_623] : memref<256x16xi32, #tpu.memory_space<vmem>>, vector<256x1xi32>
    tpu.vector_store %arg5[%swap3A_622, %swap3A_623], %broadcast_in_dim3A_621 {strides = array<i32>} : memref<256x16xi32, #tpu.memory_space<vmem>>, vector<256x1xi32>,
    %broadcast_in_dim3A_625 = arith.constant 3.000000e+38 : f32
    %broadcast_in_dim3A_626 = vector.broadcast %broadcast_in_dim3A_625 : f32 to vector<256x128xf32>
    %broadcast_in_dim3A_627 = arith.constant 0 : i32
    %broadcast_in_dim3A_628 = vector.broadcast %broadcast_in_dim3A_627 : i32 to vector<256x128xi32>
    %scan3A_629 = arith.constant 0 : i32
    %scan3A_630 = arith.constant 40 : i32
    %scan3A_631 = arith.addi %scan3A_629, %scan3A_630 : i32
    %scan3A_632 = arith.constant 1 : i32
    %scan3A_633:2 = scf.for %scan3A_821 = %scan3A_629 to %scan3A_631 step %scan3A_632 iter_args(%scan3A_822 = %broadcast_in_dim3A_626, %scan3A_823 = %broadcast_in_dim3A_628) -> (vector<256x128xf32>, vector<256x128xi32>)  : i32 {
      %mul3A_824 = arith.constant 2 : i32
      %mul3A_825 = arith.muli %scan3A_821, %mul3A_824 : i32
      %add3A_826 = arith.constant 0 : i32
      %add3A_827 = arith.addi %mul3A_825, %add3A_826 : i32
      %mul3A_828 = arith.constant 128 : i32
      %mul3A_829 = arith.muli %add3A_827, %mul3A_828 : i32
      %get3A_830 = arith.constant 0 : index
      %get3A_831 = arith.index_cast %mul3A_829 : i32 to index
      %get3A_832 = vector.load %arg6[%get3A_830, %get3A_831] : memref<256x10240xf32, #tpu.memory_space<vmem>>, vector<256x128xf32>
      %mul3A_833 = arith.constant 128 : i32
      %mul3A_834 = arith.muli %add3A_827, %mul3A_833 : i32
      %add3A_835 = vector.broadcast %mul3A_834 : i32 to vector<256x128xi32>
      %add3A_836 = arith.addi %iota3A_370, %add3A_835 : vector<256x128xi32>
      %gt3A = vector.broadcast %broadcast_in_dim3A_609 : vector<256x1xf32> to vector<256x128xf32>
      %gt3A_837 = arith.cmpf ogt, %get3A_832, %gt3A : vector<256x128xf32>
      %eq3A_838 = vector.broadcast %broadcast_in_dim3A_609 : vector<256x1xf32> to vector<256x128xf32>
      %eq3A_839 = arith.cmpf oeq, %get3A_832, %eq3A_838 : vector<256x128xf32>
      %gt3A_840 = vector.broadcast %broadcast_in_dim3A_621 : vector<256x1xi32> to vector<256x128xi32>
      %gt3A_841 = arith.cmpi sgt, %add3A_836, %gt3A_840 : vector<256x128xi32>
      %and3A = arith.andi %eq3A_839, %gt3A_841 : vector<256x128xi1>
      %or3A = arith.ori %gt3A_837, %and3A : vector<256x128xi1>
      %jit3A_842 = arith.constant 3.000000e+38 : f32
      %broadcast_in_dim3A_843 = vector.broadcast %jit3A_842 : f32 to vector<256x128xf32>
      %select_n3A_844 = arith.select %or3A, %get3A_832, %broadcast_in_dim3A_843 : vector<256x128xi1>, vector<256x128xf32>
      %lt3A = arith.cmpf olt, %select_n3A_844, %scan3A_822 : vector<256x128xf32>
      %select_n3A_845 = arith.select %lt3A, %select_n3A_844, %scan3A_822 : vector<256x128xi1>, vector<256x128xf32>
      %broadcast_in_dim3A_846 = vector.broadcast %add3A_827 : i32 to vector<256x128xi32>
      %select_n3A_847 = arith.select %lt3A, %broadcast_in_dim3A_846, %scan3A_823 : vector<256x128xi1>, vector<256x128xi32>
      %mul3A_848 = arith.constant 2 : i32
      %mul3A_849 = arith.muli %scan3A_821, %mul3A_848 : i32
      %add3A_850 = arith.constant 1 : i32
      %add3A_851 = arith.addi %mul3A_849, %add3A_850 : i32
      %mul3A_852 = arith.constant 128 : i32
      %mul3A_853 = arith.muli %add3A_851, %mul3A_852 : i32
      %get3A_854 = arith.constant 0 : index
      %get3A_855 = arith.index_cast %mul3A_853 : i32 to index
      %get3A_856 = vector.load %arg6[%get3A_854, %get3A_855] : memref<256x10240xf32, #tpu.memory_space<vmem>>, vector<256x128xf32>
      %mul3A_857 = arith.constant 128 : i32
      %mul3A_858 = arith.muli %add3A_851, %mul3A_857 : i32
      %add3A_859 = vector.broadcast %mul3A_858 : i32 to vector<256x128xi32>
      %add3A_860 = arith.addi %iota3A_370, %add3A_859 : vector<256x128xi32>
      %gt3A_861 = vector.broadcast %broadcast_in_dim3A_609 : vector<256x1xf32> to vector<256x128xf32>
      %gt3A_862 = arith.cmpf ogt, %get3A_856, %gt3A_861 : vector<256x128xf32>
      %eq3A_863 = vector.broadcast %broadcast_in_dim3A_609 : vector<256x1xf32> to vector<256x128xf32>
      %eq3A_864 = arith.cmpf oeq, %get3A_856, %eq3A_863 : vector<256x128xf32>
      %gt3A_865 = vector.broadcast %broadcast_in_dim3A_621 : vector<256x1xi32> to vector<256x128xi32>
      %gt3A_866 = arith.cmpi sgt, %add3A_860, %gt3A_865 : vector<256x128xi32>
      %and3A_867 = arith.andi %eq3A_864, %gt3A_866 : vector<256x128xi1>
      %or3A_868 = arith.ori %gt3A_862, %and3A_867 : vector<256x128xi1>
      %jit3A_869 = arith.constant 3.000000e+38 : f32
      %broadcast_in_dim3A_870 = vector.broadcast %jit3A_869 : f32 to vector<256x128xf32>
      %select_n3A_871 = arith.select %or3A_868, %get3A_856, %broadcast_in_dim3A_870 : vector<256x128xi1>, vector<256x128xf32>
      %lt3A_872 = arith.cmpf olt, %select_n3A_871, %select_n3A_845 : vector<256x128xf32>
      %select_n3A_873 = arith.select %lt3A_872, %select_n3A_871, %select_n3A_845 : vector<256x128xi1>, vector<256x128xf32>
      %broadcast_in_dim3A_874 = vector.broadcast %add3A_851 : i32 to vector<256x128xi32>
      %select_n3A_875 = arith.select %lt3A_872, %broadcast_in_dim3A_874, %select_n3A_847 : vector<256x128xi1>, vector<256x128xi32>
      scf.yield %select_n3A_873, %select_n3A_875 : vector<256x128xf32>, vector<256x128xi32>
    }
    %scan3A_634 = arith.constant 40 : i32
    %reduce_min3A_635 = arith.constant dense<0x7F800000> : vector<256xf32>
    %reduce_min3A_636 = vector.multi_reduction <minimumf>, %scan3A_633#0, %reduce_min3A_635 [1] : vector<256x128xf32> to vector<256xf32>
    %broadcast_in_dim3A_637 = vector.shape_cast %reduce_min3A_636 : vector<256xf32> to vector<256x1xf32>
    %eq3A_638 = vector.broadcast %broadcast_in_dim3A_637 : vector<256x1xf32> to vector<256x128xf32>
    %eq3A_639 = arith.cmpf oeq, %scan3A_633#0, %eq3A_638 : vector<256x128xf32>
    %mul3A_640 = arith.constant 128 : i32
    %mul3A_641 = vector.broadcast %mul3A_640 : i32 to vector<256x128xi32>
    %mul3A_642 = arith.muli %scan3A_633#1, %mul3A_641 : vector<256x128xi32>
    %add3A_643 = arith.addi %mul3A_642, %iota3A_370 : vector<256x128xi32>
    %jit3A_644 = arith.constant 1073741824 : i32
    %broadcast_in_dim3A_645 = vector.broadcast %jit3A_644 : i32 to vector<256x128xi32>
    %select_n3A_646 = arith.select %eq3A_639, %add3A_643, %broadcast_in_dim3A_645 : vector<256x128xi1>, vector<256x128xi32>
    %reduce_min3A_647 = arith.constant dense<2147483647> : vector<256xi32>
    %reduce_min3A_648 = vector.multi_reduction <minsi>, %select_n3A_646, %reduce_min3A_647 [1] : vector<256x128xi32> to vector<256xi32>
    %broadcast_in_dim3A_649 = vector.shape_cast %reduce_min3A_648 : vector<256xi32> to vector<256x1xi32>
    %swap3A_650 = arith.constant 0 : index
    %swap3A_651 = arith.constant 9 : index
    %swap3A_652 = vector.load %arg5[%swap3A_650, %swap3A_651] : memref<256x16xi32, #tpu.memory_space<vmem>>, vector<256x1xi32>
    tpu.vector_store %arg5[%swap3A_650, %swap3A_651], %broadcast_in_dim3A_649 {strides = array<i32>} : memref<256x16xi32, #tpu.memory_space<vmem>>, vector<256x1xi32>,
    %broadcast_in_dim3A_653 = arith.constant 3.000000e+38 : f32
    %broadcast_in_dim3A_654 = vector.broadcast %broadcast_in_dim3A_653 : f32 to vector<256x128xf32>
    %broadcast_in_dim3A_655 = arith.constant 0 : i32
    %broadcast_in_dim3A_656 = vector.broadcast %broadcast_in_dim3A_655 : i32 to vector<256x128xi32>
    %scan3A_657 = arith.constant 0 : i32
    %scan3A_658 = arith.constant 40 : i32
    %scan3A_659 = arith.addi %scan3A_657, %scan3A_658 : i32
    %scan3A_660 = arith.constant 1 : i32
    %scan3A_661:2 = scf.for %scan3A_821 = %scan3A_657 to %scan3A_659 step %scan3A_660 iter_args(%scan3A_822 = %broadcast_in_dim3A_654, %scan3A_823 = %broadcast_in_dim3A_656) -> (vector<256x128xf32>, vector<256x128xi32>)  : i32 {
      %mul3A_824 = arith.constant 2 : i32
      %mul3A_825 = arith.muli %scan3A_821, %mul3A_824 : i32
      %add3A_826 = arith.constant 0 : i32
      %add3A_827 = arith.addi %mul3A_825, %add3A_826 : i32
      %mul3A_828 = arith.constant 128 : i32
      %mul3A_829 = arith.muli %add3A_827, %mul3A_828 : i32
      %get3A_830 = arith.constant 0 : index
      %get3A_831 = arith.index_cast %mul3A_829 : i32 to index
      %get3A_832 = vector.load %arg6[%get3A_830, %get3A_831] : memref<256x10240xf32, #tpu.memory_space<vmem>>, vector<256x128xf32>
      %mul3A_833 = arith.constant 128 : i32
      %mul3A_834 = arith.muli %add3A_827, %mul3A_833 : i32
      %add3A_835 = vector.broadcast %mul3A_834 : i32 to vector<256x128xi32>
      %add3A_836 = arith.addi %iota3A_370, %add3A_835 : vector<256x128xi32>
      %gt3A = vector.broadcast %broadcast_in_dim3A_637 : vector<256x1xf32> to vector<256x128xf32>
      %gt3A_837 = arith.cmpf ogt, %get3A_832, %gt3A : vector<256x128xf32>
      %eq3A_838 = vector.broadcast %broadcast_in_dim3A_637 : vector<256x1xf32> to vector<256x128xf32>
      %eq3A_839 = arith.cmpf oeq, %get3A_832, %eq3A_838 : vector<256x128xf32>
      %gt3A_840 = vector.broadcast %broadcast_in_dim3A_649 : vector<256x1xi32> to vector<256x128xi32>
      %gt3A_841 = arith.cmpi sgt, %add3A_836, %gt3A_840 : vector<256x128xi32>
      %and3A = arith.andi %eq3A_839, %gt3A_841 : vector<256x128xi1>
      %or3A = arith.ori %gt3A_837, %and3A : vector<256x128xi1>
      %jit3A_842 = arith.constant 3.000000e+38 : f32
      %broadcast_in_dim3A_843 = vector.broadcast %jit3A_842 : f32 to vector<256x128xf32>
      %select_n3A_844 = arith.select %or3A, %get3A_832, %broadcast_in_dim3A_843 : vector<256x128xi1>, vector<256x128xf32>
      %lt3A = arith.cmpf olt, %select_n3A_844, %scan3A_822 : vector<256x128xf32>
      %select_n3A_845 = arith.select %lt3A, %select_n3A_844, %scan3A_822 : vector<256x128xi1>, vector<256x128xf32>
      %broadcast_in_dim3A_846 = vector.broadcast %add3A_827 : i32 to vector<256x128xi32>
      %select_n3A_847 = arith.select %lt3A, %broadcast_in_dim3A_846, %scan3A_823 : vector<256x128xi1>, vector<256x128xi32>
      %mul3A_848 = arith.constant 2 : i32
      %mul3A_849 = arith.muli %scan3A_821, %mul3A_848 : i32
      %add3A_850 = arith.constant 1 : i32
      %add3A_851 = arith.addi %mul3A_849, %add3A_850 : i32
      %mul3A_852 = arith.constant 128 : i32
      %mul3A_853 = arith.muli %add3A_851, %mul3A_852 : i32
      %get3A_854 = arith.constant 0 : index
      %get3A_855 = arith.index_cast %mul3A_853 : i32 to index
      %get3A_856 = vector.load %arg6[%get3A_854, %get3A_855] : memref<256x10240xf32, #tpu.memory_space<vmem>>, vector<256x128xf32>
      %mul3A_857 = arith.constant 128 : i32
      %mul3A_858 = arith.muli %add3A_851, %mul3A_857 : i32
      %add3A_859 = vector.broadcast %mul3A_858 : i32 to vector<256x128xi32>
      %add3A_860 = arith.addi %iota3A_370, %add3A_859 : vector<256x128xi32>
      %gt3A_861 = vector.broadcast %broadcast_in_dim3A_637 : vector<256x1xf32> to vector<256x128xf32>
      %gt3A_862 = arith.cmpf ogt, %get3A_856, %gt3A_861 : vector<256x128xf32>
      %eq3A_863 = vector.broadcast %broadcast_in_dim3A_637 : vector<256x1xf32> to vector<256x128xf32>
      %eq3A_864 = arith.cmpf oeq, %get3A_856, %eq3A_863 : vector<256x128xf32>
      %gt3A_865 = vector.broadcast %broadcast_in_dim3A_649 : vector<256x1xi32> to vector<256x128xi32>
      %gt3A_866 = arith.cmpi sgt, %add3A_860, %gt3A_865 : vector<256x128xi32>
      %and3A_867 = arith.andi %eq3A_864, %gt3A_866 : vector<256x128xi1>
      %or3A_868 = arith.ori %gt3A_862, %and3A_867 : vector<256x128xi1>
      %jit3A_869 = arith.constant 3.000000e+38 : f32
      %broadcast_in_dim3A_870 = vector.broadcast %jit3A_869 : f32 to vector<256x128xf32>
      %select_n3A_871 = arith.select %or3A_868, %get3A_856, %broadcast_in_dim3A_870 : vector<256x128xi1>, vector<256x128xf32>
      %lt3A_872 = arith.cmpf olt, %select_n3A_871, %select_n3A_845 : vector<256x128xf32>
      %select_n3A_873 = arith.select %lt3A_872, %select_n3A_871, %select_n3A_845 : vector<256x128xi1>, vector<256x128xf32>
      %broadcast_in_dim3A_874 = vector.broadcast %add3A_851 : i32 to vector<256x128xi32>
      %select_n3A_875 = arith.select %lt3A_872, %broadcast_in_dim3A_874, %select_n3A_847 : vector<256x128xi1>, vector<256x128xi32>
      scf.yield %select_n3A_873, %select_n3A_875 : vector<256x128xf32>, vector<256x128xi32>
    }
    %scan3A_662 = arith.constant 40 : i32
    %reduce_min3A_663 = arith.constant dense<0x7F800000> : vector<256xf32>
    %reduce_min3A_664 = vector.multi_reduction <minimumf>, %scan3A_661#0, %reduce_min3A_663 [1] : vector<256x128xf32> to vector<256xf32>
    %broadcast_in_dim3A_665 = vector.shape_cast %reduce_min3A_664 : vector<256xf32> to vector<256x1xf32>
    %eq3A_666 = vector.broadcast %broadcast_in_dim3A_665 : vector<256x1xf32> to vector<256x128xf32>
    %eq3A_667 = arith.cmpf oeq, %scan3A_661#0, %eq3A_666 : vector<256x128xf32>
    %mul3A_668 = arith.constant 128 : i32
    %mul3A_669 = vector.broadcast %mul3A_668 : i32 to vector<256x128xi32>
    %mul3A_670 = arith.muli %scan3A_661#1, %mul3A_669 : vector<256x128xi32>
    %add3A_671 = arith.addi %mul3A_670, %iota3A_370 : vector<256x128xi32>
    %jit3A_672 = arith.constant 1073741824 : i32
    %broadcast_in_dim3A_673 = vector.broadcast %jit3A_672 : i32 to vector<256x128xi32>
    %select_n3A_674 = arith.select %eq3A_667, %add3A_671, %broadcast_in_dim3A_673 : vector<256x128xi1>, vector<256x128xi32>
    %reduce_min3A_675 = arith.constant dense<2147483647> : vector<256xi32>
    %reduce_min3A_676 = vector.multi_reduction <minsi>, %select_n3A_674, %reduce_min3A_675 [1] : vector<256x128xi32> to vector<256xi32>
    %broadcast_in_dim3A_677 = vector.shape_cast %reduce_min3A_676 : vector<256xi32> to vector<256x1xi32>
    %swap3A_678 = arith.constant 0 : index
    %swap3A_679 = arith.constant 10 : index
    %swap3A_680 = vector.load %arg5[%swap3A_678, %swap3A_679] : memref<256x16xi32, #tpu.memory_space<vmem>>, vector<256x1xi32>
    tpu.vector_store %arg5[%swap3A_678, %swap3A_679], %broadcast_in_dim3A_677 {strides = array<i32>} : memref<256x16xi32, #tpu.memory_space<vmem>>, vector<256x1xi32>,
    %broadcast_in_dim3A_681 = arith.constant 3.000000e+38 : f32
    %broadcast_in_dim3A_682 = vector.broadcast %broadcast_in_dim3A_681 : f32 to vector<256x128xf32>
    %broadcast_in_dim3A_683 = arith.constant 0 : i32
    %broadcast_in_dim3A_684 = vector.broadcast %broadcast_in_dim3A_683 : i32 to vector<256x128xi32>
    %scan3A_685 = arith.constant 0 : i32
    %scan3A_686 = arith.constant 40 : i32
    %scan3A_687 = arith.addi %scan3A_685, %scan3A_686 : i32
    %scan3A_688 = arith.constant 1 : i32
    %scan3A_689:2 = scf.for %scan3A_821 = %scan3A_685 to %scan3A_687 step %scan3A_688 iter_args(%scan3A_822 = %broadcast_in_dim3A_682, %scan3A_823 = %broadcast_in_dim3A_684) -> (vector<256x128xf32>, vector<256x128xi32>)  : i32 {
      %mul3A_824 = arith.constant 2 : i32
      %mul3A_825 = arith.muli %scan3A_821, %mul3A_824 : i32
      %add3A_826 = arith.constant 0 : i32
      %add3A_827 = arith.addi %mul3A_825, %add3A_826 : i32
      %mul3A_828 = arith.constant 128 : i32
      %mul3A_829 = arith.muli %add3A_827, %mul3A_828 : i32
      %get3A_830 = arith.constant 0 : index
      %get3A_831 = arith.index_cast %mul3A_829 : i32 to index
      %get3A_832 = vector.load %arg6[%get3A_830, %get3A_831] : memref<256x10240xf32, #tpu.memory_space<vmem>>, vector<256x128xf32>
      %mul3A_833 = arith.constant 128 : i32
      %mul3A_834 = arith.muli %add3A_827, %mul3A_833 : i32
      %add3A_835 = vector.broadcast %mul3A_834 : i32 to vector<256x128xi32>
      %add3A_836 = arith.addi %iota3A_370, %add3A_835 : vector<256x128xi32>
      %gt3A = vector.broadcast %broadcast_in_dim3A_665 : vector<256x1xf32> to vector<256x128xf32>
      %gt3A_837 = arith.cmpf ogt, %get3A_832, %gt3A : vector<256x128xf32>
      %eq3A_838 = vector.broadcast %broadcast_in_dim3A_665 : vector<256x1xf32> to vector<256x128xf32>
      %eq3A_839 = arith.cmpf oeq, %get3A_832, %eq3A_838 : vector<256x128xf32>
      %gt3A_840 = vector.broadcast %broadcast_in_dim3A_677 : vector<256x1xi32> to vector<256x128xi32>
      %gt3A_841 = arith.cmpi sgt, %add3A_836, %gt3A_840 : vector<256x128xi32>
      %and3A = arith.andi %eq3A_839, %gt3A_841 : vector<256x128xi1>
      %or3A = arith.ori %gt3A_837, %and3A : vector<256x128xi1>
      %jit3A_842 = arith.constant 3.000000e+38 : f32
      %broadcast_in_dim3A_843 = vector.broadcast %jit3A_842 : f32 to vector<256x128xf32>
      %select_n3A_844 = arith.select %or3A, %get3A_832, %broadcast_in_dim3A_843 : vector<256x128xi1>, vector<256x128xf32>
      %lt3A = arith.cmpf olt, %select_n3A_844, %scan3A_822 : vector<256x128xf32>
      %select_n3A_845 = arith.select %lt3A, %select_n3A_844, %scan3A_822 : vector<256x128xi1>, vector<256x128xf32>
      %broadcast_in_dim3A_846 = vector.broadcast %add3A_827 : i32 to vector<256x128xi32>
      %select_n3A_847 = arith.select %lt3A, %broadcast_in_dim3A_846, %scan3A_823 : vector<256x128xi1>, vector<256x128xi32>
      %mul3A_848 = arith.constant 2 : i32
      %mul3A_849 = arith.muli %scan3A_821, %mul3A_848 : i32
      %add3A_850 = arith.constant 1 : i32
      %add3A_851 = arith.addi %mul3A_849, %add3A_850 : i32
      %mul3A_852 = arith.constant 128 : i32
      %mul3A_853 = arith.muli %add3A_851, %mul3A_852 : i32
      %get3A_854 = arith.constant 0 : index
      %get3A_855 = arith.index_cast %mul3A_853 : i32 to index
      %get3A_856 = vector.load %arg6[%get3A_854, %get3A_855] : memref<256x10240xf32, #tpu.memory_space<vmem>>, vector<256x128xf32>
      %mul3A_857 = arith.constant 128 : i32
      %mul3A_858 = arith.muli %add3A_851, %mul3A_857 : i32
      %add3A_859 = vector.broadcast %mul3A_858 : i32 to vector<256x128xi32>
      %add3A_860 = arith.addi %iota3A_370, %add3A_859 : vector<256x128xi32>
      %gt3A_861 = vector.broadcast %broadcast_in_dim3A_665 : vector<256x1xf32> to vector<256x128xf32>
      %gt3A_862 = arith.cmpf ogt, %get3A_856, %gt3A_861 : vector<256x128xf32>
      %eq3A_863 = vector.broadcast %broadcast_in_dim3A_665 : vector<256x1xf32> to vector<256x128xf32>
      %eq3A_864 = arith.cmpf oeq, %get3A_856, %eq3A_863 : vector<256x128xf32>
      %gt3A_865 = vector.broadcast %broadcast_in_dim3A_677 : vector<256x1xi32> to vector<256x128xi32>
      %gt3A_866 = arith.cmpi sgt, %add3A_860, %gt3A_865 : vector<256x128xi32>
      %and3A_867 = arith.andi %eq3A_864, %gt3A_866 : vector<256x128xi1>
      %or3A_868 = arith.ori %gt3A_862, %and3A_867 : vector<256x128xi1>
      %jit3A_869 = arith.constant 3.000000e+38 : f32
      %broadcast_in_dim3A_870 = vector.broadcast %jit3A_869 : f32 to vector<256x128xf32>
      %select_n3A_871 = arith.select %or3A_868, %get3A_856, %broadcast_in_dim3A_870 : vector<256x128xi1>, vector<256x128xf32>
      %lt3A_872 = arith.cmpf olt, %select_n3A_871, %select_n3A_845 : vector<256x128xf32>
      %select_n3A_873 = arith.select %lt3A_872, %select_n3A_871, %select_n3A_845 : vector<256x128xi1>, vector<256x128xf32>
      %broadcast_in_dim3A_874 = vector.broadcast %add3A_851 : i32 to vector<256x128xi32>
      %select_n3A_875 = arith.select %lt3A_872, %broadcast_in_dim3A_874, %select_n3A_847 : vector<256x128xi1>, vector<256x128xi32>
      scf.yield %select_n3A_873, %select_n3A_875 : vector<256x128xf32>, vector<256x128xi32>
    }
    %scan3A_690 = arith.constant 40 : i32
    %reduce_min3A_691 = arith.constant dense<0x7F800000> : vector<256xf32>
    %reduce_min3A_692 = vector.multi_reduction <minimumf>, %scan3A_689#0, %reduce_min3A_691 [1] : vector<256x128xf32> to vector<256xf32>
    %broadcast_in_dim3A_693 = vector.shape_cast %reduce_min3A_692 : vector<256xf32> to vector<256x1xf32>
    %eq3A_694 = vector.broadcast %broadcast_in_dim3A_693 : vector<256x1xf32> to vector<256x128xf32>
    %eq3A_695 = arith.cmpf oeq, %scan3A_689#0, %eq3A_694 : vector<256x128xf32>
    %mul3A_696 = arith.constant 128 : i32
    %mul3A_697 = vector.broadcast %mul3A_696 : i32 to vector<256x128xi32>
    %mul3A_698 = arith.muli %scan3A_689#1, %mul3A_697 : vector<256x128xi32>
    %add3A_699 = arith.addi %mul3A_698, %iota3A_370 : vector<256x128xi32>
    %jit3A_700 = arith.constant 1073741824 : i32
    %broadcast_in_dim3A_701 = vector.broadcast %jit3A_700 : i32 to vector<256x128xi32>
    %select_n3A_702 = arith.select %eq3A_695, %add3A_699, %broadcast_in_dim3A_701 : vector<256x128xi1>, vector<256x128xi32>
    %reduce_min3A_703 = arith.constant dense<2147483647> : vector<256xi32>
    %reduce_min3A_704 = vector.multi_reduction <minsi>, %select_n3A_702, %reduce_min3A_703 [1] : vector<256x128xi32> to vector<256xi32>
    %broadcast_in_dim3A_705 = vector.shape_cast %reduce_min3A_704 : vector<256xi32> to vector<256x1xi32>
    %swap3A_706 = arith.constant 0 : index
    %swap3A_707 = arith.constant 11 : index
    %swap3A_708 = vector.load %arg5[%swap3A_706, %swap3A_707] : memref<256x16xi32, #tpu.memory_space<vmem>>, vector<256x1xi32>
    tpu.vector_store %arg5[%swap3A_706, %swap3A_707], %broadcast_in_dim3A_705 {strides = array<i32>} : memref<256x16xi32, #tpu.memory_space<vmem>>, vector<256x1xi32>,
    %broadcast_in_dim3A_709 = arith.constant 3.000000e+38 : f32
    %broadcast_in_dim3A_710 = vector.broadcast %broadcast_in_dim3A_709 : f32 to vector<256x128xf32>
    %broadcast_in_dim3A_711 = arith.constant 0 : i32
    %broadcast_in_dim3A_712 = vector.broadcast %broadcast_in_dim3A_711 : i32 to vector<256x128xi32>
    %scan3A_713 = arith.constant 0 : i32
    %scan3A_714 = arith.constant 40 : i32
    %scan3A_715 = arith.addi %scan3A_713, %scan3A_714 : i32
    %scan3A_716 = arith.constant 1 : i32
    %scan3A_717:2 = scf.for %scan3A_821 = %scan3A_713 to %scan3A_715 step %scan3A_716 iter_args(%scan3A_822 = %broadcast_in_dim3A_710, %scan3A_823 = %broadcast_in_dim3A_712) -> (vector<256x128xf32>, vector<256x128xi32>)  : i32 {
      %mul3A_824 = arith.constant 2 : i32
      %mul3A_825 = arith.muli %scan3A_821, %mul3A_824 : i32
      %add3A_826 = arith.constant 0 : i32
      %add3A_827 = arith.addi %mul3A_825, %add3A_826 : i32
      %mul3A_828 = arith.constant 128 : i32
      %mul3A_829 = arith.muli %add3A_827, %mul3A_828 : i32
      %get3A_830 = arith.constant 0 : index
      %get3A_831 = arith.index_cast %mul3A_829 : i32 to index
      %get3A_832 = vector.load %arg6[%get3A_830, %get3A_831] : memref<256x10240xf32, #tpu.memory_space<vmem>>, vector<256x128xf32>
      %mul3A_833 = arith.constant 128 : i32
      %mul3A_834 = arith.muli %add3A_827, %mul3A_833 : i32
      %add3A_835 = vector.broadcast %mul3A_834 : i32 to vector<256x128xi32>
      %add3A_836 = arith.addi %iota3A_370, %add3A_835 : vector<256x128xi32>
      %gt3A = vector.broadcast %broadcast_in_dim3A_693 : vector<256x1xf32> to vector<256x128xf32>
      %gt3A_837 = arith.cmpf ogt, %get3A_832, %gt3A : vector<256x128xf32>
      %eq3A_838 = vector.broadcast %broadcast_in_dim3A_693 : vector<256x1xf32> to vector<256x128xf32>
      %eq3A_839 = arith.cmpf oeq, %get3A_832, %eq3A_838 : vector<256x128xf32>
      %gt3A_840 = vector.broadcast %broadcast_in_dim3A_705 : vector<256x1xi32> to vector<256x128xi32>
      %gt3A_841 = arith.cmpi sgt, %add3A_836, %gt3A_840 : vector<256x128xi32>
      %and3A = arith.andi %eq3A_839, %gt3A_841 : vector<256x128xi1>
      %or3A = arith.ori %gt3A_837, %and3A : vector<256x128xi1>
      %jit3A_842 = arith.constant 3.000000e+38 : f32
      %broadcast_in_dim3A_843 = vector.broadcast %jit3A_842 : f32 to vector<256x128xf32>
      %select_n3A_844 = arith.select %or3A, %get3A_832, %broadcast_in_dim3A_843 : vector<256x128xi1>, vector<256x128xf32>
      %lt3A = arith.cmpf olt, %select_n3A_844, %scan3A_822 : vector<256x128xf32>
      %select_n3A_845 = arith.select %lt3A, %select_n3A_844, %scan3A_822 : vector<256x128xi1>, vector<256x128xf32>
      %broadcast_in_dim3A_846 = vector.broadcast %add3A_827 : i32 to vector<256x128xi32>
      %select_n3A_847 = arith.select %lt3A, %broadcast_in_dim3A_846, %scan3A_823 : vector<256x128xi1>, vector<256x128xi32>
      %mul3A_848 = arith.constant 2 : i32
      %mul3A_849 = arith.muli %scan3A_821, %mul3A_848 : i32
      %add3A_850 = arith.constant 1 : i32
      %add3A_851 = arith.addi %mul3A_849, %add3A_850 : i32
      %mul3A_852 = arith.constant 128 : i32
      %mul3A_853 = arith.muli %add3A_851, %mul3A_852 : i32
      %get3A_854 = arith.constant 0 : index
      %get3A_855 = arith.index_cast %mul3A_853 : i32 to index
      %get3A_856 = vector.load %arg6[%get3A_854, %get3A_855] : memref<256x10240xf32, #tpu.memory_space<vmem>>, vector<256x128xf32>
      %mul3A_857 = arith.constant 128 : i32
      %mul3A_858 = arith.muli %add3A_851, %mul3A_857 : i32
      %add3A_859 = vector.broadcast %mul3A_858 : i32 to vector<256x128xi32>
      %add3A_860 = arith.addi %iota3A_370, %add3A_859 : vector<256x128xi32>
      %gt3A_861 = vector.broadcast %broadcast_in_dim3A_693 : vector<256x1xf32> to vector<256x128xf32>
      %gt3A_862 = arith.cmpf ogt, %get3A_856, %gt3A_861 : vector<256x128xf32>
      %eq3A_863 = vector.broadcast %broadcast_in_dim3A_693 : vector<256x1xf32> to vector<256x128xf32>
      %eq3A_864 = arith.cmpf oeq, %get3A_856, %eq3A_863 : vector<256x128xf32>
      %gt3A_865 = vector.broadcast %broadcast_in_dim3A_705 : vector<256x1xi32> to vector<256x128xi32>
      %gt3A_866 = arith.cmpi sgt, %add3A_860, %gt3A_865 : vector<256x128xi32>
      %and3A_867 = arith.andi %eq3A_864, %gt3A_866 : vector<256x128xi1>
      %or3A_868 = arith.ori %gt3A_862, %and3A_867 : vector<256x128xi1>
      %jit3A_869 = arith.constant 3.000000e+38 : f32
      %broadcast_in_dim3A_870 = vector.broadcast %jit3A_869 : f32 to vector<256x128xf32>
      %select_n3A_871 = arith.select %or3A_868, %get3A_856, %broadcast_in_dim3A_870 : vector<256x128xi1>, vector<256x128xf32>
      %lt3A_872 = arith.cmpf olt, %select_n3A_871, %select_n3A_845 : vector<256x128xf32>
      %select_n3A_873 = arith.select %lt3A_872, %select_n3A_871, %select_n3A_845 : vector<256x128xi1>, vector<256x128xf32>
      %broadcast_in_dim3A_874 = vector.broadcast %add3A_851 : i32 to vector<256x128xi32>
      %select_n3A_875 = arith.select %lt3A_872, %broadcast_in_dim3A_874, %select_n3A_847 : vector<256x128xi1>, vector<256x128xi32>
      scf.yield %select_n3A_873, %select_n3A_875 : vector<256x128xf32>, vector<256x128xi32>
    }
    %scan3A_718 = arith.constant 40 : i32
    %reduce_min3A_719 = arith.constant dense<0x7F800000> : vector<256xf32>
    %reduce_min3A_720 = vector.multi_reduction <minimumf>, %scan3A_717#0, %reduce_min3A_719 [1] : vector<256x128xf32> to vector<256xf32>
    %broadcast_in_dim3A_721 = vector.shape_cast %reduce_min3A_720 : vector<256xf32> to vector<256x1xf32>
    %eq3A_722 = vector.broadcast %broadcast_in_dim3A_721 : vector<256x1xf32> to vector<256x128xf32>
    %eq3A_723 = arith.cmpf oeq, %scan3A_717#0, %eq3A_722 : vector<256x128xf32>
    %mul3A_724 = arith.constant 128 : i32
    %mul3A_725 = vector.broadcast %mul3A_724 : i32 to vector<256x128xi32>
    %mul3A_726 = arith.muli %scan3A_717#1, %mul3A_725 : vector<256x128xi32>
    %add3A_727 = arith.addi %mul3A_726, %iota3A_370 : vector<256x128xi32>
    %jit3A_728 = arith.constant 1073741824 : i32
    %broadcast_in_dim3A_729 = vector.broadcast %jit3A_728 : i32 to vector<256x128xi32>
    %select_n3A_730 = arith.select %eq3A_723, %add3A_727, %broadcast_in_dim3A_729 : vector<256x128xi1>, vector<256x128xi32>
    %reduce_min3A_731 = arith.constant dense<2147483647> : vector<256xi32>
    %reduce_min3A_732 = vector.multi_reduction <minsi>, %select_n3A_730, %reduce_min3A_731 [1] : vector<256x128xi32> to vector<256xi32>
    %broadcast_in_dim3A_733 = vector.shape_cast %reduce_min3A_732 : vector<256xi32> to vector<256x1xi32>
    %swap3A_734 = arith.constant 0 : index
    %swap3A_735 = arith.constant 12 : index
    %swap3A_736 = vector.load %arg5[%swap3A_734, %swap3A_735] : memref<256x16xi32, #tpu.memory_space<vmem>>, vector<256x1xi32>
    tpu.vector_store %arg5[%swap3A_734, %swap3A_735], %broadcast_in_dim3A_733 {strides = array<i32>} : memref<256x16xi32, #tpu.memory_space<vmem>>, vector<256x1xi32>,
    %broadcast_in_dim3A_737 = arith.constant 3.000000e+38 : f32
    %broadcast_in_dim3A_738 = vector.broadcast %broadcast_in_dim3A_737 : f32 to vector<256x128xf32>
    %broadcast_in_dim3A_739 = arith.constant 0 : i32
    %broadcast_in_dim3A_740 = vector.broadcast %broadcast_in_dim3A_739 : i32 to vector<256x128xi32>
    %scan3A_741 = arith.constant 0 : i32
    %scan3A_742 = arith.constant 40 : i32
    %scan3A_743 = arith.addi %scan3A_741, %scan3A_742 : i32
    %scan3A_744 = arith.constant 1 : i32
    %scan3A_745:2 = scf.for %scan3A_821 = %scan3A_741 to %scan3A_743 step %scan3A_744 iter_args(%scan3A_822 = %broadcast_in_dim3A_738, %scan3A_823 = %broadcast_in_dim3A_740) -> (vector<256x128xf32>, vector<256x128xi32>)  : i32 {
      %mul3A_824 = arith.constant 2 : i32
      %mul3A_825 = arith.muli %scan3A_821, %mul3A_824 : i32
      %add3A_826 = arith.constant 0 : i32
      %add3A_827 = arith.addi %mul3A_825, %add3A_826 : i32
      %mul3A_828 = arith.constant 128 : i32
      %mul3A_829 = arith.muli %add3A_827, %mul3A_828 : i32
      %get3A_830 = arith.constant 0 : index
      %get3A_831 = arith.index_cast %mul3A_829 : i32 to index
      %get3A_832 = vector.load %arg6[%get3A_830, %get3A_831] : memref<256x10240xf32, #tpu.memory_space<vmem>>, vector<256x128xf32>
      %mul3A_833 = arith.constant 128 : i32
      %mul3A_834 = arith.muli %add3A_827, %mul3A_833 : i32
      %add3A_835 = vector.broadcast %mul3A_834 : i32 to vector<256x128xi32>
      %add3A_836 = arith.addi %iota3A_370, %add3A_835 : vector<256x128xi32>
      %gt3A = vector.broadcast %broadcast_in_dim3A_721 : vector<256x1xf32> to vector<256x128xf32>
      %gt3A_837 = arith.cmpf ogt, %get3A_832, %gt3A : vector<256x128xf32>
      %eq3A_838 = vector.broadcast %broadcast_in_dim3A_721 : vector<256x1xf32> to vector<256x128xf32>
      %eq3A_839 = arith.cmpf oeq, %get3A_832, %eq3A_838 : vector<256x128xf32>
      %gt3A_840 = vector.broadcast %broadcast_in_dim3A_733 : vector<256x1xi32> to vector<256x128xi32>
      %gt3A_841 = arith.cmpi sgt, %add3A_836, %gt3A_840 : vector<256x128xi32>
      %and3A = arith.andi %eq3A_839, %gt3A_841 : vector<256x128xi1>
      %or3A = arith.ori %gt3A_837, %and3A : vector<256x128xi1>
      %jit3A_842 = arith.constant 3.000000e+38 : f32
      %broadcast_in_dim3A_843 = vector.broadcast %jit3A_842 : f32 to vector<256x128xf32>
      %select_n3A_844 = arith.select %or3A, %get3A_832, %broadcast_in_dim3A_843 : vector<256x128xi1>, vector<256x128xf32>
      %lt3A = arith.cmpf olt, %select_n3A_844, %scan3A_822 : vector<256x128xf32>
      %select_n3A_845 = arith.select %lt3A, %select_n3A_844, %scan3A_822 : vector<256x128xi1>, vector<256x128xf32>
      %broadcast_in_dim3A_846 = vector.broadcast %add3A_827 : i32 to vector<256x128xi32>
      %select_n3A_847 = arith.select %lt3A, %broadcast_in_dim3A_846, %scan3A_823 : vector<256x128xi1>, vector<256x128xi32>
      %mul3A_848 = arith.constant 2 : i32
      %mul3A_849 = arith.muli %scan3A_821, %mul3A_848 : i32
      %add3A_850 = arith.constant 1 : i32
      %add3A_851 = arith.addi %mul3A_849, %add3A_850 : i32
      %mul3A_852 = arith.constant 128 : i32
      %mul3A_853 = arith.muli %add3A_851, %mul3A_852 : i32
      %get3A_854 = arith.constant 0 : index
      %get3A_855 = arith.index_cast %mul3A_853 : i32 to index
      %get3A_856 = vector.load %arg6[%get3A_854, %get3A_855] : memref<256x10240xf32, #tpu.memory_space<vmem>>, vector<256x128xf32>
      %mul3A_857 = arith.constant 128 : i32
      %mul3A_858 = arith.muli %add3A_851, %mul3A_857 : i32
      %add3A_859 = vector.broadcast %mul3A_858 : i32 to vector<256x128xi32>
      %add3A_860 = arith.addi %iota3A_370, %add3A_859 : vector<256x128xi32>
      %gt3A_861 = vector.broadcast %broadcast_in_dim3A_721 : vector<256x1xf32> to vector<256x128xf32>
      %gt3A_862 = arith.cmpf ogt, %get3A_856, %gt3A_861 : vector<256x128xf32>
      %eq3A_863 = vector.broadcast %broadcast_in_dim3A_721 : vector<256x1xf32> to vector<256x128xf32>
      %eq3A_864 = arith.cmpf oeq, %get3A_856, %eq3A_863 : vector<256x128xf32>
      %gt3A_865 = vector.broadcast %broadcast_in_dim3A_733 : vector<256x1xi32> to vector<256x128xi32>
      %gt3A_866 = arith.cmpi sgt, %add3A_860, %gt3A_865 : vector<256x128xi32>
      %and3A_867 = arith.andi %eq3A_864, %gt3A_866 : vector<256x128xi1>
      %or3A_868 = arith.ori %gt3A_862, %and3A_867 : vector<256x128xi1>
      %jit3A_869 = arith.constant 3.000000e+38 : f32
      %broadcast_in_dim3A_870 = vector.broadcast %jit3A_869 : f32 to vector<256x128xf32>
      %select_n3A_871 = arith.select %or3A_868, %get3A_856, %broadcast_in_dim3A_870 : vector<256x128xi1>, vector<256x128xf32>
      %lt3A_872 = arith.cmpf olt, %select_n3A_871, %select_n3A_845 : vector<256x128xf32>
      %select_n3A_873 = arith.select %lt3A_872, %select_n3A_871, %select_n3A_845 : vector<256x128xi1>, vector<256x128xf32>
      %broadcast_in_dim3A_874 = vector.broadcast %add3A_851 : i32 to vector<256x128xi32>
      %select_n3A_875 = arith.select %lt3A_872, %broadcast_in_dim3A_874, %select_n3A_847 : vector<256x128xi1>, vector<256x128xi32>
      scf.yield %select_n3A_873, %select_n3A_875 : vector<256x128xf32>, vector<256x128xi32>
    }
    %scan3A_746 = arith.constant 40 : i32
    %reduce_min3A_747 = arith.constant dense<0x7F800000> : vector<256xf32>
    %reduce_min3A_748 = vector.multi_reduction <minimumf>, %scan3A_745#0, %reduce_min3A_747 [1] : vector<256x128xf32> to vector<256xf32>
    %broadcast_in_dim3A_749 = vector.shape_cast %reduce_min3A_748 : vector<256xf32> to vector<256x1xf32>
    %eq3A_750 = vector.broadcast %broadcast_in_dim3A_749 : vector<256x1xf32> to vector<256x128xf32>
    %eq3A_751 = arith.cmpf oeq, %scan3A_745#0, %eq3A_750 : vector<256x128xf32>
    %mul3A_752 = arith.constant 128 : i32
    %mul3A_753 = vector.broadcast %mul3A_752 : i32 to vector<256x128xi32>
    %mul3A_754 = arith.muli %scan3A_745#1, %mul3A_753 : vector<256x128xi32>
    %add3A_755 = arith.addi %mul3A_754, %iota3A_370 : vector<256x128xi32>
    %jit3A_756 = arith.constant 1073741824 : i32
    %broadcast_in_dim3A_757 = vector.broadcast %jit3A_756 : i32 to vector<256x128xi32>
    %select_n3A_758 = arith.select %eq3A_751, %add3A_755, %broadcast_in_dim3A_757 : vector<256x128xi1>, vector<256x128xi32>
    %reduce_min3A_759 = arith.constant dense<2147483647> : vector<256xi32>
    %reduce_min3A_760 = vector.multi_reduction <minsi>, %select_n3A_758, %reduce_min3A_759 [1] : vector<256x128xi32> to vector<256xi32>
    %broadcast_in_dim3A_761 = vector.shape_cast %reduce_min3A_760 : vector<256xi32> to vector<256x1xi32>
    %swap3A_762 = arith.constant 0 : index
    %swap3A_763 = arith.constant 13 : index
    %swap3A_764 = vector.load %arg5[%swap3A_762, %swap3A_763] : memref<256x16xi32, #tpu.memory_space<vmem>>, vector<256x1xi32>
    tpu.vector_store %arg5[%swap3A_762, %swap3A_763], %broadcast_in_dim3A_761 {strides = array<i32>} : memref<256x16xi32, #tpu.memory_space<vmem>>, vector<256x1xi32>,
    %broadcast_in_dim3A_765 = arith.constant 3.000000e+38 : f32
    %broadcast_in_dim3A_766 = vector.broadcast %broadcast_in_dim3A_765 : f32 to vector<256x128xf32>
    %broadcast_in_dim3A_767 = arith.constant 0 : i32
    %broadcast_in_dim3A_768 = vector.broadcast %broadcast_in_dim3A_767 : i32 to vector<256x128xi32>
    %scan3A_769 = arith.constant 0 : i32
    %scan3A_770 = arith.constant 40 : i32
    %scan3A_771 = arith.addi %scan3A_769, %scan3A_770 : i32
    %scan3A_772 = arith.constant 1 : i32
    %scan3A_773:2 = scf.for %scan3A_821 = %scan3A_769 to %scan3A_771 step %scan3A_772 iter_args(%scan3A_822 = %broadcast_in_dim3A_766, %scan3A_823 = %broadcast_in_dim3A_768) -> (vector<256x128xf32>, vector<256x128xi32>)  : i32 {
      %mul3A_824 = arith.constant 2 : i32
      %mul3A_825 = arith.muli %scan3A_821, %mul3A_824 : i32
      %add3A_826 = arith.constant 0 : i32
      %add3A_827 = arith.addi %mul3A_825, %add3A_826 : i32
      %mul3A_828 = arith.constant 128 : i32
      %mul3A_829 = arith.muli %add3A_827, %mul3A_828 : i32
      %get3A_830 = arith.constant 0 : index
      %get3A_831 = arith.index_cast %mul3A_829 : i32 to index
      %get3A_832 = vector.load %arg6[%get3A_830, %get3A_831] : memref<256x10240xf32, #tpu.memory_space<vmem>>, vector<256x128xf32>
      %mul3A_833 = arith.constant 128 : i32
      %mul3A_834 = arith.muli %add3A_827, %mul3A_833 : i32
      %add3A_835 = vector.broadcast %mul3A_834 : i32 to vector<256x128xi32>
      %add3A_836 = arith.addi %iota3A_370, %add3A_835 : vector<256x128xi32>
      %gt3A = vector.broadcast %broadcast_in_dim3A_749 : vector<256x1xf32> to vector<256x128xf32>
      %gt3A_837 = arith.cmpf ogt, %get3A_832, %gt3A : vector<256x128xf32>
      %eq3A_838 = vector.broadcast %broadcast_in_dim3A_749 : vector<256x1xf32> to vector<256x128xf32>
      %eq3A_839 = arith.cmpf oeq, %get3A_832, %eq3A_838 : vector<256x128xf32>
      %gt3A_840 = vector.broadcast %broadcast_in_dim3A_761 : vector<256x1xi32> to vector<256x128xi32>
      %gt3A_841 = arith.cmpi sgt, %add3A_836, %gt3A_840 : vector<256x128xi32>
      %and3A = arith.andi %eq3A_839, %gt3A_841 : vector<256x128xi1>
      %or3A = arith.ori %gt3A_837, %and3A : vector<256x128xi1>
      %jit3A_842 = arith.constant 3.000000e+38 : f32
      %broadcast_in_dim3A_843 = vector.broadcast %jit3A_842 : f32 to vector<256x128xf32>
      %select_n3A_844 = arith.select %or3A, %get3A_832, %broadcast_in_dim3A_843 : vector<256x128xi1>, vector<256x128xf32>
      %lt3A = arith.cmpf olt, %select_n3A_844, %scan3A_822 : vector<256x128xf32>
      %select_n3A_845 = arith.select %lt3A, %select_n3A_844, %scan3A_822 : vector<256x128xi1>, vector<256x128xf32>
      %broadcast_in_dim3A_846 = vector.broadcast %add3A_827 : i32 to vector<256x128xi32>
      %select_n3A_847 = arith.select %lt3A, %broadcast_in_dim3A_846, %scan3A_823 : vector<256x128xi1>, vector<256x128xi32>
      %mul3A_848 = arith.constant 2 : i32
      %mul3A_849 = arith.muli %scan3A_821, %mul3A_848 : i32
      %add3A_850 = arith.constant 1 : i32
      %add3A_851 = arith.addi %mul3A_849, %add3A_850 : i32
      %mul3A_852 = arith.constant 128 : i32
      %mul3A_853 = arith.muli %add3A_851, %mul3A_852 : i32
      %get3A_854 = arith.constant 0 : index
      %get3A_855 = arith.index_cast %mul3A_853 : i32 to index
      %get3A_856 = vector.load %arg6[%get3A_854, %get3A_855] : memref<256x10240xf32, #tpu.memory_space<vmem>>, vector<256x128xf32>
      %mul3A_857 = arith.constant 128 : i32
      %mul3A_858 = arith.muli %add3A_851, %mul3A_857 : i32
      %add3A_859 = vector.broadcast %mul3A_858 : i32 to vector<256x128xi32>
      %add3A_860 = arith.addi %iota3A_370, %add3A_859 : vector<256x128xi32>
      %gt3A_861 = vector.broadcast %broadcast_in_dim3A_749 : vector<256x1xf32> to vector<256x128xf32>
      %gt3A_862 = arith.cmpf ogt, %get3A_856, %gt3A_861 : vector<256x128xf32>
      %eq3A_863 = vector.broadcast %broadcast_in_dim3A_749 : vector<256x1xf32> to vector<256x128xf32>
      %eq3A_864 = arith.cmpf oeq, %get3A_856, %eq3A_863 : vector<256x128xf32>
      %gt3A_865 = vector.broadcast %broadcast_in_dim3A_761 : vector<256x1xi32> to vector<256x128xi32>
      %gt3A_866 = arith.cmpi sgt, %add3A_860, %gt3A_865 : vector<256x128xi32>
      %and3A_867 = arith.andi %eq3A_864, %gt3A_866 : vector<256x128xi1>
      %or3A_868 = arith.ori %gt3A_862, %and3A_867 : vector<256x128xi1>
      %jit3A_869 = arith.constant 3.000000e+38 : f32
      %broadcast_in_dim3A_870 = vector.broadcast %jit3A_869 : f32 to vector<256x128xf32>
      %select_n3A_871 = arith.select %or3A_868, %get3A_856, %broadcast_in_dim3A_870 : vector<256x128xi1>, vector<256x128xf32>
      %lt3A_872 = arith.cmpf olt, %select_n3A_871, %select_n3A_845 : vector<256x128xf32>
      %select_n3A_873 = arith.select %lt3A_872, %select_n3A_871, %select_n3A_845 : vector<256x128xi1>, vector<256x128xf32>
      %broadcast_in_dim3A_874 = vector.broadcast %add3A_851 : i32 to vector<256x128xi32>
      %select_n3A_875 = arith.select %lt3A_872, %broadcast_in_dim3A_874, %select_n3A_847 : vector<256x128xi1>, vector<256x128xi32>
      scf.yield %select_n3A_873, %select_n3A_875 : vector<256x128xf32>, vector<256x128xi32>
    }
    %scan3A_774 = arith.constant 40 : i32
    %reduce_min3A_775 = arith.constant dense<0x7F800000> : vector<256xf32>
    %reduce_min3A_776 = vector.multi_reduction <minimumf>, %scan3A_773#0, %reduce_min3A_775 [1] : vector<256x128xf32> to vector<256xf32>
    %broadcast_in_dim3A_777 = vector.shape_cast %reduce_min3A_776 : vector<256xf32> to vector<256x1xf32>
    %eq3A_778 = vector.broadcast %broadcast_in_dim3A_777 : vector<256x1xf32> to vector<256x128xf32>
    %eq3A_779 = arith.cmpf oeq, %scan3A_773#0, %eq3A_778 : vector<256x128xf32>
    %mul3A_780 = arith.constant 128 : i32
    %mul3A_781 = vector.broadcast %mul3A_780 : i32 to vector<256x128xi32>
    %mul3A_782 = arith.muli %scan3A_773#1, %mul3A_781 : vector<256x128xi32>
    %add3A_783 = arith.addi %mul3A_782, %iota3A_370 : vector<256x128xi32>
    %jit3A_784 = arith.constant 1073741824 : i32
    %broadcast_in_dim3A_785 = vector.broadcast %jit3A_784 : i32 to vector<256x128xi32>
    %select_n3A_786 = arith.select %eq3A_779, %add3A_783, %broadcast_in_dim3A_785 : vector<256x128xi1>, vector<256x128xi32>
    %reduce_min3A_787 = arith.constant dense<2147483647> : vector<256xi32>
    %reduce_min3A_788 = vector.multi_reduction <minsi>, %select_n3A_786, %reduce_min3A_787 [1] : vector<256x128xi32> to vector<256xi32>
    %broadcast_in_dim3A_789 = vector.shape_cast %reduce_min3A_788 : vector<256xi32> to vector<256x1xi32>
    %swap3A_790 = arith.constant 0 : index
    %swap3A_791 = arith.constant 14 : index
    %swap3A_792 = vector.load %arg5[%swap3A_790, %swap3A_791] : memref<256x16xi32, #tpu.memory_space<vmem>>, vector<256x1xi32>
    tpu.vector_store %arg5[%swap3A_790, %swap3A_791], %broadcast_in_dim3A_789 {strides = array<i32>} : memref<256x16xi32, #tpu.memory_space<vmem>>, vector<256x1xi32>,
    %broadcast_in_dim3A_793 = arith.constant 3.000000e+38 : f32
    %broadcast_in_dim3A_794 = vector.broadcast %broadcast_in_dim3A_793 : f32 to vector<256x128xf32>
    %broadcast_in_dim3A_795 = arith.constant 0 : i32
    %broadcast_in_dim3A_796 = vector.broadcast %broadcast_in_dim3A_795 : i32 to vector<256x128xi32>
    %scan3A_797 = arith.constant 0 : i32
    %scan3A_798 = arith.constant 40 : i32
    %scan3A_799 = arith.addi %scan3A_797, %scan3A_798 : i32
    %scan3A_800 = arith.constant 1 : i32
    %scan3A_801:2 = scf.for %scan3A_821 = %scan3A_797 to %scan3A_799 step %scan3A_800 iter_args(%scan3A_822 = %broadcast_in_dim3A_794, %scan3A_823 = %broadcast_in_dim3A_796) -> (vector<256x128xf32>, vector<256x128xi32>)  : i32 {
      %mul3A_824 = arith.constant 2 : i32
      %mul3A_825 = arith.muli %scan3A_821, %mul3A_824 : i32
      %add3A_826 = arith.constant 0 : i32
      %add3A_827 = arith.addi %mul3A_825, %add3A_826 : i32
      %mul3A_828 = arith.constant 128 : i32
      %mul3A_829 = arith.muli %add3A_827, %mul3A_828 : i32
      %get3A_830 = arith.constant 0 : index
      %get3A_831 = arith.index_cast %mul3A_829 : i32 to index
      %get3A_832 = vector.load %arg6[%get3A_830, %get3A_831] : memref<256x10240xf32, #tpu.memory_space<vmem>>, vector<256x128xf32>
      %mul3A_833 = arith.constant 128 : i32
      %mul3A_834 = arith.muli %add3A_827, %mul3A_833 : i32
      %add3A_835 = vector.broadcast %mul3A_834 : i32 to vector<256x128xi32>
      %add3A_836 = arith.addi %iota3A_370, %add3A_835 : vector<256x128xi32>
      %gt3A = vector.broadcast %broadcast_in_dim3A_777 : vector<256x1xf32> to vector<256x128xf32>
      %gt3A_837 = arith.cmpf ogt, %get3A_832, %gt3A : vector<256x128xf32>
      %eq3A_838 = vector.broadcast %broadcast_in_dim3A_777 : vector<256x1xf32> to vector<256x128xf32>
      %eq3A_839 = arith.cmpf oeq, %get3A_832, %eq3A_838 : vector<256x128xf32>
      %gt3A_840 = vector.broadcast %broadcast_in_dim3A_789 : vector<256x1xi32> to vector<256x128xi32>
      %gt3A_841 = arith.cmpi sgt, %add3A_836, %gt3A_840 : vector<256x128xi32>
      %and3A = arith.andi %eq3A_839, %gt3A_841 : vector<256x128xi1>
      %or3A = arith.ori %gt3A_837, %and3A : vector<256x128xi1>
      %jit3A_842 = arith.constant 3.000000e+38 : f32
      %broadcast_in_dim3A_843 = vector.broadcast %jit3A_842 : f32 to vector<256x128xf32>
      %select_n3A_844 = arith.select %or3A, %get3A_832, %broadcast_in_dim3A_843 : vector<256x128xi1>, vector<256x128xf32>
      %lt3A = arith.cmpf olt, %select_n3A_844, %scan3A_822 : vector<256x128xf32>
      %select_n3A_845 = arith.select %lt3A, %select_n3A_844, %scan3A_822 : vector<256x128xi1>, vector<256x128xf32>
      %broadcast_in_dim3A_846 = vector.broadcast %add3A_827 : i32 to vector<256x128xi32>
      %select_n3A_847 = arith.select %lt3A, %broadcast_in_dim3A_846, %scan3A_823 : vector<256x128xi1>, vector<256x128xi32>
      %mul3A_848 = arith.constant 2 : i32
      %mul3A_849 = arith.muli %scan3A_821, %mul3A_848 : i32
      %add3A_850 = arith.constant 1 : i32
      %add3A_851 = arith.addi %mul3A_849, %add3A_850 : i32
      %mul3A_852 = arith.constant 128 : i32
      %mul3A_853 = arith.muli %add3A_851, %mul3A_852 : i32
      %get3A_854 = arith.constant 0 : index
      %get3A_855 = arith.index_cast %mul3A_853 : i32 to index
      %get3A_856 = vector.load %arg6[%get3A_854, %get3A_855] : memref<256x10240xf32, #tpu.memory_space<vmem>>, vector<256x128xf32>
      %mul3A_857 = arith.constant 128 : i32
      %mul3A_858 = arith.muli %add3A_851, %mul3A_857 : i32
      %add3A_859 = vector.broadcast %mul3A_858 : i32 to vector<256x128xi32>
      %add3A_860 = arith.addi %iota3A_370, %add3A_859 : vector<256x128xi32>
      %gt3A_861 = vector.broadcast %broadcast_in_dim3A_777 : vector<256x1xf32> to vector<256x128xf32>
      %gt3A_862 = arith.cmpf ogt, %get3A_856, %gt3A_861 : vector<256x128xf32>
      %eq3A_863 = vector.broadcast %broadcast_in_dim3A_777 : vector<256x1xf32> to vector<256x128xf32>
      %eq3A_864 = arith.cmpf oeq, %get3A_856, %eq3A_863 : vector<256x128xf32>
      %gt3A_865 = vector.broadcast %broadcast_in_dim3A_789 : vector<256x1xi32> to vector<256x128xi32>
      %gt3A_866 = arith.cmpi sgt, %add3A_860, %gt3A_865 : vector<256x128xi32>
      %and3A_867 = arith.andi %eq3A_864, %gt3A_866 : vector<256x128xi1>
      %or3A_868 = arith.ori %gt3A_862, %and3A_867 : vector<256x128xi1>
      %jit3A_869 = arith.constant 3.000000e+38 : f32
      %broadcast_in_dim3A_870 = vector.broadcast %jit3A_869 : f32 to vector<256x128xf32>
      %select_n3A_871 = arith.select %or3A_868, %get3A_856, %broadcast_in_dim3A_870 : vector<256x128xi1>, vector<256x128xf32>
      %lt3A_872 = arith.cmpf olt, %select_n3A_871, %select_n3A_845 : vector<256x128xf32>
      %select_n3A_873 = arith.select %lt3A_872, %select_n3A_871, %select_n3A_845 : vector<256x128xi1>, vector<256x128xf32>
      %broadcast_in_dim3A_874 = vector.broadcast %add3A_851 : i32 to vector<256x128xi32>
      %select_n3A_875 = arith.select %lt3A_872, %broadcast_in_dim3A_874, %select_n3A_847 : vector<256x128xi1>, vector<256x128xi32>
      scf.yield %select_n3A_873, %select_n3A_875 : vector<256x128xf32>, vector<256x128xi32>
    }
    %scan3A_802 = arith.constant 40 : i32
    %reduce_min3A_803 = arith.constant dense<0x7F800000> : vector<256xf32>
    %reduce_min3A_804 = vector.multi_reduction <minimumf>, %scan3A_801#0, %reduce_min3A_803 [1] : vector<256x128xf32> to vector<256xf32>
    %broadcast_in_dim3A_805 = vector.shape_cast %reduce_min3A_804 : vector<256xf32> to vector<256x1xf32>
    %eq3A_806 = vector.broadcast %broadcast_in_dim3A_805 : vector<256x1xf32> to vector<256x128xf32>
    %eq3A_807 = arith.cmpf oeq, %scan3A_801#0, %eq3A_806 : vector<256x128xf32>
    %mul3A_808 = arith.constant 128 : i32
    %mul3A_809 = vector.broadcast %mul3A_808 : i32 to vector<256x128xi32>
    %mul3A_810 = arith.muli %scan3A_801#1, %mul3A_809 : vector<256x128xi32>
    %add3A_811 = arith.addi %mul3A_810, %iota3A_370 : vector<256x128xi32>
    %jit3A_812 = arith.constant 1073741824 : i32
    %broadcast_in_dim3A_813 = vector.broadcast %jit3A_812 : i32 to vector<256x128xi32>
    %select_n3A_814 = arith.select %eq3A_807, %add3A_811, %broadcast_in_dim3A_813 : vector<256x128xi1>, vector<256x128xi32>
    %reduce_min3A_815 = arith.constant dense<2147483647> : vector<256xi32>
    %reduce_min3A_816 = vector.multi_reduction <minsi>, %select_n3A_814, %reduce_min3A_815 [1] : vector<256x128xi32> to vector<256xi32>
    %broadcast_in_dim3A_817 = vector.shape_cast %reduce_min3A_816 : vector<256xi32> to vector<256x1xi32>
    %swap3A_818 = arith.constant 0 : index
    %swap3A_819 = arith.constant 15 : index
    %swap3A_820 = vector.load %arg5[%swap3A_818, %swap3A_819] : memref<256x16xi32, #tpu.memory_space<vmem>>, vector<256x1xi32>
    tpu.vector_store %arg5[%swap3A_818, %swap3A_819], %broadcast_in_dim3A_817 {strides = array<i32>} : memref<256x16xi32, #tpu.memory_space<vmem>>, vector<256x1xi32>,
    return
  }
  func.func @transform_0(%arg0: i32) -> (i32, i32) {
    %c0_i32 = arith.constant 0 : i32
    %c0_i32_0 = arith.constant 0 : i32
    return %arg0, %c0_i32 : i32, i32
  }
  func.func @transform_1(%arg0: i32) -> (i32, i32) {
    %c0_i32 = arith.constant 0 : i32
    %c0_i32_0 = arith.constant 0 : i32
    %c0_i32_1 = arith.constant 0 : i32
    return %c0_i32, %c0_i32_0 : i32, i32
  }
  func.func @transform_2(%arg0: i32) -> (i32, i32) {
    %c0_i32 = arith.constant 0 : i32
    %c0_i32_0 = arith.constant 0 : i32
    return %arg0, %c0_i32 : i32, i32
  }
  func.func @transform_3(%arg0: i32) -> (i32, i32) {
    %c0_i32 = arith.constant 0 : i32
    %c0_i32_0 = arith.constant 0 : i32
    %c0_i32_1 = arith.constant 0 : i32
    return %c0_i32, %c0_i32_0 : i32, i32
  }
  func.func @transform_4(%arg0: i32) -> (i32, i32) {
    %c0_i32 = arith.constant 0 : i32
    %c0_i32_0 = arith.constant 0 : i32
    return %arg0, %c0_i32 : i32, i32
  }
}

module attributes {stable_mosaic.version = 14 : i64} {
  func.func @_edge_body(%arg0: i32, %arg1: memref<128x128xf32, #tpu.memory_space<vmem>>, %arg2: memref<2048x128xf32, #tpu.memory_space<vmem>>, %arg3: memref<256x256xf32, #tpu.memory_space<vmem>>, %arg4: memref<1x256xf32, #tpu.memory_space<vmem>>, %arg5: memref<256x256xf32, #tpu.memory_space<vmem>>, %arg6: memref<1x256xf32, #tpu.memory_space<vmem>>, %arg7: memref<128x256xf32, #tpu.memory_space<vmem>>) attributes {dimension_semantics = [#tpu.dimension_semantics<arbitrary>], iteration_bounds = array<i64: 80>, scalar_prefetch = 0 : i64, scratch_operands = 0 : i64, tpu.core_type = #tpu.core_type<tc>, window_params = [{transform_indices = @transform_0, window_bounds = array<i64: 128, 128>}, {transform_indices = @transform_1, window_bounds = array<i64: 2048, 128>}, {pipeline_mode = #tpu.pipeline_mode<synchronous>, transform_indices = @transform_2, window_bounds = array<i64: 256, 256>}, {pipeline_mode = #tpu.pipeline_mode<synchronous>, transform_indices = @transform_3, window_bounds = array<i64: 1, 256>}, {pipeline_mode = #tpu.pipeline_mode<synchronous>, transform_indices = @transform_4, window_bounds = array<i64: 256, 256>}, {pipeline_mode = #tpu.pipeline_mode<synchronous>, transform_indices = @transform_5, window_bounds = array<i64: 1, 256>}, {transform_indices = @transform_6, window_bounds = array<i64: 128, 256>}]} {
    %get3A = arith.constant 0 : index
    %get3A_0 = arith.constant 0 : index
    %get3A_1 = vector.load %arg1[%get3A, %get3A_0] : memref<128x128xf32, #tpu.memory_space<vmem>>, vector<128x128xf32>
    %get3A_2 = arith.constant 0 : index
    %get3A_3 = arith.constant 0 : index
    %get3A_4 = vector.load %arg3[%get3A_2, %get3A_3] : memref<256x256xf32, #tpu.memory_space<vmem>>, vector<128x256xf32>
    %convert_element_type3A = arith.truncf %get3A_4 : vector<128x256xf32> to vector<128x256xbf16>
    %get3A_5 = arith.constant 128 : index
    %get3A_6 = arith.constant 0 : index
    %get3A_7 = vector.load %arg3[%get3A_5, %get3A_6] : memref<256x256xf32, #tpu.memory_space<vmem>>, vector<128x256xf32>
    %convert_element_type3A_8 = arith.truncf %get3A_7 : vector<128x256xf32> to vector<128x256xbf16>
    %broadcast_in_dim3A = vector.shape_cast %get3A_1 : vector<128x128xf32> to vector<128x1x128xf32>
    %broadcast_in_dim3A_9 = vector.shape_cast %broadcast_in_dim3A : vector<128x1x128xf32> to vector<128x1x128xf32>
    %broadcast_in_dim3A_10 = vector.broadcast %broadcast_in_dim3A_9 : vector<128x1x128xf32> to vector<128x16x128xf32>
    %reshape3A = vector.shape_cast %broadcast_in_dim3A_10 : vector<128x16x128xf32> to vector<2048x128xf32>
    %get3A_11 = arith.constant 0 : index
    %get3A_12 = arith.constant 0 : index
    %get3A_13 = vector.load %arg2[%get3A_11, %get3A_12] : memref<2048x128xf32, #tpu.memory_space<vmem>>, vector<2048x128xf32>
    %reshape3A_14 = vector.shape_cast %get3A_13 : vector<2048x128xf32> to vector<128x16x128xf32>
    %broadcast_in_dim3A_15 = vector.shape_cast %get3A_1 : vector<128x128xf32> to vector<128x1x128xf32>
    %sub3A = vector.broadcast %broadcast_in_dim3A_15 : vector<128x1x128xf32> to vector<128x16x128xf32>
    %sub3A_16 = arith.subf %reshape3A_14, %sub3A : vector<128x16x128xf32>
    %reshape3A_17 = vector.shape_cast %sub3A_16 : vector<128x16x128xf32> to vector<2048x128xf32>
    %convert_element_type3A_18 = arith.truncf %reshape3A : vector<2048x128xf32> to vector<2048x128xbf16>
    %dot_general3A = arith.constant dense<0.000000e+00> : vector<2048x256xf32>
    %dot_general3A_19 = tpu.matmul %convert_element_type3A_18, %convert_element_type3A, %dot_general3A {dimension_numbers = #tpu.dot_dimension_numbers<[1], [0], [0], [1], [0, 0, 1, 1], [], []>, transpose_lhs_hint = false} : vector<2048x128xbf16>, vector<128x256xbf16>, vector<2048x256xf32> -> vector<2048x256xf32>
    %convert_element_type3A_20 = arith.truncf %reshape3A_17 : vector<2048x128xf32> to vector<2048x128xbf16>
    %dot_general3A_21 = arith.constant dense<0.000000e+00> : vector<2048x256xf32>
    %dot_general3A_22 = tpu.matmul %convert_element_type3A_20, %convert_element_type3A_8, %dot_general3A_21 {dimension_numbers = #tpu.dot_dimension_numbers<[1], [0], [0], [1], [0, 0, 1, 1], [], []>, transpose_lhs_hint = false} : vector<2048x128xbf16>, vector<128x256xbf16>, vector<2048x256xf32> -> vector<2048x256xf32>
    %add3A = arith.addf %dot_general3A_19, %dot_general3A_22 : vector<2048x256xf32>
    %get3A_23 = arith.constant 0 : index
    %get3A_24 = arith.constant 0 : index
    %get3A_25 = vector.load %arg4[%get3A_23, %get3A_24] : memref<1x256xf32, #tpu.memory_space<vmem>>, vector<1x256xf32>
    %add3A_26 = vector.broadcast %get3A_25 : vector<1x256xf32> to vector<2048x256xf32>
    %add3A_27 = arith.addf %add3A, %add3A_26 : vector<2048x256xf32>
    %max3A = arith.constant 0.000000e+00 : f32
    %max3A_28 = vector.broadcast %max3A : f32 to vector<2048x256xf32>
    %max3A_29 = arith.maximumf %add3A_27, %max3A_28 : vector<2048x256xf32>
    %convert_element_type3A_30 = arith.truncf %max3A_29 : vector<2048x256xf32> to vector<2048x256xbf16>
    %get3A_31 = arith.constant 0 : index
    %get3A_32 = arith.constant 0 : index
    %get3A_33 = vector.load %arg5[%get3A_31, %get3A_32] : memref<256x256xf32, #tpu.memory_space<vmem>>, vector<256x256xf32>
    %convert_element_type3A_34 = arith.truncf %get3A_33 : vector<256x256xf32> to vector<256x256xbf16>
    %dot_general3A_35 = arith.constant dense<0.000000e+00> : vector<2048x256xf32>
    %dot_general3A_36 = tpu.matmul %convert_element_type3A_30, %convert_element_type3A_34, %dot_general3A_35 {dimension_numbers = #tpu.dot_dimension_numbers<[1], [0], [0], [1], [0, 0, 1, 1], [], []>, transpose_lhs_hint = false} : vector<2048x256xbf16>, vector<256x256xbf16>, vector<2048x256xf32> -> vector<2048x256xf32>
    %reshape3A_37 = vector.shape_cast %dot_general3A_36 : vector<2048x256xf32> to vector<128x16x256xf32>
    %reduce_max3A = arith.constant dense<0xFF800000> : vector<128x256xf32>
    %reduce_max3A_38 = vector.multi_reduction <maximumf>, %reshape3A_37, %reduce_max3A [1] : vector<128x16x256xf32> to vector<128x256xf32>
    %get3A_39 = arith.constant 0 : index
    %get3A_40 = arith.constant 0 : index
    %get3A_41 = vector.load %arg6[%get3A_39, %get3A_40] : memref<1x256xf32, #tpu.memory_space<vmem>>, vector<1x256xf32>
    %add3A_42 = vector.broadcast %get3A_41 : vector<1x256xf32> to vector<128x256xf32>
    %add3A_43 = arith.addf %reduce_max3A_38, %add3A_42 : vector<128x256xf32>
    %swap3A = arith.constant 0 : index
    %swap3A_44 = arith.constant 0 : index
    %swap3A_45 = vector.load %arg7[%swap3A, %swap3A_44] : memref<128x256xf32, #tpu.memory_space<vmem>>, vector<128x256xf32>
    tpu.vector_store %arg7[%swap3A, %swap3A_44], %add3A_43 {strides = array<i32>} : memref<128x256xf32, #tpu.memory_space<vmem>>, vector<128x256xf32>,
    return
  }
  func.func @transform_0(%arg0: i32) -> (i32, i32) {
    %c0_i32 = arith.constant 0 : i32
    %c0_i32_0 = arith.constant 0 : i32
    return %arg0, %c0_i32 : i32, i32
  }
  func.func @transform_1(%arg0: i32) -> (i32, i32) {
    %c0_i32 = arith.constant 0 : i32
    %c0_i32_0 = arith.constant 0 : i32
    return %arg0, %c0_i32 : i32, i32
  }
  func.func @transform_2(%arg0: i32) -> (i32, i32) {
    %c0_i32 = arith.constant 0 : i32
    %c0_i32_0 = arith.constant 0 : i32
    %c0_i32_1 = arith.constant 0 : i32
    return %c0_i32, %c0_i32_0 : i32, i32
  }
  func.func @transform_3(%arg0: i32) -> (i32, i32) {
    %c0_i32 = arith.constant 0 : i32
    %c0_i32_0 = arith.constant 0 : i32
    %c0_i32_1 = arith.constant 0 : i32
    return %c0_i32, %c0_i32_0 : i32, i32
  }
  func.func @transform_4(%arg0: i32) -> (i32, i32) {
    %c0_i32 = arith.constant 0 : i32
    %c0_i32_0 = arith.constant 0 : i32
    %c0_i32_1 = arith.constant 0 : i32
    return %c0_i32, %c0_i32_0 : i32, i32
  }
  func.func @transform_5(%arg0: i32) -> (i32, i32) {
    %c0_i32 = arith.constant 0 : i32
    %c0_i32_0 = arith.constant 0 : i32
    %c0_i32_1 = arith.constant 0 : i32
    return %c0_i32, %c0_i32_0 : i32, i32
  }
  func.func @transform_6(%arg0: i32) -> (i32, i32) {
    %c0_i32 = arith.constant 0 : i32
    %c0_i32_0 = arith.constant 0 : i32
    return %arg0, %c0_i32 : i32, i32
  }
}

module attributes {stable_mosaic.version = 14 : i64} {
  func.func @_knn_body(%arg0: i32, %arg1: memref<256x256xf32, #tpu.memory_space<vmem>>, %arg2: memref<10240x256xf32, #tpu.memory_space<vmem>>, %arg3: memref<256x256xbf16, #tpu.memory_space<vmem>>, %arg4: memref<10240x256xbf16, #tpu.memory_space<vmem>>, %arg5: memref<256x8xi32, #tpu.memory_space<vmem>>, %arg6: memref<256x10240xf32, #tpu.memory_space<vmem>>, %arg7: memref<8x10240xf32, #tpu.memory_space<vmem>>) attributes {dimension_semantics = [#tpu.dimension_semantics<arbitrary>], iteration_bounds = array<i64: 40>, scalar_prefetch = 0 : i64, scratch_operands = 2 : i64, tpu.core_type = #tpu.core_type<tc>, window_params = [{transform_indices = @transform_0, window_bounds = array<i64: 256, 256>}, {pipeline_mode = #tpu.pipeline_mode<synchronous>, transform_indices = @transform_1, window_bounds = array<i64: 10240, 256>}, {transform_indices = @transform_2, window_bounds = array<i64: 256, 256>}, {pipeline_mode = #tpu.pipeline_mode<synchronous>, transform_indices = @transform_3, window_bounds = array<i64: 10240, 256>}, {transform_indices = @transform_4, window_bounds = array<i64: 256, 8>}]} {
    %eq3A = arith.constant 0 : i32
    %eq3A_0 = arith.cmpi eq, %arg0, %eq3A : i32
    %convert_element_type3A = arith.extui %eq3A_0 : i1 to i32
    %cond3A = arith.constant 0 : i32
    %cond3A_1 = arith.cmpi ne, %convert_element_type3A, %cond3A : i32
    scf.if %cond3A_1 {
      %broadcast_in_dim3A_597 = arith.constant 1.000000e+00 : f32
      %broadcast_in_dim3A_598 = vector.broadcast %broadcast_in_dim3A_597 : f32 to vector<8x1xf32>
      %get3A_599 = arith.constant 0 : index
      %get3A_600 = arith.constant 0 : index
      %get3A_601 = vector.load %arg2[%get3A_599, %get3A_600] : memref<10240x256xf32, #tpu.memory_space<vmem>>, vector<512x256xf32>
      %mul3A_602 = arith.mulf %get3A_601, %get3A_601 : vector<512x256xf32>
      %reduce_sum3A_603 = arith.constant dense<0.000000e+00> : vector<512xf32>
      %reduce_sum3A_604 = vector.multi_reduction <add>, %mul3A_602, %reduce_sum3A_603 [1] : vector<512x256xf32> to vector<512xf32>
      %broadcast_in_dim3A_605 = vector.shape_cast %reduce_sum3A_604 : vector<512xf32> to vector<512x1xf32>
      %dot_general3A_606 = arith.constant dense<0.000000e+00> : vector<8x512xf32>
      %dot_general3A_607 = tpu.matmul %broadcast_in_dim3A_598, %broadcast_in_dim3A_605, %dot_general3A_606 {dimension_numbers = #tpu.dot_dimension_numbers<[1], [1], [0], [0], [0, 0, 1, 0], [], []>, precision = #tpu.contract_precision<fp32>, transpose_lhs_hint = false} : vector<8x1xf32>, vector<512x1xf32>, vector<8x512xf32> -> vector<8x512xf32>
      %swap3A_608 = arith.constant 0 : index
      %swap3A_609 = arith.constant 0 : index
      %swap3A_610 = vector.load %arg7[%swap3A_608, %swap3A_609] : memref<8x10240xf32, #tpu.memory_space<vmem>>, vector<8x512xf32>
      tpu.vector_store %arg7[%swap3A_608, %swap3A_609], %dot_general3A_607 {strides = array<i32>} : memref<8x10240xf32, #tpu.memory_space<vmem>>, vector<8x512xf32>,
      %get3A_611 = arith.constant 512 : index
      %get3A_612 = arith.constant 0 : index
      %get3A_613 = vector.load %arg2[%get3A_611, %get3A_612] : memref<10240x256xf32, #tpu.memory_space<vmem>>, vector<512x256xf32>
      %mul3A_614 = arith.mulf %get3A_613, %get3A_613 : vector<512x256xf32>
      %reduce_sum3A_615 = arith.constant dense<0.000000e+00> : vector<512xf32>
      %reduce_sum3A_616 = vector.multi_reduction <add>, %mul3A_614, %reduce_sum3A_615 [1] : vector<512x256xf32> to vector<512xf32>
      %broadcast_in_dim3A_617 = vector.shape_cast %reduce_sum3A_616 : vector<512xf32> to vector<512x1xf32>
      %dot_general3A_618 = arith.constant dense<0.000000e+00> : vector<8x512xf32>
      %dot_general3A_619 = tpu.matmul %broadcast_in_dim3A_598, %broadcast_in_dim3A_617, %dot_general3A_618 {dimension_numbers = #tpu.dot_dimension_numbers<[1], [1], [0], [0], [0, 0, 1, 0], [], []>, precision = #tpu.contract_precision<fp32>, transpose_lhs_hint = false} : vector<8x1xf32>, vector<512x1xf32>, vector<8x512xf32> -> vector<8x512xf32>
      %swap3A_620 = arith.constant 0 : index
      %swap3A_621 = arith.constant 512 : index
      %swap3A_622 = vector.load %arg7[%swap3A_620, %swap3A_621] : memref<8x10240xf32, #tpu.memory_space<vmem>>, vector<8x512xf32>
      tpu.vector_store %arg7[%swap3A_620, %swap3A_621], %dot_general3A_619 {strides = array<i32>} : memref<8x10240xf32, #tpu.memory_space<vmem>>, vector<8x512xf32>,
      %get3A_623 = arith.constant 1024 : index
      %get3A_624 = arith.constant 0 : index
      %get3A_625 = vector.load %arg2[%get3A_623, %get3A_624] : memref<10240x256xf32, #tpu.memory_space<vmem>>, vector<512x256xf32>
      %mul3A_626 = arith.mulf %get3A_625, %get3A_625 : vector<512x256xf32>
      %reduce_sum3A_627 = arith.constant dense<0.000000e+00> : vector<512xf32>
      %reduce_sum3A_628 = vector.multi_reduction <add>, %mul3A_626, %reduce_sum3A_627 [1] : vector<512x256xf32> to vector<512xf32>
      %broadcast_in_dim3A_629 = vector.shape_cast %reduce_sum3A_628 : vector<512xf32> to vector<512x1xf32>
      %dot_general3A_630 = arith.constant dense<0.000000e+00> : vector<8x512xf32>
      %dot_general3A_631 = tpu.matmul %broadcast_in_dim3A_598, %broadcast_in_dim3A_629, %dot_general3A_630 {dimension_numbers = #tpu.dot_dimension_numbers<[1], [1], [0], [0], [0, 0, 1, 0], [], []>, precision = #tpu.contract_precision<fp32>, transpose_lhs_hint = false} : vector<8x1xf32>, vector<512x1xf32>, vector<8x512xf32> -> vector<8x512xf32>
      %swap3A_632 = arith.constant 0 : index
      %swap3A_633 = arith.constant 1024 : index
      %swap3A_634 = vector.load %arg7[%swap3A_632, %swap3A_633] : memref<8x10240xf32, #tpu.memory_space<vmem>>, vector<8x512xf32>
      tpu.vector_store %arg7[%swap3A_632, %swap3A_633], %dot_general3A_631 {strides = array<i32>} : memref<8x10240xf32, #tpu.memory_space<vmem>>, vector<8x512xf32>,
      %get3A_635 = arith.constant 1536 : index
      %get3A_636 = arith.constant 0 : index
      %get3A_637 = vector.load %arg2[%get3A_635, %get3A_636] : memref<10240x256xf32, #tpu.memory_space<vmem>>, vector<512x256xf32>
      %mul3A_638 = arith.mulf %get3A_637, %get3A_637 : vector<512x256xf32>
      %reduce_sum3A_639 = arith.constant dense<0.000000e+00> : vector<512xf32>
      %reduce_sum3A_640 = vector.multi_reduction <add>, %mul3A_638, %reduce_sum3A_639 [1] : vector<512x256xf32> to vector<512xf32>
      %broadcast_in_dim3A_641 = vector.shape_cast %reduce_sum3A_640 : vector<512xf32> to vector<512x1xf32>
      %dot_general3A_642 = arith.constant dense<0.000000e+00> : vector<8x512xf32>
      %dot_general3A_643 = tpu.matmul %broadcast_in_dim3A_598, %broadcast_in_dim3A_641, %dot_general3A_642 {dimension_numbers = #tpu.dot_dimension_numbers<[1], [1], [0], [0], [0, 0, 1, 0], [], []>, precision = #tpu.contract_precision<fp32>, transpose_lhs_hint = false} : vector<8x1xf32>, vector<512x1xf32>, vector<8x512xf32> -> vector<8x512xf32>
      %swap3A_644 = arith.constant 0 : index
      %swap3A_645 = arith.constant 1536 : index
      %swap3A_646 = vector.load %arg7[%swap3A_644, %swap3A_645] : memref<8x10240xf32, #tpu.memory_space<vmem>>, vector<8x512xf32>
      tpu.vector_store %arg7[%swap3A_644, %swap3A_645], %dot_general3A_643 {strides = array<i32>} : memref<8x10240xf32, #tpu.memory_space<vmem>>, vector<8x512xf32>,
      %get3A_647 = arith.constant 2048 : index
      %get3A_648 = arith.constant 0 : index
      %get3A_649 = vector.load %arg2[%get3A_647, %get3A_648] : memref<10240x256xf32, #tpu.memory_space<vmem>>, vector<512x256xf32>
      %mul3A_650 = arith.mulf %get3A_649, %get3A_649 : vector<512x256xf32>
      %reduce_sum3A_651 = arith.constant dense<0.000000e+00> : vector<512xf32>
      %reduce_sum3A_652 = vector.multi_reduction <add>, %mul3A_650, %reduce_sum3A_651 [1] : vector<512x256xf32> to vector<512xf32>
      %broadcast_in_dim3A_653 = vector.shape_cast %reduce_sum3A_652 : vector<512xf32> to vector<512x1xf32>
      %dot_general3A_654 = arith.constant dense<0.000000e+00> : vector<8x512xf32>
      %dot_general3A_655 = tpu.matmul %broadcast_in_dim3A_598, %broadcast_in_dim3A_653, %dot_general3A_654 {dimension_numbers = #tpu.dot_dimension_numbers<[1], [1], [0], [0], [0, 0, 1, 0], [], []>, precision = #tpu.contract_precision<fp32>, transpose_lhs_hint = false} : vector<8x1xf32>, vector<512x1xf32>, vector<8x512xf32> -> vector<8x512xf32>
      %swap3A_656 = arith.constant 0 : index
      %swap3A_657 = arith.constant 2048 : index
      %swap3A_658 = vector.load %arg7[%swap3A_656, %swap3A_657] : memref<8x10240xf32, #tpu.memory_space<vmem>>, vector<8x512xf32>
      tpu.vector_store %arg7[%swap3A_656, %swap3A_657], %dot_general3A_655 {strides = array<i32>} : memref<8x10240xf32, #tpu.memory_space<vmem>>, vector<8x512xf32>,
      %get3A_659 = arith.constant 2560 : index
      %get3A_660 = arith.constant 0 : index
      %get3A_661 = vector.load %arg2[%get3A_659, %get3A_660] : memref<10240x256xf32, #tpu.memory_space<vmem>>, vector<512x256xf32>
      %mul3A_662 = arith.mulf %get3A_661, %get3A_661 : vector<512x256xf32>
      %reduce_sum3A_663 = arith.constant dense<0.000000e+00> : vector<512xf32>
      %reduce_sum3A_664 = vector.multi_reduction <add>, %mul3A_662, %reduce_sum3A_663 [1] : vector<512x256xf32> to vector<512xf32>
      %broadcast_in_dim3A_665 = vector.shape_cast %reduce_sum3A_664 : vector<512xf32> to vector<512x1xf32>
      %dot_general3A_666 = arith.constant dense<0.000000e+00> : vector<8x512xf32>
      %dot_general3A_667 = tpu.matmul %broadcast_in_dim3A_598, %broadcast_in_dim3A_665, %dot_general3A_666 {dimension_numbers = #tpu.dot_dimension_numbers<[1], [1], [0], [0], [0, 0, 1, 0], [], []>, precision = #tpu.contract_precision<fp32>, transpose_lhs_hint = false} : vector<8x1xf32>, vector<512x1xf32>, vector<8x512xf32> -> vector<8x512xf32>
      %swap3A_668 = arith.constant 0 : index
      %swap3A_669 = arith.constant 2560 : index
      %swap3A_670 = vector.load %arg7[%swap3A_668, %swap3A_669] : memref<8x10240xf32, #tpu.memory_space<vmem>>, vector<8x512xf32>
      tpu.vector_store %arg7[%swap3A_668, %swap3A_669], %dot_general3A_667 {strides = array<i32>} : memref<8x10240xf32, #tpu.memory_space<vmem>>, vector<8x512xf32>,
      %get3A_671 = arith.constant 3072 : index
      %get3A_672 = arith.constant 0 : index
      %get3A_673 = vector.load %arg2[%get3A_671, %get3A_672] : memref<10240x256xf32, #tpu.memory_space<vmem>>, vector<512x256xf32>
      %mul3A_674 = arith.mulf %get3A_673, %get3A_673 : vector<512x256xf32>
      %reduce_sum3A_675 = arith.constant dense<0.000000e+00> : vector<512xf32>
      %reduce_sum3A_676 = vector.multi_reduction <add>, %mul3A_674, %reduce_sum3A_675 [1] : vector<512x256xf32> to vector<512xf32>
      %broadcast_in_dim3A_677 = vector.shape_cast %reduce_sum3A_676 : vector<512xf32> to vector<512x1xf32>
      %dot_general3A_678 = arith.constant dense<0.000000e+00> : vector<8x512xf32>
      %dot_general3A_679 = tpu.matmul %broadcast_in_dim3A_598, %broadcast_in_dim3A_677, %dot_general3A_678 {dimension_numbers = #tpu.dot_dimension_numbers<[1], [1], [0], [0], [0, 0, 1, 0], [], []>, precision = #tpu.contract_precision<fp32>, transpose_lhs_hint = false} : vector<8x1xf32>, vector<512x1xf32>, vector<8x512xf32> -> vector<8x512xf32>
      %swap3A_680 = arith.constant 0 : index
      %swap3A_681 = arith.constant 3072 : index
      %swap3A_682 = vector.load %arg7[%swap3A_680, %swap3A_681] : memref<8x10240xf32, #tpu.memory_space<vmem>>, vector<8x512xf32>
      tpu.vector_store %arg7[%swap3A_680, %swap3A_681], %dot_general3A_679 {strides = array<i32>} : memref<8x10240xf32, #tpu.memory_space<vmem>>, vector<8x512xf32>,
      %get3A_683 = arith.constant 3584 : index
      %get3A_684 = arith.constant 0 : index
      %get3A_685 = vector.load %arg2[%get3A_683, %get3A_684] : memref<10240x256xf32, #tpu.memory_space<vmem>>, vector<512x256xf32>
      %mul3A_686 = arith.mulf %get3A_685, %get3A_685 : vector<512x256xf32>
      %reduce_sum3A_687 = arith.constant dense<0.000000e+00> : vector<512xf32>
      %reduce_sum3A_688 = vector.multi_reduction <add>, %mul3A_686, %reduce_sum3A_687 [1] : vector<512x256xf32> to vector<512xf32>
      %broadcast_in_dim3A_689 = vector.shape_cast %reduce_sum3A_688 : vector<512xf32> to vector<512x1xf32>
      %dot_general3A_690 = arith.constant dense<0.000000e+00> : vector<8x512xf32>
      %dot_general3A_691 = tpu.matmul %broadcast_in_dim3A_598, %broadcast_in_dim3A_689, %dot_general3A_690 {dimension_numbers = #tpu.dot_dimension_numbers<[1], [1], [0], [0], [0, 0, 1, 0], [], []>, precision = #tpu.contract_precision<fp32>, transpose_lhs_hint = false} : vector<8x1xf32>, vector<512x1xf32>, vector<8x512xf32> -> vector<8x512xf32>
      %swap3A_692 = arith.constant 0 : index
      %swap3A_693 = arith.constant 3584 : index
      %swap3A_694 = vector.load %arg7[%swap3A_692, %swap3A_693] : memref<8x10240xf32, #tpu.memory_space<vmem>>, vector<8x512xf32>
      tpu.vector_store %arg7[%swap3A_692, %swap3A_693], %dot_general3A_691 {strides = array<i32>} : memref<8x10240xf32, #tpu.memory_space<vmem>>, vector<8x512xf32>,
      %get3A_695 = arith.constant 4096 : index
      %get3A_696 = arith.constant 0 : index
      %get3A_697 = vector.load %arg2[%get3A_695, %get3A_696] : memref<10240x256xf32, #tpu.memory_space<vmem>>, vector<512x256xf32>
      %mul3A_698 = arith.mulf %get3A_697, %get3A_697 : vector<512x256xf32>
      %reduce_sum3A_699 = arith.constant dense<0.000000e+00> : vector<512xf32>
      %reduce_sum3A_700 = vector.multi_reduction <add>, %mul3A_698, %reduce_sum3A_699 [1] : vector<512x256xf32> to vector<512xf32>
      %broadcast_in_dim3A_701 = vector.shape_cast %reduce_sum3A_700 : vector<512xf32> to vector<512x1xf32>
      %dot_general3A_702 = arith.constant dense<0.000000e+00> : vector<8x512xf32>
      %dot_general3A_703 = tpu.matmul %broadcast_in_dim3A_598, %broadcast_in_dim3A_701, %dot_general3A_702 {dimension_numbers = #tpu.dot_dimension_numbers<[1], [1], [0], [0], [0, 0, 1, 0], [], []>, precision = #tpu.contract_precision<fp32>, transpose_lhs_hint = false} : vector<8x1xf32>, vector<512x1xf32>, vector<8x512xf32> -> vector<8x512xf32>
      %swap3A_704 = arith.constant 0 : index
      %swap3A_705 = arith.constant 4096 : index
      %swap3A_706 = vector.load %arg7[%swap3A_704, %swap3A_705] : memref<8x10240xf32, #tpu.memory_space<vmem>>, vector<8x512xf32>
      tpu.vector_store %arg7[%swap3A_704, %swap3A_705], %dot_general3A_703 {strides = array<i32>} : memref<8x10240xf32, #tpu.memory_space<vmem>>, vector<8x512xf32>,
      %get3A_707 = arith.constant 4608 : index
      %get3A_708 = arith.constant 0 : index
      %get3A_709 = vector.load %arg2[%get3A_707, %get3A_708] : memref<10240x256xf32, #tpu.memory_space<vmem>>, vector<512x256xf32>
      %mul3A_710 = arith.mulf %get3A_709, %get3A_709 : vector<512x256xf32>
      %reduce_sum3A_711 = arith.constant dense<0.000000e+00> : vector<512xf32>
      %reduce_sum3A_712 = vector.multi_reduction <add>, %mul3A_710, %reduce_sum3A_711 [1] : vector<512x256xf32> to vector<512xf32>
      %broadcast_in_dim3A_713 = vector.shape_cast %reduce_sum3A_712 : vector<512xf32> to vector<512x1xf32>
      %dot_general3A_714 = arith.constant dense<0.000000e+00> : vector<8x512xf32>
      %dot_general3A_715 = tpu.matmul %broadcast_in_dim3A_598, %broadcast_in_dim3A_713, %dot_general3A_714 {dimension_numbers = #tpu.dot_dimension_numbers<[1], [1], [0], [0], [0, 0, 1, 0], [], []>, precision = #tpu.contract_precision<fp32>, transpose_lhs_hint = false} : vector<8x1xf32>, vector<512x1xf32>, vector<8x512xf32> -> vector<8x512xf32>
      %swap3A_716 = arith.constant 0 : index
      %swap3A_717 = arith.constant 4608 : index
      %swap3A_718 = vector.load %arg7[%swap3A_716, %swap3A_717] : memref<8x10240xf32, #tpu.memory_space<vmem>>, vector<8x512xf32>
      tpu.vector_store %arg7[%swap3A_716, %swap3A_717], %dot_general3A_715 {strides = array<i32>} : memref<8x10240xf32, #tpu.memory_space<vmem>>, vector<8x512xf32>,
      %get3A_719 = arith.constant 5120 : index
      %get3A_720 = arith.constant 0 : index
      %get3A_721 = vector.load %arg2[%get3A_719, %get3A_720] : memref<10240x256xf32, #tpu.memory_space<vmem>>, vector<512x256xf32>
      %mul3A_722 = arith.mulf %get3A_721, %get3A_721 : vector<512x256xf32>
      %reduce_sum3A_723 = arith.constant dense<0.000000e+00> : vector<512xf32>
      %reduce_sum3A_724 = vector.multi_reduction <add>, %mul3A_722, %reduce_sum3A_723 [1] : vector<512x256xf32> to vector<512xf32>
      %broadcast_in_dim3A_725 = vector.shape_cast %reduce_sum3A_724 : vector<512xf32> to vector<512x1xf32>
      %dot_general3A_726 = arith.constant dense<0.000000e+00> : vector<8x512xf32>
      %dot_general3A_727 = tpu.matmul %broadcast_in_dim3A_598, %broadcast_in_dim3A_725, %dot_general3A_726 {dimension_numbers = #tpu.dot_dimension_numbers<[1], [1], [0], [0], [0, 0, 1, 0], [], []>, precision = #tpu.contract_precision<fp32>, transpose_lhs_hint = false} : vector<8x1xf32>, vector<512x1xf32>, vector<8x512xf32> -> vector<8x512xf32>
      %swap3A_728 = arith.constant 0 : index
      %swap3A_729 = arith.constant 5120 : index
      %swap3A_730 = vector.load %arg7[%swap3A_728, %swap3A_729] : memref<8x10240xf32, #tpu.memory_space<vmem>>, vector<8x512xf32>
      tpu.vector_store %arg7[%swap3A_728, %swap3A_729], %dot_general3A_727 {strides = array<i32>} : memref<8x10240xf32, #tpu.memory_space<vmem>>, vector<8x512xf32>,
      %get3A_731 = arith.constant 5632 : index
      %get3A_732 = arith.constant 0 : index
      %get3A_733 = vector.load %arg2[%get3A_731, %get3A_732] : memref<10240x256xf32, #tpu.memory_space<vmem>>, vector<512x256xf32>
      %mul3A_734 = arith.mulf %get3A_733, %get3A_733 : vector<512x256xf32>
      %reduce_sum3A_735 = arith.constant dense<0.000000e+00> : vector<512xf32>
      %reduce_sum3A_736 = vector.multi_reduction <add>, %mul3A_734, %reduce_sum3A_735 [1] : vector<512x256xf32> to vector<512xf32>
      %broadcast_in_dim3A_737 = vector.shape_cast %reduce_sum3A_736 : vector<512xf32> to vector<512x1xf32>
      %dot_general3A_738 = arith.constant dense<0.000000e+00> : vector<8x512xf32>
      %dot_general3A_739 = tpu.matmul %broadcast_in_dim3A_598, %broadcast_in_dim3A_737, %dot_general3A_738 {dimension_numbers = #tpu.dot_dimension_numbers<[1], [1], [0], [0], [0, 0, 1, 0], [], []>, precision = #tpu.contract_precision<fp32>, transpose_lhs_hint = false} : vector<8x1xf32>, vector<512x1xf32>, vector<8x512xf32> -> vector<8x512xf32>
      %swap3A_740 = arith.constant 0 : index
      %swap3A_741 = arith.constant 5632 : index
      %swap3A_742 = vector.load %arg7[%swap3A_740, %swap3A_741] : memref<8x10240xf32, #tpu.memory_space<vmem>>, vector<8x512xf32>
      tpu.vector_store %arg7[%swap3A_740, %swap3A_741], %dot_general3A_739 {strides = array<i32>} : memref<8x10240xf32, #tpu.memory_space<vmem>>, vector<8x512xf32>,
      %get3A_743 = arith.constant 6144 : index
      %get3A_744 = arith.constant 0 : index
      %get3A_745 = vector.load %arg2[%get3A_743, %get3A_744] : memref<10240x256xf32, #tpu.memory_space<vmem>>, vector<512x256xf32>
      %mul3A_746 = arith.mulf %get3A_745, %get3A_745 : vector<512x256xf32>
      %reduce_sum3A_747 = arith.constant dense<0.000000e+00> : vector<512xf32>
      %reduce_sum3A_748 = vector.multi_reduction <add>, %mul3A_746, %reduce_sum3A_747 [1] : vector<512x256xf32> to vector<512xf32>
      %broadcast_in_dim3A_749 = vector.shape_cast %reduce_sum3A_748 : vector<512xf32> to vector<512x1xf32>
      %dot_general3A_750 = arith.constant dense<0.000000e+00> : vector<8x512xf32>
      %dot_general3A_751 = tpu.matmul %broadcast_in_dim3A_598, %broadcast_in_dim3A_749, %dot_general3A_750 {dimension_numbers = #tpu.dot_dimension_numbers<[1], [1], [0], [0], [0, 0, 1, 0], [], []>, precision = #tpu.contract_precision<fp32>, transpose_lhs_hint = false} : vector<8x1xf32>, vector<512x1xf32>, vector<8x512xf32> -> vector<8x512xf32>
      %swap3A_752 = arith.constant 0 : index
      %swap3A_753 = arith.constant 6144 : index
      %swap3A_754 = vector.load %arg7[%swap3A_752, %swap3A_753] : memref<8x10240xf32, #tpu.memory_space<vmem>>, vector<8x512xf32>
      tpu.vector_store %arg7[%swap3A_752, %swap3A_753], %dot_general3A_751 {strides = array<i32>} : memref<8x10240xf32, #tpu.memory_space<vmem>>, vector<8x512xf32>,
      %get3A_755 = arith.constant 6656 : index
      %get3A_756 = arith.constant 0 : index
      %get3A_757 = vector.load %arg2[%get3A_755, %get3A_756] : memref<10240x256xf32, #tpu.memory_space<vmem>>, vector<512x256xf32>
      %mul3A_758 = arith.mulf %get3A_757, %get3A_757 : vector<512x256xf32>
      %reduce_sum3A_759 = arith.constant dense<0.000000e+00> : vector<512xf32>
      %reduce_sum3A_760 = vector.multi_reduction <add>, %mul3A_758, %reduce_sum3A_759 [1] : vector<512x256xf32> to vector<512xf32>
      %broadcast_in_dim3A_761 = vector.shape_cast %reduce_sum3A_760 : vector<512xf32> to vector<512x1xf32>
      %dot_general3A_762 = arith.constant dense<0.000000e+00> : vector<8x512xf32>
      %dot_general3A_763 = tpu.matmul %broadcast_in_dim3A_598, %broadcast_in_dim3A_761, %dot_general3A_762 {dimension_numbers = #tpu.dot_dimension_numbers<[1], [1], [0], [0], [0, 0, 1, 0], [], []>, precision = #tpu.contract_precision<fp32>, transpose_lhs_hint = false} : vector<8x1xf32>, vector<512x1xf32>, vector<8x512xf32> -> vector<8x512xf32>
      %swap3A_764 = arith.constant 0 : index
      %swap3A_765 = arith.constant 6656 : index
      %swap3A_766 = vector.load %arg7[%swap3A_764, %swap3A_765] : memref<8x10240xf32, #tpu.memory_space<vmem>>, vector<8x512xf32>
      tpu.vector_store %arg7[%swap3A_764, %swap3A_765], %dot_general3A_763 {strides = array<i32>} : memref<8x10240xf32, #tpu.memory_space<vmem>>, vector<8x512xf32>,
      %get3A_767 = arith.constant 7168 : index
      %get3A_768 = arith.constant 0 : index
      %get3A_769 = vector.load %arg2[%get3A_767, %get3A_768] : memref<10240x256xf32, #tpu.memory_space<vmem>>, vector<512x256xf32>
      %mul3A_770 = arith.mulf %get3A_769, %get3A_769 : vector<512x256xf32>
      %reduce_sum3A_771 = arith.constant dense<0.000000e+00> : vector<512xf32>
      %reduce_sum3A_772 = vector.multi_reduction <add>, %mul3A_770, %reduce_sum3A_771 [1] : vector<512x256xf32> to vector<512xf32>
      %broadcast_in_dim3A_773 = vector.shape_cast %reduce_sum3A_772 : vector<512xf32> to vector<512x1xf32>
      %dot_general3A_774 = arith.constant dense<0.000000e+00> : vector<8x512xf32>
      %dot_general3A_775 = tpu.matmul %broadcast_in_dim3A_598, %broadcast_in_dim3A_773, %dot_general3A_774 {dimension_numbers = #tpu.dot_dimension_numbers<[1], [1], [0], [0], [0, 0, 1, 0], [], []>, precision = #tpu.contract_precision<fp32>, transpose_lhs_hint = false} : vector<8x1xf32>, vector<512x1xf32>, vector<8x512xf32> -> vector<8x512xf32>
      %swap3A_776 = arith.constant 0 : index
      %swap3A_777 = arith.constant 7168 : index
      %swap3A_778 = vector.load %arg7[%swap3A_776, %swap3A_777] : memref<8x10240xf32, #tpu.memory_space<vmem>>, vector<8x512xf32>
      tpu.vector_store %arg7[%swap3A_776, %swap3A_777], %dot_general3A_775 {strides = array<i32>} : memref<8x10240xf32, #tpu.memory_space<vmem>>, vector<8x512xf32>,
      %get3A_779 = arith.constant 7680 : index
      %get3A_780 = arith.constant 0 : index
      %get3A_781 = vector.load %arg2[%get3A_779, %get3A_780] : memref<10240x256xf32, #tpu.memory_space<vmem>>, vector<512x256xf32>
      %mul3A_782 = arith.mulf %get3A_781, %get3A_781 : vector<512x256xf32>
      %reduce_sum3A_783 = arith.constant dense<0.000000e+00> : vector<512xf32>
      %reduce_sum3A_784 = vector.multi_reduction <add>, %mul3A_782, %reduce_sum3A_783 [1] : vector<512x256xf32> to vector<512xf32>
      %broadcast_in_dim3A_785 = vector.shape_cast %reduce_sum3A_784 : vector<512xf32> to vector<512x1xf32>
      %dot_general3A_786 = arith.constant dense<0.000000e+00> : vector<8x512xf32>
      %dot_general3A_787 = tpu.matmul %broadcast_in_dim3A_598, %broadcast_in_dim3A_785, %dot_general3A_786 {dimension_numbers = #tpu.dot_dimension_numbers<[1], [1], [0], [0], [0, 0, 1, 0], [], []>, precision = #tpu.contract_precision<fp32>, transpose_lhs_hint = false} : vector<8x1xf32>, vector<512x1xf32>, vector<8x512xf32> -> vector<8x512xf32>
      %swap3A_788 = arith.constant 0 : index
      %swap3A_789 = arith.constant 7680 : index
      %swap3A_790 = vector.load %arg7[%swap3A_788, %swap3A_789] : memref<8x10240xf32, #tpu.memory_space<vmem>>, vector<8x512xf32>
      tpu.vector_store %arg7[%swap3A_788, %swap3A_789], %dot_general3A_787 {strides = array<i32>} : memref<8x10240xf32, #tpu.memory_space<vmem>>, vector<8x512xf32>,
      %get3A_791 = arith.constant 8192 : index
      %get3A_792 = arith.constant 0 : index
      %get3A_793 = vector.load %arg2[%get3A_791, %get3A_792] : memref<10240x256xf32, #tpu.memory_space<vmem>>, vector<512x256xf32>
      %mul3A_794 = arith.mulf %get3A_793, %get3A_793 : vector<512x256xf32>
      %reduce_sum3A_795 = arith.constant dense<0.000000e+00> : vector<512xf32>
      %reduce_sum3A_796 = vector.multi_reduction <add>, %mul3A_794, %reduce_sum3A_795 [1] : vector<512x256xf32> to vector<512xf32>
      %broadcast_in_dim3A_797 = vector.shape_cast %reduce_sum3A_796 : vector<512xf32> to vector<512x1xf32>
      %dot_general3A_798 = arith.constant dense<0.000000e+00> : vector<8x512xf32>
      %dot_general3A_799 = tpu.matmul %broadcast_in_dim3A_598, %broadcast_in_dim3A_797, %dot_general3A_798 {dimension_numbers = #tpu.dot_dimension_numbers<[1], [1], [0], [0], [0, 0, 1, 0], [], []>, precision = #tpu.contract_precision<fp32>, transpose_lhs_hint = false} : vector<8x1xf32>, vector<512x1xf32>, vector<8x512xf32> -> vector<8x512xf32>
      %swap3A_800 = arith.constant 0 : index
      %swap3A_801 = arith.constant 8192 : index
      %swap3A_802 = vector.load %arg7[%swap3A_800, %swap3A_801] : memref<8x10240xf32, #tpu.memory_space<vmem>>, vector<8x512xf32>
      tpu.vector_store %arg7[%swap3A_800, %swap3A_801], %dot_general3A_799 {strides = array<i32>} : memref<8x10240xf32, #tpu.memory_space<vmem>>, vector<8x512xf32>,
      %get3A_803 = arith.constant 8704 : index
      %get3A_804 = arith.constant 0 : index
      %get3A_805 = vector.load %arg2[%get3A_803, %get3A_804] : memref<10240x256xf32, #tpu.memory_space<vmem>>, vector<512x256xf32>
      %mul3A_806 = arith.mulf %get3A_805, %get3A_805 : vector<512x256xf32>
      %reduce_sum3A_807 = arith.constant dense<0.000000e+00> : vector<512xf32>
      %reduce_sum3A_808 = vector.multi_reduction <add>, %mul3A_806, %reduce_sum3A_807 [1] : vector<512x256xf32> to vector<512xf32>
      %broadcast_in_dim3A_809 = vector.shape_cast %reduce_sum3A_808 : vector<512xf32> to vector<512x1xf32>
      %dot_general3A_810 = arith.constant dense<0.000000e+00> : vector<8x512xf32>
      %dot_general3A_811 = tpu.matmul %broadcast_in_dim3A_598, %broadcast_in_dim3A_809, %dot_general3A_810 {dimension_numbers = #tpu.dot_dimension_numbers<[1], [1], [0], [0], [0, 0, 1, 0], [], []>, precision = #tpu.contract_precision<fp32>, transpose_lhs_hint = false} : vector<8x1xf32>, vector<512x1xf32>, vector<8x512xf32> -> vector<8x512xf32>
      %swap3A_812 = arith.constant 0 : index
      %swap3A_813 = arith.constant 8704 : index
      %swap3A_814 = vector.load %arg7[%swap3A_812, %swap3A_813] : memref<8x10240xf32, #tpu.memory_space<vmem>>, vector<8x512xf32>
      tpu.vector_store %arg7[%swap3A_812, %swap3A_813], %dot_general3A_811 {strides = array<i32>} : memref<8x10240xf32, #tpu.memory_space<vmem>>, vector<8x512xf32>,
      %get3A_815 = arith.constant 9216 : index
      %get3A_816 = arith.constant 0 : index
      %get3A_817 = vector.load %arg2[%get3A_815, %get3A_816] : memref<10240x256xf32, #tpu.memory_space<vmem>>, vector<512x256xf32>
      %mul3A_818 = arith.mulf %get3A_817, %get3A_817 : vector<512x256xf32>
      %reduce_sum3A_819 = arith.constant dense<0.000000e+00> : vector<512xf32>
      %reduce_sum3A_820 = vector.multi_reduction <add>, %mul3A_818, %reduce_sum3A_819 [1] : vector<512x256xf32> to vector<512xf32>
      %broadcast_in_dim3A_821 = vector.shape_cast %reduce_sum3A_820 : vector<512xf32> to vector<512x1xf32>
      %dot_general3A_822 = arith.constant dense<0.000000e+00> : vector<8x512xf32>
      %dot_general3A_823 = tpu.matmul %broadcast_in_dim3A_598, %broadcast_in_dim3A_821, %dot_general3A_822 {dimension_numbers = #tpu.dot_dimension_numbers<[1], [1], [0], [0], [0, 0, 1, 0], [], []>, precision = #tpu.contract_precision<fp32>, transpose_lhs_hint = false} : vector<8x1xf32>, vector<512x1xf32>, vector<8x512xf32> -> vector<8x512xf32>
      %swap3A_824 = arith.constant 0 : index
      %swap3A_825 = arith.constant 9216 : index
      %swap3A_826 = vector.load %arg7[%swap3A_824, %swap3A_825] : memref<8x10240xf32, #tpu.memory_space<vmem>>, vector<8x512xf32>
      tpu.vector_store %arg7[%swap3A_824, %swap3A_825], %dot_general3A_823 {strides = array<i32>} : memref<8x10240xf32, #tpu.memory_space<vmem>>, vector<8x512xf32>,
      %get3A_827 = arith.constant 9728 : index
      %get3A_828 = arith.constant 0 : index
      %get3A_829 = vector.load %arg2[%get3A_827, %get3A_828] : memref<10240x256xf32, #tpu.memory_space<vmem>>, vector<512x256xf32>
      %mul3A_830 = arith.mulf %get3A_829, %get3A_829 : vector<512x256xf32>
      %reduce_sum3A_831 = arith.constant dense<0.000000e+00> : vector<512xf32>
      %reduce_sum3A_832 = vector.multi_reduction <add>, %mul3A_830, %reduce_sum3A_831 [1] : vector<512x256xf32> to vector<512xf32>
      %broadcast_in_dim3A_833 = vector.shape_cast %reduce_sum3A_832 : vector<512xf32> to vector<512x1xf32>
      %dot_general3A_834 = arith.constant dense<0.000000e+00> : vector<8x512xf32>
      %dot_general3A_835 = tpu.matmul %broadcast_in_dim3A_598, %broadcast_in_dim3A_833, %dot_general3A_834 {dimension_numbers = #tpu.dot_dimension_numbers<[1], [1], [0], [0], [0, 0, 1, 0], [], []>, precision = #tpu.contract_precision<fp32>, transpose_lhs_hint = false} : vector<8x1xf32>, vector<512x1xf32>, vector<8x512xf32> -> vector<8x512xf32>
      %swap3A_836 = arith.constant 0 : index
      %swap3A_837 = arith.constant 9728 : index
      %swap3A_838 = vector.load %arg7[%swap3A_836, %swap3A_837] : memref<8x10240xf32, #tpu.memory_space<vmem>>, vector<8x512xf32>
      tpu.vector_store %arg7[%swap3A_836, %swap3A_837], %dot_general3A_835 {strides = array<i32>} : memref<8x10240xf32, #tpu.memory_space<vmem>>, vector<8x512xf32>,
    } else {
    }
    %get3A = arith.constant 0 : index
    %get3A_2 = arith.constant 0 : index
    %get3A_3 = vector.load %arg1[%get3A, %get3A_2] : memref<256x256xf32, #tpu.memory_space<vmem>>, vector<256x256xf32>
    %mul3A = arith.mulf %get3A_3, %get3A_3 : vector<256x256xf32>
    %reduce_sum3A = arith.constant dense<0.000000e+00> : vector<256xf32>
    %reduce_sum3A_4 = vector.multi_reduction <add>, %mul3A, %reduce_sum3A [1] : vector<256x256xf32> to vector<256xf32>
    %broadcast_in_dim3A = vector.shape_cast %reduce_sum3A_4 : vector<256xf32> to vector<256x1xf32>
    %get3A_5 = arith.constant 0 : index
    %get3A_6 = arith.constant 0 : index
    %get3A_7 = vector.load %arg3[%get3A_5, %get3A_6] : memref<256x256xbf16, #tpu.memory_space<vmem>>, vector<256x256xbf16>
    %get3A_8 = arith.constant 0 : index
    %get3A_9 = arith.constant 0 : index
    %get3A_10 = vector.load %arg4[%get3A_8, %get3A_9] : memref<10240x256xbf16, #tpu.memory_space<vmem>>, vector<512x256xbf16>
    %dot_general3A = arith.constant dense<0.000000e+00> : vector<256x512xf32>
    %dot_general3A_11 = tpu.matmul %get3A_7, %get3A_10, %dot_general3A {dimension_numbers = #tpu.dot_dimension_numbers<[1], [1], [0], [0], [0, 0, 1, 0], [], []>, transpose_lhs_hint = false} : vector<256x256xbf16>, vector<512x256xbf16>, vector<256x512xf32> -> vector<256x512xf32>
    %mul3A_12 = arith.constant 2.000000e+00 : f32
    %mul3A_13 = vector.broadcast %mul3A_12 : f32 to vector<256x512xf32>
    %mul3A_14 = arith.mulf %mul3A_13, %dot_general3A_11 : vector<256x512xf32>
    %sub3A = vector.broadcast %broadcast_in_dim3A : vector<256x1xf32> to vector<256x512xf32>
    %sub3A_15 = arith.subf %sub3A, %mul3A_14 : vector<256x512xf32>
    %get3A_16 = arith.constant 0 : index
    %get3A_17 = arith.constant 0 : index
    %get3A_18 = vector.load %arg7[%get3A_16, %get3A_17] : memref<8x10240xf32, #tpu.memory_space<vmem>>, vector<1x512xf32>
    %add3A = vector.broadcast %get3A_18 : vector<1x512xf32> to vector<256x512xf32>
    %add3A_19 = arith.addf %sub3A_15, %add3A : vector<256x512xf32>
    %swap3A = arith.constant 0 : index
    %swap3A_20 = arith.constant 0 : index
    %swap3A_21 = vector.load %arg6[%swap3A, %swap3A_20] : memref<256x10240xf32, #tpu.memory_space<vmem>>, vector<256x512xf32>
    tpu.vector_store %arg6[%swap3A, %swap3A_20], %add3A_19 {strides = array<i32>} : memref<256x10240xf32, #tpu.memory_space<vmem>>, vector<256x512xf32>,
    %get3A_22 = arith.constant 512 : index
    %get3A_23 = arith.constant 0 : index
    %get3A_24 = vector.load %arg4[%get3A_22, %get3A_23] : memref<10240x256xbf16, #tpu.memory_space<vmem>>, vector<512x256xbf16>
    %dot_general3A_25 = arith.constant dense<0.000000e+00> : vector<256x512xf32>
    %dot_general3A_26 = tpu.matmul %get3A_7, %get3A_24, %dot_general3A_25 {dimension_numbers = #tpu.dot_dimension_numbers<[1], [1], [0], [0], [0, 0, 1, 0], [], []>, transpose_lhs_hint = false} : vector<256x256xbf16>, vector<512x256xbf16>, vector<256x512xf32> -> vector<256x512xf32>
    %mul3A_27 = arith.constant 2.000000e+00 : f32
    %mul3A_28 = vector.broadcast %mul3A_27 : f32 to vector<256x512xf32>
    %mul3A_29 = arith.mulf %mul3A_28, %dot_general3A_26 : vector<256x512xf32>
    %sub3A_30 = vector.broadcast %broadcast_in_dim3A : vector<256x1xf32> to vector<256x512xf32>
    %sub3A_31 = arith.subf %sub3A_30, %mul3A_29 : vector<256x512xf32>
    %get3A_32 = arith.constant 0 : index
    %get3A_33 = arith.constant 512 : index
    %get3A_34 = vector.load %arg7[%get3A_32, %get3A_33] : memref<8x10240xf32, #tpu.memory_space<vmem>>, vector<1x512xf32>
    %add3A_35 = vector.broadcast %get3A_34 : vector<1x512xf32> to vector<256x512xf32>
    %add3A_36 = arith.addf %sub3A_31, %add3A_35 : vector<256x512xf32>
    %swap3A_37 = arith.constant 0 : index
    %swap3A_38 = arith.constant 512 : index
    %swap3A_39 = vector.load %arg6[%swap3A_37, %swap3A_38] : memref<256x10240xf32, #tpu.memory_space<vmem>>, vector<256x512xf32>
    tpu.vector_store %arg6[%swap3A_37, %swap3A_38], %add3A_36 {strides = array<i32>} : memref<256x10240xf32, #tpu.memory_space<vmem>>, vector<256x512xf32>,
    %get3A_40 = arith.constant 1024 : index
    %get3A_41 = arith.constant 0 : index
    %get3A_42 = vector.load %arg4[%get3A_40, %get3A_41] : memref<10240x256xbf16, #tpu.memory_space<vmem>>, vector<512x256xbf16>
    %dot_general3A_43 = arith.constant dense<0.000000e+00> : vector<256x512xf32>
    %dot_general3A_44 = tpu.matmul %get3A_7, %get3A_42, %dot_general3A_43 {dimension_numbers = #tpu.dot_dimension_numbers<[1], [1], [0], [0], [0, 0, 1, 0], [], []>, transpose_lhs_hint = false} : vector<256x256xbf16>, vector<512x256xbf16>, vector<256x512xf32> -> vector<256x512xf32>
    %mul3A_45 = arith.constant 2.000000e+00 : f32
    %mul3A_46 = vector.broadcast %mul3A_45 : f32 to vector<256x512xf32>
    %mul3A_47 = arith.mulf %mul3A_46, %dot_general3A_44 : vector<256x512xf32>
    %sub3A_48 = vector.broadcast %broadcast_in_dim3A : vector<256x1xf32> to vector<256x512xf32>
    %sub3A_49 = arith.subf %sub3A_48, %mul3A_47 : vector<256x512xf32>
    %get3A_50 = arith.constant 0 : index
    %get3A_51 = arith.constant 1024 : index
    %get3A_52 = vector.load %arg7[%get3A_50, %get3A_51] : memref<8x10240xf32, #tpu.memory_space<vmem>>, vector<1x512xf32>
    %add3A_53 = vector.broadcast %get3A_52 : vector<1x512xf32> to vector<256x512xf32>
    %add3A_54 = arith.addf %sub3A_49, %add3A_53 : vector<256x512xf32>
    %swap3A_55 = arith.constant 0 : index
    %swap3A_56 = arith.constant 1024 : index
    %swap3A_57 = vector.load %arg6[%swap3A_55, %swap3A_56] : memref<256x10240xf32, #tpu.memory_space<vmem>>, vector<256x512xf32>
    tpu.vector_store %arg6[%swap3A_55, %swap3A_56], %add3A_54 {strides = array<i32>} : memref<256x10240xf32, #tpu.memory_space<vmem>>, vector<256x512xf32>,
    %get3A_58 = arith.constant 1536 : index
    %get3A_59 = arith.constant 0 : index
    %get3A_60 = vector.load %arg4[%get3A_58, %get3A_59] : memref<10240x256xbf16, #tpu.memory_space<vmem>>, vector<512x256xbf16>
    %dot_general3A_61 = arith.constant dense<0.000000e+00> : vector<256x512xf32>
    %dot_general3A_62 = tpu.matmul %get3A_7, %get3A_60, %dot_general3A_61 {dimension_numbers = #tpu.dot_dimension_numbers<[1], [1], [0], [0], [0, 0, 1, 0], [], []>, transpose_lhs_hint = false} : vector<256x256xbf16>, vector<512x256xbf16>, vector<256x512xf32> -> vector<256x512xf32>
    %mul3A_63 = arith.constant 2.000000e+00 : f32
    %mul3A_64 = vector.broadcast %mul3A_63 : f32 to vector<256x512xf32>
    %mul3A_65 = arith.mulf %mul3A_64, %dot_general3A_62 : vector<256x512xf32>
    %sub3A_66 = vector.broadcast %broadcast_in_dim3A : vector<256x1xf32> to vector<256x512xf32>
    %sub3A_67 = arith.subf %sub3A_66, %mul3A_65 : vector<256x512xf32>
    %get3A_68 = arith.constant 0 : index
    %get3A_69 = arith.constant 1536 : index
    %get3A_70 = vector.load %arg7[%get3A_68, %get3A_69] : memref<8x10240xf32, #tpu.memory_space<vmem>>, vector<1x512xf32>
    %add3A_71 = vector.broadcast %get3A_70 : vector<1x512xf32> to vector<256x512xf32>
    %add3A_72 = arith.addf %sub3A_67, %add3A_71 : vector<256x512xf32>
    %swap3A_73 = arith.constant 0 : index
    %swap3A_74 = arith.constant 1536 : index
    %swap3A_75 = vector.load %arg6[%swap3A_73, %swap3A_74] : memref<256x10240xf32, #tpu.memory_space<vmem>>, vector<256x512xf32>
    tpu.vector_store %arg6[%swap3A_73, %swap3A_74], %add3A_72 {strides = array<i32>} : memref<256x10240xf32, #tpu.memory_space<vmem>>, vector<256x512xf32>,
    %get3A_76 = arith.constant 2048 : index
    %get3A_77 = arith.constant 0 : index
    %get3A_78 = vector.load %arg4[%get3A_76, %get3A_77] : memref<10240x256xbf16, #tpu.memory_space<vmem>>, vector<512x256xbf16>
    %dot_general3A_79 = arith.constant dense<0.000000e+00> : vector<256x512xf32>
    %dot_general3A_80 = tpu.matmul %get3A_7, %get3A_78, %dot_general3A_79 {dimension_numbers = #tpu.dot_dimension_numbers<[1], [1], [0], [0], [0, 0, 1, 0], [], []>, transpose_lhs_hint = false} : vector<256x256xbf16>, vector<512x256xbf16>, vector<256x512xf32> -> vector<256x512xf32>
    %mul3A_81 = arith.constant 2.000000e+00 : f32
    %mul3A_82 = vector.broadcast %mul3A_81 : f32 to vector<256x512xf32>
    %mul3A_83 = arith.mulf %mul3A_82, %dot_general3A_80 : vector<256x512xf32>
    %sub3A_84 = vector.broadcast %broadcast_in_dim3A : vector<256x1xf32> to vector<256x512xf32>
    %sub3A_85 = arith.subf %sub3A_84, %mul3A_83 : vector<256x512xf32>
    %get3A_86 = arith.constant 0 : index
    %get3A_87 = arith.constant 2048 : index
    %get3A_88 = vector.load %arg7[%get3A_86, %get3A_87] : memref<8x10240xf32, #tpu.memory_space<vmem>>, vector<1x512xf32>
    %add3A_89 = vector.broadcast %get3A_88 : vector<1x512xf32> to vector<256x512xf32>
    %add3A_90 = arith.addf %sub3A_85, %add3A_89 : vector<256x512xf32>
    %swap3A_91 = arith.constant 0 : index
    %swap3A_92 = arith.constant 2048 : index
    %swap3A_93 = vector.load %arg6[%swap3A_91, %swap3A_92] : memref<256x10240xf32, #tpu.memory_space<vmem>>, vector<256x512xf32>
    tpu.vector_store %arg6[%swap3A_91, %swap3A_92], %add3A_90 {strides = array<i32>} : memref<256x10240xf32, #tpu.memory_space<vmem>>, vector<256x512xf32>,
    %get3A_94 = arith.constant 2560 : index
    %get3A_95 = arith.constant 0 : index
    %get3A_96 = vector.load %arg4[%get3A_94, %get3A_95] : memref<10240x256xbf16, #tpu.memory_space<vmem>>, vector<512x256xbf16>
    %dot_general3A_97 = arith.constant dense<0.000000e+00> : vector<256x512xf32>
    %dot_general3A_98 = tpu.matmul %get3A_7, %get3A_96, %dot_general3A_97 {dimension_numbers = #tpu.dot_dimension_numbers<[1], [1], [0], [0], [0, 0, 1, 0], [], []>, transpose_lhs_hint = false} : vector<256x256xbf16>, vector<512x256xbf16>, vector<256x512xf32> -> vector<256x512xf32>
    %mul3A_99 = arith.constant 2.000000e+00 : f32
    %mul3A_100 = vector.broadcast %mul3A_99 : f32 to vector<256x512xf32>
    %mul3A_101 = arith.mulf %mul3A_100, %dot_general3A_98 : vector<256x512xf32>
    %sub3A_102 = vector.broadcast %broadcast_in_dim3A : vector<256x1xf32> to vector<256x512xf32>
    %sub3A_103 = arith.subf %sub3A_102, %mul3A_101 : vector<256x512xf32>
    %get3A_104 = arith.constant 0 : index
    %get3A_105 = arith.constant 2560 : index
    %get3A_106 = vector.load %arg7[%get3A_104, %get3A_105] : memref<8x10240xf32, #tpu.memory_space<vmem>>, vector<1x512xf32>
    %add3A_107 = vector.broadcast %get3A_106 : vector<1x512xf32> to vector<256x512xf32>
    %add3A_108 = arith.addf %sub3A_103, %add3A_107 : vector<256x512xf32>
    %swap3A_109 = arith.constant 0 : index
    %swap3A_110 = arith.constant 2560 : index
    %swap3A_111 = vector.load %arg6[%swap3A_109, %swap3A_110] : memref<256x10240xf32, #tpu.memory_space<vmem>>, vector<256x512xf32>
    tpu.vector_store %arg6[%swap3A_109, %swap3A_110], %add3A_108 {strides = array<i32>} : memref<256x10240xf32, #tpu.memory_space<vmem>>, vector<256x512xf32>,
    %get3A_112 = arith.constant 3072 : index
    %get3A_113 = arith.constant 0 : index
    %get3A_114 = vector.load %arg4[%get3A_112, %get3A_113] : memref<10240x256xbf16, #tpu.memory_space<vmem>>, vector<512x256xbf16>
    %dot_general3A_115 = arith.constant dense<0.000000e+00> : vector<256x512xf32>
    %dot_general3A_116 = tpu.matmul %get3A_7, %get3A_114, %dot_general3A_115 {dimension_numbers = #tpu.dot_dimension_numbers<[1], [1], [0], [0], [0, 0, 1, 0], [], []>, transpose_lhs_hint = false} : vector<256x256xbf16>, vector<512x256xbf16>, vector<256x512xf32> -> vector<256x512xf32>
    %mul3A_117 = arith.constant 2.000000e+00 : f32
    %mul3A_118 = vector.broadcast %mul3A_117 : f32 to vector<256x512xf32>
    %mul3A_119 = arith.mulf %mul3A_118, %dot_general3A_116 : vector<256x512xf32>
    %sub3A_120 = vector.broadcast %broadcast_in_dim3A : vector<256x1xf32> to vector<256x512xf32>
    %sub3A_121 = arith.subf %sub3A_120, %mul3A_119 : vector<256x512xf32>
    %get3A_122 = arith.constant 0 : index
    %get3A_123 = arith.constant 3072 : index
    %get3A_124 = vector.load %arg7[%get3A_122, %get3A_123] : memref<8x10240xf32, #tpu.memory_space<vmem>>, vector<1x512xf32>
    %add3A_125 = vector.broadcast %get3A_124 : vector<1x512xf32> to vector<256x512xf32>
    %add3A_126 = arith.addf %sub3A_121, %add3A_125 : vector<256x512xf32>
    %swap3A_127 = arith.constant 0 : index
    %swap3A_128 = arith.constant 3072 : index
    %swap3A_129 = vector.load %arg6[%swap3A_127, %swap3A_128] : memref<256x10240xf32, #tpu.memory_space<vmem>>, vector<256x512xf32>
    tpu.vector_store %arg6[%swap3A_127, %swap3A_128], %add3A_126 {strides = array<i32>} : memref<256x10240xf32, #tpu.memory_space<vmem>>, vector<256x512xf32>,
    %get3A_130 = arith.constant 3584 : index
    %get3A_131 = arith.constant 0 : index
    %get3A_132 = vector.load %arg4[%get3A_130, %get3A_131] : memref<10240x256xbf16, #tpu.memory_space<vmem>>, vector<512x256xbf16>
    %dot_general3A_133 = arith.constant dense<0.000000e+00> : vector<256x512xf32>
    %dot_general3A_134 = tpu.matmul %get3A_7, %get3A_132, %dot_general3A_133 {dimension_numbers = #tpu.dot_dimension_numbers<[1], [1], [0], [0], [0, 0, 1, 0], [], []>, transpose_lhs_hint = false} : vector<256x256xbf16>, vector<512x256xbf16>, vector<256x512xf32> -> vector<256x512xf32>
    %mul3A_135 = arith.constant 2.000000e+00 : f32
    %mul3A_136 = vector.broadcast %mul3A_135 : f32 to vector<256x512xf32>
    %mul3A_137 = arith.mulf %mul3A_136, %dot_general3A_134 : vector<256x512xf32>
    %sub3A_138 = vector.broadcast %broadcast_in_dim3A : vector<256x1xf32> to vector<256x512xf32>
    %sub3A_139 = arith.subf %sub3A_138, %mul3A_137 : vector<256x512xf32>
    %get3A_140 = arith.constant 0 : index
    %get3A_141 = arith.constant 3584 : index
    %get3A_142 = vector.load %arg7[%get3A_140, %get3A_141] : memref<8x10240xf32, #tpu.memory_space<vmem>>, vector<1x512xf32>
    %add3A_143 = vector.broadcast %get3A_142 : vector<1x512xf32> to vector<256x512xf32>
    %add3A_144 = arith.addf %sub3A_139, %add3A_143 : vector<256x512xf32>
    %swap3A_145 = arith.constant 0 : index
    %swap3A_146 = arith.constant 3584 : index
    %swap3A_147 = vector.load %arg6[%swap3A_145, %swap3A_146] : memref<256x10240xf32, #tpu.memory_space<vmem>>, vector<256x512xf32>
    tpu.vector_store %arg6[%swap3A_145, %swap3A_146], %add3A_144 {strides = array<i32>} : memref<256x10240xf32, #tpu.memory_space<vmem>>, vector<256x512xf32>,
    %get3A_148 = arith.constant 4096 : index
    %get3A_149 = arith.constant 0 : index
    %get3A_150 = vector.load %arg4[%get3A_148, %get3A_149] : memref<10240x256xbf16, #tpu.memory_space<vmem>>, vector<512x256xbf16>
    %dot_general3A_151 = arith.constant dense<0.000000e+00> : vector<256x512xf32>
    %dot_general3A_152 = tpu.matmul %get3A_7, %get3A_150, %dot_general3A_151 {dimension_numbers = #tpu.dot_dimension_numbers<[1], [1], [0], [0], [0, 0, 1, 0], [], []>, transpose_lhs_hint = false} : vector<256x256xbf16>, vector<512x256xbf16>, vector<256x512xf32> -> vector<256x512xf32>
    %mul3A_153 = arith.constant 2.000000e+00 : f32
    %mul3A_154 = vector.broadcast %mul3A_153 : f32 to vector<256x512xf32>
    %mul3A_155 = arith.mulf %mul3A_154, %dot_general3A_152 : vector<256x512xf32>
    %sub3A_156 = vector.broadcast %broadcast_in_dim3A : vector<256x1xf32> to vector<256x512xf32>
    %sub3A_157 = arith.subf %sub3A_156, %mul3A_155 : vector<256x512xf32>
    %get3A_158 = arith.constant 0 : index
    %get3A_159 = arith.constant 4096 : index
    %get3A_160 = vector.load %arg7[%get3A_158, %get3A_159] : memref<8x10240xf32, #tpu.memory_space<vmem>>, vector<1x512xf32>
    %add3A_161 = vector.broadcast %get3A_160 : vector<1x512xf32> to vector<256x512xf32>
    %add3A_162 = arith.addf %sub3A_157, %add3A_161 : vector<256x512xf32>
    %swap3A_163 = arith.constant 0 : index
    %swap3A_164 = arith.constant 4096 : index
    %swap3A_165 = vector.load %arg6[%swap3A_163, %swap3A_164] : memref<256x10240xf32, #tpu.memory_space<vmem>>, vector<256x512xf32>
    tpu.vector_store %arg6[%swap3A_163, %swap3A_164], %add3A_162 {strides = array<i32>} : memref<256x10240xf32, #tpu.memory_space<vmem>>, vector<256x512xf32>,
    %get3A_166 = arith.constant 4608 : index
    %get3A_167 = arith.constant 0 : index
    %get3A_168 = vector.load %arg4[%get3A_166, %get3A_167] : memref<10240x256xbf16, #tpu.memory_space<vmem>>, vector<512x256xbf16>
    %dot_general3A_169 = arith.constant dense<0.000000e+00> : vector<256x512xf32>
    %dot_general3A_170 = tpu.matmul %get3A_7, %get3A_168, %dot_general3A_169 {dimension_numbers = #tpu.dot_dimension_numbers<[1], [1], [0], [0], [0, 0, 1, 0], [], []>, transpose_lhs_hint = false} : vector<256x256xbf16>, vector<512x256xbf16>, vector<256x512xf32> -> vector<256x512xf32>
    %mul3A_171 = arith.constant 2.000000e+00 : f32
    %mul3A_172 = vector.broadcast %mul3A_171 : f32 to vector<256x512xf32>
    %mul3A_173 = arith.mulf %mul3A_172, %dot_general3A_170 : vector<256x512xf32>
    %sub3A_174 = vector.broadcast %broadcast_in_dim3A : vector<256x1xf32> to vector<256x512xf32>
    %sub3A_175 = arith.subf %sub3A_174, %mul3A_173 : vector<256x512xf32>
    %get3A_176 = arith.constant 0 : index
    %get3A_177 = arith.constant 4608 : index
    %get3A_178 = vector.load %arg7[%get3A_176, %get3A_177] : memref<8x10240xf32, #tpu.memory_space<vmem>>, vector<1x512xf32>
    %add3A_179 = vector.broadcast %get3A_178 : vector<1x512xf32> to vector<256x512xf32>
    %add3A_180 = arith.addf %sub3A_175, %add3A_179 : vector<256x512xf32>
    %swap3A_181 = arith.constant 0 : index
    %swap3A_182 = arith.constant 4608 : index
    %swap3A_183 = vector.load %arg6[%swap3A_181, %swap3A_182] : memref<256x10240xf32, #tpu.memory_space<vmem>>, vector<256x512xf32>
    tpu.vector_store %arg6[%swap3A_181, %swap3A_182], %add3A_180 {strides = array<i32>} : memref<256x10240xf32, #tpu.memory_space<vmem>>, vector<256x512xf32>,
    %get3A_184 = arith.constant 5120 : index
    %get3A_185 = arith.constant 0 : index
    %get3A_186 = vector.load %arg4[%get3A_184, %get3A_185] : memref<10240x256xbf16, #tpu.memory_space<vmem>>, vector<512x256xbf16>
    %dot_general3A_187 = arith.constant dense<0.000000e+00> : vector<256x512xf32>
    %dot_general3A_188 = tpu.matmul %get3A_7, %get3A_186, %dot_general3A_187 {dimension_numbers = #tpu.dot_dimension_numbers<[1], [1], [0], [0], [0, 0, 1, 0], [], []>, transpose_lhs_hint = false} : vector<256x256xbf16>, vector<512x256xbf16>, vector<256x512xf32> -> vector<256x512xf32>
    %mul3A_189 = arith.constant 2.000000e+00 : f32
    %mul3A_190 = vector.broadcast %mul3A_189 : f32 to vector<256x512xf32>
    %mul3A_191 = arith.mulf %mul3A_190, %dot_general3A_188 : vector<256x512xf32>
    %sub3A_192 = vector.broadcast %broadcast_in_dim3A : vector<256x1xf32> to vector<256x512xf32>
    %sub3A_193 = arith.subf %sub3A_192, %mul3A_191 : vector<256x512xf32>
    %get3A_194 = arith.constant 0 : index
    %get3A_195 = arith.constant 5120 : index
    %get3A_196 = vector.load %arg7[%get3A_194, %get3A_195] : memref<8x10240xf32, #tpu.memory_space<vmem>>, vector<1x512xf32>
    %add3A_197 = vector.broadcast %get3A_196 : vector<1x512xf32> to vector<256x512xf32>
    %add3A_198 = arith.addf %sub3A_193, %add3A_197 : vector<256x512xf32>
    %swap3A_199 = arith.constant 0 : index
    %swap3A_200 = arith.constant 5120 : index
    %swap3A_201 = vector.load %arg6[%swap3A_199, %swap3A_200] : memref<256x10240xf32, #tpu.memory_space<vmem>>, vector<256x512xf32>
    tpu.vector_store %arg6[%swap3A_199, %swap3A_200], %add3A_198 {strides = array<i32>} : memref<256x10240xf32, #tpu.memory_space<vmem>>, vector<256x512xf32>,
    %get3A_202 = arith.constant 5632 : index
    %get3A_203 = arith.constant 0 : index
    %get3A_204 = vector.load %arg4[%get3A_202, %get3A_203] : memref<10240x256xbf16, #tpu.memory_space<vmem>>, vector<512x256xbf16>
    %dot_general3A_205 = arith.constant dense<0.000000e+00> : vector<256x512xf32>
    %dot_general3A_206 = tpu.matmul %get3A_7, %get3A_204, %dot_general3A_205 {dimension_numbers = #tpu.dot_dimension_numbers<[1], [1], [0], [0], [0, 0, 1, 0], [], []>, transpose_lhs_hint = false} : vector<256x256xbf16>, vector<512x256xbf16>, vector<256x512xf32> -> vector<256x512xf32>
    %mul3A_207 = arith.constant 2.000000e+00 : f32
    %mul3A_208 = vector.broadcast %mul3A_207 : f32 to vector<256x512xf32>
    %mul3A_209 = arith.mulf %mul3A_208, %dot_general3A_206 : vector<256x512xf32>
    %sub3A_210 = vector.broadcast %broadcast_in_dim3A : vector<256x1xf32> to vector<256x512xf32>
    %sub3A_211 = arith.subf %sub3A_210, %mul3A_209 : vector<256x512xf32>
    %get3A_212 = arith.constant 0 : index
    %get3A_213 = arith.constant 5632 : index
    %get3A_214 = vector.load %arg7[%get3A_212, %get3A_213] : memref<8x10240xf32, #tpu.memory_space<vmem>>, vector<1x512xf32>
    %add3A_215 = vector.broadcast %get3A_214 : vector<1x512xf32> to vector<256x512xf32>
    %add3A_216 = arith.addf %sub3A_211, %add3A_215 : vector<256x512xf32>
    %swap3A_217 = arith.constant 0 : index
    %swap3A_218 = arith.constant 5632 : index
    %swap3A_219 = vector.load %arg6[%swap3A_217, %swap3A_218] : memref<256x10240xf32, #tpu.memory_space<vmem>>, vector<256x512xf32>
    tpu.vector_store %arg6[%swap3A_217, %swap3A_218], %add3A_216 {strides = array<i32>} : memref<256x10240xf32, #tpu.memory_space<vmem>>, vector<256x512xf32>,
    %get3A_220 = arith.constant 6144 : index
    %get3A_221 = arith.constant 0 : index
    %get3A_222 = vector.load %arg4[%get3A_220, %get3A_221] : memref<10240x256xbf16, #tpu.memory_space<vmem>>, vector<512x256xbf16>
    %dot_general3A_223 = arith.constant dense<0.000000e+00> : vector<256x512xf32>
    %dot_general3A_224 = tpu.matmul %get3A_7, %get3A_222, %dot_general3A_223 {dimension_numbers = #tpu.dot_dimension_numbers<[1], [1], [0], [0], [0, 0, 1, 0], [], []>, transpose_lhs_hint = false} : vector<256x256xbf16>, vector<512x256xbf16>, vector<256x512xf32> -> vector<256x512xf32>
    %mul3A_225 = arith.constant 2.000000e+00 : f32
    %mul3A_226 = vector.broadcast %mul3A_225 : f32 to vector<256x512xf32>
    %mul3A_227 = arith.mulf %mul3A_226, %dot_general3A_224 : vector<256x512xf32>
    %sub3A_228 = vector.broadcast %broadcast_in_dim3A : vector<256x1xf32> to vector<256x512xf32>
    %sub3A_229 = arith.subf %sub3A_228, %mul3A_227 : vector<256x512xf32>
    %get3A_230 = arith.constant 0 : index
    %get3A_231 = arith.constant 6144 : index
    %get3A_232 = vector.load %arg7[%get3A_230, %get3A_231] : memref<8x10240xf32, #tpu.memory_space<vmem>>, vector<1x512xf32>
    %add3A_233 = vector.broadcast %get3A_232 : vector<1x512xf32> to vector<256x512xf32>
    %add3A_234 = arith.addf %sub3A_229, %add3A_233 : vector<256x512xf32>
    %swap3A_235 = arith.constant 0 : index
    %swap3A_236 = arith.constant 6144 : index
    %swap3A_237 = vector.load %arg6[%swap3A_235, %swap3A_236] : memref<256x10240xf32, #tpu.memory_space<vmem>>, vector<256x512xf32>
    tpu.vector_store %arg6[%swap3A_235, %swap3A_236], %add3A_234 {strides = array<i32>} : memref<256x10240xf32, #tpu.memory_space<vmem>>, vector<256x512xf32>,
    %get3A_238 = arith.constant 6656 : index
    %get3A_239 = arith.constant 0 : index
    %get3A_240 = vector.load %arg4[%get3A_238, %get3A_239] : memref<10240x256xbf16, #tpu.memory_space<vmem>>, vector<512x256xbf16>
    %dot_general3A_241 = arith.constant dense<0.000000e+00> : vector<256x512xf32>
    %dot_general3A_242 = tpu.matmul %get3A_7, %get3A_240, %dot_general3A_241 {dimension_numbers = #tpu.dot_dimension_numbers<[1], [1], [0], [0], [0, 0, 1, 0], [], []>, transpose_lhs_hint = false} : vector<256x256xbf16>, vector<512x256xbf16>, vector<256x512xf32> -> vector<256x512xf32>
    %mul3A_243 = arith.constant 2.000000e+00 : f32
    %mul3A_244 = vector.broadcast %mul3A_243 : f32 to vector<256x512xf32>
    %mul3A_245 = arith.mulf %mul3A_244, %dot_general3A_242 : vector<256x512xf32>
    %sub3A_246 = vector.broadcast %broadcast_in_dim3A : vector<256x1xf32> to vector<256x512xf32>
    %sub3A_247 = arith.subf %sub3A_246, %mul3A_245 : vector<256x512xf32>
    %get3A_248 = arith.constant 0 : index
    %get3A_249 = arith.constant 6656 : index
    %get3A_250 = vector.load %arg7[%get3A_248, %get3A_249] : memref<8x10240xf32, #tpu.memory_space<vmem>>, vector<1x512xf32>
    %add3A_251 = vector.broadcast %get3A_250 : vector<1x512xf32> to vector<256x512xf32>
    %add3A_252 = arith.addf %sub3A_247, %add3A_251 : vector<256x512xf32>
    %swap3A_253 = arith.constant 0 : index
    %swap3A_254 = arith.constant 6656 : index
    %swap3A_255 = vector.load %arg6[%swap3A_253, %swap3A_254] : memref<256x10240xf32, #tpu.memory_space<vmem>>, vector<256x512xf32>
    tpu.vector_store %arg6[%swap3A_253, %swap3A_254], %add3A_252 {strides = array<i32>} : memref<256x10240xf32, #tpu.memory_space<vmem>>, vector<256x512xf32>,
    %get3A_256 = arith.constant 7168 : index
    %get3A_257 = arith.constant 0 : index
    %get3A_258 = vector.load %arg4[%get3A_256, %get3A_257] : memref<10240x256xbf16, #tpu.memory_space<vmem>>, vector<512x256xbf16>
    %dot_general3A_259 = arith.constant dense<0.000000e+00> : vector<256x512xf32>
    %dot_general3A_260 = tpu.matmul %get3A_7, %get3A_258, %dot_general3A_259 {dimension_numbers = #tpu.dot_dimension_numbers<[1], [1], [0], [0], [0, 0, 1, 0], [], []>, transpose_lhs_hint = false} : vector<256x256xbf16>, vector<512x256xbf16>, vector<256x512xf32> -> vector<256x512xf32>
    %mul3A_261 = arith.constant 2.000000e+00 : f32
    %mul3A_262 = vector.broadcast %mul3A_261 : f32 to vector<256x512xf32>
    %mul3A_263 = arith.mulf %mul3A_262, %dot_general3A_260 : vector<256x512xf32>
    %sub3A_264 = vector.broadcast %broadcast_in_dim3A : vector<256x1xf32> to vector<256x512xf32>
    %sub3A_265 = arith.subf %sub3A_264, %mul3A_263 : vector<256x512xf32>
    %get3A_266 = arith.constant 0 : index
    %get3A_267 = arith.constant 7168 : index
    %get3A_268 = vector.load %arg7[%get3A_266, %get3A_267] : memref<8x10240xf32, #tpu.memory_space<vmem>>, vector<1x512xf32>
    %add3A_269 = vector.broadcast %get3A_268 : vector<1x512xf32> to vector<256x512xf32>
    %add3A_270 = arith.addf %sub3A_265, %add3A_269 : vector<256x512xf32>
    %swap3A_271 = arith.constant 0 : index
    %swap3A_272 = arith.constant 7168 : index
    %swap3A_273 = vector.load %arg6[%swap3A_271, %swap3A_272] : memref<256x10240xf32, #tpu.memory_space<vmem>>, vector<256x512xf32>
    tpu.vector_store %arg6[%swap3A_271, %swap3A_272], %add3A_270 {strides = array<i32>} : memref<256x10240xf32, #tpu.memory_space<vmem>>, vector<256x512xf32>,
    %get3A_274 = arith.constant 7680 : index
    %get3A_275 = arith.constant 0 : index
    %get3A_276 = vector.load %arg4[%get3A_274, %get3A_275] : memref<10240x256xbf16, #tpu.memory_space<vmem>>, vector<512x256xbf16>
    %dot_general3A_277 = arith.constant dense<0.000000e+00> : vector<256x512xf32>
    %dot_general3A_278 = tpu.matmul %get3A_7, %get3A_276, %dot_general3A_277 {dimension_numbers = #tpu.dot_dimension_numbers<[1], [1], [0], [0], [0, 0, 1, 0], [], []>, transpose_lhs_hint = false} : vector<256x256xbf16>, vector<512x256xbf16>, vector<256x512xf32> -> vector<256x512xf32>
    %mul3A_279 = arith.constant 2.000000e+00 : f32
    %mul3A_280 = vector.broadcast %mul3A_279 : f32 to vector<256x512xf32>
    %mul3A_281 = arith.mulf %mul3A_280, %dot_general3A_278 : vector<256x512xf32>
    %sub3A_282 = vector.broadcast %broadcast_in_dim3A : vector<256x1xf32> to vector<256x512xf32>
    %sub3A_283 = arith.subf %sub3A_282, %mul3A_281 : vector<256x512xf32>
    %get3A_284 = arith.constant 0 : index
    %get3A_285 = arith.constant 7680 : index
    %get3A_286 = vector.load %arg7[%get3A_284, %get3A_285] : memref<8x10240xf32, #tpu.memory_space<vmem>>, vector<1x512xf32>
    %add3A_287 = vector.broadcast %get3A_286 : vector<1x512xf32> to vector<256x512xf32>
    %add3A_288 = arith.addf %sub3A_283, %add3A_287 : vector<256x512xf32>
    %swap3A_289 = arith.constant 0 : index
    %swap3A_290 = arith.constant 7680 : index
    %swap3A_291 = vector.load %arg6[%swap3A_289, %swap3A_290] : memref<256x10240xf32, #tpu.memory_space<vmem>>, vector<256x512xf32>
    tpu.vector_store %arg6[%swap3A_289, %swap3A_290], %add3A_288 {strides = array<i32>} : memref<256x10240xf32, #tpu.memory_space<vmem>>, vector<256x512xf32>,
    %get3A_292 = arith.constant 8192 : index
    %get3A_293 = arith.constant 0 : index
    %get3A_294 = vector.load %arg4[%get3A_292, %get3A_293] : memref<10240x256xbf16, #tpu.memory_space<vmem>>, vector<512x256xbf16>
    %dot_general3A_295 = arith.constant dense<0.000000e+00> : vector<256x512xf32>
    %dot_general3A_296 = tpu.matmul %get3A_7, %get3A_294, %dot_general3A_295 {dimension_numbers = #tpu.dot_dimension_numbers<[1], [1], [0], [0], [0, 0, 1, 0], [], []>, transpose_lhs_hint = false} : vector<256x256xbf16>, vector<512x256xbf16>, vector<256x512xf32> -> vector<256x512xf32>
    %mul3A_297 = arith.constant 2.000000e+00 : f32
    %mul3A_298 = vector.broadcast %mul3A_297 : f32 to vector<256x512xf32>
    %mul3A_299 = arith.mulf %mul3A_298, %dot_general3A_296 : vector<256x512xf32>
    %sub3A_300 = vector.broadcast %broadcast_in_dim3A : vector<256x1xf32> to vector<256x512xf32>
    %sub3A_301 = arith.subf %sub3A_300, %mul3A_299 : vector<256x512xf32>
    %get3A_302 = arith.constant 0 : index
    %get3A_303 = arith.constant 8192 : index
    %get3A_304 = vector.load %arg7[%get3A_302, %get3A_303] : memref<8x10240xf32, #tpu.memory_space<vmem>>, vector<1x512xf32>
    %add3A_305 = vector.broadcast %get3A_304 : vector<1x512xf32> to vector<256x512xf32>
    %add3A_306 = arith.addf %sub3A_301, %add3A_305 : vector<256x512xf32>
    %swap3A_307 = arith.constant 0 : index
    %swap3A_308 = arith.constant 8192 : index
    %swap3A_309 = vector.load %arg6[%swap3A_307, %swap3A_308] : memref<256x10240xf32, #tpu.memory_space<vmem>>, vector<256x512xf32>
    tpu.vector_store %arg6[%swap3A_307, %swap3A_308], %add3A_306 {strides = array<i32>} : memref<256x10240xf32, #tpu.memory_space<vmem>>, vector<256x512xf32>,
    %get3A_310 = arith.constant 8704 : index
    %get3A_311 = arith.constant 0 : index
    %get3A_312 = vector.load %arg4[%get3A_310, %get3A_311] : memref<10240x256xbf16, #tpu.memory_space<vmem>>, vector<512x256xbf16>
    %dot_general3A_313 = arith.constant dense<0.000000e+00> : vector<256x512xf32>
    %dot_general3A_314 = tpu.matmul %get3A_7, %get3A_312, %dot_general3A_313 {dimension_numbers = #tpu.dot_dimension_numbers<[1], [1], [0], [0], [0, 0, 1, 0], [], []>, transpose_lhs_hint = false} : vector<256x256xbf16>, vector<512x256xbf16>, vector<256x512xf32> -> vector<256x512xf32>
    %mul3A_315 = arith.constant 2.000000e+00 : f32
    %mul3A_316 = vector.broadcast %mul3A_315 : f32 to vector<256x512xf32>
    %mul3A_317 = arith.mulf %mul3A_316, %dot_general3A_314 : vector<256x512xf32>
    %sub3A_318 = vector.broadcast %broadcast_in_dim3A : vector<256x1xf32> to vector<256x512xf32>
    %sub3A_319 = arith.subf %sub3A_318, %mul3A_317 : vector<256x512xf32>
    %get3A_320 = arith.constant 0 : index
    %get3A_321 = arith.constant 8704 : index
    %get3A_322 = vector.load %arg7[%get3A_320, %get3A_321] : memref<8x10240xf32, #tpu.memory_space<vmem>>, vector<1x512xf32>
    %add3A_323 = vector.broadcast %get3A_322 : vector<1x512xf32> to vector<256x512xf32>
    %add3A_324 = arith.addf %sub3A_319, %add3A_323 : vector<256x512xf32>
    %swap3A_325 = arith.constant 0 : index
    %swap3A_326 = arith.constant 8704 : index
    %swap3A_327 = vector.load %arg6[%swap3A_325, %swap3A_326] : memref<256x10240xf32, #tpu.memory_space<vmem>>, vector<256x512xf32>
    tpu.vector_store %arg6[%swap3A_325, %swap3A_326], %add3A_324 {strides = array<i32>} : memref<256x10240xf32, #tpu.memory_space<vmem>>, vector<256x512xf32>,
    %get3A_328 = arith.constant 9216 : index
    %get3A_329 = arith.constant 0 : index
    %get3A_330 = vector.load %arg4[%get3A_328, %get3A_329] : memref<10240x256xbf16, #tpu.memory_space<vmem>>, vector<512x256xbf16>
    %dot_general3A_331 = arith.constant dense<0.000000e+00> : vector<256x512xf32>
    %dot_general3A_332 = tpu.matmul %get3A_7, %get3A_330, %dot_general3A_331 {dimension_numbers = #tpu.dot_dimension_numbers<[1], [1], [0], [0], [0, 0, 1, 0], [], []>, transpose_lhs_hint = false} : vector<256x256xbf16>, vector<512x256xbf16>, vector<256x512xf32> -> vector<256x512xf32>
    %mul3A_333 = arith.constant 2.000000e+00 : f32
    %mul3A_334 = vector.broadcast %mul3A_333 : f32 to vector<256x512xf32>
    %mul3A_335 = arith.mulf %mul3A_334, %dot_general3A_332 : vector<256x512xf32>
    %sub3A_336 = vector.broadcast %broadcast_in_dim3A : vector<256x1xf32> to vector<256x512xf32>
    %sub3A_337 = arith.subf %sub3A_336, %mul3A_335 : vector<256x512xf32>
    %get3A_338 = arith.constant 0 : index
    %get3A_339 = arith.constant 9216 : index
    %get3A_340 = vector.load %arg7[%get3A_338, %get3A_339] : memref<8x10240xf32, #tpu.memory_space<vmem>>, vector<1x512xf32>
    %add3A_341 = vector.broadcast %get3A_340 : vector<1x512xf32> to vector<256x512xf32>
    %add3A_342 = arith.addf %sub3A_337, %add3A_341 : vector<256x512xf32>
    %swap3A_343 = arith.constant 0 : index
    %swap3A_344 = arith.constant 9216 : index
    %swap3A_345 = vector.load %arg6[%swap3A_343, %swap3A_344] : memref<256x10240xf32, #tpu.memory_space<vmem>>, vector<256x512xf32>
    tpu.vector_store %arg6[%swap3A_343, %swap3A_344], %add3A_342 {strides = array<i32>} : memref<256x10240xf32, #tpu.memory_space<vmem>>, vector<256x512xf32>,
    %get3A_346 = arith.constant 9728 : index
    %get3A_347 = arith.constant 0 : index
    %get3A_348 = vector.load %arg4[%get3A_346, %get3A_347] : memref<10240x256xbf16, #tpu.memory_space<vmem>>, vector<512x256xbf16>
    %dot_general3A_349 = arith.constant dense<0.000000e+00> : vector<256x512xf32>
    %dot_general3A_350 = tpu.matmul %get3A_7, %get3A_348, %dot_general3A_349 {dimension_numbers = #tpu.dot_dimension_numbers<[1], [1], [0], [0], [0, 0, 1, 0], [], []>, transpose_lhs_hint = false} : vector<256x256xbf16>, vector<512x256xbf16>, vector<256x512xf32> -> vector<256x512xf32>
    %mul3A_351 = arith.constant 2.000000e+00 : f32
    %mul3A_352 = vector.broadcast %mul3A_351 : f32 to vector<256x512xf32>
    %mul3A_353 = arith.mulf %mul3A_352, %dot_general3A_350 : vector<256x512xf32>
    %sub3A_354 = vector.broadcast %broadcast_in_dim3A : vector<256x1xf32> to vector<256x512xf32>
    %sub3A_355 = arith.subf %sub3A_354, %mul3A_353 : vector<256x512xf32>
    %get3A_356 = arith.constant 0 : index
    %get3A_357 = arith.constant 9728 : index
    %get3A_358 = vector.load %arg7[%get3A_356, %get3A_357] : memref<8x10240xf32, #tpu.memory_space<vmem>>, vector<1x512xf32>
    %add3A_359 = vector.broadcast %get3A_358 : vector<1x512xf32> to vector<256x512xf32>
    %add3A_360 = arith.addf %sub3A_355, %add3A_359 : vector<256x512xf32>
    %iota3A = tpu.iota {dimensions = array<i32: 1>} : vector<256x512xi32>
    %add3A_361 = arith.constant 9728 : i32
    %add3A_362 = vector.broadcast %add3A_361 : i32 to vector<256x512xi32>
    %add3A_363 = arith.addi %iota3A, %add3A_362 : vector<256x512xi32>
    %ge3A = arith.constant 10000 : i32
    %ge3A_364 = vector.broadcast %ge3A : i32 to vector<256x512xi32>
    %ge3A_365 = arith.cmpi sge, %add3A_363, %ge3A_364 : vector<256x512xi32>
    %jit3A = arith.constant 3.000000e+38 : f32
    %broadcast_in_dim3A_366 = vector.broadcast %jit3A : f32 to vector<256x512xf32>
    %select_n3A = arith.select %ge3A_365, %broadcast_in_dim3A_366, %add3A_360 : vector<256x512xi1>, vector<256x512xf32>
    %swap3A_367 = arith.constant 0 : index
    %swap3A_368 = arith.constant 9728 : index
    %swap3A_369 = vector.load %arg6[%swap3A_367, %swap3A_368] : memref<256x10240xf32, #tpu.memory_space<vmem>>, vector<256x512xf32>
    tpu.vector_store %arg6[%swap3A_367, %swap3A_368], %select_n3A {strides = array<i32>} : memref<256x10240xf32, #tpu.memory_space<vmem>>, vector<256x512xf32>,
    %iota3A_370 = tpu.iota {dimensions = array<i32: 1>} : vector<256x128xi32>
    %broadcast_in_dim3A_371 = arith.constant -3.000000e+38 : f32
    %broadcast_in_dim3A_372 = vector.broadcast %broadcast_in_dim3A_371 : f32 to vector<256x1xf32>
    %broadcast_in_dim3A_373 = arith.constant -1 : i32
    %broadcast_in_dim3A_374 = vector.broadcast %broadcast_in_dim3A_373 : i32 to vector<256x1xi32>
    %broadcast_in_dim3A_375 = arith.constant 3.000000e+38 : f32
    %broadcast_in_dim3A_376 = vector.broadcast %broadcast_in_dim3A_375 : f32 to vector<256x128xf32>
    %broadcast_in_dim3A_377 = arith.constant 0 : i32
    %broadcast_in_dim3A_378 = vector.broadcast %broadcast_in_dim3A_377 : i32 to vector<256x128xi32>
    %scan3A = arith.constant 0 : i32
    %scan3A_379 = arith.constant 40 : i32
    %scan3A_380 = arith.addi %scan3A, %scan3A_379 : i32
    %scan3A_381 = arith.constant 1 : i32
    %scan3A_382:2 = scf.for %scan3A_597 = %scan3A to %scan3A_380 step %scan3A_381 iter_args(%scan3A_598 = %broadcast_in_dim3A_376, %scan3A_599 = %broadcast_in_dim3A_378) -> (vector<256x128xf32>, vector<256x128xi32>)  : i32 {
      %mul3A_600 = arith.constant 2 : i32
      %mul3A_601 = arith.muli %scan3A_597, %mul3A_600 : i32
      %add3A_602 = arith.constant 0 : i32
      %add3A_603 = arith.addi %mul3A_601, %add3A_602 : i32
      %mul3A_604 = arith.constant 128 : i32
      %mul3A_605 = arith.muli %add3A_603, %mul3A_604 : i32
      %get3A_606 = arith.constant 0 : index
      %get3A_607 = arith.index_cast %mul3A_605 : i32 to index
      %get3A_608 = vector.load %arg6[%get3A_606, %get3A_607] : memref<256x10240xf32, #tpu.memory_space<vmem>>, vector<256x128xf32>
      %mul3A_609 = arith.constant 128 : i32
      %mul3A_610 = arith.muli %add3A_603, %mul3A_609 : i32
      %add3A_611 = vector.broadcast %mul3A_610 : i32 to vector<256x128xi32>
      %add3A_612 = arith.addi %iota3A_370, %add3A_611 : vector<256x128xi32>
      %gt3A = vector.broadcast %broadcast_in_dim3A_372 : vector<256x1xf32> to vector<256x128xf32>
      %gt3A_613 = arith.cmpf ogt, %get3A_608, %gt3A : vector<256x128xf32>
      %eq3A_614 = vector.broadcast %broadcast_in_dim3A_372 : vector<256x1xf32> to vector<256x128xf32>
      %eq3A_615 = arith.cmpf oeq, %get3A_608, %eq3A_614 : vector<256x128xf32>
      %gt3A_616 = vector.broadcast %broadcast_in_dim3A_374 : vector<256x1xi32> to vector<256x128xi32>
      %gt3A_617 = arith.cmpi sgt, %add3A_612, %gt3A_616 : vector<256x128xi32>
      %and3A = arith.andi %eq3A_615, %gt3A_617 : vector<256x128xi1>
      %or3A = arith.ori %gt3A_613, %and3A : vector<256x128xi1>
      %jit3A_618 = arith.constant 3.000000e+38 : f32
      %broadcast_in_dim3A_619 = vector.broadcast %jit3A_618 : f32 to vector<256x128xf32>
      %select_n3A_620 = arith.select %or3A, %get3A_608, %broadcast_in_dim3A_619 : vector<256x128xi1>, vector<256x128xf32>
      %lt3A = arith.cmpf olt, %select_n3A_620, %scan3A_598 : vector<256x128xf32>
      %select_n3A_621 = arith.select %lt3A, %select_n3A_620, %scan3A_598 : vector<256x128xi1>, vector<256x128xf32>
      %broadcast_in_dim3A_622 = vector.broadcast %add3A_603 : i32 to vector<256x128xi32>
      %select_n3A_623 = arith.select %lt3A, %broadcast_in_dim3A_622, %scan3A_599 : vector<256x128xi1>, vector<256x128xi32>
      %mul3A_624 = arith.constant 2 : i32
      %mul3A_625 = arith.muli %scan3A_597, %mul3A_624 : i32
      %add3A_626 = arith.constant 1 : i32
      %add3A_627 = arith.addi %mul3A_625, %add3A_626 : i32
      %mul3A_628 = arith.constant 128 : i32
      %mul3A_629 = arith.muli %add3A_627, %mul3A_628 : i32
      %get3A_630 = arith.constant 0 : index
      %get3A_631 = arith.index_cast %mul3A_629 : i32 to index
      %get3A_632 = vector.load %arg6[%get3A_630, %get3A_631] : memref<256x10240xf32, #tpu.memory_space<vmem>>, vector<256x128xf32>
      %mul3A_633 = arith.constant 128 : i32
      %mul3A_634 = arith.muli %add3A_627, %mul3A_633 : i32
      %add3A_635 = vector.broadcast %mul3A_634 : i32 to vector<256x128xi32>
      %add3A_636 = arith.addi %iota3A_370, %add3A_635 : vector<256x128xi32>
      %gt3A_637 = vector.broadcast %broadcast_in_dim3A_372 : vector<256x1xf32> to vector<256x128xf32>
      %gt3A_638 = arith.cmpf ogt, %get3A_632, %gt3A_637 : vector<256x128xf32>
      %eq3A_639 = vector.broadcast %broadcast_in_dim3A_372 : vector<256x1xf32> to vector<256x128xf32>
      %eq3A_640 = arith.cmpf oeq, %get3A_632, %eq3A_639 : vector<256x128xf32>
      %gt3A_641 = vector.broadcast %broadcast_in_dim3A_374 : vector<256x1xi32> to vector<256x128xi32>
      %gt3A_642 = arith.cmpi sgt, %add3A_636, %gt3A_641 : vector<256x128xi32>
      %and3A_643 = arith.andi %eq3A_640, %gt3A_642 : vector<256x128xi1>
      %or3A_644 = arith.ori %gt3A_638, %and3A_643 : vector<256x128xi1>
      %jit3A_645 = arith.constant 3.000000e+38 : f32
      %broadcast_in_dim3A_646 = vector.broadcast %jit3A_645 : f32 to vector<256x128xf32>
      %select_n3A_647 = arith.select %or3A_644, %get3A_632, %broadcast_in_dim3A_646 : vector<256x128xi1>, vector<256x128xf32>
      %lt3A_648 = arith.cmpf olt, %select_n3A_647, %select_n3A_621 : vector<256x128xf32>
      %select_n3A_649 = arith.select %lt3A_648, %select_n3A_647, %select_n3A_621 : vector<256x128xi1>, vector<256x128xf32>
      %broadcast_in_dim3A_650 = vector.broadcast %add3A_627 : i32 to vector<256x128xi32>
      %select_n3A_651 = arith.select %lt3A_648, %broadcast_in_dim3A_650, %select_n3A_623 : vector<256x128xi1>, vector<256x128xi32>
      scf.yield %select_n3A_649, %select_n3A_651 : vector<256x128xf32>, vector<256x128xi32>
    }
    %scan3A_383 = arith.constant 40 : i32
    %reduce_min3A = arith.constant dense<0x7F800000> : vector<256xf32>
    %reduce_min3A_384 = vector.multi_reduction <minimumf>, %scan3A_382#0, %reduce_min3A [1] : vector<256x128xf32> to vector<256xf32>
    %broadcast_in_dim3A_385 = vector.shape_cast %reduce_min3A_384 : vector<256xf32> to vector<256x1xf32>
    %eq3A_386 = vector.broadcast %broadcast_in_dim3A_385 : vector<256x1xf32> to vector<256x128xf32>
    %eq3A_387 = arith.cmpf oeq, %scan3A_382#0, %eq3A_386 : vector<256x128xf32>
    %mul3A_388 = arith.constant 128 : i32
    %mul3A_389 = vector.broadcast %mul3A_388 : i32 to vector<256x128xi32>
    %mul3A_390 = arith.muli %scan3A_382#1, %mul3A_389 : vector<256x128xi32>
    %add3A_391 = arith.addi %mul3A_390, %iota3A_370 : vector<256x128xi32>
    %jit3A_392 = arith.constant 1073741824 : i32
    %broadcast_in_dim3A_393 = vector.broadcast %jit3A_392 : i32 to vector<256x128xi32>
    %select_n3A_394 = arith.select %eq3A_387, %add3A_391, %broadcast_in_dim3A_393 : vector<256x128xi1>, vector<256x128xi32>
    %reduce_min3A_395 = arith.constant dense<2147483647> : vector<256xi32>
    %reduce_min3A_396 = vector.multi_reduction <minsi>, %select_n3A_394, %reduce_min3A_395 [1] : vector<256x128xi32> to vector<256xi32>
    %broadcast_in_dim3A_397 = vector.shape_cast %reduce_min3A_396 : vector<256xi32> to vector<256x1xi32>
    %swap3A_398 = arith.constant 0 : index
    %swap3A_399 = arith.constant 0 : index
    %swap3A_400 = vector.load %arg5[%swap3A_398, %swap3A_399] : memref<256x8xi32, #tpu.memory_space<vmem>>, vector<256x1xi32>
    tpu.vector_store %arg5[%swap3A_398, %swap3A_399], %broadcast_in_dim3A_397 {strides = array<i32>} : memref<256x8xi32, #tpu.memory_space<vmem>>, vector<256x1xi32>,
    %broadcast_in_dim3A_401 = arith.constant 3.000000e+38 : f32
    %broadcast_in_dim3A_402 = vector.broadcast %broadcast_in_dim3A_401 : f32 to vector<256x128xf32>
    %broadcast_in_dim3A_403 = arith.constant 0 : i32
    %broadcast_in_dim3A_404 = vector.broadcast %broadcast_in_dim3A_403 : i32 to vector<256x128xi32>
    %scan3A_405 = arith.constant 0 : i32
    %scan3A_406 = arith.constant 40 : i32
    %scan3A_407 = arith.addi %scan3A_405, %scan3A_406 : i32
    %scan3A_408 = arith.constant 1 : i32
    %scan3A_409:2 = scf.for %scan3A_597 = %scan3A_405 to %scan3A_407 step %scan3A_408 iter_args(%scan3A_598 = %broadcast_in_dim3A_402, %scan3A_599 = %broadcast_in_dim3A_404) -> (vector<256x128xf32>, vector<256x128xi32>)  : i32 {
      %mul3A_600 = arith.constant 2 : i32
      %mul3A_601 = arith.muli %scan3A_597, %mul3A_600 : i32
      %add3A_602 = arith.constant 0 : i32
      %add3A_603 = arith.addi %mul3A_601, %add3A_602 : i32
      %mul3A_604 = arith.constant 128 : i32
      %mul3A_605 = arith.muli %add3A_603, %mul3A_604 : i32
      %get3A_606 = arith.constant 0 : index
      %get3A_607 = arith.index_cast %mul3A_605 : i32 to index
      %get3A_608 = vector.load %arg6[%get3A_606, %get3A_607] : memref<256x10240xf32, #tpu.memory_space<vmem>>, vector<256x128xf32>
      %mul3A_609 = arith.constant 128 : i32
      %mul3A_610 = arith.muli %add3A_603, %mul3A_609 : i32
      %add3A_611 = vector.broadcast %mul3A_610 : i32 to vector<256x128xi32>
      %add3A_612 = arith.addi %iota3A_370, %add3A_611 : vector<256x128xi32>
      %gt3A = vector.broadcast %broadcast_in_dim3A_385 : vector<256x1xf32> to vector<256x128xf32>
      %gt3A_613 = arith.cmpf ogt, %get3A_608, %gt3A : vector<256x128xf32>
      %eq3A_614 = vector.broadcast %broadcast_in_dim3A_385 : vector<256x1xf32> to vector<256x128xf32>
      %eq3A_615 = arith.cmpf oeq, %get3A_608, %eq3A_614 : vector<256x128xf32>
      %gt3A_616 = vector.broadcast %broadcast_in_dim3A_397 : vector<256x1xi32> to vector<256x128xi32>
      %gt3A_617 = arith.cmpi sgt, %add3A_612, %gt3A_616 : vector<256x128xi32>
      %and3A = arith.andi %eq3A_615, %gt3A_617 : vector<256x128xi1>
      %or3A = arith.ori %gt3A_613, %and3A : vector<256x128xi1>
      %jit3A_618 = arith.constant 3.000000e+38 : f32
      %broadcast_in_dim3A_619 = vector.broadcast %jit3A_618 : f32 to vector<256x128xf32>
      %select_n3A_620 = arith.select %or3A, %get3A_608, %broadcast_in_dim3A_619 : vector<256x128xi1>, vector<256x128xf32>
      %lt3A = arith.cmpf olt, %select_n3A_620, %scan3A_598 : vector<256x128xf32>
      %select_n3A_621 = arith.select %lt3A, %select_n3A_620, %scan3A_598 : vector<256x128xi1>, vector<256x128xf32>
      %broadcast_in_dim3A_622 = vector.broadcast %add3A_603 : i32 to vector<256x128xi32>
      %select_n3A_623 = arith.select %lt3A, %broadcast_in_dim3A_622, %scan3A_599 : vector<256x128xi1>, vector<256x128xi32>
      %mul3A_624 = arith.constant 2 : i32
      %mul3A_625 = arith.muli %scan3A_597, %mul3A_624 : i32
      %add3A_626 = arith.constant 1 : i32
      %add3A_627 = arith.addi %mul3A_625, %add3A_626 : i32
      %mul3A_628 = arith.constant 128 : i32
      %mul3A_629 = arith.muli %add3A_627, %mul3A_628 : i32
      %get3A_630 = arith.constant 0 : index
      %get3A_631 = arith.index_cast %mul3A_629 : i32 to index
      %get3A_632 = vector.load %arg6[%get3A_630, %get3A_631] : memref<256x10240xf32, #tpu.memory_space<vmem>>, vector<256x128xf32>
      %mul3A_633 = arith.constant 128 : i32
      %mul3A_634 = arith.muli %add3A_627, %mul3A_633 : i32
      %add3A_635 = vector.broadcast %mul3A_634 : i32 to vector<256x128xi32>
      %add3A_636 = arith.addi %iota3A_370, %add3A_635 : vector<256x128xi32>
      %gt3A_637 = vector.broadcast %broadcast_in_dim3A_385 : vector<256x1xf32> to vector<256x128xf32>
      %gt3A_638 = arith.cmpf ogt, %get3A_632, %gt3A_637 : vector<256x128xf32>
      %eq3A_639 = vector.broadcast %broadcast_in_dim3A_385 : vector<256x1xf32> to vector<256x128xf32>
      %eq3A_640 = arith.cmpf oeq, %get3A_632, %eq3A_639 : vector<256x128xf32>
      %gt3A_641 = vector.broadcast %broadcast_in_dim3A_397 : vector<256x1xi32> to vector<256x128xi32>
      %gt3A_642 = arith.cmpi sgt, %add3A_636, %gt3A_641 : vector<256x128xi32>
      %and3A_643 = arith.andi %eq3A_640, %gt3A_642 : vector<256x128xi1>
      %or3A_644 = arith.ori %gt3A_638, %and3A_643 : vector<256x128xi1>
      %jit3A_645 = arith.constant 3.000000e+38 : f32
      %broadcast_in_dim3A_646 = vector.broadcast %jit3A_645 : f32 to vector<256x128xf32>
      %select_n3A_647 = arith.select %or3A_644, %get3A_632, %broadcast_in_dim3A_646 : vector<256x128xi1>, vector<256x128xf32>
      %lt3A_648 = arith.cmpf olt, %select_n3A_647, %select_n3A_621 : vector<256x128xf32>
      %select_n3A_649 = arith.select %lt3A_648, %select_n3A_647, %select_n3A_621 : vector<256x128xi1>, vector<256x128xf32>
      %broadcast_in_dim3A_650 = vector.broadcast %add3A_627 : i32 to vector<256x128xi32>
      %select_n3A_651 = arith.select %lt3A_648, %broadcast_in_dim3A_650, %select_n3A_623 : vector<256x128xi1>, vector<256x128xi32>
      scf.yield %select_n3A_649, %select_n3A_651 : vector<256x128xf32>, vector<256x128xi32>
    }
    %scan3A_410 = arith.constant 40 : i32
    %reduce_min3A_411 = arith.constant dense<0x7F800000> : vector<256xf32>
    %reduce_min3A_412 = vector.multi_reduction <minimumf>, %scan3A_409#0, %reduce_min3A_411 [1] : vector<256x128xf32> to vector<256xf32>
    %broadcast_in_dim3A_413 = vector.shape_cast %reduce_min3A_412 : vector<256xf32> to vector<256x1xf32>
    %eq3A_414 = vector.broadcast %broadcast_in_dim3A_413 : vector<256x1xf32> to vector<256x128xf32>
    %eq3A_415 = arith.cmpf oeq, %scan3A_409#0, %eq3A_414 : vector<256x128xf32>
    %mul3A_416 = arith.constant 128 : i32
    %mul3A_417 = vector.broadcast %mul3A_416 : i32 to vector<256x128xi32>
    %mul3A_418 = arith.muli %scan3A_409#1, %mul3A_417 : vector<256x128xi32>
    %add3A_419 = arith.addi %mul3A_418, %iota3A_370 : vector<256x128xi32>
    %jit3A_420 = arith.constant 1073741824 : i32
    %broadcast_in_dim3A_421 = vector.broadcast %jit3A_420 : i32 to vector<256x128xi32>
    %select_n3A_422 = arith.select %eq3A_415, %add3A_419, %broadcast_in_dim3A_421 : vector<256x128xi1>, vector<256x128xi32>
    %reduce_min3A_423 = arith.constant dense<2147483647> : vector<256xi32>
    %reduce_min3A_424 = vector.multi_reduction <minsi>, %select_n3A_422, %reduce_min3A_423 [1] : vector<256x128xi32> to vector<256xi32>
    %broadcast_in_dim3A_425 = vector.shape_cast %reduce_min3A_424 : vector<256xi32> to vector<256x1xi32>
    %swap3A_426 = arith.constant 0 : index
    %swap3A_427 = arith.constant 1 : index
    %swap3A_428 = vector.load %arg5[%swap3A_426, %swap3A_427] : memref<256x8xi32, #tpu.memory_space<vmem>>, vector<256x1xi32>
    tpu.vector_store %arg5[%swap3A_426, %swap3A_427], %broadcast_in_dim3A_425 {strides = array<i32>} : memref<256x8xi32, #tpu.memory_space<vmem>>, vector<256x1xi32>,
    %broadcast_in_dim3A_429 = arith.constant 3.000000e+38 : f32
    %broadcast_in_dim3A_430 = vector.broadcast %broadcast_in_dim3A_429 : f32 to vector<256x128xf32>
    %broadcast_in_dim3A_431 = arith.constant 0 : i32
    %broadcast_in_dim3A_432 = vector.broadcast %broadcast_in_dim3A_431 : i32 to vector<256x128xi32>
    %scan3A_433 = arith.constant 0 : i32
    %scan3A_434 = arith.constant 40 : i32
    %scan3A_435 = arith.addi %scan3A_433, %scan3A_434 : i32
    %scan3A_436 = arith.constant 1 : i32
    %scan3A_437:2 = scf.for %scan3A_597 = %scan3A_433 to %scan3A_435 step %scan3A_436 iter_args(%scan3A_598 = %broadcast_in_dim3A_430, %scan3A_599 = %broadcast_in_dim3A_432) -> (vector<256x128xf32>, vector<256x128xi32>)  : i32 {
      %mul3A_600 = arith.constant 2 : i32
      %mul3A_601 = arith.muli %scan3A_597, %mul3A_600 : i32
      %add3A_602 = arith.constant 0 : i32
      %add3A_603 = arith.addi %mul3A_601, %add3A_602 : i32
      %mul3A_604 = arith.constant 128 : i32
      %mul3A_605 = arith.muli %add3A_603, %mul3A_604 : i32
      %get3A_606 = arith.constant 0 : index
      %get3A_607 = arith.index_cast %mul3A_605 : i32 to index
      %get3A_608 = vector.load %arg6[%get3A_606, %get3A_607] : memref<256x10240xf32, #tpu.memory_space<vmem>>, vector<256x128xf32>
      %mul3A_609 = arith.constant 128 : i32
      %mul3A_610 = arith.muli %add3A_603, %mul3A_609 : i32
      %add3A_611 = vector.broadcast %mul3A_610 : i32 to vector<256x128xi32>
      %add3A_612 = arith.addi %iota3A_370, %add3A_611 : vector<256x128xi32>
      %gt3A = vector.broadcast %broadcast_in_dim3A_413 : vector<256x1xf32> to vector<256x128xf32>
      %gt3A_613 = arith.cmpf ogt, %get3A_608, %gt3A : vector<256x128xf32>
      %eq3A_614 = vector.broadcast %broadcast_in_dim3A_413 : vector<256x1xf32> to vector<256x128xf32>
      %eq3A_615 = arith.cmpf oeq, %get3A_608, %eq3A_614 : vector<256x128xf32>
      %gt3A_616 = vector.broadcast %broadcast_in_dim3A_425 : vector<256x1xi32> to vector<256x128xi32>
      %gt3A_617 = arith.cmpi sgt, %add3A_612, %gt3A_616 : vector<256x128xi32>
      %and3A = arith.andi %eq3A_615, %gt3A_617 : vector<256x128xi1>
      %or3A = arith.ori %gt3A_613, %and3A : vector<256x128xi1>
      %jit3A_618 = arith.constant 3.000000e+38 : f32
      %broadcast_in_dim3A_619 = vector.broadcast %jit3A_618 : f32 to vector<256x128xf32>
      %select_n3A_620 = arith.select %or3A, %get3A_608, %broadcast_in_dim3A_619 : vector<256x128xi1>, vector<256x128xf32>
      %lt3A = arith.cmpf olt, %select_n3A_620, %scan3A_598 : vector<256x128xf32>
      %select_n3A_621 = arith.select %lt3A, %select_n3A_620, %scan3A_598 : vector<256x128xi1>, vector<256x128xf32>
      %broadcast_in_dim3A_622 = vector.broadcast %add3A_603 : i32 to vector<256x128xi32>
      %select_n3A_623 = arith.select %lt3A, %broadcast_in_dim3A_622, %scan3A_599 : vector<256x128xi1>, vector<256x128xi32>
      %mul3A_624 = arith.constant 2 : i32
      %mul3A_625 = arith.muli %scan3A_597, %mul3A_624 : i32
      %add3A_626 = arith.constant 1 : i32
      %add3A_627 = arith.addi %mul3A_625, %add3A_626 : i32
      %mul3A_628 = arith.constant 128 : i32
      %mul3A_629 = arith.muli %add3A_627, %mul3A_628 : i32
      %get3A_630 = arith.constant 0 : index
      %get3A_631 = arith.index_cast %mul3A_629 : i32 to index
      %get3A_632 = vector.load %arg6[%get3A_630, %get3A_631] : memref<256x10240xf32, #tpu.memory_space<vmem>>, vector<256x128xf32>
      %mul3A_633 = arith.constant 128 : i32
      %mul3A_634 = arith.muli %add3A_627, %mul3A_633 : i32
      %add3A_635 = vector.broadcast %mul3A_634 : i32 to vector<256x128xi32>
      %add3A_636 = arith.addi %iota3A_370, %add3A_635 : vector<256x128xi32>
      %gt3A_637 = vector.broadcast %broadcast_in_dim3A_413 : vector<256x1xf32> to vector<256x128xf32>
      %gt3A_638 = arith.cmpf ogt, %get3A_632, %gt3A_637 : vector<256x128xf32>
      %eq3A_639 = vector.broadcast %broadcast_in_dim3A_413 : vector<256x1xf32> to vector<256x128xf32>
      %eq3A_640 = arith.cmpf oeq, %get3A_632, %eq3A_639 : vector<256x128xf32>
      %gt3A_641 = vector.broadcast %broadcast_in_dim3A_425 : vector<256x1xi32> to vector<256x128xi32>
      %gt3A_642 = arith.cmpi sgt, %add3A_636, %gt3A_641 : vector<256x128xi32>
      %and3A_643 = arith.andi %eq3A_640, %gt3A_642 : vector<256x128xi1>
      %or3A_644 = arith.ori %gt3A_638, %and3A_643 : vector<256x128xi1>
      %jit3A_645 = arith.constant 3.000000e+38 : f32
      %broadcast_in_dim3A_646 = vector.broadcast %jit3A_645 : f32 to vector<256x128xf32>
      %select_n3A_647 = arith.select %or3A_644, %get3A_632, %broadcast_in_dim3A_646 : vector<256x128xi1>, vector<256x128xf32>
      %lt3A_648 = arith.cmpf olt, %select_n3A_647, %select_n3A_621 : vector<256x128xf32>
      %select_n3A_649 = arith.select %lt3A_648, %select_n3A_647, %select_n3A_621 : vector<256x128xi1>, vector<256x128xf32>
      %broadcast_in_dim3A_650 = vector.broadcast %add3A_627 : i32 to vector<256x128xi32>
      %select_n3A_651 = arith.select %lt3A_648, %broadcast_in_dim3A_650, %select_n3A_623 : vector<256x128xi1>, vector<256x128xi32>
      scf.yield %select_n3A_649, %select_n3A_651 : vector<256x128xf32>, vector<256x128xi32>
    }
    %scan3A_438 = arith.constant 40 : i32
    %reduce_min3A_439 = arith.constant dense<0x7F800000> : vector<256xf32>
    %reduce_min3A_440 = vector.multi_reduction <minimumf>, %scan3A_437#0, %reduce_min3A_439 [1] : vector<256x128xf32> to vector<256xf32>
    %broadcast_in_dim3A_441 = vector.shape_cast %reduce_min3A_440 : vector<256xf32> to vector<256x1xf32>
    %eq3A_442 = vector.broadcast %broadcast_in_dim3A_441 : vector<256x1xf32> to vector<256x128xf32>
    %eq3A_443 = arith.cmpf oeq, %scan3A_437#0, %eq3A_442 : vector<256x128xf32>
    %mul3A_444 = arith.constant 128 : i32
    %mul3A_445 = vector.broadcast %mul3A_444 : i32 to vector<256x128xi32>
    %mul3A_446 = arith.muli %scan3A_437#1, %mul3A_445 : vector<256x128xi32>
    %add3A_447 = arith.addi %mul3A_446, %iota3A_370 : vector<256x128xi32>
    %jit3A_448 = arith.constant 1073741824 : i32
    %broadcast_in_dim3A_449 = vector.broadcast %jit3A_448 : i32 to vector<256x128xi32>
    %select_n3A_450 = arith.select %eq3A_443, %add3A_447, %broadcast_in_dim3A_449 : vector<256x128xi1>, vector<256x128xi32>
    %reduce_min3A_451 = arith.constant dense<2147483647> : vector<256xi32>
    %reduce_min3A_452 = vector.multi_reduction <minsi>, %select_n3A_450, %reduce_min3A_451 [1] : vector<256x128xi32> to vector<256xi32>
    %broadcast_in_dim3A_453 = vector.shape_cast %reduce_min3A_452 : vector<256xi32> to vector<256x1xi32>
    %swap3A_454 = arith.constant 0 : index
    %swap3A_455 = arith.constant 2 : index
    %swap3A_456 = vector.load %arg5[%swap3A_454, %swap3A_455] : memref<256x8xi32, #tpu.memory_space<vmem>>, vector<256x1xi32>
    tpu.vector_store %arg5[%swap3A_454, %swap3A_455], %broadcast_in_dim3A_453 {strides = array<i32>} : memref<256x8xi32, #tpu.memory_space<vmem>>, vector<256x1xi32>,
    %broadcast_in_dim3A_457 = arith.constant 3.000000e+38 : f32
    %broadcast_in_dim3A_458 = vector.broadcast %broadcast_in_dim3A_457 : f32 to vector<256x128xf32>
    %broadcast_in_dim3A_459 = arith.constant 0 : i32
    %broadcast_in_dim3A_460 = vector.broadcast %broadcast_in_dim3A_459 : i32 to vector<256x128xi32>
    %scan3A_461 = arith.constant 0 : i32
    %scan3A_462 = arith.constant 40 : i32
    %scan3A_463 = arith.addi %scan3A_461, %scan3A_462 : i32
    %scan3A_464 = arith.constant 1 : i32
    %scan3A_465:2 = scf.for %scan3A_597 = %scan3A_461 to %scan3A_463 step %scan3A_464 iter_args(%scan3A_598 = %broadcast_in_dim3A_458, %scan3A_599 = %broadcast_in_dim3A_460) -> (vector<256x128xf32>, vector<256x128xi32>)  : i32 {
      %mul3A_600 = arith.constant 2 : i32
      %mul3A_601 = arith.muli %scan3A_597, %mul3A_600 : i32
      %add3A_602 = arith.constant 0 : i32
      %add3A_603 = arith.addi %mul3A_601, %add3A_602 : i32
      %mul3A_604 = arith.constant 128 : i32
      %mul3A_605 = arith.muli %add3A_603, %mul3A_604 : i32
      %get3A_606 = arith.constant 0 : index
      %get3A_607 = arith.index_cast %mul3A_605 : i32 to index
      %get3A_608 = vector.load %arg6[%get3A_606, %get3A_607] : memref<256x10240xf32, #tpu.memory_space<vmem>>, vector<256x128xf32>
      %mul3A_609 = arith.constant 128 : i32
      %mul3A_610 = arith.muli %add3A_603, %mul3A_609 : i32
      %add3A_611 = vector.broadcast %mul3A_610 : i32 to vector<256x128xi32>
      %add3A_612 = arith.addi %iota3A_370, %add3A_611 : vector<256x128xi32>
      %gt3A = vector.broadcast %broadcast_in_dim3A_441 : vector<256x1xf32> to vector<256x128xf32>
      %gt3A_613 = arith.cmpf ogt, %get3A_608, %gt3A : vector<256x128xf32>
      %eq3A_614 = vector.broadcast %broadcast_in_dim3A_441 : vector<256x1xf32> to vector<256x128xf32>
      %eq3A_615 = arith.cmpf oeq, %get3A_608, %eq3A_614 : vector<256x128xf32>
      %gt3A_616 = vector.broadcast %broadcast_in_dim3A_453 : vector<256x1xi32> to vector<256x128xi32>
      %gt3A_617 = arith.cmpi sgt, %add3A_612, %gt3A_616 : vector<256x128xi32>
      %and3A = arith.andi %eq3A_615, %gt3A_617 : vector<256x128xi1>
      %or3A = arith.ori %gt3A_613, %and3A : vector<256x128xi1>
      %jit3A_618 = arith.constant 3.000000e+38 : f32
      %broadcast_in_dim3A_619 = vector.broadcast %jit3A_618 : f32 to vector<256x128xf32>
      %select_n3A_620 = arith.select %or3A, %get3A_608, %broadcast_in_dim3A_619 : vector<256x128xi1>, vector<256x128xf32>
      %lt3A = arith.cmpf olt, %select_n3A_620, %scan3A_598 : vector<256x128xf32>
      %select_n3A_621 = arith.select %lt3A, %select_n3A_620, %scan3A_598 : vector<256x128xi1>, vector<256x128xf32>
      %broadcast_in_dim3A_622 = vector.broadcast %add3A_603 : i32 to vector<256x128xi32>
      %select_n3A_623 = arith.select %lt3A, %broadcast_in_dim3A_622, %scan3A_599 : vector<256x128xi1>, vector<256x128xi32>
      %mul3A_624 = arith.constant 2 : i32
      %mul3A_625 = arith.muli %scan3A_597, %mul3A_624 : i32
      %add3A_626 = arith.constant 1 : i32
      %add3A_627 = arith.addi %mul3A_625, %add3A_626 : i32
      %mul3A_628 = arith.constant 128 : i32
      %mul3A_629 = arith.muli %add3A_627, %mul3A_628 : i32
      %get3A_630 = arith.constant 0 : index
      %get3A_631 = arith.index_cast %mul3A_629 : i32 to index
      %get3A_632 = vector.load %arg6[%get3A_630, %get3A_631] : memref<256x10240xf32, #tpu.memory_space<vmem>>, vector<256x128xf32>
      %mul3A_633 = arith.constant 128 : i32
      %mul3A_634 = arith.muli %add3A_627, %mul3A_633 : i32
      %add3A_635 = vector.broadcast %mul3A_634 : i32 to vector<256x128xi32>
      %add3A_636 = arith.addi %iota3A_370, %add3A_635 : vector<256x128xi32>
      %gt3A_637 = vector.broadcast %broadcast_in_dim3A_441 : vector<256x1xf32> to vector<256x128xf32>
      %gt3A_638 = arith.cmpf ogt, %get3A_632, %gt3A_637 : vector<256x128xf32>
      %eq3A_639 = vector.broadcast %broadcast_in_dim3A_441 : vector<256x1xf32> to vector<256x128xf32>
      %eq3A_640 = arith.cmpf oeq, %get3A_632, %eq3A_639 : vector<256x128xf32>
      %gt3A_641 = vector.broadcast %broadcast_in_dim3A_453 : vector<256x1xi32> to vector<256x128xi32>
      %gt3A_642 = arith.cmpi sgt, %add3A_636, %gt3A_641 : vector<256x128xi32>
      %and3A_643 = arith.andi %eq3A_640, %gt3A_642 : vector<256x128xi1>
      %or3A_644 = arith.ori %gt3A_638, %and3A_643 : vector<256x128xi1>
      %jit3A_645 = arith.constant 3.000000e+38 : f32
      %broadcast_in_dim3A_646 = vector.broadcast %jit3A_645 : f32 to vector<256x128xf32>
      %select_n3A_647 = arith.select %or3A_644, %get3A_632, %broadcast_in_dim3A_646 : vector<256x128xi1>, vector<256x128xf32>
      %lt3A_648 = arith.cmpf olt, %select_n3A_647, %select_n3A_621 : vector<256x128xf32>
      %select_n3A_649 = arith.select %lt3A_648, %select_n3A_647, %select_n3A_621 : vector<256x128xi1>, vector<256x128xf32>
      %broadcast_in_dim3A_650 = vector.broadcast %add3A_627 : i32 to vector<256x128xi32>
      %select_n3A_651 = arith.select %lt3A_648, %broadcast_in_dim3A_650, %select_n3A_623 : vector<256x128xi1>, vector<256x128xi32>
      scf.yield %select_n3A_649, %select_n3A_651 : vector<256x128xf32>, vector<256x128xi32>
    }
    %scan3A_466 = arith.constant 40 : i32
    %reduce_min3A_467 = arith.constant dense<0x7F800000> : vector<256xf32>
    %reduce_min3A_468 = vector.multi_reduction <minimumf>, %scan3A_465#0, %reduce_min3A_467 [1] : vector<256x128xf32> to vector<256xf32>
    %broadcast_in_dim3A_469 = vector.shape_cast %reduce_min3A_468 : vector<256xf32> to vector<256x1xf32>
    %eq3A_470 = vector.broadcast %broadcast_in_dim3A_469 : vector<256x1xf32> to vector<256x128xf32>
    %eq3A_471 = arith.cmpf oeq, %scan3A_465#0, %eq3A_470 : vector<256x128xf32>
    %mul3A_472 = arith.constant 128 : i32
    %mul3A_473 = vector.broadcast %mul3A_472 : i32 to vector<256x128xi32>
    %mul3A_474 = arith.muli %scan3A_465#1, %mul3A_473 : vector<256x128xi32>
    %add3A_475 = arith.addi %mul3A_474, %iota3A_370 : vector<256x128xi32>
    %jit3A_476 = arith.constant 1073741824 : i32
    %broadcast_in_dim3A_477 = vector.broadcast %jit3A_476 : i32 to vector<256x128xi32>
    %select_n3A_478 = arith.select %eq3A_471, %add3A_475, %broadcast_in_dim3A_477 : vector<256x128xi1>, vector<256x128xi32>
    %reduce_min3A_479 = arith.constant dense<2147483647> : vector<256xi32>
    %reduce_min3A_480 = vector.multi_reduction <minsi>, %select_n3A_478, %reduce_min3A_479 [1] : vector<256x128xi32> to vector<256xi32>
    %broadcast_in_dim3A_481 = vector.shape_cast %reduce_min3A_480 : vector<256xi32> to vector<256x1xi32>
    %swap3A_482 = arith.constant 0 : index
    %swap3A_483 = arith.constant 3 : index
    %swap3A_484 = vector.load %arg5[%swap3A_482, %swap3A_483] : memref<256x8xi32, #tpu.memory_space<vmem>>, vector<256x1xi32>
    tpu.vector_store %arg5[%swap3A_482, %swap3A_483], %broadcast_in_dim3A_481 {strides = array<i32>} : memref<256x8xi32, #tpu.memory_space<vmem>>, vector<256x1xi32>,
    %broadcast_in_dim3A_485 = arith.constant 3.000000e+38 : f32
    %broadcast_in_dim3A_486 = vector.broadcast %broadcast_in_dim3A_485 : f32 to vector<256x128xf32>
    %broadcast_in_dim3A_487 = arith.constant 0 : i32
    %broadcast_in_dim3A_488 = vector.broadcast %broadcast_in_dim3A_487 : i32 to vector<256x128xi32>
    %scan3A_489 = arith.constant 0 : i32
    %scan3A_490 = arith.constant 40 : i32
    %scan3A_491 = arith.addi %scan3A_489, %scan3A_490 : i32
    %scan3A_492 = arith.constant 1 : i32
    %scan3A_493:2 = scf.for %scan3A_597 = %scan3A_489 to %scan3A_491 step %scan3A_492 iter_args(%scan3A_598 = %broadcast_in_dim3A_486, %scan3A_599 = %broadcast_in_dim3A_488) -> (vector<256x128xf32>, vector<256x128xi32>)  : i32 {
      %mul3A_600 = arith.constant 2 : i32
      %mul3A_601 = arith.muli %scan3A_597, %mul3A_600 : i32
      %add3A_602 = arith.constant 0 : i32
      %add3A_603 = arith.addi %mul3A_601, %add3A_602 : i32
      %mul3A_604 = arith.constant 128 : i32
      %mul3A_605 = arith.muli %add3A_603, %mul3A_604 : i32
      %get3A_606 = arith.constant 0 : index
      %get3A_607 = arith.index_cast %mul3A_605 : i32 to index
      %get3A_608 = vector.load %arg6[%get3A_606, %get3A_607] : memref<256x10240xf32, #tpu.memory_space<vmem>>, vector<256x128xf32>
      %mul3A_609 = arith.constant 128 : i32
      %mul3A_610 = arith.muli %add3A_603, %mul3A_609 : i32
      %add3A_611 = vector.broadcast %mul3A_610 : i32 to vector<256x128xi32>
      %add3A_612 = arith.addi %iota3A_370, %add3A_611 : vector<256x128xi32>
      %gt3A = vector.broadcast %broadcast_in_dim3A_469 : vector<256x1xf32> to vector<256x128xf32>
      %gt3A_613 = arith.cmpf ogt, %get3A_608, %gt3A : vector<256x128xf32>
      %eq3A_614 = vector.broadcast %broadcast_in_dim3A_469 : vector<256x1xf32> to vector<256x128xf32>
      %eq3A_615 = arith.cmpf oeq, %get3A_608, %eq3A_614 : vector<256x128xf32>
      %gt3A_616 = vector.broadcast %broadcast_in_dim3A_481 : vector<256x1xi32> to vector<256x128xi32>
      %gt3A_617 = arith.cmpi sgt, %add3A_612, %gt3A_616 : vector<256x128xi32>
      %and3A = arith.andi %eq3A_615, %gt3A_617 : vector<256x128xi1>
      %or3A = arith.ori %gt3A_613, %and3A : vector<256x128xi1>
      %jit3A_618 = arith.constant 3.000000e+38 : f32
      %broadcast_in_dim3A_619 = vector.broadcast %jit3A_618 : f32 to vector<256x128xf32>
      %select_n3A_620 = arith.select %or3A, %get3A_608, %broadcast_in_dim3A_619 : vector<256x128xi1>, vector<256x128xf32>
      %lt3A = arith.cmpf olt, %select_n3A_620, %scan3A_598 : vector<256x128xf32>
      %select_n3A_621 = arith.select %lt3A, %select_n3A_620, %scan3A_598 : vector<256x128xi1>, vector<256x128xf32>
      %broadcast_in_dim3A_622 = vector.broadcast %add3A_603 : i32 to vector<256x128xi32>
      %select_n3A_623 = arith.select %lt3A, %broadcast_in_dim3A_622, %scan3A_599 : vector<256x128xi1>, vector<256x128xi32>
      %mul3A_624 = arith.constant 2 : i32
      %mul3A_625 = arith.muli %scan3A_597, %mul3A_624 : i32
      %add3A_626 = arith.constant 1 : i32
      %add3A_627 = arith.addi %mul3A_625, %add3A_626 : i32
      %mul3A_628 = arith.constant 128 : i32
      %mul3A_629 = arith.muli %add3A_627, %mul3A_628 : i32
      %get3A_630 = arith.constant 0 : index
      %get3A_631 = arith.index_cast %mul3A_629 : i32 to index
      %get3A_632 = vector.load %arg6[%get3A_630, %get3A_631] : memref<256x10240xf32, #tpu.memory_space<vmem>>, vector<256x128xf32>
      %mul3A_633 = arith.constant 128 : i32
      %mul3A_634 = arith.muli %add3A_627, %mul3A_633 : i32
      %add3A_635 = vector.broadcast %mul3A_634 : i32 to vector<256x128xi32>
      %add3A_636 = arith.addi %iota3A_370, %add3A_635 : vector<256x128xi32>
      %gt3A_637 = vector.broadcast %broadcast_in_dim3A_469 : vector<256x1xf32> to vector<256x128xf32>
      %gt3A_638 = arith.cmpf ogt, %get3A_632, %gt3A_637 : vector<256x128xf32>
      %eq3A_639 = vector.broadcast %broadcast_in_dim3A_469 : vector<256x1xf32> to vector<256x128xf32>
      %eq3A_640 = arith.cmpf oeq, %get3A_632, %eq3A_639 : vector<256x128xf32>
      %gt3A_641 = vector.broadcast %broadcast_in_dim3A_481 : vector<256x1xi32> to vector<256x128xi32>
      %gt3A_642 = arith.cmpi sgt, %add3A_636, %gt3A_641 : vector<256x128xi32>
      %and3A_643 = arith.andi %eq3A_640, %gt3A_642 : vector<256x128xi1>
      %or3A_644 = arith.ori %gt3A_638, %and3A_643 : vector<256x128xi1>
      %jit3A_645 = arith.constant 3.000000e+38 : f32
      %broadcast_in_dim3A_646 = vector.broadcast %jit3A_645 : f32 to vector<256x128xf32>
      %select_n3A_647 = arith.select %or3A_644, %get3A_632, %broadcast_in_dim3A_646 : vector<256x128xi1>, vector<256x128xf32>
      %lt3A_648 = arith.cmpf olt, %select_n3A_647, %select_n3A_621 : vector<256x128xf32>
      %select_n3A_649 = arith.select %lt3A_648, %select_n3A_647, %select_n3A_621 : vector<256x128xi1>, vector<256x128xf32>
      %broadcast_in_dim3A_650 = vector.broadcast %add3A_627 : i32 to vector<256x128xi32>
      %select_n3A_651 = arith.select %lt3A_648, %broadcast_in_dim3A_650, %select_n3A_623 : vector<256x128xi1>, vector<256x128xi32>
      scf.yield %select_n3A_649, %select_n3A_651 : vector<256x128xf32>, vector<256x128xi32>
    }
    %scan3A_494 = arith.constant 40 : i32
    %reduce_min3A_495 = arith.constant dense<0x7F800000> : vector<256xf32>
    %reduce_min3A_496 = vector.multi_reduction <minimumf>, %scan3A_493#0, %reduce_min3A_495 [1] : vector<256x128xf32> to vector<256xf32>
    %broadcast_in_dim3A_497 = vector.shape_cast %reduce_min3A_496 : vector<256xf32> to vector<256x1xf32>
    %eq3A_498 = vector.broadcast %broadcast_in_dim3A_497 : vector<256x1xf32> to vector<256x128xf32>
    %eq3A_499 = arith.cmpf oeq, %scan3A_493#0, %eq3A_498 : vector<256x128xf32>
    %mul3A_500 = arith.constant 128 : i32
    %mul3A_501 = vector.broadcast %mul3A_500 : i32 to vector<256x128xi32>
    %mul3A_502 = arith.muli %scan3A_493#1, %mul3A_501 : vector<256x128xi32>
    %add3A_503 = arith.addi %mul3A_502, %iota3A_370 : vector<256x128xi32>
    %jit3A_504 = arith.constant 1073741824 : i32
    %broadcast_in_dim3A_505 = vector.broadcast %jit3A_504 : i32 to vector<256x128xi32>
    %select_n3A_506 = arith.select %eq3A_499, %add3A_503, %broadcast_in_dim3A_505 : vector<256x128xi1>, vector<256x128xi32>
    %reduce_min3A_507 = arith.constant dense<2147483647> : vector<256xi32>
    %reduce_min3A_508 = vector.multi_reduction <minsi>, %select_n3A_506, %reduce_min3A_507 [1] : vector<256x128xi32> to vector<256xi32>
    %broadcast_in_dim3A_509 = vector.shape_cast %reduce_min3A_508 : vector<256xi32> to vector<256x1xi32>
    %swap3A_510 = arith.constant 0 : index
    %swap3A_511 = arith.constant 4 : index
    %swap3A_512 = vector.load %arg5[%swap3A_510, %swap3A_511] : memref<256x8xi32, #tpu.memory_space<vmem>>, vector<256x1xi32>
    tpu.vector_store %arg5[%swap3A_510, %swap3A_511], %broadcast_in_dim3A_509 {strides = array<i32>} : memref<256x8xi32, #tpu.memory_space<vmem>>, vector<256x1xi32>,
    %broadcast_in_dim3A_513 = arith.constant 3.000000e+38 : f32
    %broadcast_in_dim3A_514 = vector.broadcast %broadcast_in_dim3A_513 : f32 to vector<256x128xf32>
    %broadcast_in_dim3A_515 = arith.constant 0 : i32
    %broadcast_in_dim3A_516 = vector.broadcast %broadcast_in_dim3A_515 : i32 to vector<256x128xi32>
    %scan3A_517 = arith.constant 0 : i32
    %scan3A_518 = arith.constant 40 : i32
    %scan3A_519 = arith.addi %scan3A_517, %scan3A_518 : i32
    %scan3A_520 = arith.constant 1 : i32
    %scan3A_521:2 = scf.for %scan3A_597 = %scan3A_517 to %scan3A_519 step %scan3A_520 iter_args(%scan3A_598 = %broadcast_in_dim3A_514, %scan3A_599 = %broadcast_in_dim3A_516) -> (vector<256x128xf32>, vector<256x128xi32>)  : i32 {
      %mul3A_600 = arith.constant 2 : i32
      %mul3A_601 = arith.muli %scan3A_597, %mul3A_600 : i32
      %add3A_602 = arith.constant 0 : i32
      %add3A_603 = arith.addi %mul3A_601, %add3A_602 : i32
      %mul3A_604 = arith.constant 128 : i32
      %mul3A_605 = arith.muli %add3A_603, %mul3A_604 : i32
      %get3A_606 = arith.constant 0 : index
      %get3A_607 = arith.index_cast %mul3A_605 : i32 to index
      %get3A_608 = vector.load %arg6[%get3A_606, %get3A_607] : memref<256x10240xf32, #tpu.memory_space<vmem>>, vector<256x128xf32>
      %mul3A_609 = arith.constant 128 : i32
      %mul3A_610 = arith.muli %add3A_603, %mul3A_609 : i32
      %add3A_611 = vector.broadcast %mul3A_610 : i32 to vector<256x128xi32>
      %add3A_612 = arith.addi %iota3A_370, %add3A_611 : vector<256x128xi32>
      %gt3A = vector.broadcast %broadcast_in_dim3A_497 : vector<256x1xf32> to vector<256x128xf32>
      %gt3A_613 = arith.cmpf ogt, %get3A_608, %gt3A : vector<256x128xf32>
      %eq3A_614 = vector.broadcast %broadcast_in_dim3A_497 : vector<256x1xf32> to vector<256x128xf32>
      %eq3A_615 = arith.cmpf oeq, %get3A_608, %eq3A_614 : vector<256x128xf32>
      %gt3A_616 = vector.broadcast %broadcast_in_dim3A_509 : vector<256x1xi32> to vector<256x128xi32>
      %gt3A_617 = arith.cmpi sgt, %add3A_612, %gt3A_616 : vector<256x128xi32>
      %and3A = arith.andi %eq3A_615, %gt3A_617 : vector<256x128xi1>
      %or3A = arith.ori %gt3A_613, %and3A : vector<256x128xi1>
      %jit3A_618 = arith.constant 3.000000e+38 : f32
      %broadcast_in_dim3A_619 = vector.broadcast %jit3A_618 : f32 to vector<256x128xf32>
      %select_n3A_620 = arith.select %or3A, %get3A_608, %broadcast_in_dim3A_619 : vector<256x128xi1>, vector<256x128xf32>
      %lt3A = arith.cmpf olt, %select_n3A_620, %scan3A_598 : vector<256x128xf32>
      %select_n3A_621 = arith.select %lt3A, %select_n3A_620, %scan3A_598 : vector<256x128xi1>, vector<256x128xf32>
      %broadcast_in_dim3A_622 = vector.broadcast %add3A_603 : i32 to vector<256x128xi32>
      %select_n3A_623 = arith.select %lt3A, %broadcast_in_dim3A_622, %scan3A_599 : vector<256x128xi1>, vector<256x128xi32>
      %mul3A_624 = arith.constant 2 : i32
      %mul3A_625 = arith.muli %scan3A_597, %mul3A_624 : i32
      %add3A_626 = arith.constant 1 : i32
      %add3A_627 = arith.addi %mul3A_625, %add3A_626 : i32
      %mul3A_628 = arith.constant 128 : i32
      %mul3A_629 = arith.muli %add3A_627, %mul3A_628 : i32
      %get3A_630 = arith.constant 0 : index
      %get3A_631 = arith.index_cast %mul3A_629 : i32 to index
      %get3A_632 = vector.load %arg6[%get3A_630, %get3A_631] : memref<256x10240xf32, #tpu.memory_space<vmem>>, vector<256x128xf32>
      %mul3A_633 = arith.constant 128 : i32
      %mul3A_634 = arith.muli %add3A_627, %mul3A_633 : i32
      %add3A_635 = vector.broadcast %mul3A_634 : i32 to vector<256x128xi32>
      %add3A_636 = arith.addi %iota3A_370, %add3A_635 : vector<256x128xi32>
      %gt3A_637 = vector.broadcast %broadcast_in_dim3A_497 : vector<256x1xf32> to vector<256x128xf32>
      %gt3A_638 = arith.cmpf ogt, %get3A_632, %gt3A_637 : vector<256x128xf32>
      %eq3A_639 = vector.broadcast %broadcast_in_dim3A_497 : vector<256x1xf32> to vector<256x128xf32>
      %eq3A_640 = arith.cmpf oeq, %get3A_632, %eq3A_639 : vector<256x128xf32>
      %gt3A_641 = vector.broadcast %broadcast_in_dim3A_509 : vector<256x1xi32> to vector<256x128xi32>
      %gt3A_642 = arith.cmpi sgt, %add3A_636, %gt3A_641 : vector<256x128xi32>
      %and3A_643 = arith.andi %eq3A_640, %gt3A_642 : vector<256x128xi1>
      %or3A_644 = arith.ori %gt3A_638, %and3A_643 : vector<256x128xi1>
      %jit3A_645 = arith.constant 3.000000e+38 : f32
      %broadcast_in_dim3A_646 = vector.broadcast %jit3A_645 : f32 to vector<256x128xf32>
      %select_n3A_647 = arith.select %or3A_644, %get3A_632, %broadcast_in_dim3A_646 : vector<256x128xi1>, vector<256x128xf32>
      %lt3A_648 = arith.cmpf olt, %select_n3A_647, %select_n3A_621 : vector<256x128xf32>
      %select_n3A_649 = arith.select %lt3A_648, %select_n3A_647, %select_n3A_621 : vector<256x128xi1>, vector<256x128xf32>
      %broadcast_in_dim3A_650 = vector.broadcast %add3A_627 : i32 to vector<256x128xi32>
      %select_n3A_651 = arith.select %lt3A_648, %broadcast_in_dim3A_650, %select_n3A_623 : vector<256x128xi1>, vector<256x128xi32>
      scf.yield %select_n3A_649, %select_n3A_651 : vector<256x128xf32>, vector<256x128xi32>
    }
    %scan3A_522 = arith.constant 40 : i32
    %reduce_min3A_523 = arith.constant dense<0x7F800000> : vector<256xf32>
    %reduce_min3A_524 = vector.multi_reduction <minimumf>, %scan3A_521#0, %reduce_min3A_523 [1] : vector<256x128xf32> to vector<256xf32>
    %broadcast_in_dim3A_525 = vector.shape_cast %reduce_min3A_524 : vector<256xf32> to vector<256x1xf32>
    %eq3A_526 = vector.broadcast %broadcast_in_dim3A_525 : vector<256x1xf32> to vector<256x128xf32>
    %eq3A_527 = arith.cmpf oeq, %scan3A_521#0, %eq3A_526 : vector<256x128xf32>
    %mul3A_528 = arith.constant 128 : i32
    %mul3A_529 = vector.broadcast %mul3A_528 : i32 to vector<256x128xi32>
    %mul3A_530 = arith.muli %scan3A_521#1, %mul3A_529 : vector<256x128xi32>
    %add3A_531 = arith.addi %mul3A_530, %iota3A_370 : vector<256x128xi32>
    %jit3A_532 = arith.constant 1073741824 : i32
    %broadcast_in_dim3A_533 = vector.broadcast %jit3A_532 : i32 to vector<256x128xi32>
    %select_n3A_534 = arith.select %eq3A_527, %add3A_531, %broadcast_in_dim3A_533 : vector<256x128xi1>, vector<256x128xi32>
    %reduce_min3A_535 = arith.constant dense<2147483647> : vector<256xi32>
    %reduce_min3A_536 = vector.multi_reduction <minsi>, %select_n3A_534, %reduce_min3A_535 [1] : vector<256x128xi32> to vector<256xi32>
    %broadcast_in_dim3A_537 = vector.shape_cast %reduce_min3A_536 : vector<256xi32> to vector<256x1xi32>
    %swap3A_538 = arith.constant 0 : index
    %swap3A_539 = arith.constant 5 : index
    %swap3A_540 = vector.load %arg5[%swap3A_538, %swap3A_539] : memref<256x8xi32, #tpu.memory_space<vmem>>, vector<256x1xi32>
    tpu.vector_store %arg5[%swap3A_538, %swap3A_539], %broadcast_in_dim3A_537 {strides = array<i32>} : memref<256x8xi32, #tpu.memory_space<vmem>>, vector<256x1xi32>,
    %broadcast_in_dim3A_541 = arith.constant 3.000000e+38 : f32
    %broadcast_in_dim3A_542 = vector.broadcast %broadcast_in_dim3A_541 : f32 to vector<256x128xf32>
    %broadcast_in_dim3A_543 = arith.constant 0 : i32
    %broadcast_in_dim3A_544 = vector.broadcast %broadcast_in_dim3A_543 : i32 to vector<256x128xi32>
    %scan3A_545 = arith.constant 0 : i32
    %scan3A_546 = arith.constant 40 : i32
    %scan3A_547 = arith.addi %scan3A_545, %scan3A_546 : i32
    %scan3A_548 = arith.constant 1 : i32
    %scan3A_549:2 = scf.for %scan3A_597 = %scan3A_545 to %scan3A_547 step %scan3A_548 iter_args(%scan3A_598 = %broadcast_in_dim3A_542, %scan3A_599 = %broadcast_in_dim3A_544) -> (vector<256x128xf32>, vector<256x128xi32>)  : i32 {
      %mul3A_600 = arith.constant 2 : i32
      %mul3A_601 = arith.muli %scan3A_597, %mul3A_600 : i32
      %add3A_602 = arith.constant 0 : i32
      %add3A_603 = arith.addi %mul3A_601, %add3A_602 : i32
      %mul3A_604 = arith.constant 128 : i32
      %mul3A_605 = arith.muli %add3A_603, %mul3A_604 : i32
      %get3A_606 = arith.constant 0 : index
      %get3A_607 = arith.index_cast %mul3A_605 : i32 to index
      %get3A_608 = vector.load %arg6[%get3A_606, %get3A_607] : memref<256x10240xf32, #tpu.memory_space<vmem>>, vector<256x128xf32>
      %mul3A_609 = arith.constant 128 : i32
      %mul3A_610 = arith.muli %add3A_603, %mul3A_609 : i32
      %add3A_611 = vector.broadcast %mul3A_610 : i32 to vector<256x128xi32>
      %add3A_612 = arith.addi %iota3A_370, %add3A_611 : vector<256x128xi32>
      %gt3A = vector.broadcast %broadcast_in_dim3A_525 : vector<256x1xf32> to vector<256x128xf32>
      %gt3A_613 = arith.cmpf ogt, %get3A_608, %gt3A : vector<256x128xf32>
      %eq3A_614 = vector.broadcast %broadcast_in_dim3A_525 : vector<256x1xf32> to vector<256x128xf32>
      %eq3A_615 = arith.cmpf oeq, %get3A_608, %eq3A_614 : vector<256x128xf32>
      %gt3A_616 = vector.broadcast %broadcast_in_dim3A_537 : vector<256x1xi32> to vector<256x128xi32>
      %gt3A_617 = arith.cmpi sgt, %add3A_612, %gt3A_616 : vector<256x128xi32>
      %and3A = arith.andi %eq3A_615, %gt3A_617 : vector<256x128xi1>
      %or3A = arith.ori %gt3A_613, %and3A : vector<256x128xi1>
      %jit3A_618 = arith.constant 3.000000e+38 : f32
      %broadcast_in_dim3A_619 = vector.broadcast %jit3A_618 : f32 to vector<256x128xf32>
      %select_n3A_620 = arith.select %or3A, %get3A_608, %broadcast_in_dim3A_619 : vector<256x128xi1>, vector<256x128xf32>
      %lt3A = arith.cmpf olt, %select_n3A_620, %scan3A_598 : vector<256x128xf32>
      %select_n3A_621 = arith.select %lt3A, %select_n3A_620, %scan3A_598 : vector<256x128xi1>, vector<256x128xf32>
      %broadcast_in_dim3A_622 = vector.broadcast %add3A_603 : i32 to vector<256x128xi32>
      %select_n3A_623 = arith.select %lt3A, %broadcast_in_dim3A_622, %scan3A_599 : vector<256x128xi1>, vector<256x128xi32>
      %mul3A_624 = arith.constant 2 : i32
      %mul3A_625 = arith.muli %scan3A_597, %mul3A_624 : i32
      %add3A_626 = arith.constant 1 : i32
      %add3A_627 = arith.addi %mul3A_625, %add3A_626 : i32
      %mul3A_628 = arith.constant 128 : i32
      %mul3A_629 = arith.muli %add3A_627, %mul3A_628 : i32
      %get3A_630 = arith.constant 0 : index
      %get3A_631 = arith.index_cast %mul3A_629 : i32 to index
      %get3A_632 = vector.load %arg6[%get3A_630, %get3A_631] : memref<256x10240xf32, #tpu.memory_space<vmem>>, vector<256x128xf32>
      %mul3A_633 = arith.constant 128 : i32
      %mul3A_634 = arith.muli %add3A_627, %mul3A_633 : i32
      %add3A_635 = vector.broadcast %mul3A_634 : i32 to vector<256x128xi32>
      %add3A_636 = arith.addi %iota3A_370, %add3A_635 : vector<256x128xi32>
      %gt3A_637 = vector.broadcast %broadcast_in_dim3A_525 : vector<256x1xf32> to vector<256x128xf32>
      %gt3A_638 = arith.cmpf ogt, %get3A_632, %gt3A_637 : vector<256x128xf32>
      %eq3A_639 = vector.broadcast %broadcast_in_dim3A_525 : vector<256x1xf32> to vector<256x128xf32>
      %eq3A_640 = arith.cmpf oeq, %get3A_632, %eq3A_639 : vector<256x128xf32>
      %gt3A_641 = vector.broadcast %broadcast_in_dim3A_537 : vector<256x1xi32> to vector<256x128xi32>
      %gt3A_642 = arith.cmpi sgt, %add3A_636, %gt3A_641 : vector<256x128xi32>
      %and3A_643 = arith.andi %eq3A_640, %gt3A_642 : vector<256x128xi1>
      %or3A_644 = arith.ori %gt3A_638, %and3A_643 : vector<256x128xi1>
      %jit3A_645 = arith.constant 3.000000e+38 : f32
      %broadcast_in_dim3A_646 = vector.broadcast %jit3A_645 : f32 to vector<256x128xf32>
      %select_n3A_647 = arith.select %or3A_644, %get3A_632, %broadcast_in_dim3A_646 : vector<256x128xi1>, vector<256x128xf32>
      %lt3A_648 = arith.cmpf olt, %select_n3A_647, %select_n3A_621 : vector<256x128xf32>
      %select_n3A_649 = arith.select %lt3A_648, %select_n3A_647, %select_n3A_621 : vector<256x128xi1>, vector<256x128xf32>
      %broadcast_in_dim3A_650 = vector.broadcast %add3A_627 : i32 to vector<256x128xi32>
      %select_n3A_651 = arith.select %lt3A_648, %broadcast_in_dim3A_650, %select_n3A_623 : vector<256x128xi1>, vector<256x128xi32>
      scf.yield %select_n3A_649, %select_n3A_651 : vector<256x128xf32>, vector<256x128xi32>
    }
    %scan3A_550 = arith.constant 40 : i32
    %reduce_min3A_551 = arith.constant dense<0x7F800000> : vector<256xf32>
    %reduce_min3A_552 = vector.multi_reduction <minimumf>, %scan3A_549#0, %reduce_min3A_551 [1] : vector<256x128xf32> to vector<256xf32>
    %broadcast_in_dim3A_553 = vector.shape_cast %reduce_min3A_552 : vector<256xf32> to vector<256x1xf32>
    %eq3A_554 = vector.broadcast %broadcast_in_dim3A_553 : vector<256x1xf32> to vector<256x128xf32>
    %eq3A_555 = arith.cmpf oeq, %scan3A_549#0, %eq3A_554 : vector<256x128xf32>
    %mul3A_556 = arith.constant 128 : i32
    %mul3A_557 = vector.broadcast %mul3A_556 : i32 to vector<256x128xi32>
    %mul3A_558 = arith.muli %scan3A_549#1, %mul3A_557 : vector<256x128xi32>
    %add3A_559 = arith.addi %mul3A_558, %iota3A_370 : vector<256x128xi32>
    %jit3A_560 = arith.constant 1073741824 : i32
    %broadcast_in_dim3A_561 = vector.broadcast %jit3A_560 : i32 to vector<256x128xi32>
    %select_n3A_562 = arith.select %eq3A_555, %add3A_559, %broadcast_in_dim3A_561 : vector<256x128xi1>, vector<256x128xi32>
    %reduce_min3A_563 = arith.constant dense<2147483647> : vector<256xi32>
    %reduce_min3A_564 = vector.multi_reduction <minsi>, %select_n3A_562, %reduce_min3A_563 [1] : vector<256x128xi32> to vector<256xi32>
    %broadcast_in_dim3A_565 = vector.shape_cast %reduce_min3A_564 : vector<256xi32> to vector<256x1xi32>
    %swap3A_566 = arith.constant 0 : index
    %swap3A_567 = arith.constant 6 : index
    %swap3A_568 = vector.load %arg5[%swap3A_566, %swap3A_567] : memref<256x8xi32, #tpu.memory_space<vmem>>, vector<256x1xi32>
    tpu.vector_store %arg5[%swap3A_566, %swap3A_567], %broadcast_in_dim3A_565 {strides = array<i32>} : memref<256x8xi32, #tpu.memory_space<vmem>>, vector<256x1xi32>,
    %broadcast_in_dim3A_569 = arith.constant 3.000000e+38 : f32
    %broadcast_in_dim3A_570 = vector.broadcast %broadcast_in_dim3A_569 : f32 to vector<256x128xf32>
    %broadcast_in_dim3A_571 = arith.constant 0 : i32
    %broadcast_in_dim3A_572 = vector.broadcast %broadcast_in_dim3A_571 : i32 to vector<256x128xi32>
    %scan3A_573 = arith.constant 0 : i32
    %scan3A_574 = arith.constant 40 : i32
    %scan3A_575 = arith.addi %scan3A_573, %scan3A_574 : i32
    %scan3A_576 = arith.constant 1 : i32
    %scan3A_577:2 = scf.for %scan3A_597 = %scan3A_573 to %scan3A_575 step %scan3A_576 iter_args(%scan3A_598 = %broadcast_in_dim3A_570, %scan3A_599 = %broadcast_in_dim3A_572) -> (vector<256x128xf32>, vector<256x128xi32>)  : i32 {
      %mul3A_600 = arith.constant 2 : i32
      %mul3A_601 = arith.muli %scan3A_597, %mul3A_600 : i32
      %add3A_602 = arith.constant 0 : i32
      %add3A_603 = arith.addi %mul3A_601, %add3A_602 : i32
      %mul3A_604 = arith.constant 128 : i32
      %mul3A_605 = arith.muli %add3A_603, %mul3A_604 : i32
      %get3A_606 = arith.constant 0 : index
      %get3A_607 = arith.index_cast %mul3A_605 : i32 to index
      %get3A_608 = vector.load %arg6[%get3A_606, %get3A_607] : memref<256x10240xf32, #tpu.memory_space<vmem>>, vector<256x128xf32>
      %mul3A_609 = arith.constant 128 : i32
      %mul3A_610 = arith.muli %add3A_603, %mul3A_609 : i32
      %add3A_611 = vector.broadcast %mul3A_610 : i32 to vector<256x128xi32>
      %add3A_612 = arith.addi %iota3A_370, %add3A_611 : vector<256x128xi32>
      %gt3A = vector.broadcast %broadcast_in_dim3A_553 : vector<256x1xf32> to vector<256x128xf32>
      %gt3A_613 = arith.cmpf ogt, %get3A_608, %gt3A : vector<256x128xf32>
      %eq3A_614 = vector.broadcast %broadcast_in_dim3A_553 : vector<256x1xf32> to vector<256x128xf32>
      %eq3A_615 = arith.cmpf oeq, %get3A_608, %eq3A_614 : vector<256x128xf32>
      %gt3A_616 = vector.broadcast %broadcast_in_dim3A_565 : vector<256x1xi32> to vector<256x128xi32>
      %gt3A_617 = arith.cmpi sgt, %add3A_612, %gt3A_616 : vector<256x128xi32>
      %and3A = arith.andi %eq3A_615, %gt3A_617 : vector<256x128xi1>
      %or3A = arith.ori %gt3A_613, %and3A : vector<256x128xi1>
      %jit3A_618 = arith.constant 3.000000e+38 : f32
      %broadcast_in_dim3A_619 = vector.broadcast %jit3A_618 : f32 to vector<256x128xf32>
      %select_n3A_620 = arith.select %or3A, %get3A_608, %broadcast_in_dim3A_619 : vector<256x128xi1>, vector<256x128xf32>
      %lt3A = arith.cmpf olt, %select_n3A_620, %scan3A_598 : vector<256x128xf32>
      %select_n3A_621 = arith.select %lt3A, %select_n3A_620, %scan3A_598 : vector<256x128xi1>, vector<256x128xf32>
      %broadcast_in_dim3A_622 = vector.broadcast %add3A_603 : i32 to vector<256x128xi32>
      %select_n3A_623 = arith.select %lt3A, %broadcast_in_dim3A_622, %scan3A_599 : vector<256x128xi1>, vector<256x128xi32>
      %mul3A_624 = arith.constant 2 : i32
      %mul3A_625 = arith.muli %scan3A_597, %mul3A_624 : i32
      %add3A_626 = arith.constant 1 : i32
      %add3A_627 = arith.addi %mul3A_625, %add3A_626 : i32
      %mul3A_628 = arith.constant 128 : i32
      %mul3A_629 = arith.muli %add3A_627, %mul3A_628 : i32
      %get3A_630 = arith.constant 0 : index
      %get3A_631 = arith.index_cast %mul3A_629 : i32 to index
      %get3A_632 = vector.load %arg6[%get3A_630, %get3A_631] : memref<256x10240xf32, #tpu.memory_space<vmem>>, vector<256x128xf32>
      %mul3A_633 = arith.constant 128 : i32
      %mul3A_634 = arith.muli %add3A_627, %mul3A_633 : i32
      %add3A_635 = vector.broadcast %mul3A_634 : i32 to vector<256x128xi32>
      %add3A_636 = arith.addi %iota3A_370, %add3A_635 : vector<256x128xi32>
      %gt3A_637 = vector.broadcast %broadcast_in_dim3A_553 : vector<256x1xf32> to vector<256x128xf32>
      %gt3A_638 = arith.cmpf ogt, %get3A_632, %gt3A_637 : vector<256x128xf32>
      %eq3A_639 = vector.broadcast %broadcast_in_dim3A_553 : vector<256x1xf32> to vector<256x128xf32>
      %eq3A_640 = arith.cmpf oeq, %get3A_632, %eq3A_639 : vector<256x128xf32>
      %gt3A_641 = vector.broadcast %broadcast_in_dim3A_565 : vector<256x1xi32> to vector<256x128xi32>
      %gt3A_642 = arith.cmpi sgt, %add3A_636, %gt3A_641 : vector<256x128xi32>
      %and3A_643 = arith.andi %eq3A_640, %gt3A_642 : vector<256x128xi1>
      %or3A_644 = arith.ori %gt3A_638, %and3A_643 : vector<256x128xi1>
      %jit3A_645 = arith.constant 3.000000e+38 : f32
      %broadcast_in_dim3A_646 = vector.broadcast %jit3A_645 : f32 to vector<256x128xf32>
      %select_n3A_647 = arith.select %or3A_644, %get3A_632, %broadcast_in_dim3A_646 : vector<256x128xi1>, vector<256x128xf32>
      %lt3A_648 = arith.cmpf olt, %select_n3A_647, %select_n3A_621 : vector<256x128xf32>
      %select_n3A_649 = arith.select %lt3A_648, %select_n3A_647, %select_n3A_621 : vector<256x128xi1>, vector<256x128xf32>
      %broadcast_in_dim3A_650 = vector.broadcast %add3A_627 : i32 to vector<256x128xi32>
      %select_n3A_651 = arith.select %lt3A_648, %broadcast_in_dim3A_650, %select_n3A_623 : vector<256x128xi1>, vector<256x128xi32>
      scf.yield %select_n3A_649, %select_n3A_651 : vector<256x128xf32>, vector<256x128xi32>
    }
    %scan3A_578 = arith.constant 40 : i32
    %reduce_min3A_579 = arith.constant dense<0x7F800000> : vector<256xf32>
    %reduce_min3A_580 = vector.multi_reduction <minimumf>, %scan3A_577#0, %reduce_min3A_579 [1] : vector<256x128xf32> to vector<256xf32>
    %broadcast_in_dim3A_581 = vector.shape_cast %reduce_min3A_580 : vector<256xf32> to vector<256x1xf32>
    %eq3A_582 = vector.broadcast %broadcast_in_dim3A_581 : vector<256x1xf32> to vector<256x128xf32>
    %eq3A_583 = arith.cmpf oeq, %scan3A_577#0, %eq3A_582 : vector<256x128xf32>
    %mul3A_584 = arith.constant 128 : i32
    %mul3A_585 = vector.broadcast %mul3A_584 : i32 to vector<256x128xi32>
    %mul3A_586 = arith.muli %scan3A_577#1, %mul3A_585 : vector<256x128xi32>
    %add3A_587 = arith.addi %mul3A_586, %iota3A_370 : vector<256x128xi32>
    %jit3A_588 = arith.constant 1073741824 : i32
    %broadcast_in_dim3A_589 = vector.broadcast %jit3A_588 : i32 to vector<256x128xi32>
    %select_n3A_590 = arith.select %eq3A_583, %add3A_587, %broadcast_in_dim3A_589 : vector<256x128xi1>, vector<256x128xi32>
    %reduce_min3A_591 = arith.constant dense<2147483647> : vector<256xi32>
    %reduce_min3A_592 = vector.multi_reduction <minsi>, %select_n3A_590, %reduce_min3A_591 [1] : vector<256x128xi32> to vector<256xi32>
    %broadcast_in_dim3A_593 = vector.shape_cast %reduce_min3A_592 : vector<256xi32> to vector<256x1xi32>
    %swap3A_594 = arith.constant 0 : index
    %swap3A_595 = arith.constant 7 : index
    %swap3A_596 = vector.load %arg5[%swap3A_594, %swap3A_595] : memref<256x8xi32, #tpu.memory_space<vmem>>, vector<256x1xi32>
    tpu.vector_store %arg5[%swap3A_594, %swap3A_595], %broadcast_in_dim3A_593 {strides = array<i32>} : memref<256x8xi32, #tpu.memory_space<vmem>>, vector<256x1xi32>,
    return
  }
  func.func @transform_0(%arg0: i32) -> (i32, i32) {
    %c0_i32 = arith.constant 0 : i32
    %c0_i32_0 = arith.constant 0 : i32
    return %arg0, %c0_i32 : i32, i32
  }
  func.func @transform_1(%arg0: i32) -> (i32, i32) {
    %c0_i32 = arith.constant 0 : i32
    %c0_i32_0 = arith.constant 0 : i32
    %c0_i32_1 = arith.constant 0 : i32
    return %c0_i32, %c0_i32_0 : i32, i32
  }
  func.func @transform_2(%arg0: i32) -> (i32, i32) {
    %c0_i32 = arith.constant 0 : i32
    %c0_i32_0 = arith.constant 0 : i32
    return %arg0, %c0_i32 : i32, i32
  }
  func.func @transform_3(%arg0: i32) -> (i32, i32) {
    %c0_i32 = arith.constant 0 : i32
    %c0_i32_0 = arith.constant 0 : i32
    %c0_i32_1 = arith.constant 0 : i32
    return %c0_i32, %c0_i32_0 : i32, i32
  }
  func.func @transform_4(%arg0: i32) -> (i32, i32) {
    %c0_i32 = arith.constant 0 : i32
    %c0_i32_0 = arith.constant 0 : i32
    return %arg0, %c0_i32 : i32, i32
  }
}

module attributes {stable_mosaic.version = 14 : i64} {
  func.func @_edge_body(%arg0: i32, %arg1: memref<128x256xf32, #tpu.memory_space<vmem>>, %arg2: memref<1024x256xf32, #tpu.memory_space<vmem>>, %arg3: memref<512x256xf32, #tpu.memory_space<vmem>>, %arg4: memref<1x256xf32, #tpu.memory_space<vmem>>, %arg5: memref<256x256xf32, #tpu.memory_space<vmem>>, %arg6: memref<1x256xf32, #tpu.memory_space<vmem>>, %arg7: memref<128x256xf32, #tpu.memory_space<vmem>>) attributes {dimension_semantics = [#tpu.dimension_semantics<arbitrary>], iteration_bounds = array<i64: 80>, scalar_prefetch = 0 : i64, scratch_operands = 0 : i64, tpu.core_type = #tpu.core_type<tc>, window_params = [{transform_indices = @transform_0, window_bounds = array<i64: 128, 256>}, {transform_indices = @transform_1, window_bounds = array<i64: 1024, 256>}, {pipeline_mode = #tpu.pipeline_mode<synchronous>, transform_indices = @transform_2, window_bounds = array<i64: 512, 256>}, {pipeline_mode = #tpu.pipeline_mode<synchronous>, transform_indices = @transform_3, window_bounds = array<i64: 1, 256>}, {pipeline_mode = #tpu.pipeline_mode<synchronous>, transform_indices = @transform_4, window_bounds = array<i64: 256, 256>}, {pipeline_mode = #tpu.pipeline_mode<synchronous>, transform_indices = @transform_5, window_bounds = array<i64: 1, 256>}, {transform_indices = @transform_6, window_bounds = array<i64: 128, 256>}]} {
    %get3A = arith.constant 0 : index
    %get3A_0 = arith.constant 0 : index
    %get3A_1 = vector.load %arg1[%get3A, %get3A_0] : memref<128x256xf32, #tpu.memory_space<vmem>>, vector<128x256xf32>
    %get3A_2 = arith.constant 0 : index
    %get3A_3 = arith.constant 0 : index
    %get3A_4 = vector.load %arg3[%get3A_2, %get3A_3] : memref<512x256xf32, #tpu.memory_space<vmem>>, vector<256x256xf32>
    %convert_element_type3A = arith.truncf %get3A_4 : vector<256x256xf32> to vector<256x256xbf16>
    %get3A_5 = arith.constant 256 : index
    %get3A_6 = arith.constant 0 : index
    %get3A_7 = vector.load %arg3[%get3A_5, %get3A_6] : memref<512x256xf32, #tpu.memory_space<vmem>>, vector<256x256xf32>
    %convert_element_type3A_8 = arith.truncf %get3A_7 : vector<256x256xf32> to vector<256x256xbf16>
    %broadcast_in_dim3A = vector.shape_cast %get3A_1 : vector<128x256xf32> to vector<128x1x256xf32>
    %broadcast_in_dim3A_9 = vector.shape_cast %broadcast_in_dim3A : vector<128x1x256xf32> to vector<128x1x256xf32>
    %broadcast_in_dim3A_10 = vector.broadcast %broadcast_in_dim3A_9 : vector<128x1x256xf32> to vector<128x8x256xf32>
    %reshape3A = vector.shape_cast %broadcast_in_dim3A_10 : vector<128x8x256xf32> to vector<1024x256xf32>
    %get3A_11 = arith.constant 0 : index
    %get3A_12 = arith.constant 0 : index
    %get3A_13 = vector.load %arg2[%get3A_11, %get3A_12] : memref<1024x256xf32, #tpu.memory_space<vmem>>, vector<1024x256xf32>
    %reshape3A_14 = vector.shape_cast %get3A_13 : vector<1024x256xf32> to vector<128x8x256xf32>
    %broadcast_in_dim3A_15 = vector.shape_cast %get3A_1 : vector<128x256xf32> to vector<128x1x256xf32>
    %sub3A = vector.broadcast %broadcast_in_dim3A_15 : vector<128x1x256xf32> to vector<128x8x256xf32>
    %sub3A_16 = arith.subf %reshape3A_14, %sub3A : vector<128x8x256xf32>
    %reshape3A_17 = vector.shape_cast %sub3A_16 : vector<128x8x256xf32> to vector<1024x256xf32>
    %convert_element_type3A_18 = arith.truncf %reshape3A : vector<1024x256xf32> to vector<1024x256xbf16>
    %dot_general3A = arith.constant dense<0.000000e+00> : vector<1024x256xf32>
    %dot_general3A_19 = tpu.matmul %convert_element_type3A_18, %convert_element_type3A, %dot_general3A {dimension_numbers = #tpu.dot_dimension_numbers<[1], [0], [0], [1], [0, 0, 1, 1], [], []>, transpose_lhs_hint = false} : vector<1024x256xbf16>, vector<256x256xbf16>, vector<1024x256xf32> -> vector<1024x256xf32>
    %convert_element_type3A_20 = arith.truncf %reshape3A_17 : vector<1024x256xf32> to vector<1024x256xbf16>
    %dot_general3A_21 = arith.constant dense<0.000000e+00> : vector<1024x256xf32>
    %dot_general3A_22 = tpu.matmul %convert_element_type3A_20, %convert_element_type3A_8, %dot_general3A_21 {dimension_numbers = #tpu.dot_dimension_numbers<[1], [0], [0], [1], [0, 0, 1, 1], [], []>, transpose_lhs_hint = false} : vector<1024x256xbf16>, vector<256x256xbf16>, vector<1024x256xf32> -> vector<1024x256xf32>
    %add3A = arith.addf %dot_general3A_19, %dot_general3A_22 : vector<1024x256xf32>
    %get3A_23 = arith.constant 0 : index
    %get3A_24 = arith.constant 0 : index
    %get3A_25 = vector.load %arg4[%get3A_23, %get3A_24] : memref<1x256xf32, #tpu.memory_space<vmem>>, vector<1x256xf32>
    %add3A_26 = vector.broadcast %get3A_25 : vector<1x256xf32> to vector<1024x256xf32>
    %add3A_27 = arith.addf %add3A, %add3A_26 : vector<1024x256xf32>
    %max3A = arith.constant 0.000000e+00 : f32
    %max3A_28 = vector.broadcast %max3A : f32 to vector<1024x256xf32>
    %max3A_29 = arith.maximumf %add3A_27, %max3A_28 : vector<1024x256xf32>
    %convert_element_type3A_30 = arith.truncf %max3A_29 : vector<1024x256xf32> to vector<1024x256xbf16>
    %get3A_31 = arith.constant 0 : index
    %get3A_32 = arith.constant 0 : index
    %get3A_33 = vector.load %arg5[%get3A_31, %get3A_32] : memref<256x256xf32, #tpu.memory_space<vmem>>, vector<256x256xf32>
    %convert_element_type3A_34 = arith.truncf %get3A_33 : vector<256x256xf32> to vector<256x256xbf16>
    %dot_general3A_35 = arith.constant dense<0.000000e+00> : vector<1024x256xf32>
    %dot_general3A_36 = tpu.matmul %convert_element_type3A_30, %convert_element_type3A_34, %dot_general3A_35 {dimension_numbers = #tpu.dot_dimension_numbers<[1], [0], [0], [1], [0, 0, 1, 1], [], []>, transpose_lhs_hint = false} : vector<1024x256xbf16>, vector<256x256xbf16>, vector<1024x256xf32> -> vector<1024x256xf32>
    %reshape3A_37 = vector.shape_cast %dot_general3A_36 : vector<1024x256xf32> to vector<128x8x256xf32>
    %reduce_max3A = arith.constant dense<0xFF800000> : vector<128x256xf32>
    %reduce_max3A_38 = vector.multi_reduction <maximumf>, %reshape3A_37, %reduce_max3A [1] : vector<128x8x256xf32> to vector<128x256xf32>
    %get3A_39 = arith.constant 0 : index
    %get3A_40 = arith.constant 0 : index
    %get3A_41 = vector.load %arg6[%get3A_39, %get3A_40] : memref<1x256xf32, #tpu.memory_space<vmem>>, vector<1x256xf32>
    %add3A_42 = vector.broadcast %get3A_41 : vector<1x256xf32> to vector<128x256xf32>
    %add3A_43 = arith.addf %reduce_max3A_38, %add3A_42 : vector<128x256xf32>
    %swap3A = arith.constant 0 : index
    %swap3A_44 = arith.constant 0 : index
    %swap3A_45 = vector.load %arg7[%swap3A, %swap3A_44] : memref<128x256xf32, #tpu.memory_space<vmem>>, vector<128x256xf32>
    tpu.vector_store %arg7[%swap3A, %swap3A_44], %add3A_43 {strides = array<i32>} : memref<128x256xf32, #tpu.memory_space<vmem>>, vector<128x256xf32>,
    return
  }
  func.func @transform_0(%arg0: i32) -> (i32, i32) {
    %c0_i32 = arith.constant 0 : i32
    %c0_i32_0 = arith.constant 0 : i32
    return %arg0, %c0_i32 : i32, i32
  }
  func.func @transform_1(%arg0: i32) -> (i32, i32) {
    %c0_i32 = arith.constant 0 : i32
    %c0_i32_0 = arith.constant 0 : i32
    return %arg0, %c0_i32 : i32, i32
  }
  func.func @transform_2(%arg0: i32) -> (i32, i32) {
    %c0_i32 = arith.constant 0 : i32
    %c0_i32_0 = arith.constant 0 : i32
    %c0_i32_1 = arith.constant 0 : i32
    return %c0_i32, %c0_i32_0 : i32, i32
  }
  func.func @transform_3(%arg0: i32) -> (i32, i32) {
    %c0_i32 = arith.constant 0 : i32
    %c0_i32_0 = arith.constant 0 : i32
    %c0_i32_1 = arith.constant 0 : i32
    return %c0_i32, %c0_i32_0 : i32, i32
  }
  func.func @transform_4(%arg0: i32) -> (i32, i32) {
    %c0_i32 = arith.constant 0 : i32
    %c0_i32_0 = arith.constant 0 : i32
    %c0_i32_1 = arith.constant 0 : i32
    return %c0_i32, %c0_i32_0 : i32, i32
  }
  func.func @transform_5(%arg0: i32) -> (i32, i32) {
    %c0_i32 = arith.constant 0 : i32
    %c0_i32_0 = arith.constant 0 : i32
    %c0_i32_1 = arith.constant 0 : i32
    return %c0_i32, %c0_i32_0 : i32, i32
  }
  func.func @transform_6(%arg0: i32) -> (i32, i32) {
    %c0_i32 = arith.constant 0 : i32
    %c0_i32_0 = arith.constant 0 : i32
    return %arg0, %c0_i32 : i32, i32
  }
}

</mosaic_0001>

<sc_bundles>
// kernel: sc_gather.4.cloned.1.call-start
scs
__scs_entry_jumppad:
0x0: {  	(pc) =	sbr.rel $0x88, $3  }
0x1: {  	(tag) =	ssettag $0x0;
	lr =	simm.s32 $0x1  }
0x2: {  	[smem:$0x3F98] =	sst lr;
	_ =	strace $0xD0000000  }
0x3: {  	_ = 	snop  }
0x4: {  	_ = 	snop  }
0x5: {  	_ = 	snop  }
0x6: {  	_ = 	snop  }
0x7: {  	_ = 	snop  }
__scs_overlays_trampoline_lowered:
0x8: {  	[smem:$0x3FA7] =	sst s0  }
0x9: {  	[smem:$0x3FA8] =	sst s1  }
0xa: {  	[smem:$0x3FA9] =	sst s2  }
0xb: {  	[smem:$0x3FAA] =	sst s3  }
0xc: {  	[smem:$0x3FAB] =	sst s4  }
0xd: {  	[smem:$0x3FAC] =	sst s5  }
0xe: {  	[smem:$0x3FAD] =	sst s6  }
0xf: {  	[smem:$0x3FAE] =	sst s7  }
0x10: {  	[smem:$0x3FAF] =	sst s8  }
0x11: {  	[smem:$0x3FB0] =	sst s9;
	s0 =	simm.s32 @!p0 $0x0  }
0x12: {  	s1 =	sld [smem:$0x3F96];
	s0 =	simm.s32 @p0 $0x1  }
0x13: {  	[smem:$0x3FB1] =	sst s0;
	s0 =	simm.s32 @!p1 $0x0  }
0x14: {  	s2 =	sld [smem:$0x3F95];
	s0 =	simm.s32 @p1 $0x1  }
0x15: {  	[smem:$0x3FB2] =	sst s0;
	s0 =	simm.s32 @!p2 $0x0  }
0x16: {  	s3 =	sld [smem:$0x3FDB];
	s0 =	simm.s32 @p2 $0x1  }
0x17: {  	s4 =	simm.s32 $0x1BF5;
	[smem:$0x3FB4] =	sst s0  }
0x18: {  	s0 =	sld [smem:$0x3F97];
	_ =	swait.ge [sflag:s4], $0x0  }
0x19: {  	s7 =	sld [smem:$0x3F98]  }
0x1a: {  	s8 =	sadd.s32 $0xFFFFE003, lr  }
0x1b: {  	s9 =	sadd.s32 $0xFFFFFEF7, lr;
	s5 =	simm.s32 $0xFFFFFFFF;
	p2 =	slt.u32 s8, $0xFFFFF086  }
0x1c: {  	p1 =	slt.u32 s9, $0xF7A;
	s5 =	simm.s32 @!p2 $0x0  }
0x1d: {  	s5 =	simm.s32 @p1 $0x1;
	p0 =	seq.s32 s7, s2  }
0x1e: {  	s7 =	smul.u32 @!p0 $0xF7A, s2;
	p2 =	seq.s32 @!p0 s5, $0x0  }
0x1f: {  	s9 =	smul.u32 $0xF7A, s1;
	s8 =	simm.s32 @!p0 $0x1BF5;
	p2 =	por !p2, p0  }
0x20: {  	[sflag:s8] =	ssyncset.s32 @!p0 $0xFFFFF086;
	s6 =	sadd.s32 @!p0 s3, s7;
	s7 =	simm.s32 @!p0 $0x108  }
0x21: {  	s3 =	sadd.s32 s3, s9;
	s6 =	sadd.s32 @!p0 $0x88, s6;
	s7 =	simm.s32 @p2 $0x1082  }
0x22: {  	[simem:s7], [sflag:s8] =	dma.local @!p0 [hbm:s6], $0xF7A  }
0x23: {  	s9 =	sor.u32 $0xD0000000, s2;
	s6 =	simm.s32 $0x108;
	_ =	swait.ge @!p0 [sflag:s8], $0x0  }
0x24: {  	s3 =	sadd.s32 $0x88, s3;
	s6 =	simm.s32 @!p1 $0x1082;
	[sflag:s4] =	ssyncset.s32 $0xFFFFF086  }
0x25: {  	[simem:s6], [sflag:s4] =	dma.local [hbm:s3], $0xF7A  }
0x26: {  	[smem:$0x3F98] =	sst s1;
	(tag) =	ssettag s2;
	_ =	strace s9  }
0x27: {  	s1 =	sld [smem:$0x3FA8]  }
0x28: {  	s2 =	sld [smem:$0x3FA9]  }
0x29: {  	s4 =	sld [smem:$0x3FAB]  }
0x2a: {  	p0 =	seq.s32 s5, $0x0;
	s5 =	sld [smem:$0x3FAC]  }
0x2b: {  	s6 =	sld [smem:$0x3FAD]  }
0x2c: {  	s7 =	sld [smem:$0x3FAE]  }
0x2d: {  	s3 =	simm.s32 $0x108;
	s8 =	sld [smem:$0x3FAF]  }
0x2e: {  	s3 =	simm.s32 @!p0 $0x1082;
	s9 =	sld [smem:$0x3FB0]  }
0x2f: {  	lr =	sadd.s32 s0, s3;
	s0 =	sld [smem:$0x3FA7]  }
0x30: {  	s3 =	sld [smem:$0x3FAA]  }
0x31: {  	[smem:$0x3FB3] =	sst s10  }
0x32: {  	s10 =	sld [smem:$0x3FB1];
	_ =	sdelay $0x3  }
0x33: {  	p0 =	seq.s32 s10, $0x1;
	s10 =	sld [smem:$0x3FB3];
	_ =	sdelay $0x3  }
0x34: {  	[smem:$0x3FB3] =	sst s10  }
0x35: {  	s10 =	sld [smem:$0x3FB2];
	_ =	sdelay $0x3  }
0x36: {  	p1 =	seq.s32 s10, $0x1;
	s10 =	sld [smem:$0x3FB3];
	_ =	sdelay $0x3  }
0x37: {  	[smem:$0x3FB3] =	sst s10  }
0x38: {  	s10 =	sld [smem:$0x3FB4]  }
0x39: {  	_ = 	snop;
	(pc) =	sbr.ind lr, $3  }
0x3a: {  	_ = 	snop  }
0x3b: {  	_ = 	snop  }
0x3c: {  	p2 =	seq.s32 s10, $0x1;
	s10 =	sld [smem:$0x3FB3]  }
0x3d: {  	_ =	shalt  }
0x3e: {  	_ =	shalt  }
0x3f: {  	_ =	shalt  }
0x40: {  	_ =	shalt  }
0x41: {  	_ =	shalt  }
0x42: {  	_ =	shalt  }
0x43: {  	_ =	shalt  }
0x44: {  	_ =	shalt  }
0x45: {  	_ =	shalt  }
0x46: {  	_ =	shalt  }
0x47: {  	_ =	shalt  }
0x48: {  	_ =	shalt  }
0x49: {  	_ =	shalt  }
0x4a: {  	_ =	shalt  }
0x4b: {  	_ =	shalt  }
0x4c: {  	_ =	shalt  }
0x4d: {  	_ =	shalt  }
0x4e: {  	_ =	shalt  }
0x4f: {  	_ =	shalt  }
0x50: {  	_ =	shalt  }
0x51: {  	_ =	shalt  }
0x52: {  	_ =	shalt  }
0x53: {  	_ =	shalt  }
0x54: {  	_ =	shalt  }
0x55: {  	_ =	shalt  }
0x56: {  	_ =	shalt  }
0x57: {  	_ =	shalt  }
0x58: {  	_ =	shalt  }
0x59: {  	_ =	shalt  }
0x5a: {  	_ =	shalt  }
0x5b: {  	_ =	shalt  }
0x5c: {  	_ =	shalt  }
0x5d: {  	_ =	shalt  }
0x5e: {  	_ =	shalt  }
0x5f: {  	_ =	shalt  }
0x60: {  	_ =	shalt  }
0x61: {  	_ =	shalt  }
0x62: {  	_ =	shalt  }
0x63: {  	_ =	shalt  }
0x64: {  	_ =	shalt  }
0x65: {  	_ =	shalt  }
0x66: {  	_ =	shalt  }
0x67: {  	_ =	shalt  }
0x68: {  	_ =	shalt  }
0x69: {  	_ =	shalt  }
0x6a: {  	_ =	shalt  }
0x6b: {  	_ =	shalt  }
0x6c: {  	_ =	shalt  }
0x6d: {  	_ =	shalt  }
0x6e: {  	_ =	shalt  }
0x6f: {  	_ =	shalt  }
0x70: {  	_ =	shalt  }
0x71: {  	_ =	shalt  }
0x72: {  	_ =	shalt  }
0x73: {  	_ =	shalt  }
0x74: {  	_ =	shalt  }
0x75: {  	_ =	shalt  }
0x76: {  	_ =	shalt  }
0x77: {  	_ =	shalt  }
0x78: {  	_ =	shalt  }
0x79: {  	_ =	shalt  }
0x7a: {  	_ =	shalt  }
0x7b: {  	_ =	shalt  }
0x7c: {  	_ =	shalt  }
0x7d: {  	_ =	shalt  }
0x7e: {  	_ =	shalt  }
0x7f: {  	_ =	shalt  }
0x80: {  	_ =	shalt  }
0x81: {  	_ =	shalt  }
0x82: {  	_ =	shalt  }
0x83: {  	_ =	shalt  }
0x84: {  	_ =	shalt  }
0x85: {  	_ =	shalt  }
0x86: {  	_ =	shalt  }
0x87: {  	_ =	shalt  }
.Lfunc_end0:
.L_simem_size_0:
called_computation_lowered:
.L_overlay_start_0:
0x88: {  	s2 =	sld [smem:$0x3FD9]  }
0x89: {  	s3 =	sld [smem:$0x3FFE];
	_ =	sdelay $0x1  }
0x8a: {  	s1 =	srdreg.scid  }
0x8b: {  	s0 =	sand.u32 $0x1, s1  }
0x8c: {  	s17 =	sshll.u32 s0, $0xA;
	s2 =	sadd.s32 s3, s2  }
0x8d: {  	s2 =	sadd.s32 s2, s17  }
0x8e: {  	[smem:$0x3FBF] =	sst s2  }
0x8f: {  	_ = 	snop  }
0x90: {  	s2 =	sld [smem:$0x3FD0];
	(tm) =	ssettm $0x1  }
0x91: {  	s18 =	sld [smem:$0x3FFB];
	_ =	sdelay $0x3  }
0x92: {  	_ =	strace s18  }
0x93: {  	s3 =	sld [smem:$0x3FFC];
	_ =	sdelay $0x3  }
0x94: {  	_ =	strace s3  }
0x95: {  	s3 =	sld [smem:$0x3FFD];
	_ =	sdelay $0x3  }
0x96: {  	_ =	strace s3  }
0x97: {  	_ =	strace $0x8FFFFFFF  }
0x98: {  	s19 =	sld [smem:$0x3FDB];
	_ =	sdelay $0x1  }
0x99: {  	s4 =	simm.s32 $_scs_section_size  }
0x9a: {  	s5 =	simm.s32 $_size__tile_overlayer_lowered;
	s6 =	simm.s32 $_tile_overlayer_lowered  }
0x9b: {  	s22 =	simm.s32 $0x1BFF;
	s21 =	sshll.u32 s6, $0x1;
	s3 =	sadd.s32 s4, s19  }
0x9c: {  	s7 =	simm.s32 $0x0;
	s20 =	sshll.u32 s5, $0x1;
	s5 =	sadd.s32 s21, s3  }
0x9d: {  	[timem:s7], [sflag:s22] =	dma.local [hbm:s5], s20  }
0x9e: {  	_ =	swait.ge [sflag:s22], s20  }
0x9f: {  	s4 =	ssub.s32 $0x0, s20;
	[sflag:s22] =	ssyncset.done $0x0  }
0xa0: {  	[sflag:s22] =	ssyncadd.s32 s4;
	_ =	sdelay $0x1  }
0xa1: {  	s23 =	simm.s32 $0x1B8B  }
0xa2: {  	_ =	swait.ge [sflag:s23], $0x1  }
0xa3: {  	[sflag:s23] =	ssyncset.done $0x0  }
0xa4: {  	s25 =	simm.s32 $0x1B8E;
	s24 =	sld [smem:$0x3FFE];
	[sflag:s23] =	ssyncadd.s32 $0xFFFFFFFF  }
0xa5: {  	s26 =	simm.s32 $execute0_lowered;
	[smem:$0x3FD2] =	sst s25  }
0xa6: {  	s5 =	sshll.u32 s26, $0x1;
	_ =	strace $0x80000046;
	[dreg:$0x1] =	wrdreg $0xFFFFFFFF  }
0xa7: {  	s28 =	simm.s32 $_size_execute0_lowered;
	s3 =	sadd.s32 s3, s5;
	[dreg:$0x0] =	wrdreg $0x0  }
0xa8: {  	s5 =	sshll.u32 s28, $0x1;
	[dreg:$0x2] =	wrdreg s3  }
0xa9: {  	[dreg:$0x3] =	wrdreg s5  }
0xaa: {  	[dreg:$0x4] =	wrdreg $0xC0  }
0xab: {  	_ =	task [dreg:s7], $0x5FFFF  }
0xac: {  	[dreg:$0x1] =	wrdreg $0xFFFFFFFF  }
0xad: {  	[dreg:$0x0] =	wrdreg $0x60  }
0xae: {  	[dreg:$0x2] =	wrdreg s2  }
0xaf: {  	[dreg:$0x3] =	wrdreg s24  }
0xb0: {  	[dreg:$0x4] =	wrdreg $0x9  }
0xb1: {  	_ =	task.clear_ibuf [dreg:s7], $0x5FFFF;
	_ =	strace $0x90000046  }
0xb2: {  	s29 =	simm.s32 $0x9;
	_ =	strace $0x80000048  }
0xb3: {  	_ =	swait.ge [sflag:s29], $0x1  }
0xb4: {  	[sflag:s29] =	ssyncadd.s32 $0xFFFFFFFF  }
0xb5: {  	_ =	strace $0x90000048  }
0xb6: {  	_ =	sfence  }
0xb7: {  	s30 =	sld [smem:$0x0];
	_ =	sdelay $0x2  }
0xb8: {  	s31 =	sshll.u32 s1, $0xD;
	s1 =	sshrl.u32 s1, $0x2  }
0xb9: {  	s3 =	sand.u32 $0x4000, s31;
	s1 =	sadd.s32 s1, s30  }
0xba: {  	s0 =	sor.u32 s3, s0;
	s1 =	sshll.u32 s1, $0x11  }
0xbb: {  	s0 =	sor.u32 s1, s0  }
0xbc: {  	s0 =	sadd.s32 $0x8F2B, s0  }
0xbd: {  	[sflag:s0] =	ssyncadd.remote.s32 $0x1  }
0xbe: {  	_ =	sfence.sel $0xFFFF  }
0xbf: {  	[dreg:$0x0] =	wrdreg $0xFFFFFFFF;
	(pc) =	sbr.abs _section_cstart, $3  }
0xc0: {  	[dreg:$0x1] =	wrdreg $0xFFFFFFFF  }
0xc1: {  	_ =	task.clear_ibuf [dreg:s7], $0x2FFFF;
	_ =	strace $0x9FFFFFFF  }
0xc2: {  	(tm) =	ssettm $0x7FFFFFFF  }
0xc3: {  	_ =	shalt  }
tec
execute0_lowered:
.L_overlay_start_1:
0x0: {  	(tag) =	ssettag $0x1  }
0x1: {  	s2 =	rddreg [dreg:$0x0]  }
0x2: {  	s4 =	rddreg [dreg:$0x1]  }
0x3: {  	s0 =	rddreg [dreg:$0x2];
	s1 =	stileid.u32  }
0x4: {  	s5 =	srdreg.scid;
	s3 =	simm.s32 $0x0;
	s6 =	smul.u32 $0x2800, s1  }
0x5: {  	s10 =	simm.s32 $0x0;
	s5 =	sand.u32 $0x1, s5;
	s8 =	smul.u32 $0x28000, s1  }
0x6: {  	[smem:$0x7FF] =	sst s3;
	s7 =	smul.u32 $0x1400, s5;
	s9 =	ssub.s32 $0x2, s5  }
0x7: {  	_ =	strace $0x80000047;
	s5 =	smul.u32 $0x14000, s5;
	s31 =	sshrl.u32 s9, $0x1  }
0x8: {  	s8 =	sadd.s32 s8, s4;
	s6 =	sadd.s32 s7, s6;
	s7 =	ssub.s32 s9, s31  }
0x9: {  	s5 =	sadd.s32 s5, s8;
	s8 =	simm.s32 $0x100;
	s6 =	sshrl.u32 s6, $0x3  }
0xa: {  	s9 =	simm.s32 $0x1;
	s5 =	sadd.s32 $0x7C00, s5;
	s6 =	sadd.s32 s6, s4  }
0xb: {  	s4 =	smax.u32 s7, $0x1;
	s7 =	simm.s32 $0x2;
	s6 =	sadd.s32 $0x2C00, s6  }
.LBB2_1:
0xc: {  	s11 =	sadd.s32 $0x0, s6  }
0xd: {  	[tilespmem:s3], [sflag:$0x2] =	stream.linear.gather [hbm4b:s11+s3], $0x100, $0x38;
	[tilespmem:$0x8100] =	vst v63  }
0xe: {  	_ =	swait.ge [sflag:s7], $0x100  }
0xf: {  	[sflag:s7] =	ssyncset.done $0x0  }
0x10: {  	[sflag:s7] =	ssyncadd.s32 $0xFFFFFF00  }
0x11: {  	[tilespmem:s8], [sflag:$0x1] =	stream.indirect.gather [hbm4b:s2+s8], $0x80, s3, s8, $0xb8;
	[tilespmem:$0x8100] =	vst v63  }
0x12: {  	_ =	swait.ge [sflag:s9], $0x8000  }
0x13: {  	[sflag:s9] =	ssyncset.done $0x0  }
0x14: {  	[sflag:s9] =	ssyncadd.s32 $0xFFFF8000  }
0x15: {  	[hbm4b:s5+s3] =	stream.linear.scatter [tilespmem:s8], [sflag:$0x2], $0x8000, $0x38;
	[tilespmem:$0x8100] =	vst v63  }
0x16: {  	s12 =	simm.s32 $0x20;
	_ =	swait.ge [sflag:s7], $0x8000  }
0x17: {  	s13 =	simm.s32 $0x40;
	s11 =	sadd.s32 $0x1000, s5;
	[sflag:s7] =	ssyncset.done $0x0  }
.LBB2_2:
0x18: {  	s14 =	sadd.s32 s12, s6  }
0x19: {  	[sflag:s7] =	ssyncadd.s32 $0xFFFF8000;
	s12 =	smov.u32 s13;
	s15 =	sadd.s32 $0x20, s13  }
0x1a: {  	[tilespmem:s3], [sflag:$0x2] =	stream.linear.gather [hbm4b:s14+s3], $0x100, $0x38;
	[tilespmem:$0x8100] =	vst v63  }
0x1b: {  	p0 =	sne.s32 s13, $0x260;
	_ =	swait.ge [sflag:s7], $0x100  }
0x1c: {  	[sflag:s7] =	ssyncset.done $0x0  }
0x1d: {  	[sflag:s7] =	ssyncadd.s32 $0xFFFFFF00  }
0x1e: {  	[tilespmem:s8], [sflag:$0x1] =	stream.indirect.gather [hbm4b:s2+s8], $0x80, s3, s8, $0xb8;
	[tilespmem:$0x8100] =	vst v63  }
0x1f: {  	_ =	swait.ge [sflag:s9], $0x8000  }
.Ltmp0:
0x20: {  	[sflag:s9] =	ssyncset.done $0x0;
	(pc) =	sbr.rel @p0 .LBB2_2-.Ltmp0, $4  }
0x21: {  	[sflag:s9] =	ssyncadd.s32 $0xFFFF8000  }
0x22: {  	[hbm4b:s11+s3] =	stream.linear.scatter [tilespmem:s8], [sflag:$0x2], $0x8000, $0x38;
	[tilespmem:$0x8100] =	vst v63  }
0x23: {  	_ =	swait.ge [sflag:s7], $0x8000  }
0x24: {  	s13 =	smov.u32 s15;
	s11 =	sadd.s32 $0x1000, s11;
	[sflag:s7] =	ssyncset.done $0x0  }
0x25: {  	s12 =	sadd.s32 s12, s6;
	[sflag:s7] =	ssyncadd.s32 $0xFFFF8000  }
0x26: {  	[tilespmem:s3], [sflag:$0x2] =	stream.linear.gather [hbm4b:s12+s3], $0x100, $0x38;
	[tilespmem:$0x8100] =	vst v63  }
0x27: {  	_ =	swait.ge [sflag:s7], $0x100  }
0x28: {  	[sflag:s7] =	ssyncset.done $0x0  }
0x29: {  	[sflag:s7] =	ssyncadd.s32 $0xFFFFFF00  }
0x2a: {  	[tilespmem:s8], [sflag:$0x1] =	stream.indirect.gather [hbm4b:s2+s8], $0x80, s3, s8, $0xb8;
	[tilespmem:$0x8100] =	vst v63  }
0x2b: {  	s10 =	sadd.s32 $0x1, s10;
	_ =	swait.ge [sflag:s9], $0x8000  }
0x2c: {  	p0 =	sne.s32 s10, s4;
	[sflag:s9] =	ssyncset.done $0x0  }
.Ltmp1:
0x2d: {  	[sflag:s9] =	ssyncadd.s32 $0xFFFF8000;
	(pc) =	sbr.rel @p0 .LBB2_1-.Ltmp1, $4  }
0x2e: {  	[hbm4b:s11+s3] =	stream.linear.scatter [tilespmem:s8], [sflag:$0x2], $0x8000, $0x38;
	[tilespmem:$0x8100] =	vst v63  }
0x2f: {  	_ =	swait.ge [sflag:s7], $0x8000  }
0x30: {  	[sflag:s7] =	ssyncset.done $0x0  }
0x31: {  	[sflag:s7] =	ssyncadd.s32 $0xFFFF8000  }
0x32: {  	_ =	sfence.sel $0x180000  }
0x33: {  	[bflag:$0x0] =	sbarrier.arrive $0xFFFF  }
0x34: {  	p0 =	sne.s32 s1, $0x0;
	_ =	strace $0x90000047  }
0x35: {  	s0 =	sadd.s32 @!p0 $0x100000, s0;
	[bflag:$0x2] =	sbarrier.arrive $0xFFFF  }
0x36: {  	[sflag:s0] =	ssyncadd.tile.s32 @!p0 $0x1;
	_ =	shalt  }
.Lfunc_end2:
_tile_overlayer_lowered:
.L_overlay_start_2:
0x37: {  	(tag) =	ssettag $0x2  }
0x38: {  	s0 =	rddreg [dreg:$0x0];
	s2 =	stileid.u32  }
0x39: {  	s1 =	rddreg [dreg:$0x1];
	p0 =	sne.s32 s2, $0x0  }
0x3a: {  	s3 =	rddreg [dreg:$0x2];
	[bflag:$0x3] =	sbarrier.arrive $0xFFFF;
	s2 =	simm.s32 @!p0 $0x1C02  }
0x3b: {  	[timem:s3], [sflag:s2] =	dma.local @!p0 [hbm:s0], s1  }
0x3c: {  	s0 =	simm.s32 @!p0 $0x2  }
0x3d: {  	_ =	swait.ge @!p0 [sflag:s0], s1  }
0x3e: {  	s1 =	ssub.s32 @!p0 $0x0, s1;
	[sflag:s0] =	ssyncset.done @!p0 $0x0  }
0x3f: {  	[sflag:s0] =	ssyncadd.s32 @!p0 s1  }
0x40: {  	[bflag:$0x3] =	sbarrier.arrive $0xFFFF  }
0x41: {  	_ =	shalt  }

// kernel: sc_gather.7.cloned.1.call-start
scs
__scs_entry_jumppad:
0x0: {  	(pc) =	sbr.rel $0x88, $3  }
0x1: {  	(tag) =	ssettag $0x0;
	lr =	simm.s32 $0x1  }
0x2: {  	[smem:$0x3F98] =	sst lr;
	_ =	strace $0xD0000000  }
0x3: {  	_ = 	snop  }
0x4: {  	_ = 	snop  }
0x5: {  	_ = 	snop  }
0x6: {  	_ = 	snop  }
0x7: {  	_ = 	snop  }
__scs_overlays_trampoline_lowered:
0x8: {  	[smem:$0x3FA7] =	sst s0  }
0x9: {  	[smem:$0x3FA8] =	sst s1  }
0xa: {  	[smem:$0x3FA9] =	sst s2  }
0xb: {  	[smem:$0x3FAA] =	sst s3  }
0xc: {  	[smem:$0x3FAB] =	sst s4  }
0xd: {  	[smem:$0x3FAC] =	sst s5  }
0xe: {  	[smem:$0x3FAD] =	sst s6  }
0xf: {  	[smem:$0x3FAE] =	sst s7  }
0x10: {  	[smem:$0x3FAF] =	sst s8  }
0x11: {  	[smem:$0x3FB0] =	sst s9;
	s0 =	simm.s32 @!p0 $0x0  }
0x12: {  	s1 =	sld [smem:$0x3F96];
	s0 =	simm.s32 @p0 $0x1  }
0x13: {  	[smem:$0x3FB1] =	sst s0;
	s0 =	simm.s32 @!p1 $0x0  }
0x14: {  	s2 =	sld [smem:$0x3F95];
	s0 =	simm.s32 @p1 $0x1  }
0x15: {  	[smem:$0x3FB2] =	sst s0;
	s0 =	simm.s32 @!p2 $0x0  }
0x16: {  	s3 =	sld [smem:$0x3FDB];
	s0 =	simm.s32 @p2 $0x1  }
0x17: {  	s4 =	simm.s32 $0x1BF5;
	[smem:$0x3FB4] =	sst s0  }
0x18: {  	s0 =	sld [smem:$0x3F97];
	_ =	swait.ge [sflag:s4], $0x0  }
0x19: {  	s7 =	sld [smem:$0x3F98]  }
0x1a: {  	s8 =	sadd.s32 $0xFFFFE003, lr  }
0x1b: {  	s9 =	sadd.s32 $0xFFFFFEF7, lr;
	s5 =	simm.s32 $0xFFFFFFFF;
	p2 =	slt.u32 s8, $0xFFFFF086  }
0x1c: {  	p1 =	slt.u32 s9, $0xF7A;
	s5 =	simm.s32 @!p2 $0x0  }
0x1d: {  	s5 =	simm.s32 @p1 $0x1;
	p0 =	seq.s32 s7, s2  }
0x1e: {  	s7 =	smul.u32 @!p0 $0xF7A, s2;
	p2 =	seq.s32 @!p0 s5, $0x0  }
0x1f: {  	s9 =	smul.u32 $0xF7A, s1;
	s8 =	simm.s32 @!p0 $0x1BF5;
	p2 =	por !p2, p0  }
0x20: {  	[sflag:s8] =	ssyncset.s32 @!p0 $0xFFFFF086;
	s6 =	sadd.s32 @!p0 s3, s7;
	s7 =	simm.s32 @!p0 $0x108  }
0x21: {  	s3 =	sadd.s32 s3, s9;
	s6 =	sadd.s32 @!p0 $0x88, s6;
	s7 =	simm.s32 @p2 $0x1082  }
0x22: {  	[simem:s7], [sflag:s8] =	dma.local @!p0 [hbm:s6], $0xF7A  }
0x23: {  	s9 =	sor.u32 $0xD0000000, s2;
	s6 =	simm.s32 $0x108;
	_ =	swait.ge @!p0 [sflag:s8], $0x0  }
0x24: {  	s3 =	sadd.s32 $0x88, s3;
	s6 =	simm.s32 @!p1 $0x1082;
	[sflag:s4] =	ssyncset.s32 $0xFFFFF086  }
0x25: {  	[simem:s6], [sflag:s4] =	dma.local [hbm:s3], $0xF7A  }
0x26: {  	[smem:$0x3F98] =	sst s1;
	(tag) =	ssettag s2;
	_ =	strace s9  }
0x27: {  	s1 =	sld [smem:$0x3FA8]  }
0x28: {  	s2 =	sld [smem:$0x3FA9]  }
0x29: {  	s4 =	sld [smem:$0x3FAB]  }
0x2a: {  	p0 =	seq.s32 s5, $0x0;
	s5 =	sld [smem:$0x3FAC]  }
0x2b: {  	s6 =	sld [smem:$0x3FAD]  }
0x2c: {  	s7 =	sld [smem:$0x3FAE]  }
0x2d: {  	s3 =	simm.s32 $0x108;
	s8 =	sld [smem:$0x3FAF]  }
0x2e: {  	s3 =	simm.s32 @!p0 $0x1082;
	s9 =	sld [smem:$0x3FB0]  }
0x2f: {  	lr =	sadd.s32 s0, s3;
	s0 =	sld [smem:$0x3FA7]  }
0x30: {  	s3 =	sld [smem:$0x3FAA]  }
0x31: {  	[smem:$0x3FB3] =	sst s10  }
0x32: {  	s10 =	sld [smem:$0x3FB1];
	_ =	sdelay $0x3  }
0x33: {  	p0 =	seq.s32 s10, $0x1;
	s10 =	sld [smem:$0x3FB3];
	_ =	sdelay $0x3  }
0x34: {  	[smem:$0x3FB3] =	sst s10  }
0x35: {  	s10 =	sld [smem:$0x3FB2];
	_ =	sdelay $0x3  }
0x36: {  	p1 =	seq.s32 s10, $0x1;
	s10 =	sld [smem:$0x3FB3];
	_ =	sdelay $0x3  }
0x37: {  	[smem:$0x3FB3] =	sst s10  }
0x38: {  	s10 =	sld [smem:$0x3FB4]  }
0x39: {  	_ = 	snop;
	(pc) =	sbr.ind lr, $3  }
0x3a: {  	_ = 	snop  }
0x3b: {  	_ = 	snop  }
0x3c: {  	p2 =	seq.s32 s10, $0x1;
	s10 =	sld [smem:$0x3FB3]  }
0x3d: {  	_ =	shalt  }
0x3e: {  	_ =	shalt  }
0x3f: {  	_ =	shalt  }
0x40: {  	_ =	shalt  }
0x41: {  	_ =	shalt  }
0x42: {  	_ =	shalt  }
0x43: {  	_ =	shalt  }
0x44: {  	_ =	shalt  }
0x45: {  	_ =	shalt  }
0x46: {  	_ =	shalt  }
0x47: {  	_ =	shalt  }
0x48: {  	_ =	shalt  }
0x49: {  	_ =	shalt  }
0x4a: {  	_ =	shalt  }
0x4b: {  	_ =	shalt  }
0x4c: {  	_ =	shalt  }
0x4d: {  	_ =	shalt  }
0x4e: {  	_ =	shalt  }
0x4f: {  	_ =	shalt  }
0x50: {  	_ =	shalt  }
0x51: {  	_ =	shalt  }
0x52: {  	_ =	shalt  }
0x53: {  	_ =	shalt  }
0x54: {  	_ =	shalt  }
0x55: {  	_ =	shalt  }
0x56: {  	_ =	shalt  }
0x57: {  	_ =	shalt  }
0x58: {  	_ =	shalt  }
0x59: {  	_ =	shalt  }
0x5a: {  	_ =	shalt  }
0x5b: {  	_ =	shalt  }
0x5c: {  	_ =	shalt  }
0x5d: {  	_ =	shalt  }
0x5e: {  	_ =	shalt  }
0x5f: {  	_ =	shalt  }
0x60: {  	_ =	shalt  }
0x61: {  	_ =	shalt  }
0x62: {  	_ =	shalt  }
0x63: {  	_ =	shalt  }
0x64: {  	_ =	shalt  }
0x65: {  	_ =	shalt  }
0x66: {  	_ =	shalt  }
0x67: {  	_ =	shalt  }
0x68: {  	_ =	shalt  }
0x69: {  	_ =	shalt  }
0x6a: {  	_ =	shalt  }
0x6b: {  	_ =	shalt  }
0x6c: {  	_ =	shalt  }
0x6d: {  	_ =	shalt  }
0x6e: {  	_ =	shalt  }
0x6f: {  	_ =	shalt  }
0x70: {  	_ =	shalt  }
0x71: {  	_ =	shalt  }
0x72: {  	_ =	shalt  }
0x73: {  	_ =	shalt  }
0x74: {  	_ =	shalt  }
0x75: {  	_ =	shalt  }
0x76: {  	_ =	shalt  }
0x77: {  	_ =	shalt  }
0x78: {  	_ =	shalt  }
0x79: {  	_ =	shalt  }
0x7a: {  	_ =	shalt  }
0x7b: {  	_ =	shalt  }
0x7c: {  	_ =	shalt  }
0x7d: {  	_ =	shalt  }
0x7e: {  	_ =	shalt  }
0x7f: {  	_ =	shalt  }
0x80: {  	_ =	shalt  }
0x81: {  	_ =	shalt  }
0x82: {  	_ =	shalt  }
0x83: {  	_ =	shalt  }
0x84: {  	_ =	shalt  }
0x85: {  	_ =	shalt  }
0x86: {  	_ =	shalt  }
0x87: {  	_ =	shalt  }
.Lfunc_end0:
.L_simem_size_0:
called_computation.1_lowered:
.L_overlay_start_0:
0x88: {  	s2 =	sld [smem:$0x3FD9]  }
0x89: {  	s3 =	sld [smem:$0x3FFE];
	_ =	sdelay $0x1  }
0x8a: {  	s1 =	srdreg.scid  }
0x8b: {  	s0 =	sand.u32 $0x1, s1  }
0x8c: {  	s17 =	sshll.u32 s0, $0xA;
	s2 =	sadd.s32 s3, s2  }
0x8d: {  	s2 =	sadd.s32 s2, s17  }
0x8e: {  	[smem:$0x3FBF] =	sst s2  }
0x8f: {  	_ = 	snop  }
0x90: {  	s2 =	sld [smem:$0x3FD0];
	(tm) =	ssettm $0x1  }
0x91: {  	s18 =	sld [smem:$0x3FFB];
	_ =	sdelay $0x3  }
0x92: {  	_ =	strace s18  }
0x93: {  	s3 =	sld [smem:$0x3FFC];
	_ =	sdelay $0x3  }
0x94: {  	_ =	strace s3  }
0x95: {  	s3 =	sld [smem:$0x3FFD];
	_ =	sdelay $0x3  }
0x96: {  	_ =	strace s3  }
0x97: {  	_ =	strace $0x8FFFFFFF  }
0x98: {  	s19 =	sld [smem:$0x3FDB];
	_ =	sdelay $0x1  }
0x99: {  	s4 =	simm.s32 $_scs_section_size  }
0x9a: {  	s5 =	simm.s32 $_size__tile_overlayer_lowered;
	s6 =	simm.s32 $_tile_overlayer_lowered  }
0x9b: {  	s22 =	simm.s32 $0x1BFF;
	s21 =	sshll.u32 s6, $0x1;
	s3 =	sadd.s32 s4, s19  }
0x9c: {  	s7 =	simm.s32 $0x0;
	s20 =	sshll.u32 s5, $0x1;
	s5 =	sadd.s32 s21, s3  }
0x9d: {  	[timem:s7], [sflag:s22] =	dma.local [hbm:s5], s20  }
0x9e: {  	_ =	swait.ge [sflag:s22], s20  }
0x9f: {  	s4 =	ssub.s32 $0x0, s20;
	[sflag:s22] =	ssyncset.done $0x0  }
0xa0: {  	[sflag:s22] =	ssyncadd.s32 s4;
	_ =	sdelay $0x1  }
0xa1: {  	s23 =	simm.s32 $0x1B8B  }
0xa2: {  	_ =	swait.ge [sflag:s23], $0x1  }
0xa3: {  	[sflag:s23] =	ssyncset.done $0x0  }
0xa4: {  	s25 =	simm.s32 $0x1B8E;
	s24 =	sld [smem:$0x3FFE];
	[sflag:s23] =	ssyncadd.s32 $0xFFFFFFFF  }
0xa5: {  	s26 =	simm.s32 $execute0_lowered;
	[smem:$0x3FD2] =	sst s25  }
0xa6: {  	s5 =	sshll.u32 s26, $0x1;
	_ =	strace $0x80000049;
	[dreg:$0x1] =	wrdreg $0xFFFFFFFF  }
0xa7: {  	s28 =	simm.s32 $_size_execute0_lowered;
	s3 =	sadd.s32 s3, s5;
	[dreg:$0x0] =	wrdreg $0x0  }
0xa8: {  	s5 =	sshll.u32 s28, $0x1;
	[dreg:$0x2] =	wrdreg s3  }
0xa9: {  	[dreg:$0x3] =	wrdreg s5  }
0xaa: {  	[dreg:$0x4] =	wrdreg $0xC0  }
0xab: {  	_ =	task [dreg:s7], $0x5FFFF  }
0xac: {  	[dreg:$0x1] =	wrdreg $0xFFFFFFFF  }
0xad: {  	[dreg:$0x0] =	wrdreg $0x60  }
0xae: {  	[dreg:$0x2] =	wrdreg s24  }
0xaf: {  	[dreg:$0x3] =	wrdreg s2  }
0xb0: {  	[dreg:$0x4] =	wrdreg $0x9  }
0xb1: {  	_ =	task.clear_ibuf [dreg:s7], $0x5FFFF;
	_ =	strace $0x90000049  }
0xb2: {  	s29 =	simm.s32 $0x9;
	_ =	strace $0x8000004B  }
0xb3: {  	_ =	swait.ge [sflag:s29], $0x1  }
0xb4: {  	[sflag:s29] =	ssyncadd.s32 $0xFFFFFFFF  }
0xb5: {  	_ =	strace $0x9000004B  }
0xb6: {  	_ =	sfence  }
0xb7: {  	s30 =	sld [smem:$0x0];
	_ =	sdelay $0x2  }
0xb8: {  	s31 =	sshll.u32 s1, $0xD;
	s1 =	sshrl.u32 s1, $0x2  }
0xb9: {  	s3 =	sand.u32 $0x4000, s31;
	s1 =	sadd.s32 s1, s30  }
0xba: {  	s0 =	sor.u32 s3, s0;
	s1 =	sshll.u32 s1, $0x11  }
0xbb: {  	s0 =	sor.u32 s1, s0  }
0xbc: {  	s0 =	sadd.s32 $0x8F2B, s0  }
0xbd: {  	[sflag:s0] =	ssyncadd.remote.s32 $0x1  }
0xbe: {  	_ =	sfence.sel $0xFFFF  }
0xbf: {  	[dreg:$0x0] =	wrdreg $0xFFFFFFFF;
	(pc) =	sbr.abs _section_cstart, $3  }
0xc0: {  	[dreg:$0x1] =	wrdreg $0xFFFFFFFF  }
0xc1: {  	_ =	task.clear_ibuf [dreg:s7], $0x2FFFF;
	_ =	strace $0x9FFFFFFF  }
0xc2: {  	(tm) =	ssettm $0x7FFFFFFF  }
0xc3: {  	_ =	shalt  }
tec
execute0_lowered:
.L_overlay_start_1:
0x0: {  	(tag) =	ssettag $0x1  }
0x1: {  	s6 =	stileid.u32;
	s4 =	rddreg [dreg:$0x0]  }
0x2: {  	s0 =	srdreg.scid;
	s5 =	rddreg [dreg:$0x1];
	s2 =	simm.s32 $0x0  }
0x3: {  	s15 =	simm.s32 $0x900;
	s17 =	simm.s32 $0x1100;
	s19 =	simm.s32 $0x1900  }
0x4: {  	s20 =	simm.s32 $0x2100;
	s21 =	simm.s32 $0x2900;
	s22 =	simm.s32 $0x3100  }
0x5: {  	s23 =	simm.s32 $0x3900;
	s24 =	simm.s32 $0x4100;
	[smem:$0x7FF] =	sst s2  }
0x6: {  	s25 =	simm.s32 $0x4900;
	_ =	strace $0x8000004A;
	[dreg:$0x4] =	wrdreg s15  }
0x7: {  	s7 =	simm.s32 $0x100;
	s26 =	simm.s32 $0x5100;
	[dreg:$0x5] =	wrdreg s17  }
0x8: {  	s8 =	simm.s32 $0x5900;
	s9 =	simm.s32 $0x6100;
	[dreg:$0x6] =	wrdreg s19  }
0x9: {  	s10 =	simm.s32 $0x6900;
	s11 =	simm.s32 $0x7100;
	[dreg:$0x7] =	wrdreg s20  }
0xa: {  	s12 =	simm.s32 $0x7900;
	s13 =	simm.s32 $0x8100;
	[dreg:$0x8] =	wrdreg s21  }
0xb: {  	s28 =	simm.s32 $0xF100;
	s29 =	simm.s32 $0xF900;
	[dreg:$0x9] =	wrdreg s22  }
0xc: {  	s30 =	simm.s32 $0x1;
	s1 =	smul.u32 $0x1400, s6;
	[dreg:$0xa] =	wrdreg s23  }
0xd: {  	s0 =	sand.u32 $0x1, s0;
	s6 =	smul.u32 $0x28000, s6;
	[dreg:$0xb] =	wrdreg s24  }
0xe: {  	s31 =	simm.s32 $0x0;
	s3 =	smul.u32 $0xA00, s0;
	[dreg:$0xc] =	wrdreg s25  }
0xf: {  	s16 =	ssub.s32 $0x2, s0;
	s0 =	smul.u32 $0x14000, s0;
	[dreg:$0xd] =	wrdreg s26  }
0x10: {  	s15 =	simm.s32 $0x9100;
	s17 =	simm.s32 $0xA100;
	s19 =	simm.s32 $0xB100  }
0x11: {  	s20 =	simm.s32 $0xB900;
	s21 =	simm.s32 $0xC100;
	s22 =	simm.s32 $0xC900  }
0x12: {  	s23 =	simm.s32 $0xD100;
	s24 =	simm.s32 $0xD900;
	s25 =	simm.s32 $0xE100  }
0x13: {  	s26 =	simm.s32 $0xE900;
	s14 =	sadd.s32 s6, s4;
	s18 =	sshrl.u32 s16, $0x1  }
0x14: {  	s1 =	sadd.s32 s3, s1;
	s3 =	sadd.s32 $0x2C00, s4;
	s4 =	ssub.s32 s16, s18  }
0x15: {  	s6 =	simm.s32 $0x2;
	s0 =	sadd.s32 s0, s14;
	s4 =	smax.u32 s4, $0x1  }
0x16: {  	v2 =	vlaneseq.u32;
	s1 =	sshrl.u32 s1, $0x3;
	s0 =	sadd.s32 $0x52C00, s0;
	[dreg:$0xe] =	wrdreg s4  }
0x17: {  	vm0 =	vmmov $0xffff;
	v1 =	vshrl.u32 v2, $0x3;
	s14 =	simm.s32 $0x8900;
	s1 =	sadd.s32 s1, s5;
	[dreg:$0xf] =	wrdreg s0  }
0x18: {  	v0 =	vand.u32 $0x7, v2;
	v2 =	vor.u32 $0x8, v2;
	v1 =	vmul.u32 $0x8, v1;
	s16 =	simm.s32 $0x9900;
	s18 =	simm.s32 $0xA900;
	[dreg:$0x3] =	wrdreg s1  }
.LBB2_1:
0x19: {  	s5 =	rddreg [dreg:$0xf];
	s0 =	simm.s32 $0x0  }
.LBB2_2:
0x1a: {  	s4 =	rddreg [dreg:$0x3]  }
0x1b: {  	s4 =	sadd.s32 s0, s4  }
0x1c: {  	[tilespmem:s2], [sflag:$0x2] =	stream.linear.gather [hbm4b:s4+s2], $0x100, $0x38;
	[tilespmem:$0x10100] =	vst v63  }
0x1d: {  	_ =	swait.ge [sflag:s6], $0x100  }
0x1e: {  	[sflag:s6] =	ssyncset.done $0x0  }
0x1f: {  	[sflag:s6] =	ssyncadd.s32 $0xFFFFFF00  }
0x20: {  	v3 =	vld [tilespmem:$0x0];
	_ =	sdelay $0x4  }
0x21: {  	v4 =	vshll.u32 v3, $0x1  }
0x22: {  	v3 =	vand.u32 $0x7, v3;
	v4 =	vand.u32 $0xFFFFFFF0, v4  }
0x23: {  	v3 =	vor.u32 v3, v4  }
0x24: {  	v4 =	vperm.xlane v3, v0;
	_ =	sdelay $0x1  }
0x25: {  	v3 =	vperm.xlane v3, v2;
	v4 =	vadd.s32 v1, v4;
	_ =	sdelay $0x1  }
0x26: {  	v3 =	vadd.s32 v1, v3;
	_ =	sdelay $0x2  }
0x27: {  	[tilespmem:s7], [sflag:$0x1] =	stream.indirect_vreg.gather [hbm4b:s3+s2], $0x80, v4, vm0, $0xb8;
	[tilespmem:$0x10100] =	vst v63  }
0x28: {  	s1 =	rddreg [dreg:$0x4]  }
0x29: {  	[tilespmem:s1], [sflag:$0x1] =	stream.indirect_vreg.gather [hbm4b:s3+s2], $0x80, v3, vm0, $0xb8;
	[tilespmem:$0x10100] =	vst v63  }
0x2a: {  	v3 =	vld [tilespmem:$0x10];
	_ =	sdelay $0x4  }
0x2b: {  	v49 =	vshll.u32 v3, $0x1  }
0x2c: {  	v3 =	vand.u32 $0x7, v3;
	v4 =	vand.u32 $0xFFFFFFF0, v49  }
0x2d: {  	v3 =	vor.u32 v3, v4  }
0x2e: {  	v4 =	vperm.xlane v3, v0;
	_ =	sdelay $0x1  }
0x2f: {  	v3 =	vperm.xlane v3, v2;
	v4 =	vadd.s32 v1, v4;
	_ =	sdelay $0x1  }
0x30: {  	v3 =	vadd.s32 v1, v3;
	_ =	sdelay $0x1  }
0x31: {  	s4 =	rddreg [dreg:$0x5]  }
0x32: {  	[tilespmem:s4], [sflag:$0x1] =	stream.indirect_vreg.gather [hbm4b:s3+s2], $0x80, v4, vm0, $0xb8;
	[tilespmem:$0x10100] =	vst v63  }
0x33: {  	s1 =	rddreg [dreg:$0x6]  }
0x34: {  	[tilespmem:s1], [sflag:$0x1] =	stream.indirect_vreg.gather [hbm4b:s3+s2], $0x80, v3, vm0, $0xb8;
	[tilespmem:$0x10100] =	vst v63  }
0x35: {  	v3 =	vld [tilespmem:$0x20];
	_ =	sdelay $0x4  }
0x36: {  	v50 =	vshll.u32 v3, $0x1  }
0x37: {  	v3 =	vand.u32 $0x7, v3;
	v4 =	vand.u32 $0xFFFFFFF0, v50  }
0x38: {  	v3 =	vor.u32 v3, v4  }
0x39: {  	v4 =	vperm.xlane v3, v0;
	_ =	sdelay $0x1  }
0x3a: {  	v3 =	vperm.xlane v3, v2;
	v4 =	vadd.s32 v1, v4;
	_ =	sdelay $0x1  }
0x3b: {  	v3 =	vadd.s32 v1, v3;
	_ =	sdelay $0x1  }
0x3c: {  	s1 =	rddreg [dreg:$0x7]  }
0x3d: {  	[tilespmem:s1], [sflag:$0x1] =	stream.indirect_vreg.gather [hbm4b:s3+s2], $0x80, v4, vm0, $0xb8;
	[tilespmem:$0x10100] =	vst v63  }
0x3e: {  	s4 =	rddreg [dreg:$0x8]  }
0x3f: {  	[tilespmem:s4], [sflag:$0x1] =	stream.indirect_vreg.gather [hbm4b:s3+s2], $0x80, v3, vm0, $0xb8;
	[tilespmem:$0x10100] =	vst v63  }
0x40: {  	v3 =	vld [tilespmem:$0x30];
	_ =	sdelay $0x4  }
0x41: {  	v51 =	vshll.u32 v3, $0x1  }
0x42: {  	v3 =	vand.u32 $0x7, v3;
	v4 =	vand.u32 $0xFFFFFFF0, v51  }
0x43: {  	v3 =	vor.u32 v3, v4  }
0x44: {  	v4 =	vperm.xlane v3, v0;
	_ =	sdelay $0x1  }
0x45: {  	v3 =	vperm.xlane v3, v2;
	v4 =	vadd.s32 v1, v4;
	_ =	sdelay $0x1  }
0x46: {  	v3 =	vadd.s32 v1, v3;
	_ =	sdelay $0x1  }
0x47: {  	s1 =	rddreg [dreg:$0x9]  }
0x48: {  	[tilespmem:s1], [sflag:$0x1] =	stream.indirect_vreg.gather [hbm4b:s3+s2], $0x80, v4, vm0, $0xb8;
	[tilespmem:$0x10100] =	vst v63  }
0x49: {  	s4 =	rddreg [dreg:$0xa]  }
0x4a: {  	[tilespmem:s4], [sflag:$0x1] =	stream.indirect_vreg.gather [hbm4b:s3+s2], $0x80, v3, vm0, $0xb8;
	[tilespmem:$0x10100] =	vst v63  }
0x4b: {  	v3 =	vld [tilespmem:$0x40];
	_ =	sdelay $0x4  }
0x4c: {  	v52 =	vshll.u32 v3, $0x1  }
0x4d: {  	v3 =	vand.u32 $0x7, v3;
	v4 =	vand.u32 $0xFFFFFFF0, v52  }
0x4e: {  	v3 =	vor.u32 v3, v4  }
0x4f: {  	v4 =	vperm.xlane v3, v0;
	_ =	sdelay $0x1  }
0x50: {  	v3 =	vperm.xlane v3, v2;
	v4 =	vadd.s32 v1, v4;
	_ =	sdelay $0x1  }
0x51: {  	v3 =	vadd.s32 v1, v3;
	_ =	sdelay $0x1  }
0x52: {  	s1 =	rddreg [dreg:$0xb]  }
0x53: {  	[tilespmem:s1], [sflag:$0x1] =	stream.indirect_vreg.gather [hbm4b:s3+s2], $0x80, v4, vm0, $0xb8;
	[tilespmem:$0x10100] =	vst v63  }
0x54: {  	s4 =	rddreg [dreg:$0xc]  }
0x55: {  	[tilespmem:s4], [sflag:$0x1] =	stream.indirect_vreg.gather [hbm4b:s3+s2], $0x80, v3, vm0, $0xb8;
	[tilespmem:$0x10100] =	vst v63  }
0x56: {  	v3 =	vld [tilespmem:$0x50];
	_ =	sdelay $0x4  }
0x57: {  	v53 =	vshll.u32 v3, $0x1  }
0x58: {  	v3 =	vand.u32 $0x7, v3;
	v4 =	vand.u32 $0xFFFFFFF0, v53  }
0x59: {  	v3 =	vor.u32 v3, v4  }
0x5a: {  	v4 =	vperm.xlane v3, v0;
	_ =	sdelay $0x1  }
0x5b: {  	v3 =	vperm.xlane v3, v2;
	v4 =	vadd.s32 v1, v4;
	_ =	sdelay $0x1  }
0x5c: {  	v3 =	vadd.s32 v1, v3;
	_ =	sdelay $0x1  }
0x5d: {  	s4 =	rddreg [dreg:$0xd]  }
0x5e: {  	[tilespmem:s4], [sflag:$0x1] =	stream.indirect_vreg.gather [hbm4b:s3+s2], $0x80, v4, vm0, $0xb8;
	[tilespmem:$0x10100] =	vst v63  }
0x5f: {  	_ = 	snop  }
0x60: {  	[tilespmem:s8], [sflag:$0x1] =	stream.indirect_vreg.gather [hbm4b:s3+s2], $0x80, v3, vm0, $0xb8;
	[tilespmem:$0x10100] =	vst v63  }
0x61: {  	v3 =	vld [tilespmem:$0x60];
	_ =	sdelay $0x4  }
0x62: {  	v54 =	vshll.u32 v3, $0x1  }
0x63: {  	v3 =	vand.u32 $0x7, v3;
	v4 =	vand.u32 $0xFFFFFFF0, v54  }
0x64: {  	v3 =	vor.u32 v3, v4  }
0x65: {  	v4 =	vperm.xlane v3, v0;
	_ =	sdelay $0x1  }
0x66: {  	v3 =	vperm.xlane v3, v2;
	v4 =	vadd.s32 v1, v4;
	_ =	sdelay $0x1  }
0x67: {  	v3 =	vadd.s32 v1, v3;
	_ =	sdelay $0x2  }
0x68: {  	[tilespmem:s9], [sflag:$0x1] =	stream.indirect_vreg.gather [hbm4b:s3+s2], $0x80, v4, vm0, $0xb8;
	[tilespmem:$0x10100] =	vst v63  }
0x69: {  	_ = 	snop  }
0x6a: {  	[tilespmem:s10], [sflag:$0x1] =	stream.indirect_vreg.gather [hbm4b:s3+s2], $0x80, v3, vm0, $0xb8;
	[tilespmem:$0x10100] =	vst v63  }
0x6b: {  	v3 =	vld [tilespmem:$0x70];
	_ =	sdelay $0x4  }
0x6c: {  	v55 =	vshll.u32 v3, $0x1  }
0x6d: {  	v3 =	vand.u32 $0x7, v3;
	v4 =	vand.u32 $0xFFFFFFF0, v55  }
0x6e: {  	v3 =	vor.u32 v3, v4  }
0x6f: {  	v4 =	vperm.xlane v3, v0;
	_ =	sdelay $0x1  }
0x70: {  	v3 =	vperm.xlane v3, v2;
	v4 =	vadd.s32 v1, v4;
	_ =	sdelay $0x1  }
0x71: {  	v3 =	vadd.s32 v1, v3;
	_ =	sdelay $0x2  }
0x72: {  	[tilespmem:s11], [sflag:$0x1] =	stream.indirect_vreg.gather [hbm4b:s3+s2], $0x80, v4, vm0, $0xb8;
	[tilespmem:$0x10100] =	vst v63  }
0x73: {  	_ = 	snop  }
0x74: {  	[tilespmem:s12], [sflag:$0x1] =	stream.indirect_vreg.gather [hbm4b:s3+s2], $0x80, v3, vm0, $0xb8;
	[tilespmem:$0x10100] =	vst v63  }
0x75: {  	v3 =	vld [tilespmem:$0x80];
	_ =	sdelay $0x4  }
0x76: {  	v56 =	vshll.u32 v3, $0x1  }
0x77: {  	v3 =	vand.u32 $0x7, v3;
	v4 =	vand.u32 $0xFFFFFFF0, v56  }
0x78: {  	v3 =	vor.u32 v3, v4  }
0x79: {  	v4 =	vperm.xlane v3, v0;
	_ =	sdelay $0x1  }
0x7a: {  	v3 =	vperm.xlane v3, v2;
	v4 =	vadd.s32 v1, v4;
	_ =	sdelay $0x1  }
0x7b: {  	v3 =	vadd.s32 v1, v3;
	_ =	sdelay $0x2  }
0x7c: {  	[tilespmem:s13], [sflag:$0x1] =	stream.indirect_vreg.gather [hbm4b:s3+s2], $0x80, v4, vm0, $0xb8;
	[tilespmem:$0x10100] =	vst v63  }
0x7d: {  	_ = 	snop  }
0x7e: {  	[tilespmem:s14], [sflag:$0x1] =	stream.indirect_vreg.gather [hbm4b:s3+s2], $0x80, v3, vm0, $0xb8;
	[tilespmem:$0x10100] =	vst v63  }
0x7f: {  	v3 =	vld [tilespmem:$0x90];
	_ =	sdelay $0x4  }
0x80: {  	v57 =	vshll.u32 v3, $0x1  }
0x81: {  	v3 =	vand.u32 $0x7, v3;
	v4 =	vand.u32 $0xFFFFFFF0, v57  }
0x82: {  	v3 =	vor.u32 v3, v4  }
0x83: {  	v4 =	vperm.xlane v3, v0;
	_ =	sdelay $0x1  }
0x84: {  	v3 =	vperm.xlane v3, v2;
	v4 =	vadd.s32 v1, v4;
	_ =	sdelay $0x1  }
0x85: {  	v3 =	vadd.s32 v1, v3;
	_ =	sdelay $0x2  }
0x86: {  	[tilespmem:s15], [sflag:$0x1] =	stream.indirect_vreg.gather [hbm4b:s3+s2], $0x80, v4, vm0, $0xb8;
	[tilespmem:$0x10100] =	vst v63  }
0x87: {  	_ = 	snop  }
0x88: {  	[tilespmem:s16], [sflag:$0x1] =	stream.indirect_vreg.gather [hbm4b:s3+s2], $0x80, v3, vm0, $0xb8;
	[tilespmem:$0x10100] =	vst v63  }
0x89: {  	v3 =	vld [tilespmem:$0xA0];
	_ =	sdelay $0x4  }
0x8a: {  	v58 =	vshll.u32 v3, $0x1  }
0x8b: {  	v3 =	vand.u32 $0x7, v3;
	v4 =	vand.u32 $0xFFFFFFF0, v58  }
0x8c: {  	v3 =	vor.u32 v3, v4  }
0x8d: {  	v4 =	vperm.xlane v3, v0;
	_ =	sdelay $0x1  }
0x8e: {  	v3 =	vperm.xlane v3, v2;
	v4 =	vadd.s32 v1, v4;
	_ =	sdelay $0x1  }
0x8f: {  	v3 =	vadd.s32 v1, v3;
	_ =	sdelay $0x2  }
0x90: {  	[tilespmem:s17], [sflag:$0x1] =	stream.indirect_vreg.gather [hbm4b:s3+s2], $0x80, v4, vm0, $0xb8;
	[tilespmem:$0x10100] =	vst v63  }
0x91: {  	_ = 	snop  }
0x92: {  	[tilespmem:s18], [sflag:$0x1] =	stream.indirect_vreg.gather [hbm4b:s3+s2], $0x80, v3, vm0, $0xb8;
	[tilespmem:$0x10100] =	vst v63  }
0x93: {  	v3 =	vld [tilespmem:$0xB0];
	_ =	sdelay $0x4  }
0x94: {  	v59 =	vshll.u32 v3, $0x1  }
0x95: {  	v3 =	vand.u32 $0x7, v3;
	v4 =	vand.u32 $0xFFFFFFF0, v59  }
0x96: {  	v3 =	vor.u32 v3, v4  }
0x97: {  	v4 =	vperm.xlane v3, v0;
	_ =	sdelay $0x1  }
0x98: {  	v3 =	vperm.xlane v3, v2;
	v4 =	vadd.s32 v1, v4;
	_ =	sdelay $0x1  }
0x99: {  	v3 =	vadd.s32 v1, v3;
	_ =	sdelay $0x2  }
0x9a: {  	[tilespmem:s19], [sflag:$0x1] =	stream.indirect_vreg.gather [hbm4b:s3+s2], $0x80, v4, vm0, $0xb8;
	[tilespmem:$0x10100] =	vst v63  }
0x9b: {  	_ = 	snop  }
0x9c: {  	[tilespmem:s20], [sflag:$0x1] =	stream.indirect_vreg.gather [hbm4b:s3+s2], $0x80, v3, vm0, $0xb8;
	[tilespmem:$0x10100] =	vst v63  }
0x9d: {  	v3 =	vld [tilespmem:$0xC0];
	_ =	sdelay $0x4  }
0x9e: {  	v60 =	vshll.u32 v3, $0x1  }
0x9f: {  	v3 =	vand.u32 $0x7, v3;
	v4 =	vand.u32 $0xFFFFFFF0, v60  }
0xa0: {  	v3 =	vor.u32 v3, v4  }
0xa1: {  	v4 =	vperm.xlane v3, v0;
	_ =	sdelay $0x1  }
0xa2: {  	v3 =	vperm.xlane v3, v2;
	v4 =	vadd.s32 v1, v4;
	_ =	sdelay $0x1  }
0xa3: {  	v3 =	vadd.s32 v1, v3;
	_ =	sdelay $0x2  }
0xa4: {  	[tilespmem:s21], [sflag:$0x1] =	stream.indirect_vreg.gather [hbm4b:s3+s2], $0x80, v4, vm0, $0xb8;
	[tilespmem:$0x10100] =	vst v63  }
0xa5: {  	_ = 	snop  }
0xa6: {  	[tilespmem:s22], [sflag:$0x1] =	stream.indirect_vreg.gather [hbm4b:s3+s2], $0x80, v3, vm0, $0xb8;
	[tilespmem:$0x10100] =	vst v63  }
0xa7: {  	v3 =	vld [tilespmem:$0xD0];
	_ =	sdelay $0x4  }
0xa8: {  	v61 =	vshll.u32 v3, $0x1  }
0xa9: {  	v3 =	vand.u32 $0x7, v3;
	v4 =	vand.u32 $0xFFFFFFF0, v61  }
0xaa: {  	v3 =	vor.u32 v3, v4  }
0xab: {  	v4 =	vperm.xlane v3, v0;
	_ =	sdelay $0x1  }
0xac: {  	v3 =	vperm.xlane v3, v2;
	v4 =	vadd.s32 v1, v4;
	_ =	sdelay $0x1  }
0xad: {  	v3 =	vadd.s32 v1, v3;
	_ =	sdelay $0x2  }
0xae: {  	[tilespmem:s23], [sflag:$0x1] =	stream.indirect_vreg.gather [hbm4b:s3+s2], $0x80, v4, vm0, $0xb8;
	[tilespmem:$0x10100] =	vst v63  }
0xaf: {  	_ = 	snop  }
0xb0: {  	[tilespmem:s24], [sflag:$0x1] =	stream.indirect_vreg.gather [hbm4b:s3+s2], $0x80, v3, vm0, $0xb8;
	[tilespmem:$0x10100] =	vst v63  }
0xb1: {  	v3 =	vld [tilespmem:$0xE0];
	_ =	sdelay $0x4  }
0xb2: {  	v62 =	vshll.u32 v3, $0x1  }
0xb3: {  	v3 =	vand.u32 $0x7, v3;
	v4 =	vand.u32 $0xFFFFFFF0, v62  }
0xb4: {  	v3 =	vor.u32 v3, v4  }
0xb5: {  	v4 =	vperm.xlane v3, v0;
	_ =	sdelay $0x1  }
0xb6: {  	v3 =	vperm.xlane v3, v2;
	v4 =	vadd.s32 v1, v4;
	_ =	sdelay $0x1  }
0xb7: {  	v3 =	vadd.s32 v1, v3;
	_ =	sdelay $0x2  }
0xb8: {  	[tilespmem:s25], [sflag:$0x1] =	stream.indirect_vreg.gather [hbm4b:s3+s2], $0x80, v4, vm0, $0xb8;
	[tilespmem:$0x10100] =	vst v63  }
0xb9: {  	_ = 	snop  }
0xba: {  	[tilespmem:s26], [sflag:$0x1] =	stream.indirect_vreg.gather [hbm4b:s3+s2], $0x80, v3, vm0, $0xb8;
	[tilespmem:$0x10100] =	vst v63  }
0xbb: {  	v3 =	vld [tilespmem:$0xF0];
	_ =	sdelay $0x4  }
0xbc: {  	v63 =	vshll.u32 v3, $0x1  }
0xbd: {  	v3 =	vand.u32 $0x7, v3;
	v4 =	vand.u32 $0xFFFFFFF0, v63  }
0xbe: {  	v3 =	vor.u32 v3, v4  }
0xbf: {  	v4 =	vperm.xlane v3, v0;
	_ =	sdelay $0x1  }
0xc0: {  	v3 =	vperm.xlane v3, v2;
	v4 =	vadd.s32 v1, v4;
	_ =	sdelay $0x1  }
0xc1: {  	v3 =	vadd.s32 v1, v3;
	_ =	sdelay $0x2  }
0xc2: {  	[tilespmem:s28], [sflag:$0x1] =	stream.indirect_vreg.gather [hbm4b:s3+s2], $0x80, v4, vm0, $0xb8;
	[tilespmem:$0x10100] =	vst v63  }
0xc3: {  	_ = 	snop  }
0xc4: {  	[tilespmem:s29], [sflag:$0x1] =	stream.indirect_vreg.gather [hbm4b:s3+s2], $0x80, v3, vm0, $0xb8;
	[tilespmem:$0x10100] =	vst v63  }
0xc5: {  	_ =	swait.ge [sflag:s30], $0x10000  }
0xc6: {  	p0 =	sne.s32 s0, $0x120;
	[sflag:s30] =	ssyncset.done $0x0  }
.Ltmp0:
0xc7: {  	[sflag:s30] =	ssyncadd.s32 $0xFFFF0000;
	(pc) =	sbr.rel @p0 .LBB2_2-.Ltmp0, $4  }
0xc8: {  	[hbm4b:s5+s2] =	stream.linear.scatter [tilespmem:s7], [sflag:$0x2], $0x10000, $0x38;
	[tilespmem:$0x10100] =	vst v63  }
0xc9: {  	_ =	swait.ge [sflag:s6], $0x10000  }
0xca: {  	[sflag:s6] =	ssyncset.done $0x0  }
0xcb: {  	s0 =	sadd.s32 $0x20, s0;
	s5 =	sadd.s32 $0x2000, s5;
	[sflag:s6] =	ssyncadd.s32 $0xFFFF0000  }
0xcc: {  	s31 =	sadd.s32 $0x1, s31;
	s0 =	rddreg [dreg:$0xe]  }
0xcd: {  	p0 =	sne.s32 s31, s0  }
.Ltmp1:
0xce: {  	_ = 	snop;
	(pc) =	sbr.rel @p0 .LBB2_1-.Ltmp1, $1  }
0xcf: {  	_ =	sdelay $0x3  }
0xd0: {  	_ =	sfence.sel $0x180000  }
0xd1: {  	[bflag:$0x0] =	sbarrier.arrive $0xFFFF  }
0xd2: {  	_ =	strace $0x9000004A  }
0xd3: {  	s0 =	stileid.u32;
	[bflag:$0x2] =	sbarrier.arrive $0xFFFF  }
0xd4: {  	p0 =	sne.s32 s0, $0x0;
	s0 =	rddreg [dreg:$0x2]  }
0xd5: {  	s0 =	sadd.s32 @!p0 $0x100000, s0  }
0xd6: {  	[sflag:s0] =	ssyncadd.tile.s32 @!p0 $0x1;
	_ =	shalt  }
.Lfunc_end2:
_tile_overlayer_lowered:
.L_overlay_start_2:
0xd7: {  	(tag) =	ssettag $0x2  }
0xd8: {  	s0 =	rddreg [dreg:$0x0];
	s2 =	stileid.u32  }
0xd9: {  	s1 =	rddreg [dreg:$0x1];
	p0 =	sne.s32 s2, $0x0  }
0xda: {  	s3 =	rddreg [dreg:$0x2];
	[bflag:$0x3] =	sbarrier.arrive $0xFFFF;
	s2 =	simm.s32 @!p0 $0x1C02  }
0xdb: {  	[timem:s3], [sflag:s2] =	dma.local @!p0 [hbm:s0], s1  }
0xdc: {  	s0 =	simm.s32 @!p0 $0x2  }
0xdd: {  	_ =	swait.ge @!p0 [sflag:s0], s1  }
0xde: {  	s1 =	ssub.s32 @!p0 $0x0, s1;
	[sflag:s0] =	ssyncset.done @!p0 $0x0  }
0xdf: {  	[sflag:s0] =	ssyncadd.s32 @!p0 s1  }
0xe0: {  	[bflag:$0x3] =	sbarrier.arrive $0xFFFF  }
0xe1: {  	_ =	shalt  }

</sc_bundles>
